<compile_context>
chip_gen: v7x
topology: tpu7x:2x2x1
jax: 0.10.2.dev20260603
libtpu: 0.0.44.dev20260713+nightly
codegen_flags: <defaults>
</compile_context>

<pallas_src>
import functools

import jax
import jax.numpy as jnp
import numpy as np
from jax import lax
from jax.experimental import pallas as pl
from jax.experimental.pallas import tpu as pltpu
from jax.experimental.pallas import tpu_sc as plsc

LEVELS = 16
FEATURES = 2
HASHMAP_SIZE = 524288
MASK = np.int32(HASHMAP_SIZE - 1)
BASE_RES = 16
PER_LEVEL_SCALE = 1.5
N_POINTS = 1048576

P1 = np.int32(73856093)
P2 = np.int32(19349663)
P3 = np.int32(83492791)

RES = [int(BASE_RES * PER_LEVEL_SCALE**l) for l in range(LEVELS)]

NUM_CORES = 2
NUM_SUBCORES = 16
NUM_WORKERS = NUM_CORES * NUM_SUBCORES
PTS_PER_WORKER = N_POINTS // NUM_WORKERS
C = 512
CHUNKS = PTS_PER_WORKER // C
OUT_C = LEVELS * FEATURES * C


def _sc_encode(x_flat, tab_flat):
    mesh = plsc.VectorSubcoreMesh(core_axis_name="c", subcore_axis_name="s")

    @functools.partial(
        pl.kernel,
        mesh=mesh,
        out_type=jax.ShapeDtypeStruct((N_POINTS * LEVELS * FEATURES,), jnp.float32),
        compiler_params=pltpu.CompilerParams(
            needs_layout_passes=False, use_tc_tiling_on_sc=False
        ),
        scratch_types=[
            pltpu.VMEM((2, 3 * C), jnp.float32),
            pltpu.VMEM((2, OUT_C), jnp.int32),
            pltpu.VMEM((2, OUT_C), jnp.float32),
            pltpu.SemaphoreType.DMA,
            pltpu.SemaphoreType.DMA,
            pltpu.SemaphoreType.DMA,
        ],
    )
    def k(x_hbm, tab_hbm, out_hbm, xbuf, idxbuf, gbuf, semx, semA, semB):
        wid = lax.axis_index("s") * NUM_CORES + lax.axis_index("c")
        iota = lax.iota(jnp.int32, 16)
        first = wid * CHUNKS

        def load_x(g, b):
            base = (first + g) * C
            for j in range(3):
                pltpu.async_copy(
                    x_hbm.at[pl.ds(j * N_POINTS + base, C)],
                    xbuf.at[b, pl.ds(j * C, C)],
                    semx,
                )
            pltpu.make_async_copy(
                x_hbm.at[pl.ds(0, 3 * C)], xbuf.at[b], semx
            ).wait()

        def compute_idx(b):
            def vreg_body(i, carry2):
                cx = xbuf[b, pl.ds(i * 16, 16)]
                cy = xbuf[b, pl.ds(C + i * 16, 16)]
                cz = xbuf[b, pl.ds(2 * C + i * 16, 16)]
                pbase = (i >> 3) * 1024 + (i & 7) * 16 + iota
                for l in range(LEVELS):
                    res = np.float32(RES[l])
                    xi = (cx * res).astype(jnp.int32)
                    yi = (cy * res).astype(jnp.int32)
                    zi = (cz * res).astype(jnp.int32)
                    h = (xi * P1) ^ (yi * P2) ^ (zi * P3)
                    v = h & MASK
                    g0 = (
                        ((v >> 7) << 8)
                        + (v & np.int32(127))
                        + np.int32(l * 1048576)
                    )
                    for f in range(FEATURES):
                        ch = 2 * l + f
                        rb, r = ch >> 3, ch & 7
                        plsc.store_scatter(
                            idxbuf.at[b],
                            [pbase + np.int32(rb * 8 * C + r * 128)],
                            g0 + np.int32(f * 128),
                        )
                return carry2

            lax.fori_loop(0, C // 16, vreg_body, 0)

        def fire_gather(b, sem):
            h = OUT_C // 2
            pltpu.async_copy(
                tab_hbm.at[idxbuf.at[b, pl.ds(0, h)]], gbuf.at[b, pl.ds(0, h)], sem
            )
            pltpu.async_copy(
                tab_hbm.at[idxbuf.at[b, pl.ds(h, h)]], gbuf.at[b, pl.ds(h, h)], sem
            )

        def drain_store(g, b, sem):
            pltpu.make_async_copy(
                tab_hbm.at[idxbuf.at[b]], gbuf.at[b], sem
            ).wait()
            for rb in range(4):
                pltpu.sync_copy(
                    gbuf.at[b, pl.ds(rb * 8 * C, 8 * C)],
                    out_hbm.at[pl.ds(rb * 8388608 + (first + g) * C * 8, 8 * C)],
                )

        load_x(0, 0)
        compute_idx(0)
        fire_gather(0, semA)
        load_x(1, 1)
        compute_idx(1)
        fire_gather(1, semB)

        def pipe_body(jj, carry):
            g = jj * 2
            drain_store(g, 0, semA)
            load_x(g + 2, 0)
            compute_idx(0)
            fire_gather(0, semA)
            drain_store(g + 1, 1, semB)
            load_x(g + 3, 1)
            compute_idx(1)
            fire_gather(1, semB)
            return carry

        lax.fori_loop(0, (CHUNKS - 2) // 2, pipe_body, 0)

        drain_store(CHUNKS - 2, 0, semA)
        drain_store(CHUNKS - 1, 1, semB)

    return k(x_flat, tab_flat)


def kernel(x, tables):
    x_flat = jnp.transpose(x).reshape(-1)
    tab_flat = (
        tables.reshape(LEVELS, 4096, 128, FEATURES)
        .transpose(0, 1, 3, 2)
        .reshape(-1)
    )
    out = _sc_encode(x_flat, tab_flat)
    return (
        out.reshape(4, 8192, 8, 128)
        .transpose(1, 3, 0, 2)
        .reshape(N_POINTS, LEVELS * FEATURES)
    )

# --- scband reference (transcript-rebuilt; emitter-appended) ---
"""Pipeline reference for scband-hash-grid-encoder-44495861186615 (READ-ONLY COPY).

The authoritative reference and input builder live on the scoring server;
editing this copy changes nothing except your own understanding.
"""

import jax, jax.numpy as jnp
import numpy as np

LEVELS = 16
FEATURES = 2
HASHMAP_SIZE = 524288
BASE_RES = 16
PER_LEVEL_SCALE = 1.5
N_POINTS = 1048576

P1 = np.int32(73856093)
P2 = np.int32(19349663)
P3 = np.int32(83492791)


def setup_inputs(seed: int = 0) -> dict:
    key = jax.random.key(seed)
    k1, k2 = jax.random.split(key)
    x = jax.random.uniform(k1, (N_POINTS, 3), dtype=jnp.float32)
    tables = jax.random.normal(k2, (LEVELS, HASHMAP_SIZE, FEATURES), dtype=jnp.float32) * 0.01
    return {"x": x, "tables": tables}


def _hash_coords(coords):
    cx = coords[..., 0]
    cy = coords[..., 1]
    cz = coords[..., 2]
    h = (cx * P1) ^ (cy * P2) ^ (cz * P3)
    return jnp.mod(h, HASHMAP_SIZE)


def reference(x, tables):
    embeds = []
    for l in range(LEVELS):
        res = int(BASE_RES * PER_LEVEL_SCALE ** l)
        pos = x * res
        pos_floor = jnp.floor(pos).astype(jnp.int32)
        idx = _hash_coords(pos_floor)
        emb = jnp.take(tables[l], idx, axis=0)
        embeds.append(emb)
    return jnp.concatenate(embeds, axis=-1)

if __name__ == "__main__":
    import jax
    _d = setup_inputs()
    print(jax.jit(kernel)(*tuple(_d.values())))

</pallas_src>

<mosaic_0001>
#map = affine_map<(d0, d1) -> (0)>
module attributes {stable_mosaic.version = 14 : i64} {
  func.func @k(%arg0: i32, %arg1: i32, %arg2: memref<3145728xf32, #tpu.memory_space<hbm>>, %arg3: memref<16777216xf32, #tpu.memory_space<hbm>>, %arg4: memref<33554432xf32, #tpu.memory_space<hbm>>, %arg5: memref<2x1536xf32, #tpu.memory_space<vmem>>, %arg6: memref<2x16384xi32, #tpu.memory_space<vmem>>, %arg7: memref<2x16384xf32, #tpu.memory_space<vmem>>, %arg8: memref<!tpu.dma_semaphore, #tpu.memory_space<semaphore_mem>>, %arg9: memref<!tpu.dma_semaphore, #tpu.memory_space<semaphore_mem>>, %arg10: memref<!tpu.dma_semaphore, #tpu.memory_space<semaphore_mem>>) attributes {dimension_semantics = [#tpu.dimension_semantics<core_parallel>, #tpu.dimension_semantics<subcore_parallel>], iteration_bounds = array<i64: 2, 16>, scalar_prefetch = 0 : i64, scratch_operands = 6 : i64, tpu.core_type = #tpu.core_type<sc_vector_subcore>, window_params = [{transform_indices = #map}, {transform_indices = #map}, {transform_indices = #map}]} {
    %mul3A = arith.constant 2 : i32
    %mul3A_0 = arith.muli %arg1, %mul3A : i32
    %add3A = arith.addi %mul3A_0, %arg0 : i32
    %iota3A = tpu.iota {dimensions = array<i32: 0>} : vector<16xi32>
    %mul3A_1 = arith.constant 64 : i32
    %mul3A_2 = arith.muli %add3A, %mul3A_1 : i32
    %add3A_3 = arith.constant 0 : i32
    %add3A_4 = arith.addi %mul3A_2, %add3A_3 : i32
    %mul3A_5 = arith.constant 512 : i32
    %mul3A_6 = arith.muli %add3A_4, %mul3A_5 : i32
    %add3A_7 = arith.constant 0 : i32
    %add3A_8 = arith.addi %add3A_7, %mul3A_6 : i32
    %dma_start3A = arith.constant 0 : i32
    %dma_start3A_9 = arith.constant 0 : i32
    %dma_start3A_10 = tpu.memref_slice %arg5[%dma_start3A, %dma_start3A_9] : memref<2x1536xf32, #tpu.memory_space<vmem>> -> memref<1x512xf32, #tpu.memory_space<vmem>>
    %dma_start3A_11 = tpu.memref_squeeze %dma_start3A_10 : memref<1x512xf32, #tpu.memory_space<vmem>> -> memref<512xf32, #tpu.memory_space<vmem>>
    %dma_start3A_12 = tpu.memref_slice %arg2[%add3A_8] : memref<3145728xf32, #tpu.memory_space<hbm>> -> memref<512xf32, #tpu.memory_space<hbm>>
    %dma_start3A_13 = arith.constant 0 : i32
    %dma_start3A_14 = tpu.memref_slice %arg5[%dma_start3A, %dma_start3A_13] : memref<2x1536xf32, #tpu.memory_space<vmem>> -> memref<1x512xf32, #tpu.memory_space<vmem>>
    %dma_start3A_15 = tpu.memref_squeeze %dma_start3A_14 : memref<1x512xf32, #tpu.memory_space<vmem>> -> memref<512xf32, #tpu.memory_space<vmem>>
    %dma_start3A_16 = tpu.memref_slice %arg2[%add3A_8] : memref<3145728xf32, #tpu.memory_space<hbm>> -> memref<512xf32, #tpu.memory_space<hbm>>
    tpu.enqueue_dma source(%dma_start3A_16 : memref<512xf32, #tpu.memory_space<hbm>>) target(%dma_start3A_15 : memref<512xf32, #tpu.memory_space<vmem>>) target_semaphore(%arg8 : memref<!tpu.dma_semaphore, #tpu.memory_space<semaphore_mem>>)
    %add3A_17 = arith.constant 1048576 : i32
    %add3A_18 = arith.addi %add3A_17, %mul3A_6 : i32
    %dma_start3A_19 = arith.constant 0 : i32
    %dma_start3A_20 = arith.constant 512 : i32
    %dma_start3A_21 = tpu.memref_slice %arg5[%dma_start3A_19, %dma_start3A_20] : memref<2x1536xf32, #tpu.memory_space<vmem>> -> memref<1x512xf32, #tpu.memory_space<vmem>>
    %dma_start3A_22 = tpu.memref_squeeze %dma_start3A_21 : memref<1x512xf32, #tpu.memory_space<vmem>> -> memref<512xf32, #tpu.memory_space<vmem>>
    %dma_start3A_23 = tpu.memref_slice %arg2[%add3A_18] : memref<3145728xf32, #tpu.memory_space<hbm>> -> memref<512xf32, #tpu.memory_space<hbm>>
    %dma_start3A_24 = arith.constant 512 : i32
    %dma_start3A_25 = tpu.memref_slice %arg5[%dma_start3A_19, %dma_start3A_24] : memref<2x1536xf32, #tpu.memory_space<vmem>> -> memref<1x512xf32, #tpu.memory_space<vmem>>
    %dma_start3A_26 = tpu.memref_squeeze %dma_start3A_25 : memref<1x512xf32, #tpu.memory_space<vmem>> -> memref<512xf32, #tpu.memory_space<vmem>>
    %dma_start3A_27 = tpu.memref_slice %arg2[%add3A_18] : memref<3145728xf32, #tpu.memory_space<hbm>> -> memref<512xf32, #tpu.memory_space<hbm>>
    tpu.enqueue_dma source(%dma_start3A_27 : memref<512xf32, #tpu.memory_space<hbm>>) target(%dma_start3A_26 : memref<512xf32, #tpu.memory_space<vmem>>) target_semaphore(%arg8 : memref<!tpu.dma_semaphore, #tpu.memory_space<semaphore_mem>>)
    %add3A_28 = arith.constant 2097152 : i32
    %add3A_29 = arith.addi %add3A_28, %mul3A_6 : i32
    %dma_start3A_30 = arith.constant 0 : i32
    %dma_start3A_31 = arith.constant 1024 : i32
    %dma_start3A_32 = tpu.memref_slice %arg5[%dma_start3A_30, %dma_start3A_31] : memref<2x1536xf32, #tpu.memory_space<vmem>> -> memref<1x512xf32, #tpu.memory_space<vmem>>
    %dma_start3A_33 = tpu.memref_squeeze %dma_start3A_32 : memref<1x512xf32, #tpu.memory_space<vmem>> -> memref<512xf32, #tpu.memory_space<vmem>>
    %dma_start3A_34 = tpu.memref_slice %arg2[%add3A_29] : memref<3145728xf32, #tpu.memory_space<hbm>> -> memref<512xf32, #tpu.memory_space<hbm>>
    %dma_start3A_35 = arith.constant 1024 : i32
    %dma_start3A_36 = tpu.memref_slice %arg5[%dma_start3A_30, %dma_start3A_35] : memref<2x1536xf32, #tpu.memory_space<vmem>> -> memref<1x512xf32, #tpu.memory_space<vmem>>
    %dma_start3A_37 = tpu.memref_squeeze %dma_start3A_36 : memref<1x512xf32, #tpu.memory_space<vmem>> -> memref<512xf32, #tpu.memory_space<vmem>>
    %dma_start3A_38 = tpu.memref_slice %arg2[%add3A_29] : memref<3145728xf32, #tpu.memory_space<hbm>> -> memref<512xf32, #tpu.memory_space<hbm>>
    tpu.enqueue_dma source(%dma_start3A_38 : memref<512xf32, #tpu.memory_space<hbm>>) target(%dma_start3A_37 : memref<512xf32, #tpu.memory_space<vmem>>) target_semaphore(%arg8 : memref<!tpu.dma_semaphore, #tpu.memory_space<semaphore_mem>>)
    %dma_wait3A = arith.constant 0 : i32
    %dma_wait3A_39 = arith.constant 0 : i32
    %dma_wait3A_40 = tpu.memref_slice %arg5[%dma_wait3A, %dma_wait3A_39] : memref<2x1536xf32, #tpu.memory_space<vmem>> -> memref<1x1536xf32, #tpu.memory_space<vmem>>
    %dma_wait3A_41 = tpu.memref_squeeze %dma_wait3A_40 : memref<1x1536xf32, #tpu.memory_space<vmem>> -> memref<1536xf32, #tpu.memory_space<vmem>>
    %dma_wait3A_42 = arith.constant 0 : i32
    %dma_wait3A_43 = tpu.memref_slice %arg2[%dma_wait3A_42] : memref<3145728xf32, #tpu.memory_space<hbm>> -> memref<1536xf32, #tpu.memory_space<hbm>>
    %dma_wait3A_44 = arith.constant 0 : i32
    %dma_wait3A_45 = tpu.memref_slice %arg5[%dma_wait3A, %dma_wait3A_44] : memref<2x1536xf32, #tpu.memory_space<vmem>> -> memref<1x1536xf32, #tpu.memory_space<vmem>>
    %dma_wait3A_46 = tpu.memref_squeeze %dma_wait3A_45 : memref<1x1536xf32, #tpu.memory_space<vmem>> -> memref<1536xf32, #tpu.memory_space<vmem>>
    %dma_wait3A_47 = arith.constant 0 : i32
    %dma_wait3A_48 = tpu.memref_slice %arg2[%dma_wait3A_47] : memref<3145728xf32, #tpu.memory_space<hbm>> -> memref<1536xf32, #tpu.memory_space<hbm>>
    tpu.wait_dma2 semaphore(%arg8 : memref<!tpu.dma_semaphore, #tpu.memory_space<semaphore_mem>>) src(%dma_wait3A_48 : memref<1536xf32, #tpu.memory_space<hbm>>) dst(%dma_wait3A_46 : memref<1536xf32, #tpu.memory_space<vmem>>)
    %scan3A = arith.constant 0 : i32
    %scan3A_49 = arith.constant 0 : i32
    %scan3A_50 = arith.constant 32 : i32
    %scan3A_51 = arith.addi %scan3A_49, %scan3A_50 : i32
    %scan3A_52 = arith.constant 1 : i32
    scf.for %scan3A_245 = %scan3A_49 to %scan3A_51 step %scan3A_52  : i32 {
      %mul3A_246 = arith.constant 16 : i32
      %mul3A_247 = arith.muli %scan3A_245, %mul3A_246 : i32
      %get3A = arith.constant 0 : i32
      %get3A_248 = arith.index_cast %get3A : i32 to index
      %get3A_249 = arith.index_cast %mul3A_247 : i32 to index
      %get3A_250 = tpu.vector_load %arg5[%get3A_248, %get3A_249] {strides = array<i32>} : memref<2x1536xf32, #tpu.memory_space<vmem>>, vector<16xf32>,
      %mul3A_251 = arith.constant 16 : i32
      %mul3A_252 = arith.muli %scan3A_245, %mul3A_251 : i32
      %add3A_253 = arith.constant 512 : i32
      %add3A_254 = arith.addi %add3A_253, %mul3A_252 : i32
      %get3A_255 = arith.constant 0 : i32
      %get3A_256 = arith.index_cast %get3A_255 : i32 to index
      %get3A_257 = arith.index_cast %add3A_254 : i32 to index
      %get3A_258 = tpu.vector_load %arg5[%get3A_256, %get3A_257] {strides = array<i32>} : memref<2x1536xf32, #tpu.memory_space<vmem>>, vector<16xf32>,
      %mul3A_259 = arith.constant 16 : i32
      %mul3A_260 = arith.muli %scan3A_245, %mul3A_259 : i32
      %add3A_261 = arith.constant 1024 : i32
      %add3A_262 = arith.addi %add3A_261, %mul3A_260 : i32
      %get3A_263 = arith.constant 0 : i32
      %get3A_264 = arith.index_cast %get3A_263 : i32 to index
      %get3A_265 = arith.index_cast %add3A_262 : i32 to index
      %get3A_266 = tpu.vector_load %arg5[%get3A_264, %get3A_265] {strides = array<i32>} : memref<2x1536xf32, #tpu.memory_space<vmem>>, vector<16xf32>,
      %shift_right_arithmetic3A = arith.constant 3 : i32
      %shift_right_arithmetic3A_267 = arith.shrsi %scan3A_245, %shift_right_arithmetic3A : i32
      %mul3A_268 = arith.constant 1024 : i32
      %mul3A_269 = arith.muli %shift_right_arithmetic3A_267, %mul3A_268 : i32
      %and3A = arith.constant 7 : i32
      %and3A_270 = arith.andi %scan3A_245, %and3A : i32
      %mul3A_271 = arith.constant 16 : i32
      %mul3A_272 = arith.muli %and3A_270, %mul3A_271 : i32
      %add3A_273 = arith.addi %mul3A_269, %mul3A_272 : i32
      %add3A_274 = vector.broadcast %add3A_273 : i32 to vector<16xi32>
      %add3A_275 = arith.addi %add3A_274, %iota3A : vector<16xi32>
      %mul3A_276 = arith.constant 1.600000e+01 : f32
      %mul3A_277 = vector.broadcast %mul3A_276 : f32 to vector<16xf32>
      %mul3A_278 = arith.mulf %get3A_250, %mul3A_277 : vector<16xf32>
      %convert_element_type3A = arith.fptosi %mul3A_278 : vector<16xf32> to vector<16xi32>
      %mul3A_279 = arith.constant 1.600000e+01 : f32
      %mul3A_280 = vector.broadcast %mul3A_279 : f32 to vector<16xf32>
      %mul3A_281 = arith.mulf %get3A_258, %mul3A_280 : vector<16xf32>
      %convert_element_type3A_282 = arith.fptosi %mul3A_281 : vector<16xf32> to vector<16xi32>
      %mul3A_283 = arith.constant 1.600000e+01 : f32
      %mul3A_284 = vector.broadcast %mul3A_283 : f32 to vector<16xf32>
      %mul3A_285 = arith.mulf %get3A_266, %mul3A_284 : vector<16xf32>
      %convert_element_type3A_286 = arith.fptosi %mul3A_285 : vector<16xf32> to vector<16xi32>
      %mul3A_287 = arith.constant 73856093 : i32
      %mul3A_288 = vector.broadcast %mul3A_287 : i32 to vector<16xi32>
      %mul3A_289 = arith.muli %convert_element_type3A, %mul3A_288 : vector<16xi32>
      %mul3A_290 = arith.constant 19349663 : i32
      %mul3A_291 = vector.broadcast %mul3A_290 : i32 to vector<16xi32>
      %mul3A_292 = arith.muli %convert_element_type3A_282, %mul3A_291 : vector<16xi32>
      %xor3A = arith.xori %mul3A_289, %mul3A_292 : vector<16xi32>
      %mul3A_293 = arith.constant 83492791 : i32
      %mul3A_294 = vector.broadcast %mul3A_293 : i32 to vector<16xi32>
      %mul3A_295 = arith.muli %convert_element_type3A_286, %mul3A_294 : vector<16xi32>
      %xor3A_296 = arith.xori %xor3A, %mul3A_295 : vector<16xi32>
      %and3A_297 = arith.constant 524287 : i32
      %and3A_298 = vector.broadcast %and3A_297 : i32 to vector<16xi32>
      %and3A_299 = arith.andi %xor3A_296, %and3A_298 : vector<16xi32>
      %shift_right_arithmetic3A_300 = arith.constant 7 : i32
      %shift_right_arithmetic3A_301 = vector.broadcast %shift_right_arithmetic3A_300 : i32 to vector<16xi32>
      %shift_right_arithmetic3A_302 = arith.shrsi %and3A_299, %shift_right_arithmetic3A_301 : vector<16xi32>
      %shift_left3A = arith.constant 8 : i32
      %shift_left3A_303 = vector.broadcast %shift_left3A : i32 to vector<16xi32>
      %shift_left3A_304 = arith.shli %shift_right_arithmetic3A_302, %shift_left3A_303 : vector<16xi32>
      %and3A_305 = arith.constant 127 : i32
      %and3A_306 = vector.broadcast %and3A_305 : i32 to vector<16xi32>
      %and3A_307 = arith.andi %and3A_299, %and3A_306 : vector<16xi32>
      %add3A_308 = arith.addi %shift_left3A_304, %and3A_307 : vector<16xi32>
      %add3A_309 = arith.constant 0 : i32
      %add3A_310 = vector.broadcast %add3A_309 : i32 to vector<16xi32>
      %add3A_311 = arith.addi %add3A_308, %add3A_310 : vector<16xi32>
      %add3A_312 = arith.constant 0 : i32
      %add3A_313 = vector.broadcast %add3A_312 : i32 to vector<16xi32>
      %add3A_314 = arith.addi %add3A_275, %add3A_313 : vector<16xi32>
      %add3A_315 = arith.constant 0 : i32
      %add3A_316 = vector.broadcast %add3A_315 : i32 to vector<16xi32>
      %add3A_317 = arith.addi %add3A_311, %add3A_316 : vector<16xi32>
      %scatter3A = arith.constant 0 : i32
      %scatter3A_318 = arith.constant 0 : i32
      %scatter3A_319 = tpu.memref_slice %arg6[%scatter3A, %scatter3A_318] : memref<2x16384xi32, #tpu.memory_space<vmem>> -> memref<1x16384xi32, #tpu.memory_space<vmem>>
      %scatter3A_320 = tpu.memref_squeeze %scatter3A_319 : memref<1x16384xi32, #tpu.memory_space<vmem>> -> memref<16384xi32, #tpu.memory_space<vmem>>
      tpu.vector_store_idx %scatter3A_320[%add3A_314], %add3A_317 : memref<16384xi32, #tpu.memory_space<vmem>>[vector<16xi32>], vector<16xi32>,
      %add3A_321 = arith.constant 128 : i32
      %add3A_322 = vector.broadcast %add3A_321 : i32 to vector<16xi32>
      %add3A_323 = arith.addi %add3A_275, %add3A_322 : vector<16xi32>
      %add3A_324 = arith.constant 128 : i32
      %add3A_325 = vector.broadcast %add3A_324 : i32 to vector<16xi32>
      %add3A_326 = arith.addi %add3A_311, %add3A_325 : vector<16xi32>
      %scatter3A_327 = arith.constant 0 : i32
      %scatter3A_328 = arith.constant 0 : i32
      %scatter3A_329 = tpu.memref_slice %arg6[%scatter3A_327, %scatter3A_328] : memref<2x16384xi32, #tpu.memory_space<vmem>> -> memref<1x16384xi32, #tpu.memory_space<vmem>>
      %scatter3A_330 = tpu.memref_squeeze %scatter3A_329 : memref<1x16384xi32, #tpu.memory_space<vmem>> -> memref<16384xi32, #tpu.memory_space<vmem>>
      tpu.vector_store_idx %scatter3A_330[%add3A_323], %add3A_326 : memref<16384xi32, #tpu.memory_space<vmem>>[vector<16xi32>], vector<16xi32>,
      %mul3A_331 = arith.constant 2.400000e+01 : f32
      %mul3A_332 = vector.broadcast %mul3A_331 : f32 to vector<16xf32>
      %mul3A_333 = arith.mulf %get3A_250, %mul3A_332 : vector<16xf32>
      %convert_element_type3A_334 = arith.fptosi %mul3A_333 : vector<16xf32> to vector<16xi32>
      %mul3A_335 = arith.constant 2.400000e+01 : f32
      %mul3A_336 = vector.broadcast %mul3A_335 : f32 to vector<16xf32>
      %mul3A_337 = arith.mulf %get3A_258, %mul3A_336 : vector<16xf32>
      %convert_element_type3A_338 = arith.fptosi %mul3A_337 : vector<16xf32> to vector<16xi32>
      %mul3A_339 = arith.constant 2.400000e+01 : f32
      %mul3A_340 = vector.broadcast %mul3A_339 : f32 to vector<16xf32>
      %mul3A_341 = arith.mulf %get3A_266, %mul3A_340 : vector<16xf32>
      %convert_element_type3A_342 = arith.fptosi %mul3A_341 : vector<16xf32> to vector<16xi32>
      %mul3A_343 = arith.constant 73856093 : i32
      %mul3A_344 = vector.broadcast %mul3A_343 : i32 to vector<16xi32>
      %mul3A_345 = arith.muli %convert_element_type3A_334, %mul3A_344 : vector<16xi32>
      %mul3A_346 = arith.constant 19349663 : i32
      %mul3A_347 = vector.broadcast %mul3A_346 : i32 to vector<16xi32>
      %mul3A_348 = arith.muli %convert_element_type3A_338, %mul3A_347 : vector<16xi32>
      %xor3A_349 = arith.xori %mul3A_345, %mul3A_348 : vector<16xi32>
      %mul3A_350 = arith.constant 83492791 : i32
      %mul3A_351 = vector.broadcast %mul3A_350 : i32 to vector<16xi32>
      %mul3A_352 = arith.muli %convert_element_type3A_342, %mul3A_351 : vector<16xi32>
      %xor3A_353 = arith.xori %xor3A_349, %mul3A_352 : vector<16xi32>
      %and3A_354 = arith.constant 524287 : i32
      %and3A_355 = vector.broadcast %and3A_354 : i32 to vector<16xi32>
      %and3A_356 = arith.andi %xor3A_353, %and3A_355 : vector<16xi32>
      %shift_right_arithmetic3A_357 = arith.constant 7 : i32
      %shift_right_arithmetic3A_358 = vector.broadcast %shift_right_arithmetic3A_357 : i32 to vector<16xi32>
      %shift_right_arithmetic3A_359 = arith.shrsi %and3A_356, %shift_right_arithmetic3A_358 : vector<16xi32>
      %shift_left3A_360 = arith.constant 8 : i32
      %shift_left3A_361 = vector.broadcast %shift_left3A_360 : i32 to vector<16xi32>
      %shift_left3A_362 = arith.shli %shift_right_arithmetic3A_359, %shift_left3A_361 : vector<16xi32>
      %and3A_363 = arith.constant 127 : i32
      %and3A_364 = vector.broadcast %and3A_363 : i32 to vector<16xi32>
      %and3A_365 = arith.andi %and3A_356, %and3A_364 : vector<16xi32>
      %add3A_366 = arith.addi %shift_left3A_362, %and3A_365 : vector<16xi32>
      %add3A_367 = arith.constant 1048576 : i32
      %add3A_368 = vector.broadcast %add3A_367 : i32 to vector<16xi32>
      %add3A_369 = arith.addi %add3A_366, %add3A_368 : vector<16xi32>
      %add3A_370 = arith.constant 256 : i32
      %add3A_371 = vector.broadcast %add3A_370 : i32 to vector<16xi32>
      %add3A_372 = arith.addi %add3A_275, %add3A_371 : vector<16xi32>
      %add3A_373 = arith.constant 0 : i32
      %add3A_374 = vector.broadcast %add3A_373 : i32 to vector<16xi32>
      %add3A_375 = arith.addi %add3A_369, %add3A_374 : vector<16xi32>
      %scatter3A_376 = arith.constant 0 : i32
      %scatter3A_377 = arith.constant 0 : i32
      %scatter3A_378 = tpu.memref_slice %arg6[%scatter3A_376, %scatter3A_377] : memref<2x16384xi32, #tpu.memory_space<vmem>> -> memref<1x16384xi32, #tpu.memory_space<vmem>>
      %scatter3A_379 = tpu.memref_squeeze %scatter3A_378 : memref<1x16384xi32, #tpu.memory_space<vmem>> -> memref<16384xi32, #tpu.memory_space<vmem>>
      tpu.vector_store_idx %scatter3A_379[%add3A_372], %add3A_375 : memref<16384xi32, #tpu.memory_space<vmem>>[vector<16xi32>], vector<16xi32>,
      %add3A_380 = arith.constant 384 : i32
      %add3A_381 = vector.broadcast %add3A_380 : i32 to vector<16xi32>
      %add3A_382 = arith.addi %add3A_275, %add3A_381 : vector<16xi32>
      %add3A_383 = arith.constant 128 : i32
      %add3A_384 = vector.broadcast %add3A_383 : i32 to vector<16xi32>
      %add3A_385 = arith.addi %add3A_369, %add3A_384 : vector<16xi32>
      %scatter3A_386 = arith.constant 0 : i32
      %scatter3A_387 = arith.constant 0 : i32
      %scatter3A_388 = tpu.memref_slice %arg6[%scatter3A_386, %scatter3A_387] : memref<2x16384xi32, #tpu.memory_space<vmem>> -> memref<1x16384xi32, #tpu.memory_space<vmem>>
      %scatter3A_389 = tpu.memref_squeeze %scatter3A_388 : memref<1x16384xi32, #tpu.memory_space<vmem>> -> memref<16384xi32, #tpu.memory_space<vmem>>
      tpu.vector_store_idx %scatter3A_389[%add3A_382], %add3A_385 : memref<16384xi32, #tpu.memory_space<vmem>>[vector<16xi32>], vector<16xi32>,
      %mul3A_390 = arith.constant 3.600000e+01 : f32
      %mul3A_391 = vector.broadcast %mul3A_390 : f32 to vector<16xf32>
      %mul3A_392 = arith.mulf %get3A_250, %mul3A_391 : vector<16xf32>
      %convert_element_type3A_393 = arith.fptosi %mul3A_392 : vector<16xf32> to vector<16xi32>
      %mul3A_394 = arith.constant 3.600000e+01 : f32
      %mul3A_395 = vector.broadcast %mul3A_394 : f32 to vector<16xf32>
      %mul3A_396 = arith.mulf %get3A_258, %mul3A_395 : vector<16xf32>
      %convert_element_type3A_397 = arith.fptosi %mul3A_396 : vector<16xf32> to vector<16xi32>
      %mul3A_398 = arith.constant 3.600000e+01 : f32
      %mul3A_399 = vector.broadcast %mul3A_398 : f32 to vector<16xf32>
      %mul3A_400 = arith.mulf %get3A_266, %mul3A_399 : vector<16xf32>
      %convert_element_type3A_401 = arith.fptosi %mul3A_400 : vector<16xf32> to vector<16xi32>
      %mul3A_402 = arith.constant 73856093 : i32
      %mul3A_403 = vector.broadcast %mul3A_402 : i32 to vector<16xi32>
      %mul3A_404 = arith.muli %convert_element_type3A_393, %mul3A_403 : vector<16xi32>
      %mul3A_405 = arith.constant 19349663 : i32
      %mul3A_406 = vector.broadcast %mul3A_405 : i32 to vector<16xi32>
      %mul3A_407 = arith.muli %convert_element_type3A_397, %mul3A_406 : vector<16xi32>
      %xor3A_408 = arith.xori %mul3A_404, %mul3A_407 : vector<16xi32>
      %mul3A_409 = arith.constant 83492791 : i32
      %mul3A_410 = vector.broadcast %mul3A_409 : i32 to vector<16xi32>
      %mul3A_411 = arith.muli %convert_element_type3A_401, %mul3A_410 : vector<16xi32>
      %xor3A_412 = arith.xori %xor3A_408, %mul3A_411 : vector<16xi32>
      %and3A_413 = arith.constant 524287 : i32
      %and3A_414 = vector.broadcast %and3A_413 : i32 to vector<16xi32>
      %and3A_415 = arith.andi %xor3A_412, %and3A_414 : vector<16xi32>
      %shift_right_arithmetic3A_416 = arith.constant 7 : i32
      %shift_right_arithmetic3A_417 = vector.broadcast %shift_right_arithmetic3A_416 : i32 to vector<16xi32>
      %shift_right_arithmetic3A_418 = arith.shrsi %and3A_415, %shift_right_arithmetic3A_417 : vector<16xi32>
      %shift_left3A_419 = arith.constant 8 : i32
      %shift_left3A_420 = vector.broadcast %shift_left3A_419 : i32 to vector<16xi32>
      %shift_left3A_421 = arith.shli %shift_right_arithmetic3A_418, %shift_left3A_420 : vector<16xi32>
      %and3A_422 = arith.constant 127 : i32
      %and3A_423 = vector.broadcast %and3A_422 : i32 to vector<16xi32>
      %and3A_424 = arith.andi %and3A_415, %and3A_423 : vector<16xi32>
      %add3A_425 = arith.addi %shift_left3A_421, %and3A_424 : vector<16xi32>
      %add3A_426 = arith.constant 2097152 : i32
      %add3A_427 = vector.broadcast %add3A_426 : i32 to vector<16xi32>
      %add3A_428 = arith.addi %add3A_425, %add3A_427 : vector<16xi32>
      %add3A_429 = arith.constant 512 : i32
      %add3A_430 = vector.broadcast %add3A_429 : i32 to vector<16xi32>
      %add3A_431 = arith.addi %add3A_275, %add3A_430 : vector<16xi32>
      %add3A_432 = arith.constant 0 : i32
      %add3A_433 = vector.broadcast %add3A_432 : i32 to vector<16xi32>
      %add3A_434 = arith.addi %add3A_428, %add3A_433 : vector<16xi32>
      %scatter3A_435 = arith.constant 0 : i32
      %scatter3A_436 = arith.constant 0 : i32
      %scatter3A_437 = tpu.memref_slice %arg6[%scatter3A_435, %scatter3A_436] : memref<2x16384xi32, #tpu.memory_space<vmem>> -> memref<1x16384xi32, #tpu.memory_space<vmem>>
      %scatter3A_438 = tpu.memref_squeeze %scatter3A_437 : memref<1x16384xi32, #tpu.memory_space<vmem>> -> memref<16384xi32, #tpu.memory_space<vmem>>
      tpu.vector_store_idx %scatter3A_438[%add3A_431], %add3A_434 : memref<16384xi32, #tpu.memory_space<vmem>>[vector<16xi32>], vector<16xi32>,
      %add3A_439 = arith.constant 640 : i32
      %add3A_440 = vector.broadcast %add3A_439 : i32 to vector<16xi32>
      %add3A_441 = arith.addi %add3A_275, %add3A_440 : vector<16xi32>
      %add3A_442 = arith.constant 128 : i32
      %add3A_443 = vector.broadcast %add3A_442 : i32 to vector<16xi32>
      %add3A_444 = arith.addi %add3A_428, %add3A_443 : vector<16xi32>
      %scatter3A_445 = arith.constant 0 : i32
      %scatter3A_446 = arith.constant 0 : i32
      %scatter3A_447 = tpu.memref_slice %arg6[%scatter3A_445, %scatter3A_446] : memref<2x16384xi32, #tpu.memory_space<vmem>> -> memref<1x16384xi32, #tpu.memory_space<vmem>>
      %scatter3A_448 = tpu.memref_squeeze %scatter3A_447 : memref<1x16384xi32, #tpu.memory_space<vmem>> -> memref<16384xi32, #tpu.memory_space<vmem>>
      tpu.vector_store_idx %scatter3A_448[%add3A_441], %add3A_444 : memref<16384xi32, #tpu.memory_space<vmem>>[vector<16xi32>], vector<16xi32>,
      %mul3A_449 = arith.constant 5.400000e+01 : f32
      %mul3A_450 = vector.broadcast %mul3A_449 : f32 to vector<16xf32>
      %mul3A_451 = arith.mulf %get3A_250, %mul3A_450 : vector<16xf32>
      %convert_element_type3A_452 = arith.fptosi %mul3A_451 : vector<16xf32> to vector<16xi32>
      %mul3A_453 = arith.constant 5.400000e+01 : f32
      %mul3A_454 = vector.broadcast %mul3A_453 : f32 to vector<16xf32>
      %mul3A_455 = arith.mulf %get3A_258, %mul3A_454 : vector<16xf32>
      %convert_element_type3A_456 = arith.fptosi %mul3A_455 : vector<16xf32> to vector<16xi32>
      %mul3A_457 = arith.constant 5.400000e+01 : f32
      %mul3A_458 = vector.broadcast %mul3A_457 : f32 to vector<16xf32>
      %mul3A_459 = arith.mulf %get3A_266, %mul3A_458 : vector<16xf32>
      %convert_element_type3A_460 = arith.fptosi %mul3A_459 : vector<16xf32> to vector<16xi32>
      %mul3A_461 = arith.constant 73856093 : i32
      %mul3A_462 = vector.broadcast %mul3A_461 : i32 to vector<16xi32>
      %mul3A_463 = arith.muli %convert_element_type3A_452, %mul3A_462 : vector<16xi32>
      %mul3A_464 = arith.constant 19349663 : i32
      %mul3A_465 = vector.broadcast %mul3A_464 : i32 to vector<16xi32>
      %mul3A_466 = arith.muli %convert_element_type3A_456, %mul3A_465 : vector<16xi32>
      %xor3A_467 = arith.xori %mul3A_463, %mul3A_466 : vector<16xi32>
      %mul3A_468 = arith.constant 83492791 : i32
      %mul3A_469 = vector.broadcast %mul3A_468 : i32 to vector<16xi32>
      %mul3A_470 = arith.muli %convert_element_type3A_460, %mul3A_469 : vector<16xi32>
      %xor3A_471 = arith.xori %xor3A_467, %mul3A_470 : vector<16xi32>
      %and3A_472 = arith.constant 524287 : i32
      %and3A_473 = vector.broadcast %and3A_472 : i32 to vector<16xi32>
      %and3A_474 = arith.andi %xor3A_471, %and3A_473 : vector<16xi32>
      %shift_right_arithmetic3A_475 = arith.constant 7 : i32
      %shift_right_arithmetic3A_476 = vector.broadcast %shift_right_arithmetic3A_475 : i32 to vector<16xi32>
      %shift_right_arithmetic3A_477 = arith.shrsi %and3A_474, %shift_right_arithmetic3A_476 : vector<16xi32>
      %shift_left3A_478 = arith.constant 8 : i32
      %shift_left3A_479 = vector.broadcast %shift_left3A_478 : i32 to vector<16xi32>
      %shift_left3A_480 = arith.shli %shift_right_arithmetic3A_477, %shift_left3A_479 : vector<16xi32>
      %and3A_481 = arith.constant 127 : i32
      %and3A_482 = vector.broadcast %and3A_481 : i32 to vector<16xi32>
      %and3A_483 = arith.andi %and3A_474, %and3A_482 : vector<16xi32>
      %add3A_484 = arith.addi %shift_left3A_480, %and3A_483 : vector<16xi32>
      %add3A_485 = arith.constant 3145728 : i32
      %add3A_486 = vector.broadcast %add3A_485 : i32 to vector<16xi32>
      %add3A_487 = arith.addi %add3A_484, %add3A_486 : vector<16xi32>
      %add3A_488 = arith.constant 768 : i32
      %add3A_489 = vector.broadcast %add3A_488 : i32 to vector<16xi32>
      %add3A_490 = arith.addi %add3A_275, %add3A_489 : vector<16xi32>
      %add3A_491 = arith.constant 0 : i32
      %add3A_492 = vector.broadcast %add3A_491 : i32 to vector<16xi32>
      %add3A_493 = arith.addi %add3A_487, %add3A_492 : vector<16xi32>
      %scatter3A_494 = arith.constant 0 : i32
      %scatter3A_495 = arith.constant 0 : i32
      %scatter3A_496 = tpu.memref_slice %arg6[%scatter3A_494, %scatter3A_495] : memref<2x16384xi32, #tpu.memory_space<vmem>> -> memref<1x16384xi32, #tpu.memory_space<vmem>>
      %scatter3A_497 = tpu.memref_squeeze %scatter3A_496 : memref<1x16384xi32, #tpu.memory_space<vmem>> -> memref<16384xi32, #tpu.memory_space<vmem>>
      tpu.vector_store_idx %scatter3A_497[%add3A_490], %add3A_493 : memref<16384xi32, #tpu.memory_space<vmem>>[vector<16xi32>], vector<16xi32>,
      %add3A_498 = arith.constant 896 : i32
      %add3A_499 = vector.broadcast %add3A_498 : i32 to vector<16xi32>
      %add3A_500 = arith.addi %add3A_275, %add3A_499 : vector<16xi32>
      %add3A_501 = arith.constant 128 : i32
      %add3A_502 = vector.broadcast %add3A_501 : i32 to vector<16xi32>
      %add3A_503 = arith.addi %add3A_487, %add3A_502 : vector<16xi32>
      %scatter3A_504 = arith.constant 0 : i32
      %scatter3A_505 = arith.constant 0 : i32
      %scatter3A_506 = tpu.memref_slice %arg6[%scatter3A_504, %scatter3A_505] : memref<2x16384xi32, #tpu.memory_space<vmem>> -> memref<1x16384xi32, #tpu.memory_space<vmem>>
      %scatter3A_507 = tpu.memref_squeeze %scatter3A_506 : memref<1x16384xi32, #tpu.memory_space<vmem>> -> memref<16384xi32, #tpu.memory_space<vmem>>
      tpu.vector_store_idx %scatter3A_507[%add3A_500], %add3A_503 : memref<16384xi32, #tpu.memory_space<vmem>>[vector<16xi32>], vector<16xi32>,
      %mul3A_508 = arith.constant 8.100000e+01 : f32
      %mul3A_509 = vector.broadcast %mul3A_508 : f32 to vector<16xf32>
      %mul3A_510 = arith.mulf %get3A_250, %mul3A_509 : vector<16xf32>
      %convert_element_type3A_511 = arith.fptosi %mul3A_510 : vector<16xf32> to vector<16xi32>
      %mul3A_512 = arith.constant 8.100000e+01 : f32
      %mul3A_513 = vector.broadcast %mul3A_512 : f32 to vector<16xf32>
      %mul3A_514 = arith.mulf %get3A_258, %mul3A_513 : vector<16xf32>
      %convert_element_type3A_515 = arith.fptosi %mul3A_514 : vector<16xf32> to vector<16xi32>
      %mul3A_516 = arith.constant 8.100000e+01 : f32
      %mul3A_517 = vector.broadcast %mul3A_516 : f32 to vector<16xf32>
      %mul3A_518 = arith.mulf %get3A_266, %mul3A_517 : vector<16xf32>
      %convert_element_type3A_519 = arith.fptosi %mul3A_518 : vector<16xf32> to vector<16xi32>
      %mul3A_520 = arith.constant 73856093 : i32
      %mul3A_521 = vector.broadcast %mul3A_520 : i32 to vector<16xi32>
      %mul3A_522 = arith.muli %convert_element_type3A_511, %mul3A_521 : vector<16xi32>
      %mul3A_523 = arith.constant 19349663 : i32
      %mul3A_524 = vector.broadcast %mul3A_523 : i32 to vector<16xi32>
      %mul3A_525 = arith.muli %convert_element_type3A_515, %mul3A_524 : vector<16xi32>
      %xor3A_526 = arith.xori %mul3A_522, %mul3A_525 : vector<16xi32>
      %mul3A_527 = arith.constant 83492791 : i32
      %mul3A_528 = vector.broadcast %mul3A_527 : i32 to vector<16xi32>
      %mul3A_529 = arith.muli %convert_element_type3A_519, %mul3A_528 : vector<16xi32>
      %xor3A_530 = arith.xori %xor3A_526, %mul3A_529 : vector<16xi32>
      %and3A_531 = arith.constant 524287 : i32
      %and3A_532 = vector.broadcast %and3A_531 : i32 to vector<16xi32>
      %and3A_533 = arith.andi %xor3A_530, %and3A_532 : vector<16xi32>
      %shift_right_arithmetic3A_534 = arith.constant 7 : i32
      %shift_right_arithmetic3A_535 = vector.broadcast %shift_right_arithmetic3A_534 : i32 to vector<16xi32>
      %shift_right_arithmetic3A_536 = arith.shrsi %and3A_533, %shift_right_arithmetic3A_535 : vector<16xi32>
      %shift_left3A_537 = arith.constant 8 : i32
      %shift_left3A_538 = vector.broadcast %shift_left3A_537 : i32 to vector<16xi32>
      %shift_left3A_539 = arith.shli %shift_right_arithmetic3A_536, %shift_left3A_538 : vector<16xi32>
      %and3A_540 = arith.constant 127 : i32
      %and3A_541 = vector.broadcast %and3A_540 : i32 to vector<16xi32>
      %and3A_542 = arith.andi %and3A_533, %and3A_541 : vector<16xi32>
      %add3A_543 = arith.addi %shift_left3A_539, %and3A_542 : vector<16xi32>
      %add3A_544 = arith.constant 4194304 : i32
      %add3A_545 = vector.broadcast %add3A_544 : i32 to vector<16xi32>
      %add3A_546 = arith.addi %add3A_543, %add3A_545 : vector<16xi32>
      %add3A_547 = arith.constant 4096 : i32
      %add3A_548 = vector.broadcast %add3A_547 : i32 to vector<16xi32>
      %add3A_549 = arith.addi %add3A_275, %add3A_548 : vector<16xi32>
      %add3A_550 = arith.constant 0 : i32
      %add3A_551 = vector.broadcast %add3A_550 : i32 to vector<16xi32>
      %add3A_552 = arith.addi %add3A_546, %add3A_551 : vector<16xi32>
      %scatter3A_553 = arith.constant 0 : i32
      %scatter3A_554 = arith.constant 0 : i32
      %scatter3A_555 = tpu.memref_slice %arg6[%scatter3A_553, %scatter3A_554] : memref<2x16384xi32, #tpu.memory_space<vmem>> -> memref<1x16384xi32, #tpu.memory_space<vmem>>
      %scatter3A_556 = tpu.memref_squeeze %scatter3A_555 : memref<1x16384xi32, #tpu.memory_space<vmem>> -> memref<16384xi32, #tpu.memory_space<vmem>>
      tpu.vector_store_idx %scatter3A_556[%add3A_549], %add3A_552 : memref<16384xi32, #tpu.memory_space<vmem>>[vector<16xi32>], vector<16xi32>,
      %add3A_557 = arith.constant 4224 : i32
      %add3A_558 = vector.broadcast %add3A_557 : i32 to vector<16xi32>
      %add3A_559 = arith.addi %add3A_275, %add3A_558 : vector<16xi32>
      %add3A_560 = arith.constant 128 : i32
      %add3A_561 = vector.broadcast %add3A_560 : i32 to vector<16xi32>
      %add3A_562 = arith.addi %add3A_546, %add3A_561 : vector<16xi32>
      %scatter3A_563 = arith.constant 0 : i32
      %scatter3A_564 = arith.constant 0 : i32
      %scatter3A_565 = tpu.memref_slice %arg6[%scatter3A_563, %scatter3A_564] : memref<2x16384xi32, #tpu.memory_space<vmem>> -> memref<1x16384xi32, #tpu.memory_space<vmem>>
      %scatter3A_566 = tpu.memref_squeeze %scatter3A_565 : memref<1x16384xi32, #tpu.memory_space<vmem>> -> memref<16384xi32, #tpu.memory_space<vmem>>
      tpu.vector_store_idx %scatter3A_566[%add3A_559], %add3A_562 : memref<16384xi32, #tpu.memory_space<vmem>>[vector<16xi32>], vector<16xi32>,
      %mul3A_567 = arith.constant 1.210000e+02 : f32
      %mul3A_568 = vector.broadcast %mul3A_567 : f32 to vector<16xf32>
      %mul3A_569 = arith.mulf %get3A_250, %mul3A_568 : vector<16xf32>
      %convert_element_type3A_570 = arith.fptosi %mul3A_569 : vector<16xf32> to vector<16xi32>
      %mul3A_571 = arith.constant 1.210000e+02 : f32
      %mul3A_572 = vector.broadcast %mul3A_571 : f32 to vector<16xf32>
      %mul3A_573 = arith.mulf %get3A_258, %mul3A_572 : vector<16xf32>
      %convert_element_type3A_574 = arith.fptosi %mul3A_573 : vector<16xf32> to vector<16xi32>
      %mul3A_575 = arith.constant 1.210000e+02 : f32
      %mul3A_576 = vector.broadcast %mul3A_575 : f32 to vector<16xf32>
      %mul3A_577 = arith.mulf %get3A_266, %mul3A_576 : vector<16xf32>
      %convert_element_type3A_578 = arith.fptosi %mul3A_577 : vector<16xf32> to vector<16xi32>
      %mul3A_579 = arith.constant 73856093 : i32
      %mul3A_580 = vector.broadcast %mul3A_579 : i32 to vector<16xi32>
      %mul3A_581 = arith.muli %convert_element_type3A_570, %mul3A_580 : vector<16xi32>
      %mul3A_582 = arith.constant 19349663 : i32
      %mul3A_583 = vector.broadcast %mul3A_582 : i32 to vector<16xi32>
      %mul3A_584 = arith.muli %convert_element_type3A_574, %mul3A_583 : vector<16xi32>
      %xor3A_585 = arith.xori %mul3A_581, %mul3A_584 : vector<16xi32>
      %mul3A_586 = arith.constant 83492791 : i32
      %mul3A_587 = vector.broadcast %mul3A_586 : i32 to vector<16xi32>
      %mul3A_588 = arith.muli %convert_element_type3A_578, %mul3A_587 : vector<16xi32>
      %xor3A_589 = arith.xori %xor3A_585, %mul3A_588 : vector<16xi32>
      %and3A_590 = arith.constant 524287 : i32
      %and3A_591 = vector.broadcast %and3A_590 : i32 to vector<16xi32>
      %and3A_592 = arith.andi %xor3A_589, %and3A_591 : vector<16xi32>
      %shift_right_arithmetic3A_593 = arith.constant 7 : i32
      %shift_right_arithmetic3A_594 = vector.broadcast %shift_right_arithmetic3A_593 : i32 to vector<16xi32>
      %shift_right_arithmetic3A_595 = arith.shrsi %and3A_592, %shift_right_arithmetic3A_594 : vector<16xi32>
      %shift_left3A_596 = arith.constant 8 : i32
      %shift_left3A_597 = vector.broadcast %shift_left3A_596 : i32 to vector<16xi32>
      %shift_left3A_598 = arith.shli %shift_right_arithmetic3A_595, %shift_left3A_597 : vector<16xi32>
      %and3A_599 = arith.constant 127 : i32
      %and3A_600 = vector.broadcast %and3A_599 : i32 to vector<16xi32>
      %and3A_601 = arith.andi %and3A_592, %and3A_600 : vector<16xi32>
      %add3A_602 = arith.addi %shift_left3A_598, %and3A_601 : vector<16xi32>
      %add3A_603 = arith.constant 5242880 : i32
      %add3A_604 = vector.broadcast %add3A_603 : i32 to vector<16xi32>
      %add3A_605 = arith.addi %add3A_602, %add3A_604 : vector<16xi32>
      %add3A_606 = arith.constant 4352 : i32
      %add3A_607 = vector.broadcast %add3A_606 : i32 to vector<16xi32>
      %add3A_608 = arith.addi %add3A_275, %add3A_607 : vector<16xi32>
      %add3A_609 = arith.constant 0 : i32
      %add3A_610 = vector.broadcast %add3A_609 : i32 to vector<16xi32>
      %add3A_611 = arith.addi %add3A_605, %add3A_610 : vector<16xi32>
      %scatter3A_612 = arith.constant 0 : i32
      %scatter3A_613 = arith.constant 0 : i32
      %scatter3A_614 = tpu.memref_slice %arg6[%scatter3A_612, %scatter3A_613] : memref<2x16384xi32, #tpu.memory_space<vmem>> -> memref<1x16384xi32, #tpu.memory_space<vmem>>
      %scatter3A_615 = tpu.memref_squeeze %scatter3A_614 : memref<1x16384xi32, #tpu.memory_space<vmem>> -> memref<16384xi32, #tpu.memory_space<vmem>>
      tpu.vector_store_idx %scatter3A_615[%add3A_608], %add3A_611 : memref<16384xi32, #tpu.memory_space<vmem>>[vector<16xi32>], vector<16xi32>,
      %add3A_616 = arith.constant 4480 : i32
      %add3A_617 = vector.broadcast %add3A_616 : i32 to vector<16xi32>
      %add3A_618 = arith.addi %add3A_275, %add3A_617 : vector<16xi32>
      %add3A_619 = arith.constant 128 : i32
      %add3A_620 = vector.broadcast %add3A_619 : i32 to vector<16xi32>
      %add3A_621 = arith.addi %add3A_605, %add3A_620 : vector<16xi32>
      %scatter3A_622 = arith.constant 0 : i32
      %scatter3A_623 = arith.constant 0 : i32
      %scatter3A_624 = tpu.memref_slice %arg6[%scatter3A_622, %scatter3A_623] : memref<2x16384xi32, #tpu.memory_space<vmem>> -> memref<1x16384xi32, #tpu.memory_space<vmem>>
      %scatter3A_625 = tpu.memref_squeeze %scatter3A_624 : memref<1x16384xi32, #tpu.memory_space<vmem>> -> memref<16384xi32, #tpu.memory_space<vmem>>
      tpu.vector_store_idx %scatter3A_625[%add3A_618], %add3A_621 : memref<16384xi32, #tpu.memory_space<vmem>>[vector<16xi32>], vector<16xi32>,
      %mul3A_626 = arith.constant 1.820000e+02 : f32
      %mul3A_627 = vector.broadcast %mul3A_626 : f32 to vector<16xf32>
      %mul3A_628 = arith.mulf %get3A_250, %mul3A_627 : vector<16xf32>
      %convert_element_type3A_629 = arith.fptosi %mul3A_628 : vector<16xf32> to vector<16xi32>
      %mul3A_630 = arith.constant 1.820000e+02 : f32
      %mul3A_631 = vector.broadcast %mul3A_630 : f32 to vector<16xf32>
      %mul3A_632 = arith.mulf %get3A_258, %mul3A_631 : vector<16xf32>
      %convert_element_type3A_633 = arith.fptosi %mul3A_632 : vector<16xf32> to vector<16xi32>
      %mul3A_634 = arith.constant 1.820000e+02 : f32
      %mul3A_635 = vector.broadcast %mul3A_634 : f32 to vector<16xf32>
      %mul3A_636 = arith.mulf %get3A_266, %mul3A_635 : vector<16xf32>
      %convert_element_type3A_637 = arith.fptosi %mul3A_636 : vector<16xf32> to vector<16xi32>
      %mul3A_638 = arith.constant 73856093 : i32
      %mul3A_639 = vector.broadcast %mul3A_638 : i32 to vector<16xi32>
      %mul3A_640 = arith.muli %convert_element_type3A_629, %mul3A_639 : vector<16xi32>
      %mul3A_641 = arith.constant 19349663 : i32
      %mul3A_642 = vector.broadcast %mul3A_641 : i32 to vector<16xi32>
      %mul3A_643 = arith.muli %convert_element_type3A_633, %mul3A_642 : vector<16xi32>
      %xor3A_644 = arith.xori %mul3A_640, %mul3A_643 : vector<16xi32>
      %mul3A_645 = arith.constant 83492791 : i32
      %mul3A_646 = vector.broadcast %mul3A_645 : i32 to vector<16xi32>
      %mul3A_647 = arith.muli %convert_element_type3A_637, %mul3A_646 : vector<16xi32>
      %xor3A_648 = arith.xori %xor3A_644, %mul3A_647 : vector<16xi32>
      %and3A_649 = arith.constant 524287 : i32
      %and3A_650 = vector.broadcast %and3A_649 : i32 to vector<16xi32>
      %and3A_651 = arith.andi %xor3A_648, %and3A_650 : vector<16xi32>
      %shift_right_arithmetic3A_652 = arith.constant 7 : i32
      %shift_right_arithmetic3A_653 = vector.broadcast %shift_right_arithmetic3A_652 : i32 to vector<16xi32>
      %shift_right_arithmetic3A_654 = arith.shrsi %and3A_651, %shift_right_arithmetic3A_653 : vector<16xi32>
      %shift_left3A_655 = arith.constant 8 : i32
      %shift_left3A_656 = vector.broadcast %shift_left3A_655 : i32 to vector<16xi32>
      %shift_left3A_657 = arith.shli %shift_right_arithmetic3A_654, %shift_left3A_656 : vector<16xi32>
      %and3A_658 = arith.constant 127 : i32
      %and3A_659 = vector.broadcast %and3A_658 : i32 to vector<16xi32>
      %and3A_660 = arith.andi %and3A_651, %and3A_659 : vector<16xi32>
      %add3A_661 = arith.addi %shift_left3A_657, %and3A_660 : vector<16xi32>
      %add3A_662 = arith.constant 6291456 : i32
      %add3A_663 = vector.broadcast %add3A_662 : i32 to vector<16xi32>
      %add3A_664 = arith.addi %add3A_661, %add3A_663 : vector<16xi32>
      %add3A_665 = arith.constant 4608 : i32
      %add3A_666 = vector.broadcast %add3A_665 : i32 to vector<16xi32>
      %add3A_667 = arith.addi %add3A_275, %add3A_666 : vector<16xi32>
      %add3A_668 = arith.constant 0 : i32
      %add3A_669 = vector.broadcast %add3A_668 : i32 to vector<16xi32>
      %add3A_670 = arith.addi %add3A_664, %add3A_669 : vector<16xi32>
      %scatter3A_671 = arith.constant 0 : i32
      %scatter3A_672 = arith.constant 0 : i32
      %scatter3A_673 = tpu.memref_slice %arg6[%scatter3A_671, %scatter3A_672] : memref<2x16384xi32, #tpu.memory_space<vmem>> -> memref<1x16384xi32, #tpu.memory_space<vmem>>
      %scatter3A_674 = tpu.memref_squeeze %scatter3A_673 : memref<1x16384xi32, #tpu.memory_space<vmem>> -> memref<16384xi32, #tpu.memory_space<vmem>>
      tpu.vector_store_idx %scatter3A_674[%add3A_667], %add3A_670 : memref<16384xi32, #tpu.memory_space<vmem>>[vector<16xi32>], vector<16xi32>,
      %add3A_675 = arith.constant 4736 : i32
      %add3A_676 = vector.broadcast %add3A_675 : i32 to vector<16xi32>
      %add3A_677 = arith.addi %add3A_275, %add3A_676 : vector<16xi32>
      %add3A_678 = arith.constant 128 : i32
      %add3A_679 = vector.broadcast %add3A_678 : i32 to vector<16xi32>
      %add3A_680 = arith.addi %add3A_664, %add3A_679 : vector<16xi32>
      %scatter3A_681 = arith.constant 0 : i32
      %scatter3A_682 = arith.constant 0 : i32
      %scatter3A_683 = tpu.memref_slice %arg6[%scatter3A_681, %scatter3A_682] : memref<2x16384xi32, #tpu.memory_space<vmem>> -> memref<1x16384xi32, #tpu.memory_space<vmem>>
      %scatter3A_684 = tpu.memref_squeeze %scatter3A_683 : memref<1x16384xi32, #tpu.memory_space<vmem>> -> memref<16384xi32, #tpu.memory_space<vmem>>
      tpu.vector_store_idx %scatter3A_684[%add3A_677], %add3A_680 : memref<16384xi32, #tpu.memory_space<vmem>>[vector<16xi32>], vector<16xi32>,
      %mul3A_685 = arith.constant 2.730000e+02 : f32
      %mul3A_686 = vector.broadcast %mul3A_685 : f32 to vector<16xf32>
      %mul3A_687 = arith.mulf %get3A_250, %mul3A_686 : vector<16xf32>
      %convert_element_type3A_688 = arith.fptosi %mul3A_687 : vector<16xf32> to vector<16xi32>
      %mul3A_689 = arith.constant 2.730000e+02 : f32
      %mul3A_690 = vector.broadcast %mul3A_689 : f32 to vector<16xf32>
      %mul3A_691 = arith.mulf %get3A_258, %mul3A_690 : vector<16xf32>
      %convert_element_type3A_692 = arith.fptosi %mul3A_691 : vector<16xf32> to vector<16xi32>
      %mul3A_693 = arith.constant 2.730000e+02 : f32
      %mul3A_694 = vector.broadcast %mul3A_693 : f32 to vector<16xf32>
      %mul3A_695 = arith.mulf %get3A_266, %mul3A_694 : vector<16xf32>
      %convert_element_type3A_696 = arith.fptosi %mul3A_695 : vector<16xf32> to vector<16xi32>
      %mul3A_697 = arith.constant 73856093 : i32
      %mul3A_698 = vector.broadcast %mul3A_697 : i32 to vector<16xi32>
      %mul3A_699 = arith.muli %convert_element_type3A_688, %mul3A_698 : vector<16xi32>
      %mul3A_700 = arith.constant 19349663 : i32
      %mul3A_701 = vector.broadcast %mul3A_700 : i32 to vector<16xi32>
      %mul3A_702 = arith.muli %convert_element_type3A_692, %mul3A_701 : vector<16xi32>
      %xor3A_703 = arith.xori %mul3A_699, %mul3A_702 : vector<16xi32>
      %mul3A_704 = arith.constant 83492791 : i32
      %mul3A_705 = vector.broadcast %mul3A_704 : i32 to vector<16xi32>
      %mul3A_706 = arith.muli %convert_element_type3A_696, %mul3A_705 : vector<16xi32>
      %xor3A_707 = arith.xori %xor3A_703, %mul3A_706 : vector<16xi32>
      %and3A_708 = arith.constant 524287 : i32
      %and3A_709 = vector.broadcast %and3A_708 : i32 to vector<16xi32>
      %and3A_710 = arith.andi %xor3A_707, %and3A_709 : vector<16xi32>
      %shift_right_arithmetic3A_711 = arith.constant 7 : i32
      %shift_right_arithmetic3A_712 = vector.broadcast %shift_right_arithmetic3A_711 : i32 to vector<16xi32>
      %shift_right_arithmetic3A_713 = arith.shrsi %and3A_710, %shift_right_arithmetic3A_712 : vector<16xi32>
      %shift_left3A_714 = arith.constant 8 : i32
      %shift_left3A_715 = vector.broadcast %shift_left3A_714 : i32 to vector<16xi32>
      %shift_left3A_716 = arith.shli %shift_right_arithmetic3A_713, %shift_left3A_715 : vector<16xi32>
      %and3A_717 = arith.constant 127 : i32
      %and3A_718 = vector.broadcast %and3A_717 : i32 to vector<16xi32>
      %and3A_719 = arith.andi %and3A_710, %and3A_718 : vector<16xi32>
      %add3A_720 = arith.addi %shift_left3A_716, %and3A_719 : vector<16xi32>
      %add3A_721 = arith.constant 7340032 : i32
      %add3A_722 = vector.broadcast %add3A_721 : i32 to vector<16xi32>
      %add3A_723 = arith.addi %add3A_720, %add3A_722 : vector<16xi32>
      %add3A_724 = arith.constant 4864 : i32
      %add3A_725 = vector.broadcast %add3A_724 : i32 to vector<16xi32>
      %add3A_726 = arith.addi %add3A_275, %add3A_725 : vector<16xi32>
      %add3A_727 = arith.constant 0 : i32
      %add3A_728 = vector.broadcast %add3A_727 : i32 to vector<16xi32>
      %add3A_729 = arith.addi %add3A_723, %add3A_728 : vector<16xi32>
      %scatter3A_730 = arith.constant 0 : i32
      %scatter3A_731 = arith.constant 0 : i32
      %scatter3A_732 = tpu.memref_slice %arg6[%scatter3A_730, %scatter3A_731] : memref<2x16384xi32, #tpu.memory_space<vmem>> -> memref<1x16384xi32, #tpu.memory_space<vmem>>
      %scatter3A_733 = tpu.memref_squeeze %scatter3A_732 : memref<1x16384xi32, #tpu.memory_space<vmem>> -> memref<16384xi32, #tpu.memory_space<vmem>>
      tpu.vector_store_idx %scatter3A_733[%add3A_726], %add3A_729 : memref<16384xi32, #tpu.memory_space<vmem>>[vector<16xi32>], vector<16xi32>,
      %add3A_734 = arith.constant 4992 : i32
      %add3A_735 = vector.broadcast %add3A_734 : i32 to vector<16xi32>
      %add3A_736 = arith.addi %add3A_275, %add3A_735 : vector<16xi32>
      %add3A_737 = arith.constant 128 : i32
      %add3A_738 = vector.broadcast %add3A_737 : i32 to vector<16xi32>
      %add3A_739 = arith.addi %add3A_723, %add3A_738 : vector<16xi32>
      %scatter3A_740 = arith.constant 0 : i32
      %scatter3A_741 = arith.constant 0 : i32
      %scatter3A_742 = tpu.memref_slice %arg6[%scatter3A_740, %scatter3A_741] : memref<2x16384xi32, #tpu.memory_space<vmem>> -> memref<1x16384xi32, #tpu.memory_space<vmem>>
      %scatter3A_743 = tpu.memref_squeeze %scatter3A_742 : memref<1x16384xi32, #tpu.memory_space<vmem>> -> memref<16384xi32, #tpu.memory_space<vmem>>
      tpu.vector_store_idx %scatter3A_743[%add3A_736], %add3A_739 : memref<16384xi32, #tpu.memory_space<vmem>>[vector<16xi32>], vector<16xi32>,
      %mul3A_744 = arith.constant 4.100000e+02 : f32
      %mul3A_745 = vector.broadcast %mul3A_744 : f32 to vector<16xf32>
      %mul3A_746 = arith.mulf %get3A_250, %mul3A_745 : vector<16xf32>
      %convert_element_type3A_747 = arith.fptosi %mul3A_746 : vector<16xf32> to vector<16xi32>
      %mul3A_748 = arith.constant 4.100000e+02 : f32
      %mul3A_749 = vector.broadcast %mul3A_748 : f32 to vector<16xf32>
      %mul3A_750 = arith.mulf %get3A_258, %mul3A_749 : vector<16xf32>
      %convert_element_type3A_751 = arith.fptosi %mul3A_750 : vector<16xf32> to vector<16xi32>
      %mul3A_752 = arith.constant 4.100000e+02 : f32
      %mul3A_753 = vector.broadcast %mul3A_752 : f32 to vector<16xf32>
      %mul3A_754 = arith.mulf %get3A_266, %mul3A_753 : vector<16xf32>
      %convert_element_type3A_755 = arith.fptosi %mul3A_754 : vector<16xf32> to vector<16xi32>
      %mul3A_756 = arith.constant 73856093 : i32
      %mul3A_757 = vector.broadcast %mul3A_756 : i32 to vector<16xi32>
      %mul3A_758 = arith.muli %convert_element_type3A_747, %mul3A_757 : vector<16xi32>
      %mul3A_759 = arith.constant 19349663 : i32
      %mul3A_760 = vector.broadcast %mul3A_759 : i32 to vector<16xi32>
      %mul3A_761 = arith.muli %convert_element_type3A_751, %mul3A_760 : vector<16xi32>
      %xor3A_762 = arith.xori %mul3A_758, %mul3A_761 : vector<16xi32>
      %mul3A_763 = arith.constant 83492791 : i32
      %mul3A_764 = vector.broadcast %mul3A_763 : i32 to vector<16xi32>
      %mul3A_765 = arith.muli %convert_element_type3A_755, %mul3A_764 : vector<16xi32>
      %xor3A_766 = arith.xori %xor3A_762, %mul3A_765 : vector<16xi32>
      %and3A_767 = arith.constant 524287 : i32
      %and3A_768 = vector.broadcast %and3A_767 : i32 to vector<16xi32>
      %and3A_769 = arith.andi %xor3A_766, %and3A_768 : vector<16xi32>
      %shift_right_arithmetic3A_770 = arith.constant 7 : i32
      %shift_right_arithmetic3A_771 = vector.broadcast %shift_right_arithmetic3A_770 : i32 to vector<16xi32>
      %shift_right_arithmetic3A_772 = arith.shrsi %and3A_769, %shift_right_arithmetic3A_771 : vector<16xi32>
      %shift_left3A_773 = arith.constant 8 : i32
      %shift_left3A_774 = vector.broadcast %shift_left3A_773 : i32 to vector<16xi32>
      %shift_left3A_775 = arith.shli %shift_right_arithmetic3A_772, %shift_left3A_774 : vector<16xi32>
      %and3A_776 = arith.constant 127 : i32
      %and3A_777 = vector.broadcast %and3A_776 : i32 to vector<16xi32>
      %and3A_778 = arith.andi %and3A_769, %and3A_777 : vector<16xi32>
      %add3A_779 = arith.addi %shift_left3A_775, %and3A_778 : vector<16xi32>
      %add3A_780 = arith.constant 8388608 : i32
      %add3A_781 = vector.broadcast %add3A_780 : i32 to vector<16xi32>
      %add3A_782 = arith.addi %add3A_779, %add3A_781 : vector<16xi32>
      %add3A_783 = arith.constant 8192 : i32
      %add3A_784 = vector.broadcast %add3A_783 : i32 to vector<16xi32>
      %add3A_785 = arith.addi %add3A_275, %add3A_784 : vector<16xi32>
      %add3A_786 = arith.constant 0 : i32
      %add3A_787 = vector.broadcast %add3A_786 : i32 to vector<16xi32>
      %add3A_788 = arith.addi %add3A_782, %add3A_787 : vector<16xi32>
      %scatter3A_789 = arith.constant 0 : i32
      %scatter3A_790 = arith.constant 0 : i32
      %scatter3A_791 = tpu.memref_slice %arg6[%scatter3A_789, %scatter3A_790] : memref<2x16384xi32, #tpu.memory_space<vmem>> -> memref<1x16384xi32, #tpu.memory_space<vmem>>
      %scatter3A_792 = tpu.memref_squeeze %scatter3A_791 : memref<1x16384xi32, #tpu.memory_space<vmem>> -> memref<16384xi32, #tpu.memory_space<vmem>>
      tpu.vector_store_idx %scatter3A_792[%add3A_785], %add3A_788 : memref<16384xi32, #tpu.memory_space<vmem>>[vector<16xi32>], vector<16xi32>,
      %add3A_793 = arith.constant 8320 : i32
      %add3A_794 = vector.broadcast %add3A_793 : i32 to vector<16xi32>
      %add3A_795 = arith.addi %add3A_275, %add3A_794 : vector<16xi32>
      %add3A_796 = arith.constant 128 : i32
      %add3A_797 = vector.broadcast %add3A_796 : i32 to vector<16xi32>
      %add3A_798 = arith.addi %add3A_782, %add3A_797 : vector<16xi32>
      %scatter3A_799 = arith.constant 0 : i32
      %scatter3A_800 = arith.constant 0 : i32
      %scatter3A_801 = tpu.memref_slice %arg6[%scatter3A_799, %scatter3A_800] : memref<2x16384xi32, #tpu.memory_space<vmem>> -> memref<1x16384xi32, #tpu.memory_space<vmem>>
      %scatter3A_802 = tpu.memref_squeeze %scatter3A_801 : memref<1x16384xi32, #tpu.memory_space<vmem>> -> memref<16384xi32, #tpu.memory_space<vmem>>
      tpu.vector_store_idx %scatter3A_802[%add3A_795], %add3A_798 : memref<16384xi32, #tpu.memory_space<vmem>>[vector<16xi32>], vector<16xi32>,
      %mul3A_803 = arith.constant 6.150000e+02 : f32
      %mul3A_804 = vector.broadcast %mul3A_803 : f32 to vector<16xf32>
      %mul3A_805 = arith.mulf %get3A_250, %mul3A_804 : vector<16xf32>
      %convert_element_type3A_806 = arith.fptosi %mul3A_805 : vector<16xf32> to vector<16xi32>
      %mul3A_807 = arith.constant 6.150000e+02 : f32
      %mul3A_808 = vector.broadcast %mul3A_807 : f32 to vector<16xf32>
      %mul3A_809 = arith.mulf %get3A_258, %mul3A_808 : vector<16xf32>
      %convert_element_type3A_810 = arith.fptosi %mul3A_809 : vector<16xf32> to vector<16xi32>
      %mul3A_811 = arith.constant 6.150000e+02 : f32
      %mul3A_812 = vector.broadcast %mul3A_811 : f32 to vector<16xf32>
      %mul3A_813 = arith.mulf %get3A_266, %mul3A_812 : vector<16xf32>
      %convert_element_type3A_814 = arith.fptosi %mul3A_813 : vector<16xf32> to vector<16xi32>
      %mul3A_815 = arith.constant 73856093 : i32
      %mul3A_816 = vector.broadcast %mul3A_815 : i32 to vector<16xi32>
      %mul3A_817 = arith.muli %convert_element_type3A_806, %mul3A_816 : vector<16xi32>
      %mul3A_818 = arith.constant 19349663 : i32
      %mul3A_819 = vector.broadcast %mul3A_818 : i32 to vector<16xi32>
      %mul3A_820 = arith.muli %convert_element_type3A_810, %mul3A_819 : vector<16xi32>
      %xor3A_821 = arith.xori %mul3A_817, %mul3A_820 : vector<16xi32>
      %mul3A_822 = arith.constant 83492791 : i32
      %mul3A_823 = vector.broadcast %mul3A_822 : i32 to vector<16xi32>
      %mul3A_824 = arith.muli %convert_element_type3A_814, %mul3A_823 : vector<16xi32>
      %xor3A_825 = arith.xori %xor3A_821, %mul3A_824 : vector<16xi32>
      %and3A_826 = arith.constant 524287 : i32
      %and3A_827 = vector.broadcast %and3A_826 : i32 to vector<16xi32>
      %and3A_828 = arith.andi %xor3A_825, %and3A_827 : vector<16xi32>
      %shift_right_arithmetic3A_829 = arith.constant 7 : i32
      %shift_right_arithmetic3A_830 = vector.broadcast %shift_right_arithmetic3A_829 : i32 to vector<16xi32>
      %shift_right_arithmetic3A_831 = arith.shrsi %and3A_828, %shift_right_arithmetic3A_830 : vector<16xi32>
      %shift_left3A_832 = arith.constant 8 : i32
      %shift_left3A_833 = vector.broadcast %shift_left3A_832 : i32 to vector<16xi32>
      %shift_left3A_834 = arith.shli %shift_right_arithmetic3A_831, %shift_left3A_833 : vector<16xi32>
      %and3A_835 = arith.constant 127 : i32
      %and3A_836 = vector.broadcast %and3A_835 : i32 to vector<16xi32>
      %and3A_837 = arith.andi %and3A_828, %and3A_836 : vector<16xi32>
      %add3A_838 = arith.addi %shift_left3A_834, %and3A_837 : vector<16xi32>
      %add3A_839 = arith.constant 9437184 : i32
      %add3A_840 = vector.broadcast %add3A_839 : i32 to vector<16xi32>
      %add3A_841 = arith.addi %add3A_838, %add3A_840 : vector<16xi32>
      %add3A_842 = arith.constant 8448 : i32
      %add3A_843 = vector.broadcast %add3A_842 : i32 to vector<16xi32>
      %add3A_844 = arith.addi %add3A_275, %add3A_843 : vector<16xi32>
      %add3A_845 = arith.constant 0 : i32
      %add3A_846 = vector.broadcast %add3A_845 : i32 to vector<16xi32>
      %add3A_847 = arith.addi %add3A_841, %add3A_846 : vector<16xi32>
      %scatter3A_848 = arith.constant 0 : i32
      %scatter3A_849 = arith.constant 0 : i32
      %scatter3A_850 = tpu.memref_slice %arg6[%scatter3A_848, %scatter3A_849] : memref<2x16384xi32, #tpu.memory_space<vmem>> -> memref<1x16384xi32, #tpu.memory_space<vmem>>
      %scatter3A_851 = tpu.memref_squeeze %scatter3A_850 : memref<1x16384xi32, #tpu.memory_space<vmem>> -> memref<16384xi32, #tpu.memory_space<vmem>>
      tpu.vector_store_idx %scatter3A_851[%add3A_844], %add3A_847 : memref<16384xi32, #tpu.memory_space<vmem>>[vector<16xi32>], vector<16xi32>,
      %add3A_852 = arith.constant 8576 : i32
      %add3A_853 = vector.broadcast %add3A_852 : i32 to vector<16xi32>
      %add3A_854 = arith.addi %add3A_275, %add3A_853 : vector<16xi32>
      %add3A_855 = arith.constant 128 : i32
      %add3A_856 = vector.broadcast %add3A_855 : i32 to vector<16xi32>
      %add3A_857 = arith.addi %add3A_841, %add3A_856 : vector<16xi32>
      %scatter3A_858 = arith.constant 0 : i32
      %scatter3A_859 = arith.constant 0 : i32
      %scatter3A_860 = tpu.memref_slice %arg6[%scatter3A_858, %scatter3A_859] : memref<2x16384xi32, #tpu.memory_space<vmem>> -> memref<1x16384xi32, #tpu.memory_space<vmem>>
      %scatter3A_861 = tpu.memref_squeeze %scatter3A_860 : memref<1x16384xi32, #tpu.memory_space<vmem>> -> memref<16384xi32, #tpu.memory_space<vmem>>
      tpu.vector_store_idx %scatter3A_861[%add3A_854], %add3A_857 : memref<16384xi32, #tpu.memory_space<vmem>>[vector<16xi32>], vector<16xi32>,
      %mul3A_862 = arith.constant 9.220000e+02 : f32
      %mul3A_863 = vector.broadcast %mul3A_862 : f32 to vector<16xf32>
      %mul3A_864 = arith.mulf %get3A_250, %mul3A_863 : vector<16xf32>
      %convert_element_type3A_865 = arith.fptosi %mul3A_864 : vector<16xf32> to vector<16xi32>
      %mul3A_866 = arith.constant 9.220000e+02 : f32
      %mul3A_867 = vector.broadcast %mul3A_866 : f32 to vector<16xf32>
      %mul3A_868 = arith.mulf %get3A_258, %mul3A_867 : vector<16xf32>
      %convert_element_type3A_869 = arith.fptosi %mul3A_868 : vector<16xf32> to vector<16xi32>
      %mul3A_870 = arith.constant 9.220000e+02 : f32
      %mul3A_871 = vector.broadcast %mul3A_870 : f32 to vector<16xf32>
      %mul3A_872 = arith.mulf %get3A_266, %mul3A_871 : vector<16xf32>
      %convert_element_type3A_873 = arith.fptosi %mul3A_872 : vector<16xf32> to vector<16xi32>
      %mul3A_874 = arith.constant 73856093 : i32
      %mul3A_875 = vector.broadcast %mul3A_874 : i32 to vector<16xi32>
      %mul3A_876 = arith.muli %convert_element_type3A_865, %mul3A_875 : vector<16xi32>
      %mul3A_877 = arith.constant 19349663 : i32
      %mul3A_878 = vector.broadcast %mul3A_877 : i32 to vector<16xi32>
      %mul3A_879 = arith.muli %convert_element_type3A_869, %mul3A_878 : vector<16xi32>
      %xor3A_880 = arith.xori %mul3A_876, %mul3A_879 : vector<16xi32>
      %mul3A_881 = arith.constant 83492791 : i32
      %mul3A_882 = vector.broadcast %mul3A_881 : i32 to vector<16xi32>
      %mul3A_883 = arith.muli %convert_element_type3A_873, %mul3A_882 : vector<16xi32>
      %xor3A_884 = arith.xori %xor3A_880, %mul3A_883 : vector<16xi32>
      %and3A_885 = arith.constant 524287 : i32
      %and3A_886 = vector.broadcast %and3A_885 : i32 to vector<16xi32>
      %and3A_887 = arith.andi %xor3A_884, %and3A_886 : vector<16xi32>
      %shift_right_arithmetic3A_888 = arith.constant 7 : i32
      %shift_right_arithmetic3A_889 = vector.broadcast %shift_right_arithmetic3A_888 : i32 to vector<16xi32>
      %shift_right_arithmetic3A_890 = arith.shrsi %and3A_887, %shift_right_arithmetic3A_889 : vector<16xi32>
      %shift_left3A_891 = arith.constant 8 : i32
      %shift_left3A_892 = vector.broadcast %shift_left3A_891 : i32 to vector<16xi32>
      %shift_left3A_893 = arith.shli %shift_right_arithmetic3A_890, %shift_left3A_892 : vector<16xi32>
      %and3A_894 = arith.constant 127 : i32
      %and3A_895 = vector.broadcast %and3A_894 : i32 to vector<16xi32>
      %and3A_896 = arith.andi %and3A_887, %and3A_895 : vector<16xi32>
      %add3A_897 = arith.addi %shift_left3A_893, %and3A_896 : vector<16xi32>
      %add3A_898 = arith.constant 10485760 : i32
      %add3A_899 = vector.broadcast %add3A_898 : i32 to vector<16xi32>
      %add3A_900 = arith.addi %add3A_897, %add3A_899 : vector<16xi32>
      %add3A_901 = arith.constant 8704 : i32
      %add3A_902 = vector.broadcast %add3A_901 : i32 to vector<16xi32>
      %add3A_903 = arith.addi %add3A_275, %add3A_902 : vector<16xi32>
      %add3A_904 = arith.constant 0 : i32
      %add3A_905 = vector.broadcast %add3A_904 : i32 to vector<16xi32>
      %add3A_906 = arith.addi %add3A_900, %add3A_905 : vector<16xi32>
      %scatter3A_907 = arith.constant 0 : i32
      %scatter3A_908 = arith.constant 0 : i32
      %scatter3A_909 = tpu.memref_slice %arg6[%scatter3A_907, %scatter3A_908] : memref<2x16384xi32, #tpu.memory_space<vmem>> -> memref<1x16384xi32, #tpu.memory_space<vmem>>
      %scatter3A_910 = tpu.memref_squeeze %scatter3A_909 : memref<1x16384xi32, #tpu.memory_space<vmem>> -> memref<16384xi32, #tpu.memory_space<vmem>>
      tpu.vector_store_idx %scatter3A_910[%add3A_903], %add3A_906 : memref<16384xi32, #tpu.memory_space<vmem>>[vector<16xi32>], vector<16xi32>,
      %add3A_911 = arith.constant 8832 : i32
      %add3A_912 = vector.broadcast %add3A_911 : i32 to vector<16xi32>
      %add3A_913 = arith.addi %add3A_275, %add3A_912 : vector<16xi32>
      %add3A_914 = arith.constant 128 : i32
      %add3A_915 = vector.broadcast %add3A_914 : i32 to vector<16xi32>
      %add3A_916 = arith.addi %add3A_900, %add3A_915 : vector<16xi32>
      %scatter3A_917 = arith.constant 0 : i32
      %scatter3A_918 = arith.constant 0 : i32
      %scatter3A_919 = tpu.memref_slice %arg6[%scatter3A_917, %scatter3A_918] : memref<2x16384xi32, #tpu.memory_space<vmem>> -> memref<1x16384xi32, #tpu.memory_space<vmem>>
      %scatter3A_920 = tpu.memref_squeeze %scatter3A_919 : memref<1x16384xi32, #tpu.memory_space<vmem>> -> memref<16384xi32, #tpu.memory_space<vmem>>
      tpu.vector_store_idx %scatter3A_920[%add3A_913], %add3A_916 : memref<16384xi32, #tpu.memory_space<vmem>>[vector<16xi32>], vector<16xi32>,
      %mul3A_921 = arith.constant 1.383000e+03 : f32
      %mul3A_922 = vector.broadcast %mul3A_921 : f32 to vector<16xf32>
      %mul3A_923 = arith.mulf %get3A_250, %mul3A_922 : vector<16xf32>
      %convert_element_type3A_924 = arith.fptosi %mul3A_923 : vector<16xf32> to vector<16xi32>
      %mul3A_925 = arith.constant 1.383000e+03 : f32
      %mul3A_926 = vector.broadcast %mul3A_925 : f32 to vector<16xf32>
      %mul3A_927 = arith.mulf %get3A_258, %mul3A_926 : vector<16xf32>
      %convert_element_type3A_928 = arith.fptosi %mul3A_927 : vector<16xf32> to vector<16xi32>
      %mul3A_929 = arith.constant 1.383000e+03 : f32
      %mul3A_930 = vector.broadcast %mul3A_929 : f32 to vector<16xf32>
      %mul3A_931 = arith.mulf %get3A_266, %mul3A_930 : vector<16xf32>
      %convert_element_type3A_932 = arith.fptosi %mul3A_931 : vector<16xf32> to vector<16xi32>
      %mul3A_933 = arith.constant 73856093 : i32
      %mul3A_934 = vector.broadcast %mul3A_933 : i32 to vector<16xi32>
      %mul3A_935 = arith.muli %convert_element_type3A_924, %mul3A_934 : vector<16xi32>
      %mul3A_936 = arith.constant 19349663 : i32
      %mul3A_937 = vector.broadcast %mul3A_936 : i32 to vector<16xi32>
      %mul3A_938 = arith.muli %convert_element_type3A_928, %mul3A_937 : vector<16xi32>
      %xor3A_939 = arith.xori %mul3A_935, %mul3A_938 : vector<16xi32>
      %mul3A_940 = arith.constant 83492791 : i32
      %mul3A_941 = vector.broadcast %mul3A_940 : i32 to vector<16xi32>
      %mul3A_942 = arith.muli %convert_element_type3A_932, %mul3A_941 : vector<16xi32>
      %xor3A_943 = arith.xori %xor3A_939, %mul3A_942 : vector<16xi32>
      %and3A_944 = arith.constant 524287 : i32
      %and3A_945 = vector.broadcast %and3A_944 : i32 to vector<16xi32>
      %and3A_946 = arith.andi %xor3A_943, %and3A_945 : vector<16xi32>
      %shift_right_arithmetic3A_947 = arith.constant 7 : i32
      %shift_right_arithmetic3A_948 = vector.broadcast %shift_right_arithmetic3A_947 : i32 to vector<16xi32>
      %shift_right_arithmetic3A_949 = arith.shrsi %and3A_946, %shift_right_arithmetic3A_948 : vector<16xi32>
      %shift_left3A_950 = arith.constant 8 : i32
      %shift_left3A_951 = vector.broadcast %shift_left3A_950 : i32 to vector<16xi32>
      %shift_left3A_952 = arith.shli %shift_right_arithmetic3A_949, %shift_left3A_951 : vector<16xi32>
      %and3A_953 = arith.constant 127 : i32
      %and3A_954 = vector.broadcast %and3A_953 : i32 to vector<16xi32>
      %and3A_955 = arith.andi %and3A_946, %and3A_954 : vector<16xi32>
      %add3A_956 = arith.addi %shift_left3A_952, %and3A_955 : vector<16xi32>
      %add3A_957 = arith.constant 11534336 : i32
      %add3A_958 = vector.broadcast %add3A_957 : i32 to vector<16xi32>
      %add3A_959 = arith.addi %add3A_956, %add3A_958 : vector<16xi32>
      %add3A_960 = arith.constant 8960 : i32
      %add3A_961 = vector.broadcast %add3A_960 : i32 to vector<16xi32>
      %add3A_962 = arith.addi %add3A_275, %add3A_961 : vector<16xi32>
      %add3A_963 = arith.constant 0 : i32
      %add3A_964 = vector.broadcast %add3A_963 : i32 to vector<16xi32>
      %add3A_965 = arith.addi %add3A_959, %add3A_964 : vector<16xi32>
      %scatter3A_966 = arith.constant 0 : i32
      %scatter3A_967 = arith.constant 0 : i32
      %scatter3A_968 = tpu.memref_slice %arg6[%scatter3A_966, %scatter3A_967] : memref<2x16384xi32, #tpu.memory_space<vmem>> -> memref<1x16384xi32, #tpu.memory_space<vmem>>
      %scatter3A_969 = tpu.memref_squeeze %scatter3A_968 : memref<1x16384xi32, #tpu.memory_space<vmem>> -> memref<16384xi32, #tpu.memory_space<vmem>>
      tpu.vector_store_idx %scatter3A_969[%add3A_962], %add3A_965 : memref<16384xi32, #tpu.memory_space<vmem>>[vector<16xi32>], vector<16xi32>,
      %add3A_970 = arith.constant 9088 : i32
      %add3A_971 = vector.broadcast %add3A_970 : i32 to vector<16xi32>
      %add3A_972 = arith.addi %add3A_275, %add3A_971 : vector<16xi32>
      %add3A_973 = arith.constant 128 : i32
      %add3A_974 = vector.broadcast %add3A_973 : i32 to vector<16xi32>
      %add3A_975 = arith.addi %add3A_959, %add3A_974 : vector<16xi32>
      %scatter3A_976 = arith.constant 0 : i32
      %scatter3A_977 = arith.constant 0 : i32
      %scatter3A_978 = tpu.memref_slice %arg6[%scatter3A_976, %scatter3A_977] : memref<2x16384xi32, #tpu.memory_space<vmem>> -> memref<1x16384xi32, #tpu.memory_space<vmem>>
      %scatter3A_979 = tpu.memref_squeeze %scatter3A_978 : memref<1x16384xi32, #tpu.memory_space<vmem>> -> memref<16384xi32, #tpu.memory_space<vmem>>
      tpu.vector_store_idx %scatter3A_979[%add3A_972], %add3A_975 : memref<16384xi32, #tpu.memory_space<vmem>>[vector<16xi32>], vector<16xi32>,
      %mul3A_980 = arith.constant 2.075000e+03 : f32
      %mul3A_981 = vector.broadcast %mul3A_980 : f32 to vector<16xf32>
      %mul3A_982 = arith.mulf %get3A_250, %mul3A_981 : vector<16xf32>
      %convert_element_type3A_983 = arith.fptosi %mul3A_982 : vector<16xf32> to vector<16xi32>
      %mul3A_984 = arith.constant 2.075000e+03 : f32
      %mul3A_985 = vector.broadcast %mul3A_984 : f32 to vector<16xf32>
      %mul3A_986 = arith.mulf %get3A_258, %mul3A_985 : vector<16xf32>
      %convert_element_type3A_987 = arith.fptosi %mul3A_986 : vector<16xf32> to vector<16xi32>
      %mul3A_988 = arith.constant 2.075000e+03 : f32
      %mul3A_989 = vector.broadcast %mul3A_988 : f32 to vector<16xf32>
      %mul3A_990 = arith.mulf %get3A_266, %mul3A_989 : vector<16xf32>
      %convert_element_type3A_991 = arith.fptosi %mul3A_990 : vector<16xf32> to vector<16xi32>
      %mul3A_992 = arith.constant 73856093 : i32
      %mul3A_993 = vector.broadcast %mul3A_992 : i32 to vector<16xi32>
      %mul3A_994 = arith.muli %convert_element_type3A_983, %mul3A_993 : vector<16xi32>
      %mul3A_995 = arith.constant 19349663 : i32
      %mul3A_996 = vector.broadcast %mul3A_995 : i32 to vector<16xi32>
      %mul3A_997 = arith.muli %convert_element_type3A_987, %mul3A_996 : vector<16xi32>
      %xor3A_998 = arith.xori %mul3A_994, %mul3A_997 : vector<16xi32>
      %mul3A_999 = arith.constant 83492791 : i32
      %mul3A_1000 = vector.broadcast %mul3A_999 : i32 to vector<16xi32>
      %mul3A_1001 = arith.muli %convert_element_type3A_991, %mul3A_1000 : vector<16xi32>
      %xor3A_1002 = arith.xori %xor3A_998, %mul3A_1001 : vector<16xi32>
      %and3A_1003 = arith.constant 524287 : i32
      %and3A_1004 = vector.broadcast %and3A_1003 : i32 to vector<16xi32>
      %and3A_1005 = arith.andi %xor3A_1002, %and3A_1004 : vector<16xi32>
      %shift_right_arithmetic3A_1006 = arith.constant 7 : i32
      %shift_right_arithmetic3A_1007 = vector.broadcast %shift_right_arithmetic3A_1006 : i32 to vector<16xi32>
      %shift_right_arithmetic3A_1008 = arith.shrsi %and3A_1005, %shift_right_arithmetic3A_1007 : vector<16xi32>
      %shift_left3A_1009 = arith.constant 8 : i32
      %shift_left3A_1010 = vector.broadcast %shift_left3A_1009 : i32 to vector<16xi32>
      %shift_left3A_1011 = arith.shli %shift_right_arithmetic3A_1008, %shift_left3A_1010 : vector<16xi32>
      %and3A_1012 = arith.constant 127 : i32
      %and3A_1013 = vector.broadcast %and3A_1012 : i32 to vector<16xi32>
      %and3A_1014 = arith.andi %and3A_1005, %and3A_1013 : vector<16xi32>
      %add3A_1015 = arith.addi %shift_left3A_1011, %and3A_1014 : vector<16xi32>
      %add3A_1016 = arith.constant 12582912 : i32
      %add3A_1017 = vector.broadcast %add3A_1016 : i32 to vector<16xi32>
      %add3A_1018 = arith.addi %add3A_1015, %add3A_1017 : vector<16xi32>
      %add3A_1019 = arith.constant 12288 : i32
      %add3A_1020 = vector.broadcast %add3A_1019 : i32 to vector<16xi32>
      %add3A_1021 = arith.addi %add3A_275, %add3A_1020 : vector<16xi32>
      %add3A_1022 = arith.constant 0 : i32
      %add3A_1023 = vector.broadcast %add3A_1022 : i32 to vector<16xi32>
      %add3A_1024 = arith.addi %add3A_1018, %add3A_1023 : vector<16xi32>
      %scatter3A_1025 = arith.constant 0 : i32
      %scatter3A_1026 = arith.constant 0 : i32
      %scatter3A_1027 = tpu.memref_slice %arg6[%scatter3A_1025, %scatter3A_1026] : memref<2x16384xi32, #tpu.memory_space<vmem>> -> memref<1x16384xi32, #tpu.memory_space<vmem>>
      %scatter3A_1028 = tpu.memref_squeeze %scatter3A_1027 : memref<1x16384xi32, #tpu.memory_space<vmem>> -> memref<16384xi32, #tpu.memory_space<vmem>>
      tpu.vector_store_idx %scatter3A_1028[%add3A_1021], %add3A_1024 : memref<16384xi32, #tpu.memory_space<vmem>>[vector<16xi32>], vector<16xi32>,
      %add3A_1029 = arith.constant 12416 : i32
      %add3A_1030 = vector.broadcast %add3A_1029 : i32 to vector<16xi32>
      %add3A_1031 = arith.addi %add3A_275, %add3A_1030 : vector<16xi32>
      %add3A_1032 = arith.constant 128 : i32
      %add3A_1033 = vector.broadcast %add3A_1032 : i32 to vector<16xi32>
      %add3A_1034 = arith.addi %add3A_1018, %add3A_1033 : vector<16xi32>
      %scatter3A_1035 = arith.constant 0 : i32
      %scatter3A_1036 = arith.constant 0 : i32
      %scatter3A_1037 = tpu.memref_slice %arg6[%scatter3A_1035, %scatter3A_1036] : memref<2x16384xi32, #tpu.memory_space<vmem>> -> memref<1x16384xi32, #tpu.memory_space<vmem>>
      %scatter3A_1038 = tpu.memref_squeeze %scatter3A_1037 : memref<1x16384xi32, #tpu.memory_space<vmem>> -> memref<16384xi32, #tpu.memory_space<vmem>>
      tpu.vector_store_idx %scatter3A_1038[%add3A_1031], %add3A_1034 : memref<16384xi32, #tpu.memory_space<vmem>>[vector<16xi32>], vector<16xi32>,
      %mul3A_1039 = arith.constant 3.113000e+03 : f32
      %mul3A_1040 = vector.broadcast %mul3A_1039 : f32 to vector<16xf32>
      %mul3A_1041 = arith.mulf %get3A_250, %mul3A_1040 : vector<16xf32>
      %convert_element_type3A_1042 = arith.fptosi %mul3A_1041 : vector<16xf32> to vector<16xi32>
      %mul3A_1043 = arith.constant 3.113000e+03 : f32
      %mul3A_1044 = vector.broadcast %mul3A_1043 : f32 to vector<16xf32>
      %mul3A_1045 = arith.mulf %get3A_258, %mul3A_1044 : vector<16xf32>
      %convert_element_type3A_1046 = arith.fptosi %mul3A_1045 : vector<16xf32> to vector<16xi32>
      %mul3A_1047 = arith.constant 3.113000e+03 : f32
      %mul3A_1048 = vector.broadcast %mul3A_1047 : f32 to vector<16xf32>
      %mul3A_1049 = arith.mulf %get3A_266, %mul3A_1048 : vector<16xf32>
      %convert_element_type3A_1050 = arith.fptosi %mul3A_1049 : vector<16xf32> to vector<16xi32>
      %mul3A_1051 = arith.constant 73856093 : i32
      %mul3A_1052 = vector.broadcast %mul3A_1051 : i32 to vector<16xi32>
      %mul3A_1053 = arith.muli %convert_element_type3A_1042, %mul3A_1052 : vector<16xi32>
      %mul3A_1054 = arith.constant 19349663 : i32
      %mul3A_1055 = vector.broadcast %mul3A_1054 : i32 to vector<16xi32>
      %mul3A_1056 = arith.muli %convert_element_type3A_1046, %mul3A_1055 : vector<16xi32>
      %xor3A_1057 = arith.xori %mul3A_1053, %mul3A_1056 : vector<16xi32>
      %mul3A_1058 = arith.constant 83492791 : i32
      %mul3A_1059 = vector.broadcast %mul3A_1058 : i32 to vector<16xi32>
      %mul3A_1060 = arith.muli %convert_element_type3A_1050, %mul3A_1059 : vector<16xi32>
      %xor3A_1061 = arith.xori %xor3A_1057, %mul3A_1060 : vector<16xi32>
      %and3A_1062 = arith.constant 524287 : i32
      %and3A_1063 = vector.broadcast %and3A_1062 : i32 to vector<16xi32>
      %and3A_1064 = arith.andi %xor3A_1061, %and3A_1063 : vector<16xi32>
      %shift_right_arithmetic3A_1065 = arith.constant 7 : i32
      %shift_right_arithmetic3A_1066 = vector.broadcast %shift_right_arithmetic3A_1065 : i32 to vector<16xi32>
      %shift_right_arithmetic3A_1067 = arith.shrsi %and3A_1064, %shift_right_arithmetic3A_1066 : vector<16xi32>
      %shift_left3A_1068 = arith.constant 8 : i32
      %shift_left3A_1069 = vector.broadcast %shift_left3A_1068 : i32 to vector<16xi32>
      %shift_left3A_1070 = arith.shli %shift_right_arithmetic3A_1067, %shift_left3A_1069 : vector<16xi32>
      %and3A_1071 = arith.constant 127 : i32
      %and3A_1072 = vector.broadcast %and3A_1071 : i32 to vector<16xi32>
      %and3A_1073 = arith.andi %and3A_1064, %and3A_1072 : vector<16xi32>
      %add3A_1074 = arith.addi %shift_left3A_1070, %and3A_1073 : vector<16xi32>
      %add3A_1075 = arith.constant 13631488 : i32
      %add3A_1076 = vector.broadcast %add3A_1075 : i32 to vector<16xi32>
      %add3A_1077 = arith.addi %add3A_1074, %add3A_1076 : vector<16xi32>
      %add3A_1078 = arith.constant 12544 : i32
      %add3A_1079 = vector.broadcast %add3A_1078 : i32 to vector<16xi32>
      %add3A_1080 = arith.addi %add3A_275, %add3A_1079 : vector<16xi32>
      %add3A_1081 = arith.constant 0 : i32
      %add3A_1082 = vector.broadcast %add3A_1081 : i32 to vector<16xi32>
      %add3A_1083 = arith.addi %add3A_1077, %add3A_1082 : vector<16xi32>
      %scatter3A_1084 = arith.constant 0 : i32
      %scatter3A_1085 = arith.constant 0 : i32
      %scatter3A_1086 = tpu.memref_slice %arg6[%scatter3A_1084, %scatter3A_1085] : memref<2x16384xi32, #tpu.memory_space<vmem>> -> memref<1x16384xi32, #tpu.memory_space<vmem>>
      %scatter3A_1087 = tpu.memref_squeeze %scatter3A_1086 : memref<1x16384xi32, #tpu.memory_space<vmem>> -> memref<16384xi32, #tpu.memory_space<vmem>>
      tpu.vector_store_idx %scatter3A_1087[%add3A_1080], %add3A_1083 : memref<16384xi32, #tpu.memory_space<vmem>>[vector<16xi32>], vector<16xi32>,
      %add3A_1088 = arith.constant 12672 : i32
      %add3A_1089 = vector.broadcast %add3A_1088 : i32 to vector<16xi32>
      %add3A_1090 = arith.addi %add3A_275, %add3A_1089 : vector<16xi32>
      %add3A_1091 = arith.constant 128 : i32
      %add3A_1092 = vector.broadcast %add3A_1091 : i32 to vector<16xi32>
      %add3A_1093 = arith.addi %add3A_1077, %add3A_1092 : vector<16xi32>
      %scatter3A_1094 = arith.constant 0 : i32
      %scatter3A_1095 = arith.constant 0 : i32
      %scatter3A_1096 = tpu.memref_slice %arg6[%scatter3A_1094, %scatter3A_1095] : memref<2x16384xi32, #tpu.memory_space<vmem>> -> memref<1x16384xi32, #tpu.memory_space<vmem>>
      %scatter3A_1097 = tpu.memref_squeeze %scatter3A_1096 : memref<1x16384xi32, #tpu.memory_space<vmem>> -> memref<16384xi32, #tpu.memory_space<vmem>>
      tpu.vector_store_idx %scatter3A_1097[%add3A_1090], %add3A_1093 : memref<16384xi32, #tpu.memory_space<vmem>>[vector<16xi32>], vector<16xi32>,
      %mul3A_1098 = arith.constant 4.670000e+03 : f32
      %mul3A_1099 = vector.broadcast %mul3A_1098 : f32 to vector<16xf32>
      %mul3A_1100 = arith.mulf %get3A_250, %mul3A_1099 : vector<16xf32>
      %convert_element_type3A_1101 = arith.fptosi %mul3A_1100 : vector<16xf32> to vector<16xi32>
      %mul3A_1102 = arith.constant 4.670000e+03 : f32
      %mul3A_1103 = vector.broadcast %mul3A_1102 : f32 to vector<16xf32>
      %mul3A_1104 = arith.mulf %get3A_258, %mul3A_1103 : vector<16xf32>
      %convert_element_type3A_1105 = arith.fptosi %mul3A_1104 : vector<16xf32> to vector<16xi32>
      %mul3A_1106 = arith.constant 4.670000e+03 : f32
      %mul3A_1107 = vector.broadcast %mul3A_1106 : f32 to vector<16xf32>
      %mul3A_1108 = arith.mulf %get3A_266, %mul3A_1107 : vector<16xf32>
      %convert_element_type3A_1109 = arith.fptosi %mul3A_1108 : vector<16xf32> to vector<16xi32>
      %mul3A_1110 = arith.constant 73856093 : i32
      %mul3A_1111 = vector.broadcast %mul3A_1110 : i32 to vector<16xi32>
      %mul3A_1112 = arith.muli %convert_element_type3A_1101, %mul3A_1111 : vector<16xi32>
      %mul3A_1113 = arith.constant 19349663 : i32
      %mul3A_1114 = vector.broadcast %mul3A_1113 : i32 to vector<16xi32>
      %mul3A_1115 = arith.muli %convert_element_type3A_1105, %mul3A_1114 : vector<16xi32>
      %xor3A_1116 = arith.xori %mul3A_1112, %mul3A_1115 : vector<16xi32>
      %mul3A_1117 = arith.constant 83492791 : i32
      %mul3A_1118 = vector.broadcast %mul3A_1117 : i32 to vector<16xi32>
      %mul3A_1119 = arith.muli %convert_element_type3A_1109, %mul3A_1118 : vector<16xi32>
      %xor3A_1120 = arith.xori %xor3A_1116, %mul3A_1119 : vector<16xi32>
      %and3A_1121 = arith.constant 524287 : i32
      %and3A_1122 = vector.broadcast %and3A_1121 : i32 to vector<16xi32>
      %and3A_1123 = arith.andi %xor3A_1120, %and3A_1122 : vector<16xi32>
      %shift_right_arithmetic3A_1124 = arith.constant 7 : i32
      %shift_right_arithmetic3A_1125 = vector.broadcast %shift_right_arithmetic3A_1124 : i32 to vector<16xi32>
      %shift_right_arithmetic3A_1126 = arith.shrsi %and3A_1123, %shift_right_arithmetic3A_1125 : vector<16xi32>
      %shift_left3A_1127 = arith.constant 8 : i32
      %shift_left3A_1128 = vector.broadcast %shift_left3A_1127 : i32 to vector<16xi32>
      %shift_left3A_1129 = arith.shli %shift_right_arithmetic3A_1126, %shift_left3A_1128 : vector<16xi32>
      %and3A_1130 = arith.constant 127 : i32
      %and3A_1131 = vector.broadcast %and3A_1130 : i32 to vector<16xi32>
      %and3A_1132 = arith.andi %and3A_1123, %and3A_1131 : vector<16xi32>
      %add3A_1133 = arith.addi %shift_left3A_1129, %and3A_1132 : vector<16xi32>
      %add3A_1134 = arith.constant 14680064 : i32
      %add3A_1135 = vector.broadcast %add3A_1134 : i32 to vector<16xi32>
      %add3A_1136 = arith.addi %add3A_1133, %add3A_1135 : vector<16xi32>
      %add3A_1137 = arith.constant 12800 : i32
      %add3A_1138 = vector.broadcast %add3A_1137 : i32 to vector<16xi32>
      %add3A_1139 = arith.addi %add3A_275, %add3A_1138 : vector<16xi32>
      %add3A_1140 = arith.constant 0 : i32
      %add3A_1141 = vector.broadcast %add3A_1140 : i32 to vector<16xi32>
      %add3A_1142 = arith.addi %add3A_1136, %add3A_1141 : vector<16xi32>
      %scatter3A_1143 = arith.constant 0 : i32
      %scatter3A_1144 = arith.constant 0 : i32
      %scatter3A_1145 = tpu.memref_slice %arg6[%scatter3A_1143, %scatter3A_1144] : memref<2x16384xi32, #tpu.memory_space<vmem>> -> memref<1x16384xi32, #tpu.memory_space<vmem>>
      %scatter3A_1146 = tpu.memref_squeeze %scatter3A_1145 : memref<1x16384xi32, #tpu.memory_space<vmem>> -> memref<16384xi32, #tpu.memory_space<vmem>>
      tpu.vector_store_idx %scatter3A_1146[%add3A_1139], %add3A_1142 : memref<16384xi32, #tpu.memory_space<vmem>>[vector<16xi32>], vector<16xi32>,
      %add3A_1147 = arith.constant 12928 : i32
      %add3A_1148 = vector.broadcast %add3A_1147 : i32 to vector<16xi32>
      %add3A_1149 = arith.addi %add3A_275, %add3A_1148 : vector<16xi32>
      %add3A_1150 = arith.constant 128 : i32
      %add3A_1151 = vector.broadcast %add3A_1150 : i32 to vector<16xi32>
      %add3A_1152 = arith.addi %add3A_1136, %add3A_1151 : vector<16xi32>
      %scatter3A_1153 = arith.constant 0 : i32
      %scatter3A_1154 = arith.constant 0 : i32
      %scatter3A_1155 = tpu.memref_slice %arg6[%scatter3A_1153, %scatter3A_1154] : memref<2x16384xi32, #tpu.memory_space<vmem>> -> memref<1x16384xi32, #tpu.memory_space<vmem>>
      %scatter3A_1156 = tpu.memref_squeeze %scatter3A_1155 : memref<1x16384xi32, #tpu.memory_space<vmem>> -> memref<16384xi32, #tpu.memory_space<vmem>>
      tpu.vector_store_idx %scatter3A_1156[%add3A_1149], %add3A_1152 : memref<16384xi32, #tpu.memory_space<vmem>>[vector<16xi32>], vector<16xi32>,
      %mul3A_1157 = arith.constant 7.006000e+03 : f32
      %mul3A_1158 = vector.broadcast %mul3A_1157 : f32 to vector<16xf32>
      %mul3A_1159 = arith.mulf %get3A_250, %mul3A_1158 : vector<16xf32>
      %convert_element_type3A_1160 = arith.fptosi %mul3A_1159 : vector<16xf32> to vector<16xi32>
      %mul3A_1161 = arith.constant 7.006000e+03 : f32
      %mul3A_1162 = vector.broadcast %mul3A_1161 : f32 to vector<16xf32>
      %mul3A_1163 = arith.mulf %get3A_258, %mul3A_1162 : vector<16xf32>
      %convert_element_type3A_1164 = arith.fptosi %mul3A_1163 : vector<16xf32> to vector<16xi32>
      %mul3A_1165 = arith.constant 7.006000e+03 : f32
      %mul3A_1166 = vector.broadcast %mul3A_1165 : f32 to vector<16xf32>
      %mul3A_1167 = arith.mulf %get3A_266, %mul3A_1166 : vector<16xf32>
      %convert_element_type3A_1168 = arith.fptosi %mul3A_1167 : vector<16xf32> to vector<16xi32>
      %mul3A_1169 = arith.constant 73856093 : i32
      %mul3A_1170 = vector.broadcast %mul3A_1169 : i32 to vector<16xi32>
      %mul3A_1171 = arith.muli %convert_element_type3A_1160, %mul3A_1170 : vector<16xi32>
      %mul3A_1172 = arith.constant 19349663 : i32
      %mul3A_1173 = vector.broadcast %mul3A_1172 : i32 to vector<16xi32>
      %mul3A_1174 = arith.muli %convert_element_type3A_1164, %mul3A_1173 : vector<16xi32>
      %xor3A_1175 = arith.xori %mul3A_1171, %mul3A_1174 : vector<16xi32>
      %mul3A_1176 = arith.constant 83492791 : i32
      %mul3A_1177 = vector.broadcast %mul3A_1176 : i32 to vector<16xi32>
      %mul3A_1178 = arith.muli %convert_element_type3A_1168, %mul3A_1177 : vector<16xi32>
      %xor3A_1179 = arith.xori %xor3A_1175, %mul3A_1178 : vector<16xi32>
      %and3A_1180 = arith.constant 524287 : i32
      %and3A_1181 = vector.broadcast %and3A_1180 : i32 to vector<16xi32>
      %and3A_1182 = arith.andi %xor3A_1179, %and3A_1181 : vector<16xi32>
      %shift_right_arithmetic3A_1183 = arith.constant 7 : i32
      %shift_right_arithmetic3A_1184 = vector.broadcast %shift_right_arithmetic3A_1183 : i32 to vector<16xi32>
      %shift_right_arithmetic3A_1185 = arith.shrsi %and3A_1182, %shift_right_arithmetic3A_1184 : vector<16xi32>
      %shift_left3A_1186 = arith.constant 8 : i32
      %shift_left3A_1187 = vector.broadcast %shift_left3A_1186 : i32 to vector<16xi32>
      %shift_left3A_1188 = arith.shli %shift_right_arithmetic3A_1185, %shift_left3A_1187 : vector<16xi32>
      %and3A_1189 = arith.constant 127 : i32
      %and3A_1190 = vector.broadcast %and3A_1189 : i32 to vector<16xi32>
      %and3A_1191 = arith.andi %and3A_1182, %and3A_1190 : vector<16xi32>
      %add3A_1192 = arith.addi %shift_left3A_1188, %and3A_1191 : vector<16xi32>
      %add3A_1193 = arith.constant 15728640 : i32
      %add3A_1194 = vector.broadcast %add3A_1193 : i32 to vector<16xi32>
      %add3A_1195 = arith.addi %add3A_1192, %add3A_1194 : vector<16xi32>
      %add3A_1196 = arith.constant 13056 : i32
      %add3A_1197 = vector.broadcast %add3A_1196 : i32 to vector<16xi32>
      %add3A_1198 = arith.addi %add3A_275, %add3A_1197 : vector<16xi32>
      %add3A_1199 = arith.constant 0 : i32
      %add3A_1200 = vector.broadcast %add3A_1199 : i32 to vector<16xi32>
      %add3A_1201 = arith.addi %add3A_1195, %add3A_1200 : vector<16xi32>
      %scatter3A_1202 = arith.constant 0 : i32
      %scatter3A_1203 = arith.constant 0 : i32
      %scatter3A_1204 = tpu.memref_slice %arg6[%scatter3A_1202, %scatter3A_1203] : memref<2x16384xi32, #tpu.memory_space<vmem>> -> memref<1x16384xi32, #tpu.memory_space<vmem>>
      %scatter3A_1205 = tpu.memref_squeeze %scatter3A_1204 : memref<1x16384xi32, #tpu.memory_space<vmem>> -> memref<16384xi32, #tpu.memory_space<vmem>>
      tpu.vector_store_idx %scatter3A_1205[%add3A_1198], %add3A_1201 : memref<16384xi32, #tpu.memory_space<vmem>>[vector<16xi32>], vector<16xi32>,
      %add3A_1206 = arith.constant 13184 : i32
      %add3A_1207 = vector.broadcast %add3A_1206 : i32 to vector<16xi32>
      %add3A_1208 = arith.addi %add3A_275, %add3A_1207 : vector<16xi32>
      %add3A_1209 = arith.constant 128 : i32
      %add3A_1210 = vector.broadcast %add3A_1209 : i32 to vector<16xi32>
      %add3A_1211 = arith.addi %add3A_1195, %add3A_1210 : vector<16xi32>
      %scatter3A_1212 = arith.constant 0 : i32
      %scatter3A_1213 = arith.constant 0 : i32
      %scatter3A_1214 = tpu.memref_slice %arg6[%scatter3A_1212, %scatter3A_1213] : memref<2x16384xi32, #tpu.memory_space<vmem>> -> memref<1x16384xi32, #tpu.memory_space<vmem>>
      %scatter3A_1215 = tpu.memref_squeeze %scatter3A_1214 : memref<1x16384xi32, #tpu.memory_space<vmem>> -> memref<16384xi32, #tpu.memory_space<vmem>>
      tpu.vector_store_idx %scatter3A_1215[%add3A_1208], %add3A_1211 : memref<16384xi32, #tpu.memory_space<vmem>>[vector<16xi32>], vector<16xi32>,
    }
    %scan3A_53 = arith.constant 32 : i32
    %dma_start3A_54 = arith.constant 0 : i32
    %dma_start3A_55 = arith.constant 0 : i32
    %dma_start3A_56 = arith.constant 0 : i32
    %dma_start3A_57 = tpu.memref_slice %arg7[%dma_start3A_55, %dma_start3A_56] : memref<2x16384xf32, #tpu.memory_space<vmem>> -> memref<1x8192xf32, #tpu.memory_space<vmem>>
    %dma_start3A_58 = tpu.memref_squeeze %dma_start3A_57 : memref<1x8192xf32, #tpu.memory_space<vmem>> -> memref<8192xf32, #tpu.memory_space<vmem>>
    %dma_start3A_59 = arith.constant 0 : i32
    %dma_start3A_60 = tpu.memref_slice %arg6[%dma_start3A_54, %dma_start3A_59] : memref<2x16384xi32, #tpu.memory_space<vmem>> -> memref<1x8192xi32, #tpu.memory_space<vmem>>
    %dma_start3A_61 = tpu.memref_squeeze %dma_start3A_60 : memref<1x8192xi32, #tpu.memory_space<vmem>> -> memref<8192xi32, #tpu.memory_space<vmem>>
    %dma_start3A_62 = arith.constant 0 : i32
    %dma_start3A_63 = tpu.memref_slice %arg3[%dma_start3A_62] : memref<16777216xf32, #tpu.memory_space<hbm>> -> memref<16777216xf32, #tpu.memory_space<hbm>>
    tpu.enqueue_indirect_dma source(%dma_start3A_63 : memref<16777216xf32, #tpu.memory_space<hbm>>) target(%dma_start3A_58 : memref<8192xf32, #tpu.memory_space<vmem>>) offsets(%dma_start3A_61 : memref<8192xi32, #tpu.memory_space<vmem>>) semaphore(%arg9 : memref<!tpu.dma_semaphore, #tpu.memory_space<semaphore_mem>>)
    %dma_start3A_64 = arith.constant 0 : i32
    %dma_start3A_65 = arith.constant 0 : i32
    %dma_start3A_66 = arith.constant 8192 : i32
    %dma_start3A_67 = tpu.memref_slice %arg7[%dma_start3A_65, %dma_start3A_66] : memref<2x16384xf32, #tpu.memory_space<vmem>> -> memref<1x8192xf32, #tpu.memory_space<vmem>>
    %dma_start3A_68 = tpu.memref_squeeze %dma_start3A_67 : memref<1x8192xf32, #tpu.memory_space<vmem>> -> memref<8192xf32, #tpu.memory_space<vmem>>
    %dma_start3A_69 = arith.constant 8192 : i32
    %dma_start3A_70 = tpu.memref_slice %arg6[%dma_start3A_64, %dma_start3A_69] : memref<2x16384xi32, #tpu.memory_space<vmem>> -> memref<1x8192xi32, #tpu.memory_space<vmem>>
    %dma_start3A_71 = tpu.memref_squeeze %dma_start3A_70 : memref<1x8192xi32, #tpu.memory_space<vmem>> -> memref<8192xi32, #tpu.memory_space<vmem>>
    %dma_start3A_72 = arith.constant 0 : i32
    %dma_start3A_73 = tpu.memref_slice %arg3[%dma_start3A_72] : memref<16777216xf32, #tpu.memory_space<hbm>> -> memref<16777216xf32, #tpu.memory_space<hbm>>
    tpu.enqueue_indirect_dma source(%dma_start3A_73 : memref<16777216xf32, #tpu.memory_space<hbm>>) target(%dma_start3A_68 : memref<8192xf32, #tpu.memory_space<vmem>>) offsets(%dma_start3A_71 : memref<8192xi32, #tpu.memory_space<vmem>>) semaphore(%arg9 : memref<!tpu.dma_semaphore, #tpu.memory_space<semaphore_mem>>)
    %add3A_74 = arith.constant 1 : i32
    %add3A_75 = arith.addi %mul3A_2, %add3A_74 : i32
    %mul3A_76 = arith.constant 512 : i32
    %mul3A_77 = arith.muli %add3A_75, %mul3A_76 : i32
    %add3A_78 = arith.constant 0 : i32
    %add3A_79 = arith.addi %add3A_78, %mul3A_77 : i32
    %dma_start3A_80 = arith.constant 1 : i32
    %dma_start3A_81 = arith.constant 0 : i32
    %dma_start3A_82 = tpu.memref_slice %arg5[%dma_start3A_80, %dma_start3A_81] : memref<2x1536xf32, #tpu.memory_space<vmem>> -> memref<1x512xf32, #tpu.memory_space<vmem>>
    %dma_start3A_83 = tpu.memref_squeeze %dma_start3A_82 : memref<1x512xf32, #tpu.memory_space<vmem>> -> memref<512xf32, #tpu.memory_space<vmem>>
    %dma_start3A_84 = tpu.memref_slice %arg2[%add3A_79] : memref<3145728xf32, #tpu.memory_space<hbm>> -> memref<512xf32, #tpu.memory_space<hbm>>
    %dma_start3A_85 = arith.constant 0 : i32
    %dma_start3A_86 = tpu.memref_slice %arg5[%dma_start3A_80, %dma_start3A_85] : memref<2x1536xf32, #tpu.memory_space<vmem>> -> memref<1x512xf32, #tpu.memory_space<vmem>>
    %dma_start3A_87 = tpu.memref_squeeze %dma_start3A_86 : memref<1x512xf32, #tpu.memory_space<vmem>> -> memref<512xf32, #tpu.memory_space<vmem>>
    %dma_start3A_88 = tpu.memref_slice %arg2[%add3A_79] : memref<3145728xf32, #tpu.memory_space<hbm>> -> memref<512xf32, #tpu.memory_space<hbm>>
    tpu.enqueue_dma source(%dma_start3A_88 : memref<512xf32, #tpu.memory_space<hbm>>) target(%dma_start3A_87 : memref<512xf32, #tpu.memory_space<vmem>>) target_semaphore(%arg8 : memref<!tpu.dma_semaphore, #tpu.memory_space<semaphore_mem>>)
    %add3A_89 = arith.constant 1048576 : i32
    %add3A_90 = arith.addi %add3A_89, %mul3A_77 : i32
    %dma_start3A_91 = arith.constant 1 : i32
    %dma_start3A_92 = arith.constant 512 : i32
    %dma_start3A_93 = tpu.memref_slice %arg5[%dma_start3A_91, %dma_start3A_92] : memref<2x1536xf32, #tpu.memory_space<vmem>> -> memref<1x512xf32, #tpu.memory_space<vmem>>
    %dma_start3A_94 = tpu.memref_squeeze %dma_start3A_93 : memref<1x512xf32, #tpu.memory_space<vmem>> -> memref<512xf32, #tpu.memory_space<vmem>>
    %dma_start3A_95 = tpu.memref_slice %arg2[%add3A_90] : memref<3145728xf32, #tpu.memory_space<hbm>> -> memref<512xf32, #tpu.memory_space<hbm>>
    %dma_start3A_96 = arith.constant 512 : i32
    %dma_start3A_97 = tpu.memref_slice %arg5[%dma_start3A_91, %dma_start3A_96] : memref<2x1536xf32, #tpu.memory_space<vmem>> -> memref<1x512xf32, #tpu.memory_space<vmem>>
    %dma_start3A_98 = tpu.memref_squeeze %dma_start3A_97 : memref<1x512xf32, #tpu.memory_space<vmem>> -> memref<512xf32, #tpu.memory_space<vmem>>
    %dma_start3A_99 = tpu.memref_slice %arg2[%add3A_90] : memref<3145728xf32, #tpu.memory_space<hbm>> -> memref<512xf32, #tpu.memory_space<hbm>>
    tpu.enqueue_dma source(%dma_start3A_99 : memref<512xf32, #tpu.memory_space<hbm>>) target(%dma_start3A_98 : memref<512xf32, #tpu.memory_space<vmem>>) target_semaphore(%arg8 : memref<!tpu.dma_semaphore, #tpu.memory_space<semaphore_mem>>)
    %add3A_100 = arith.constant 2097152 : i32
    %add3A_101 = arith.addi %add3A_100, %mul3A_77 : i32
    %dma_start3A_102 = arith.constant 1 : i32
    %dma_start3A_103 = arith.constant 1024 : i32
    %dma_start3A_104 = tpu.memref_slice %arg5[%dma_start3A_102, %dma_start3A_103] : memref<2x1536xf32, #tpu.memory_space<vmem>> -> memref<1x512xf32, #tpu.memory_space<vmem>>
    %dma_start3A_105 = tpu.memref_squeeze %dma_start3A_104 : memref<1x512xf32, #tpu.memory_space<vmem>> -> memref<512xf32, #tpu.memory_space<vmem>>
    %dma_start3A_106 = tpu.memref_slice %arg2[%add3A_101] : memref<3145728xf32, #tpu.memory_space<hbm>> -> memref<512xf32, #tpu.memory_space<hbm>>
    %dma_start3A_107 = arith.constant 1024 : i32
    %dma_start3A_108 = tpu.memref_slice %arg5[%dma_start3A_102, %dma_start3A_107] : memref<2x1536xf32, #tpu.memory_space<vmem>> -> memref<1x512xf32, #tpu.memory_space<vmem>>
    %dma_start3A_109 = tpu.memref_squeeze %dma_start3A_108 : memref<1x512xf32, #tpu.memory_space<vmem>> -> memref<512xf32, #tpu.memory_space<vmem>>
    %dma_start3A_110 = tpu.memref_slice %arg2[%add3A_101] : memref<3145728xf32, #tpu.memory_space<hbm>> -> memref<512xf32, #tpu.memory_space<hbm>>
    tpu.enqueue_dma source(%dma_start3A_110 : memref<512xf32, #tpu.memory_space<hbm>>) target(%dma_start3A_109 : memref<512xf32, #tpu.memory_space<vmem>>) target_semaphore(%arg8 : memref<!tpu.dma_semaphore, #tpu.memory_space<semaphore_mem>>)
    %dma_wait3A_111 = arith.constant 1 : i32
    %dma_wait3A_112 = arith.constant 0 : i32
    %dma_wait3A_113 = tpu.memref_slice %arg5[%dma_wait3A_111, %dma_wait3A_112] : memref<2x1536xf32, #tpu.memory_space<vmem>> -> memref<1x1536xf32, #tpu.memory_space<vmem>>
    %dma_wait3A_114 = tpu.memref_squeeze %dma_wait3A_113 : memref<1x1536xf32, #tpu.memory_space<vmem>> -> memref<1536xf32, #tpu.memory_space<vmem>>
    %dma_wait3A_115 = arith.constant 0 : i32
    %dma_wait3A_116 = tpu.memref_slice %arg2[%dma_wait3A_115] : memref<3145728xf32, #tpu.memory_space<hbm>> -> memref<1536xf32, #tpu.memory_space<hbm>>
    %dma_wait3A_117 = arith.constant 0 : i32
    %dma_wait3A_118 = tpu.memref_slice %arg5[%dma_wait3A_111, %dma_wait3A_117] : memref<2x1536xf32, #tpu.memory_space<vmem>> -> memref<1x1536xf32, #tpu.memory_space<vmem>>
    %dma_wait3A_119 = tpu.memref_squeeze %dma_wait3A_118 : memref<1x1536xf32, #tpu.memory_space<vmem>> -> memref<1536xf32, #tpu.memory_space<vmem>>
    %dma_wait3A_120 = arith.constant 0 : i32
    %dma_wait3A_121 = tpu.memref_slice %arg2[%dma_wait3A_120] : memref<3145728xf32, #tpu.memory_space<hbm>> -> memref<1536xf32, #tpu.memory_space<hbm>>
    tpu.wait_dma2 semaphore(%arg8 : memref<!tpu.dma_semaphore, #tpu.memory_space<semaphore_mem>>) src(%dma_wait3A_121 : memref<1536xf32, #tpu.memory_space<hbm>>) dst(%dma_wait3A_119 : memref<1536xf32, #tpu.memory_space<vmem>>)
    %scan3A_122 = arith.constant 0 : i32
    %scan3A_123 = arith.constant 0 : i32
    %scan3A_124 = arith.constant 32 : i32
    %scan3A_125 = arith.addi %scan3A_123, %scan3A_124 : i32
    %scan3A_126 = arith.constant 1 : i32
    scf.for %scan3A_245 = %scan3A_123 to %scan3A_125 step %scan3A_126  : i32 {
      %mul3A_246 = arith.constant 16 : i32
      %mul3A_247 = arith.muli %scan3A_245, %mul3A_246 : i32
      %get3A = arith.constant 1 : i32
      %get3A_248 = arith.index_cast %get3A : i32 to index
      %get3A_249 = arith.index_cast %mul3A_247 : i32 to index
      %get3A_250 = tpu.vector_load %arg5[%get3A_248, %get3A_249] {strides = array<i32>} : memref<2x1536xf32, #tpu.memory_space<vmem>>, vector<16xf32>,
      %mul3A_251 = arith.constant 16 : i32
      %mul3A_252 = arith.muli %scan3A_245, %mul3A_251 : i32
      %add3A_253 = arith.constant 512 : i32
      %add3A_254 = arith.addi %add3A_253, %mul3A_252 : i32
      %get3A_255 = arith.constant 1 : i32
      %get3A_256 = arith.index_cast %get3A_255 : i32 to index
      %get3A_257 = arith.index_cast %add3A_254 : i32 to index
      %get3A_258 = tpu.vector_load %arg5[%get3A_256, %get3A_257] {strides = array<i32>} : memref<2x1536xf32, #tpu.memory_space<vmem>>, vector<16xf32>,
      %mul3A_259 = arith.constant 16 : i32
      %mul3A_260 = arith.muli %scan3A_245, %mul3A_259 : i32
      %add3A_261 = arith.constant 1024 : i32
      %add3A_262 = arith.addi %add3A_261, %mul3A_260 : i32
      %get3A_263 = arith.constant 1 : i32
      %get3A_264 = arith.index_cast %get3A_263 : i32 to index
      %get3A_265 = arith.index_cast %add3A_262 : i32 to index
      %get3A_266 = tpu.vector_load %arg5[%get3A_264, %get3A_265] {strides = array<i32>} : memref<2x1536xf32, #tpu.memory_space<vmem>>, vector<16xf32>,
      %shift_right_arithmetic3A = arith.constant 3 : i32
      %shift_right_arithmetic3A_267 = arith.shrsi %scan3A_245, %shift_right_arithmetic3A : i32
      %mul3A_268 = arith.constant 1024 : i32
      %mul3A_269 = arith.muli %shift_right_arithmetic3A_267, %mul3A_268 : i32
      %and3A = arith.constant 7 : i32
      %and3A_270 = arith.andi %scan3A_245, %and3A : i32
      %mul3A_271 = arith.constant 16 : i32
      %mul3A_272 = arith.muli %and3A_270, %mul3A_271 : i32
      %add3A_273 = arith.addi %mul3A_269, %mul3A_272 : i32
      %add3A_274 = vector.broadcast %add3A_273 : i32 to vector<16xi32>
      %add3A_275 = arith.addi %add3A_274, %iota3A : vector<16xi32>
      %mul3A_276 = arith.constant 1.600000e+01 : f32
      %mul3A_277 = vector.broadcast %mul3A_276 : f32 to vector<16xf32>
      %mul3A_278 = arith.mulf %get3A_250, %mul3A_277 : vector<16xf32>
      %convert_element_type3A = arith.fptosi %mul3A_278 : vector<16xf32> to vector<16xi32>
      %mul3A_279 = arith.constant 1.600000e+01 : f32
      %mul3A_280 = vector.broadcast %mul3A_279 : f32 to vector<16xf32>
      %mul3A_281 = arith.mulf %get3A_258, %mul3A_280 : vector<16xf32>
      %convert_element_type3A_282 = arith.fptosi %mul3A_281 : vector<16xf32> to vector<16xi32>
      %mul3A_283 = arith.constant 1.600000e+01 : f32
      %mul3A_284 = vector.broadcast %mul3A_283 : f32 to vector<16xf32>
      %mul3A_285 = arith.mulf %get3A_266, %mul3A_284 : vector<16xf32>
      %convert_element_type3A_286 = arith.fptosi %mul3A_285 : vector<16xf32> to vector<16xi32>
      %mul3A_287 = arith.constant 73856093 : i32
      %mul3A_288 = vector.broadcast %mul3A_287 : i32 to vector<16xi32>
      %mul3A_289 = arith.muli %convert_element_type3A, %mul3A_288 : vector<16xi32>
      %mul3A_290 = arith.constant 19349663 : i32
      %mul3A_291 = vector.broadcast %mul3A_290 : i32 to vector<16xi32>
      %mul3A_292 = arith.muli %convert_element_type3A_282, %mul3A_291 : vector<16xi32>
      %xor3A = arith.xori %mul3A_289, %mul3A_292 : vector<16xi32>
      %mul3A_293 = arith.constant 83492791 : i32
      %mul3A_294 = vector.broadcast %mul3A_293 : i32 to vector<16xi32>
      %mul3A_295 = arith.muli %convert_element_type3A_286, %mul3A_294 : vector<16xi32>
      %xor3A_296 = arith.xori %xor3A, %mul3A_295 : vector<16xi32>
      %and3A_297 = arith.constant 524287 : i32
      %and3A_298 = vector.broadcast %and3A_297 : i32 to vector<16xi32>
      %and3A_299 = arith.andi %xor3A_296, %and3A_298 : vector<16xi32>
      %shift_right_arithmetic3A_300 = arith.constant 7 : i32
      %shift_right_arithmetic3A_301 = vector.broadcast %shift_right_arithmetic3A_300 : i32 to vector<16xi32>
      %shift_right_arithmetic3A_302 = arith.shrsi %and3A_299, %shift_right_arithmetic3A_301 : vector<16xi32>
      %shift_left3A = arith.constant 8 : i32
      %shift_left3A_303 = vector.broadcast %shift_left3A : i32 to vector<16xi32>
      %shift_left3A_304 = arith.shli %shift_right_arithmetic3A_302, %shift_left3A_303 : vector<16xi32>
      %and3A_305 = arith.constant 127 : i32
      %and3A_306 = vector.broadcast %and3A_305 : i32 to vector<16xi32>
      %and3A_307 = arith.andi %and3A_299, %and3A_306 : vector<16xi32>
      %add3A_308 = arith.addi %shift_left3A_304, %and3A_307 : vector<16xi32>
      %add3A_309 = arith.constant 0 : i32
      %add3A_310 = vector.broadcast %add3A_309 : i32 to vector<16xi32>
      %add3A_311 = arith.addi %add3A_308, %add3A_310 : vector<16xi32>
      %add3A_312 = arith.constant 0 : i32
      %add3A_313 = vector.broadcast %add3A_312 : i32 to vector<16xi32>
      %add3A_314 = arith.addi %add3A_275, %add3A_313 : vector<16xi32>
      %add3A_315 = arith.constant 0 : i32
      %add3A_316 = vector.broadcast %add3A_315 : i32 to vector<16xi32>
      %add3A_317 = arith.addi %add3A_311, %add3A_316 : vector<16xi32>
      %scatter3A = arith.constant 1 : i32
      %scatter3A_318 = arith.constant 0 : i32
      %scatter3A_319 = tpu.memref_slice %arg6[%scatter3A, %scatter3A_318] : memref<2x16384xi32, #tpu.memory_space<vmem>> -> memref<1x16384xi32, #tpu.memory_space<vmem>>
      %scatter3A_320 = tpu.memref_squeeze %scatter3A_319 : memref<1x16384xi32, #tpu.memory_space<vmem>> -> memref<16384xi32, #tpu.memory_space<vmem>>
      tpu.vector_store_idx %scatter3A_320[%add3A_314], %add3A_317 : memref<16384xi32, #tpu.memory_space<vmem>>[vector<16xi32>], vector<16xi32>,
      %add3A_321 = arith.constant 128 : i32
      %add3A_322 = vector.broadcast %add3A_321 : i32 to vector<16xi32>
      %add3A_323 = arith.addi %add3A_275, %add3A_322 : vector<16xi32>
      %add3A_324 = arith.constant 128 : i32
      %add3A_325 = vector.broadcast %add3A_324 : i32 to vector<16xi32>
      %add3A_326 = arith.addi %add3A_311, %add3A_325 : vector<16xi32>
      %scatter3A_327 = arith.constant 1 : i32
      %scatter3A_328 = arith.constant 0 : i32
      %scatter3A_329 = tpu.memref_slice %arg6[%scatter3A_327, %scatter3A_328] : memref<2x16384xi32, #tpu.memory_space<vmem>> -> memref<1x16384xi32, #tpu.memory_space<vmem>>
      %scatter3A_330 = tpu.memref_squeeze %scatter3A_329 : memref<1x16384xi32, #tpu.memory_space<vmem>> -> memref<16384xi32, #tpu.memory_space<vmem>>
      tpu.vector_store_idx %scatter3A_330[%add3A_323], %add3A_326 : memref<16384xi32, #tpu.memory_space<vmem>>[vector<16xi32>], vector<16xi32>,
      %mul3A_331 = arith.constant 2.400000e+01 : f32
      %mul3A_332 = vector.broadcast %mul3A_331 : f32 to vector<16xf32>
      %mul3A_333 = arith.mulf %get3A_250, %mul3A_332 : vector<16xf32>
      %convert_element_type3A_334 = arith.fptosi %mul3A_333 : vector<16xf32> to vector<16xi32>
      %mul3A_335 = arith.constant 2.400000e+01 : f32
      %mul3A_336 = vector.broadcast %mul3A_335 : f32 to vector<16xf32>
      %mul3A_337 = arith.mulf %get3A_258, %mul3A_336 : vector<16xf32>
      %convert_element_type3A_338 = arith.fptosi %mul3A_337 : vector<16xf32> to vector<16xi32>
      %mul3A_339 = arith.constant 2.400000e+01 : f32
      %mul3A_340 = vector.broadcast %mul3A_339 : f32 to vector<16xf32>
      %mul3A_341 = arith.mulf %get3A_266, %mul3A_340 : vector<16xf32>
      %convert_element_type3A_342 = arith.fptosi %mul3A_341 : vector<16xf32> to vector<16xi32>
      %mul3A_343 = arith.constant 73856093 : i32
      %mul3A_344 = vector.broadcast %mul3A_343 : i32 to vector<16xi32>
      %mul3A_345 = arith.muli %convert_element_type3A_334, %mul3A_344 : vector<16xi32>
      %mul3A_346 = arith.constant 19349663 : i32
      %mul3A_347 = vector.broadcast %mul3A_346 : i32 to vector<16xi32>
      %mul3A_348 = arith.muli %convert_element_type3A_338, %mul3A_347 : vector<16xi32>
      %xor3A_349 = arith.xori %mul3A_345, %mul3A_348 : vector<16xi32>
      %mul3A_350 = arith.constant 83492791 : i32
      %mul3A_351 = vector.broadcast %mul3A_350 : i32 to vector<16xi32>
      %mul3A_352 = arith.muli %convert_element_type3A_342, %mul3A_351 : vector<16xi32>
      %xor3A_353 = arith.xori %xor3A_349, %mul3A_352 : vector<16xi32>
      %and3A_354 = arith.constant 524287 : i32
      %and3A_355 = vector.broadcast %and3A_354 : i32 to vector<16xi32>
      %and3A_356 = arith.andi %xor3A_353, %and3A_355 : vector<16xi32>
      %shift_right_arithmetic3A_357 = arith.constant 7 : i32
      %shift_right_arithmetic3A_358 = vector.broadcast %shift_right_arithmetic3A_357 : i32 to vector<16xi32>
      %shift_right_arithmetic3A_359 = arith.shrsi %and3A_356, %shift_right_arithmetic3A_358 : vector<16xi32>
      %shift_left3A_360 = arith.constant 8 : i32
      %shift_left3A_361 = vector.broadcast %shift_left3A_360 : i32 to vector<16xi32>
      %shift_left3A_362 = arith.shli %shift_right_arithmetic3A_359, %shift_left3A_361 : vector<16xi32>
      %and3A_363 = arith.constant 127 : i32
      %and3A_364 = vector.broadcast %and3A_363 : i32 to vector<16xi32>
      %and3A_365 = arith.andi %and3A_356, %and3A_364 : vector<16xi32>
      %add3A_366 = arith.addi %shift_left3A_362, %and3A_365 : vector<16xi32>
      %add3A_367 = arith.constant 1048576 : i32
      %add3A_368 = vector.broadcast %add3A_367 : i32 to vector<16xi32>
      %add3A_369 = arith.addi %add3A_366, %add3A_368 : vector<16xi32>
      %add3A_370 = arith.constant 256 : i32
      %add3A_371 = vector.broadcast %add3A_370 : i32 to vector<16xi32>
      %add3A_372 = arith.addi %add3A_275, %add3A_371 : vector<16xi32>
      %add3A_373 = arith.constant 0 : i32
      %add3A_374 = vector.broadcast %add3A_373 : i32 to vector<16xi32>
      %add3A_375 = arith.addi %add3A_369, %add3A_374 : vector<16xi32>
      %scatter3A_376 = arith.constant 1 : i32
      %scatter3A_377 = arith.constant 0 : i32
      %scatter3A_378 = tpu.memref_slice %arg6[%scatter3A_376, %scatter3A_377] : memref<2x16384xi32, #tpu.memory_space<vmem>> -> memref<1x16384xi32, #tpu.memory_space<vmem>>
      %scatter3A_379 = tpu.memref_squeeze %scatter3A_378 : memref<1x16384xi32, #tpu.memory_space<vmem>> -> memref<16384xi32, #tpu.memory_space<vmem>>
      tpu.vector_store_idx %scatter3A_379[%add3A_372], %add3A_375 : memref<16384xi32, #tpu.memory_space<vmem>>[vector<16xi32>], vector<16xi32>,
      %add3A_380 = arith.constant 384 : i32
      %add3A_381 = vector.broadcast %add3A_380 : i32 to vector<16xi32>
      %add3A_382 = arith.addi %add3A_275, %add3A_381 : vector<16xi32>
      %add3A_383 = arith.constant 128 : i32
      %add3A_384 = vector.broadcast %add3A_383 : i32 to vector<16xi32>
      %add3A_385 = arith.addi %add3A_369, %add3A_384 : vector<16xi32>
      %scatter3A_386 = arith.constant 1 : i32
      %scatter3A_387 = arith.constant 0 : i32
      %scatter3A_388 = tpu.memref_slice %arg6[%scatter3A_386, %scatter3A_387] : memref<2x16384xi32, #tpu.memory_space<vmem>> -> memref<1x16384xi32, #tpu.memory_space<vmem>>
      %scatter3A_389 = tpu.memref_squeeze %scatter3A_388 : memref<1x16384xi32, #tpu.memory_space<vmem>> -> memref<16384xi32, #tpu.memory_space<vmem>>
      tpu.vector_store_idx %scatter3A_389[%add3A_382], %add3A_385 : memref<16384xi32, #tpu.memory_space<vmem>>[vector<16xi32>], vector<16xi32>,
      %mul3A_390 = arith.constant 3.600000e+01 : f32
      %mul3A_391 = vector.broadcast %mul3A_390 : f32 to vector<16xf32>
      %mul3A_392 = arith.mulf %get3A_250, %mul3A_391 : vector<16xf32>
      %convert_element_type3A_393 = arith.fptosi %mul3A_392 : vector<16xf32> to vector<16xi32>
      %mul3A_394 = arith.constant 3.600000e+01 : f32
      %mul3A_395 = vector.broadcast %mul3A_394 : f32 to vector<16xf32>
      %mul3A_396 = arith.mulf %get3A_258, %mul3A_395 : vector<16xf32>
      %convert_element_type3A_397 = arith.fptosi %mul3A_396 : vector<16xf32> to vector<16xi32>
      %mul3A_398 = arith.constant 3.600000e+01 : f32
      %mul3A_399 = vector.broadcast %mul3A_398 : f32 to vector<16xf32>
      %mul3A_400 = arith.mulf %get3A_266, %mul3A_399 : vector<16xf32>
      %convert_element_type3A_401 = arith.fptosi %mul3A_400 : vector<16xf32> to vector<16xi32>
      %mul3A_402 = arith.constant 73856093 : i32
      %mul3A_403 = vector.broadcast %mul3A_402 : i32 to vector<16xi32>
      %mul3A_404 = arith.muli %convert_element_type3A_393, %mul3A_403 : vector<16xi32>
      %mul3A_405 = arith.constant 19349663 : i32
      %mul3A_406 = vector.broadcast %mul3A_405 : i32 to vector<16xi32>
      %mul3A_407 = arith.muli %convert_element_type3A_397, %mul3A_406 : vector<16xi32>
      %xor3A_408 = arith.xori %mul3A_404, %mul3A_407 : vector<16xi32>
      %mul3A_409 = arith.constant 83492791 : i32
      %mul3A_410 = vector.broadcast %mul3A_409 : i32 to vector<16xi32>
      %mul3A_411 = arith.muli %convert_element_type3A_401, %mul3A_410 : vector<16xi32>
      %xor3A_412 = arith.xori %xor3A_408, %mul3A_411 : vector<16xi32>
      %and3A_413 = arith.constant 524287 : i32
      %and3A_414 = vector.broadcast %and3A_413 : i32 to vector<16xi32>
      %and3A_415 = arith.andi %xor3A_412, %and3A_414 : vector<16xi32>
      %shift_right_arithmetic3A_416 = arith.constant 7 : i32
      %shift_right_arithmetic3A_417 = vector.broadcast %shift_right_arithmetic3A_416 : i32 to vector<16xi32>
      %shift_right_arithmetic3A_418 = arith.shrsi %and3A_415, %shift_right_arithmetic3A_417 : vector<16xi32>
      %shift_left3A_419 = arith.constant 8 : i32
      %shift_left3A_420 = vector.broadcast %shift_left3A_419 : i32 to vector<16xi32>
      %shift_left3A_421 = arith.shli %shift_right_arithmetic3A_418, %shift_left3A_420 : vector<16xi32>
      %and3A_422 = arith.constant 127 : i32
      %and3A_423 = vector.broadcast %and3A_422 : i32 to vector<16xi32>
      %and3A_424 = arith.andi %and3A_415, %and3A_423 : vector<16xi32>
      %add3A_425 = arith.addi %shift_left3A_421, %and3A_424 : vector<16xi32>
      %add3A_426 = arith.constant 2097152 : i32
      %add3A_427 = vector.broadcast %add3A_426 : i32 to vector<16xi32>
      %add3A_428 = arith.addi %add3A_425, %add3A_427 : vector<16xi32>
      %add3A_429 = arith.constant 512 : i32
      %add3A_430 = vector.broadcast %add3A_429 : i32 to vector<16xi32>
      %add3A_431 = arith.addi %add3A_275, %add3A_430 : vector<16xi32>
      %add3A_432 = arith.constant 0 : i32
      %add3A_433 = vector.broadcast %add3A_432 : i32 to vector<16xi32>
      %add3A_434 = arith.addi %add3A_428, %add3A_433 : vector<16xi32>
      %scatter3A_435 = arith.constant 1 : i32
      %scatter3A_436 = arith.constant 0 : i32
      %scatter3A_437 = tpu.memref_slice %arg6[%scatter3A_435, %scatter3A_436] : memref<2x16384xi32, #tpu.memory_space<vmem>> -> memref<1x16384xi32, #tpu.memory_space<vmem>>
      %scatter3A_438 = tpu.memref_squeeze %scatter3A_437 : memref<1x16384xi32, #tpu.memory_space<vmem>> -> memref<16384xi32, #tpu.memory_space<vmem>>
      tpu.vector_store_idx %scatter3A_438[%add3A_431], %add3A_434 : memref<16384xi32, #tpu.memory_space<vmem>>[vector<16xi32>], vector<16xi32>,
      %add3A_439 = arith.constant 640 : i32
      %add3A_440 = vector.broadcast %add3A_439 : i32 to vector<16xi32>
      %add3A_441 = arith.addi %add3A_275, %add3A_440 : vector<16xi32>
      %add3A_442 = arith.constant 128 : i32
      %add3A_443 = vector.broadcast %add3A_442 : i32 to vector<16xi32>
      %add3A_444 = arith.addi %add3A_428, %add3A_443 : vector<16xi32>
      %scatter3A_445 = arith.constant 1 : i32
      %scatter3A_446 = arith.constant 0 : i32
      %scatter3A_447 = tpu.memref_slice %arg6[%scatter3A_445, %scatter3A_446] : memref<2x16384xi32, #tpu.memory_space<vmem>> -> memref<1x16384xi32, #tpu.memory_space<vmem>>
      %scatter3A_448 = tpu.memref_squeeze %scatter3A_447 : memref<1x16384xi32, #tpu.memory_space<vmem>> -> memref<16384xi32, #tpu.memory_space<vmem>>
      tpu.vector_store_idx %scatter3A_448[%add3A_441], %add3A_444 : memref<16384xi32, #tpu.memory_space<vmem>>[vector<16xi32>], vector<16xi32>,
      %mul3A_449 = arith.constant 5.400000e+01 : f32
      %mul3A_450 = vector.broadcast %mul3A_449 : f32 to vector<16xf32>
      %mul3A_451 = arith.mulf %get3A_250, %mul3A_450 : vector<16xf32>
      %convert_element_type3A_452 = arith.fptosi %mul3A_451 : vector<16xf32> to vector<16xi32>
      %mul3A_453 = arith.constant 5.400000e+01 : f32
      %mul3A_454 = vector.broadcast %mul3A_453 : f32 to vector<16xf32>
      %mul3A_455 = arith.mulf %get3A_258, %mul3A_454 : vector<16xf32>
      %convert_element_type3A_456 = arith.fptosi %mul3A_455 : vector<16xf32> to vector<16xi32>
      %mul3A_457 = arith.constant 5.400000e+01 : f32
      %mul3A_458 = vector.broadcast %mul3A_457 : f32 to vector<16xf32>
      %mul3A_459 = arith.mulf %get3A_266, %mul3A_458 : vector<16xf32>
      %convert_element_type3A_460 = arith.fptosi %mul3A_459 : vector<16xf32> to vector<16xi32>
      %mul3A_461 = arith.constant 73856093 : i32
      %mul3A_462 = vector.broadcast %mul3A_461 : i32 to vector<16xi32>
      %mul3A_463 = arith.muli %convert_element_type3A_452, %mul3A_462 : vector<16xi32>
      %mul3A_464 = arith.constant 19349663 : i32
      %mul3A_465 = vector.broadcast %mul3A_464 : i32 to vector<16xi32>
      %mul3A_466 = arith.muli %convert_element_type3A_456, %mul3A_465 : vector<16xi32>
      %xor3A_467 = arith.xori %mul3A_463, %mul3A_466 : vector<16xi32>
      %mul3A_468 = arith.constant 83492791 : i32
      %mul3A_469 = vector.broadcast %mul3A_468 : i32 to vector<16xi32>
      %mul3A_470 = arith.muli %convert_element_type3A_460, %mul3A_469 : vector<16xi32>
      %xor3A_471 = arith.xori %xor3A_467, %mul3A_470 : vector<16xi32>
      %and3A_472 = arith.constant 524287 : i32
      %and3A_473 = vector.broadcast %and3A_472 : i32 to vector<16xi32>
      %and3A_474 = arith.andi %xor3A_471, %and3A_473 : vector<16xi32>
      %shift_right_arithmetic3A_475 = arith.constant 7 : i32
      %shift_right_arithmetic3A_476 = vector.broadcast %shift_right_arithmetic3A_475 : i32 to vector<16xi32>
      %shift_right_arithmetic3A_477 = arith.shrsi %and3A_474, %shift_right_arithmetic3A_476 : vector<16xi32>
      %shift_left3A_478 = arith.constant 8 : i32
      %shift_left3A_479 = vector.broadcast %shift_left3A_478 : i32 to vector<16xi32>
      %shift_left3A_480 = arith.shli %shift_right_arithmetic3A_477, %shift_left3A_479 : vector<16xi32>
      %and3A_481 = arith.constant 127 : i32
      %and3A_482 = vector.broadcast %and3A_481 : i32 to vector<16xi32>
      %and3A_483 = arith.andi %and3A_474, %and3A_482 : vector<16xi32>
      %add3A_484 = arith.addi %shift_left3A_480, %and3A_483 : vector<16xi32>
      %add3A_485 = arith.constant 3145728 : i32
      %add3A_486 = vector.broadcast %add3A_485 : i32 to vector<16xi32>
      %add3A_487 = arith.addi %add3A_484, %add3A_486 : vector<16xi32>
      %add3A_488 = arith.constant 768 : i32
      %add3A_489 = vector.broadcast %add3A_488 : i32 to vector<16xi32>
      %add3A_490 = arith.addi %add3A_275, %add3A_489 : vector<16xi32>
      %add3A_491 = arith.constant 0 : i32
      %add3A_492 = vector.broadcast %add3A_491 : i32 to vector<16xi32>
      %add3A_493 = arith.addi %add3A_487, %add3A_492 : vector<16xi32>
      %scatter3A_494 = arith.constant 1 : i32
      %scatter3A_495 = arith.constant 0 : i32
      %scatter3A_496 = tpu.memref_slice %arg6[%scatter3A_494, %scatter3A_495] : memref<2x16384xi32, #tpu.memory_space<vmem>> -> memref<1x16384xi32, #tpu.memory_space<vmem>>
      %scatter3A_497 = tpu.memref_squeeze %scatter3A_496 : memref<1x16384xi32, #tpu.memory_space<vmem>> -> memref<16384xi32, #tpu.memory_space<vmem>>
      tpu.vector_store_idx %scatter3A_497[%add3A_490], %add3A_493 : memref<16384xi32, #tpu.memory_space<vmem>>[vector<16xi32>], vector<16xi32>,
      %add3A_498 = arith.constant 896 : i32
      %add3A_499 = vector.broadcast %add3A_498 : i32 to vector<16xi32>
      %add3A_500 = arith.addi %add3A_275, %add3A_499 : vector<16xi32>
      %add3A_501 = arith.constant 128 : i32
      %add3A_502 = vector.broadcast %add3A_501 : i32 to vector<16xi32>
      %add3A_503 = arith.addi %add3A_487, %add3A_502 : vector<16xi32>
      %scatter3A_504 = arith.constant 1 : i32
      %scatter3A_505 = arith.constant 0 : i32
      %scatter3A_506 = tpu.memref_slice %arg6[%scatter3A_504, %scatter3A_505] : memref<2x16384xi32, #tpu.memory_space<vmem>> -> memref<1x16384xi32, #tpu.memory_space<vmem>>
      %scatter3A_507 = tpu.memref_squeeze %scatter3A_506 : memref<1x16384xi32, #tpu.memory_space<vmem>> -> memref<16384xi32, #tpu.memory_space<vmem>>
      tpu.vector_store_idx %scatter3A_507[%add3A_500], %add3A_503 : memref<16384xi32, #tpu.memory_space<vmem>>[vector<16xi32>], vector<16xi32>,
      %mul3A_508 = arith.constant 8.100000e+01 : f32
      %mul3A_509 = vector.broadcast %mul3A_508 : f32 to vector<16xf32>
      %mul3A_510 = arith.mulf %get3A_250, %mul3A_509 : vector<16xf32>
      %convert_element_type3A_511 = arith.fptosi %mul3A_510 : vector<16xf32> to vector<16xi32>
      %mul3A_512 = arith.constant 8.100000e+01 : f32
      %mul3A_513 = vector.broadcast %mul3A_512 : f32 to vector<16xf32>
      %mul3A_514 = arith.mulf %get3A_258, %mul3A_513 : vector<16xf32>
      %convert_element_type3A_515 = arith.fptosi %mul3A_514 : vector<16xf32> to vector<16xi32>
      %mul3A_516 = arith.constant 8.100000e+01 : f32
      %mul3A_517 = vector.broadcast %mul3A_516 : f32 to vector<16xf32>
      %mul3A_518 = arith.mulf %get3A_266, %mul3A_517 : vector<16xf32>
      %convert_element_type3A_519 = arith.fptosi %mul3A_518 : vector<16xf32> to vector<16xi32>
      %mul3A_520 = arith.constant 73856093 : i32
      %mul3A_521 = vector.broadcast %mul3A_520 : i32 to vector<16xi32>
      %mul3A_522 = arith.muli %convert_element_type3A_511, %mul3A_521 : vector<16xi32>
      %mul3A_523 = arith.constant 19349663 : i32
      %mul3A_524 = vector.broadcast %mul3A_523 : i32 to vector<16xi32>
      %mul3A_525 = arith.muli %convert_element_type3A_515, %mul3A_524 : vector<16xi32>
      %xor3A_526 = arith.xori %mul3A_522, %mul3A_525 : vector<16xi32>
      %mul3A_527 = arith.constant 83492791 : i32
      %mul3A_528 = vector.broadcast %mul3A_527 : i32 to vector<16xi32>
      %mul3A_529 = arith.muli %convert_element_type3A_519, %mul3A_528 : vector<16xi32>
      %xor3A_530 = arith.xori %xor3A_526, %mul3A_529 : vector<16xi32>
      %and3A_531 = arith.constant 524287 : i32
      %and3A_532 = vector.broadcast %and3A_531 : i32 to vector<16xi32>
      %and3A_533 = arith.andi %xor3A_530, %and3A_532 : vector<16xi32>
      %shift_right_arithmetic3A_534 = arith.constant 7 : i32
      %shift_right_arithmetic3A_535 = vector.broadcast %shift_right_arithmetic3A_534 : i32 to vector<16xi32>
      %shift_right_arithmetic3A_536 = arith.shrsi %and3A_533, %shift_right_arithmetic3A_535 : vector<16xi32>
      %shift_left3A_537 = arith.constant 8 : i32
      %shift_left3A_538 = vector.broadcast %shift_left3A_537 : i32 to vector<16xi32>
      %shift_left3A_539 = arith.shli %shift_right_arithmetic3A_536, %shift_left3A_538 : vector<16xi32>
      %and3A_540 = arith.constant 127 : i32
      %and3A_541 = vector.broadcast %and3A_540 : i32 to vector<16xi32>
      %and3A_542 = arith.andi %and3A_533, %and3A_541 : vector<16xi32>
      %add3A_543 = arith.addi %shift_left3A_539, %and3A_542 : vector<16xi32>
      %add3A_544 = arith.constant 4194304 : i32
      %add3A_545 = vector.broadcast %add3A_544 : i32 to vector<16xi32>
      %add3A_546 = arith.addi %add3A_543, %add3A_545 : vector<16xi32>
      %add3A_547 = arith.constant 4096 : i32
      %add3A_548 = vector.broadcast %add3A_547 : i32 to vector<16xi32>
      %add3A_549 = arith.addi %add3A_275, %add3A_548 : vector<16xi32>
      %add3A_550 = arith.constant 0 : i32
      %add3A_551 = vector.broadcast %add3A_550 : i32 to vector<16xi32>
      %add3A_552 = arith.addi %add3A_546, %add3A_551 : vector<16xi32>
      %scatter3A_553 = arith.constant 1 : i32
      %scatter3A_554 = arith.constant 0 : i32
      %scatter3A_555 = tpu.memref_slice %arg6[%scatter3A_553, %scatter3A_554] : memref<2x16384xi32, #tpu.memory_space<vmem>> -> memref<1x16384xi32, #tpu.memory_space<vmem>>
      %scatter3A_556 = tpu.memref_squeeze %scatter3A_555 : memref<1x16384xi32, #tpu.memory_space<vmem>> -> memref<16384xi32, #tpu.memory_space<vmem>>
      tpu.vector_store_idx %scatter3A_556[%add3A_549], %add3A_552 : memref<16384xi32, #tpu.memory_space<vmem>>[vector<16xi32>], vector<16xi32>,
      %add3A_557 = arith.constant 4224 : i32
      %add3A_558 = vector.broadcast %add3A_557 : i32 to vector<16xi32>
      %add3A_559 = arith.addi %add3A_275, %add3A_558 : vector<16xi32>
      %add3A_560 = arith.constant 128 : i32
      %add3A_561 = vector.broadcast %add3A_560 : i32 to vector<16xi32>
      %add3A_562 = arith.addi %add3A_546, %add3A_561 : vector<16xi32>
      %scatter3A_563 = arith.constant 1 : i32
      %scatter3A_564 = arith.constant 0 : i32
      %scatter3A_565 = tpu.memref_slice %arg6[%scatter3A_563, %scatter3A_564] : memref<2x16384xi32, #tpu.memory_space<vmem>> -> memref<1x16384xi32, #tpu.memory_space<vmem>>
      %scatter3A_566 = tpu.memref_squeeze %scatter3A_565 : memref<1x16384xi32, #tpu.memory_space<vmem>> -> memref<16384xi32, #tpu.memory_space<vmem>>
      tpu.vector_store_idx %scatter3A_566[%add3A_559], %add3A_562 : memref<16384xi32, #tpu.memory_space<vmem>>[vector<16xi32>], vector<16xi32>,
      %mul3A_567 = arith.constant 1.210000e+02 : f32
      %mul3A_568 = vector.broadcast %mul3A_567 : f32 to vector<16xf32>
      %mul3A_569 = arith.mulf %get3A_250, %mul3A_568 : vector<16xf32>
      %convert_element_type3A_570 = arith.fptosi %mul3A_569 : vector<16xf32> to vector<16xi32>
      %mul3A_571 = arith.constant 1.210000e+02 : f32
      %mul3A_572 = vector.broadcast %mul3A_571 : f32 to vector<16xf32>
      %mul3A_573 = arith.mulf %get3A_258, %mul3A_572 : vector<16xf32>
      %convert_element_type3A_574 = arith.fptosi %mul3A_573 : vector<16xf32> to vector<16xi32>
      %mul3A_575 = arith.constant 1.210000e+02 : f32
      %mul3A_576 = vector.broadcast %mul3A_575 : f32 to vector<16xf32>
      %mul3A_577 = arith.mulf %get3A_266, %mul3A_576 : vector<16xf32>
      %convert_element_type3A_578 = arith.fptosi %mul3A_577 : vector<16xf32> to vector<16xi32>
      %mul3A_579 = arith.constant 73856093 : i32
      %mul3A_580 = vector.broadcast %mul3A_579 : i32 to vector<16xi32>
      %mul3A_581 = arith.muli %convert_element_type3A_570, %mul3A_580 : vector<16xi32>
      %mul3A_582 = arith.constant 19349663 : i32
      %mul3A_583 = vector.broadcast %mul3A_582 : i32 to vector<16xi32>
      %mul3A_584 = arith.muli %convert_element_type3A_574, %mul3A_583 : vector<16xi32>
      %xor3A_585 = arith.xori %mul3A_581, %mul3A_584 : vector<16xi32>
      %mul3A_586 = arith.constant 83492791 : i32
      %mul3A_587 = vector.broadcast %mul3A_586 : i32 to vector<16xi32>
      %mul3A_588 = arith.muli %convert_element_type3A_578, %mul3A_587 : vector<16xi32>
      %xor3A_589 = arith.xori %xor3A_585, %mul3A_588 : vector<16xi32>
      %and3A_590 = arith.constant 524287 : i32
      %and3A_591 = vector.broadcast %and3A_590 : i32 to vector<16xi32>
      %and3A_592 = arith.andi %xor3A_589, %and3A_591 : vector<16xi32>
      %shift_right_arithmetic3A_593 = arith.constant 7 : i32
      %shift_right_arithmetic3A_594 = vector.broadcast %shift_right_arithmetic3A_593 : i32 to vector<16xi32>
      %shift_right_arithmetic3A_595 = arith.shrsi %and3A_592, %shift_right_arithmetic3A_594 : vector<16xi32>
      %shift_left3A_596 = arith.constant 8 : i32
      %shift_left3A_597 = vector.broadcast %shift_left3A_596 : i32 to vector<16xi32>
      %shift_left3A_598 = arith.shli %shift_right_arithmetic3A_595, %shift_left3A_597 : vector<16xi32>
      %and3A_599 = arith.constant 127 : i32
      %and3A_600 = vector.broadcast %and3A_599 : i32 to vector<16xi32>
      %and3A_601 = arith.andi %and3A_592, %and3A_600 : vector<16xi32>
      %add3A_602 = arith.addi %shift_left3A_598, %and3A_601 : vector<16xi32>
      %add3A_603 = arith.constant 5242880 : i32
      %add3A_604 = vector.broadcast %add3A_603 : i32 to vector<16xi32>
      %add3A_605 = arith.addi %add3A_602, %add3A_604 : vector<16xi32>
      %add3A_606 = arith.constant 4352 : i32
      %add3A_607 = vector.broadcast %add3A_606 : i32 to vector<16xi32>
      %add3A_608 = arith.addi %add3A_275, %add3A_607 : vector<16xi32>
      %add3A_609 = arith.constant 0 : i32
      %add3A_610 = vector.broadcast %add3A_609 : i32 to vector<16xi32>
      %add3A_611 = arith.addi %add3A_605, %add3A_610 : vector<16xi32>
      %scatter3A_612 = arith.constant 1 : i32
      %scatter3A_613 = arith.constant 0 : i32
      %scatter3A_614 = tpu.memref_slice %arg6[%scatter3A_612, %scatter3A_613] : memref<2x16384xi32, #tpu.memory_space<vmem>> -> memref<1x16384xi32, #tpu.memory_space<vmem>>
      %scatter3A_615 = tpu.memref_squeeze %scatter3A_614 : memref<1x16384xi32, #tpu.memory_space<vmem>> -> memref<16384xi32, #tpu.memory_space<vmem>>
      tpu.vector_store_idx %scatter3A_615[%add3A_608], %add3A_611 : memref<16384xi32, #tpu.memory_space<vmem>>[vector<16xi32>], vector<16xi32>,
      %add3A_616 = arith.constant 4480 : i32
      %add3A_617 = vector.broadcast %add3A_616 : i32 to vector<16xi32>
      %add3A_618 = arith.addi %add3A_275, %add3A_617 : vector<16xi32>
      %add3A_619 = arith.constant 128 : i32
      %add3A_620 = vector.broadcast %add3A_619 : i32 to vector<16xi32>
      %add3A_621 = arith.addi %add3A_605, %add3A_620 : vector<16xi32>
      %scatter3A_622 = arith.constant 1 : i32
      %scatter3A_623 = arith.constant 0 : i32
      %scatter3A_624 = tpu.memref_slice %arg6[%scatter3A_622, %scatter3A_623] : memref<2x16384xi32, #tpu.memory_space<vmem>> -> memref<1x16384xi32, #tpu.memory_space<vmem>>
      %scatter3A_625 = tpu.memref_squeeze %scatter3A_624 : memref<1x16384xi32, #tpu.memory_space<vmem>> -> memref<16384xi32, #tpu.memory_space<vmem>>
      tpu.vector_store_idx %scatter3A_625[%add3A_618], %add3A_621 : memref<16384xi32, #tpu.memory_space<vmem>>[vector<16xi32>], vector<16xi32>,
      %mul3A_626 = arith.constant 1.820000e+02 : f32
      %mul3A_627 = vector.broadcast %mul3A_626 : f32 to vector<16xf32>
      %mul3A_628 = arith.mulf %get3A_250, %mul3A_627 : vector<16xf32>
      %convert_element_type3A_629 = arith.fptosi %mul3A_628 : vector<16xf32> to vector<16xi32>
      %mul3A_630 = arith.constant 1.820000e+02 : f32
      %mul3A_631 = vector.broadcast %mul3A_630 : f32 to vector<16xf32>
      %mul3A_632 = arith.mulf %get3A_258, %mul3A_631 : vector<16xf32>
      %convert_element_type3A_633 = arith.fptosi %mul3A_632 : vector<16xf32> to vector<16xi32>
      %mul3A_634 = arith.constant 1.820000e+02 : f32
      %mul3A_635 = vector.broadcast %mul3A_634 : f32 to vector<16xf32>
      %mul3A_636 = arith.mulf %get3A_266, %mul3A_635 : vector<16xf32>
      %convert_element_type3A_637 = arith.fptosi %mul3A_636 : vector<16xf32> to vector<16xi32>
      %mul3A_638 = arith.constant 73856093 : i32
      %mul3A_639 = vector.broadcast %mul3A_638 : i32 to vector<16xi32>
      %mul3A_640 = arith.muli %convert_element_type3A_629, %mul3A_639 : vector<16xi32>
      %mul3A_641 = arith.constant 19349663 : i32
      %mul3A_642 = vector.broadcast %mul3A_641 : i32 to vector<16xi32>
      %mul3A_643 = arith.muli %convert_element_type3A_633, %mul3A_642 : vector<16xi32>
      %xor3A_644 = arith.xori %mul3A_640, %mul3A_643 : vector<16xi32>
      %mul3A_645 = arith.constant 83492791 : i32
      %mul3A_646 = vector.broadcast %mul3A_645 : i32 to vector<16xi32>
      %mul3A_647 = arith.muli %convert_element_type3A_637, %mul3A_646 : vector<16xi32>
      %xor3A_648 = arith.xori %xor3A_644, %mul3A_647 : vector<16xi32>
      %and3A_649 = arith.constant 524287 : i32
      %and3A_650 = vector.broadcast %and3A_649 : i32 to vector<16xi32>
      %and3A_651 = arith.andi %xor3A_648, %and3A_650 : vector<16xi32>
      %shift_right_arithmetic3A_652 = arith.constant 7 : i32
      %shift_right_arithmetic3A_653 = vector.broadcast %shift_right_arithmetic3A_652 : i32 to vector<16xi32>
      %shift_right_arithmetic3A_654 = arith.shrsi %and3A_651, %shift_right_arithmetic3A_653 : vector<16xi32>
      %shift_left3A_655 = arith.constant 8 : i32
      %shift_left3A_656 = vector.broadcast %shift_left3A_655 : i32 to vector<16xi32>
      %shift_left3A_657 = arith.shli %shift_right_arithmetic3A_654, %shift_left3A_656 : vector<16xi32>
      %and3A_658 = arith.constant 127 : i32
      %and3A_659 = vector.broadcast %and3A_658 : i32 to vector<16xi32>
      %and3A_660 = arith.andi %and3A_651, %and3A_659 : vector<16xi32>
      %add3A_661 = arith.addi %shift_left3A_657, %and3A_660 : vector<16xi32>
      %add3A_662 = arith.constant 6291456 : i32
      %add3A_663 = vector.broadcast %add3A_662 : i32 to vector<16xi32>
      %add3A_664 = arith.addi %add3A_661, %add3A_663 : vector<16xi32>
      %add3A_665 = arith.constant 4608 : i32
      %add3A_666 = vector.broadcast %add3A_665 : i32 to vector<16xi32>
      %add3A_667 = arith.addi %add3A_275, %add3A_666 : vector<16xi32>
      %add3A_668 = arith.constant 0 : i32
      %add3A_669 = vector.broadcast %add3A_668 : i32 to vector<16xi32>
      %add3A_670 = arith.addi %add3A_664, %add3A_669 : vector<16xi32>
      %scatter3A_671 = arith.constant 1 : i32
      %scatter3A_672 = arith.constant 0 : i32
      %scatter3A_673 = tpu.memref_slice %arg6[%scatter3A_671, %scatter3A_672] : memref<2x16384xi32, #tpu.memory_space<vmem>> -> memref<1x16384xi32, #tpu.memory_space<vmem>>
      %scatter3A_674 = tpu.memref_squeeze %scatter3A_673 : memref<1x16384xi32, #tpu.memory_space<vmem>> -> memref<16384xi32, #tpu.memory_space<vmem>>
      tpu.vector_store_idx %scatter3A_674[%add3A_667], %add3A_670 : memref<16384xi32, #tpu.memory_space<vmem>>[vector<16xi32>], vector<16xi32>,
      %add3A_675 = arith.constant 4736 : i32
      %add3A_676 = vector.broadcast %add3A_675 : i32 to vector<16xi32>
      %add3A_677 = arith.addi %add3A_275, %add3A_676 : vector<16xi32>
      %add3A_678 = arith.constant 128 : i32
      %add3A_679 = vector.broadcast %add3A_678 : i32 to vector<16xi32>
      %add3A_680 = arith.addi %add3A_664, %add3A_679 : vector<16xi32>
      %scatter3A_681 = arith.constant 1 : i32
      %scatter3A_682 = arith.constant 0 : i32
      %scatter3A_683 = tpu.memref_slice %arg6[%scatter3A_681, %scatter3A_682] : memref<2x16384xi32, #tpu.memory_space<vmem>> -> memref<1x16384xi32, #tpu.memory_space<vmem>>
      %scatter3A_684 = tpu.memref_squeeze %scatter3A_683 : memref<1x16384xi32, #tpu.memory_space<vmem>> -> memref<16384xi32, #tpu.memory_space<vmem>>
      tpu.vector_store_idx %scatter3A_684[%add3A_677], %add3A_680 : memref<16384xi32, #tpu.memory_space<vmem>>[vector<16xi32>], vector<16xi32>,
      %mul3A_685 = arith.constant 2.730000e+02 : f32
      %mul3A_686 = vector.broadcast %mul3A_685 : f32 to vector<16xf32>
      %mul3A_687 = arith.mulf %get3A_250, %mul3A_686 : vector<16xf32>
      %convert_element_type3A_688 = arith.fptosi %mul3A_687 : vector<16xf32> to vector<16xi32>
      %mul3A_689 = arith.constant 2.730000e+02 : f32
      %mul3A_690 = vector.broadcast %mul3A_689 : f32 to vector<16xf32>
      %mul3A_691 = arith.mulf %get3A_258, %mul3A_690 : vector<16xf32>
      %convert_element_type3A_692 = arith.fptosi %mul3A_691 : vector<16xf32> to vector<16xi32>
      %mul3A_693 = arith.constant 2.730000e+02 : f32
      %mul3A_694 = vector.broadcast %mul3A_693 : f32 to vector<16xf32>
      %mul3A_695 = arith.mulf %get3A_266, %mul3A_694 : vector<16xf32>
      %convert_element_type3A_696 = arith.fptosi %mul3A_695 : vector<16xf32> to vector<16xi32>
      %mul3A_697 = arith.constant 73856093 : i32
      %mul3A_698 = vector.broadcast %mul3A_697 : i32 to vector<16xi32>
      %mul3A_699 = arith.muli %convert_element_type3A_688, %mul3A_698 : vector<16xi32>
      %mul3A_700 = arith.constant 19349663 : i32
      %mul3A_701 = vector.broadcast %mul3A_700 : i32 to vector<16xi32>
      %mul3A_702 = arith.muli %convert_element_type3A_692, %mul3A_701 : vector<16xi32>
      %xor3A_703 = arith.xori %mul3A_699, %mul3A_702 : vector<16xi32>
      %mul3A_704 = arith.constant 83492791 : i32
      %mul3A_705 = vector.broadcast %mul3A_704 : i32 to vector<16xi32>
      %mul3A_706 = arith.muli %convert_element_type3A_696, %mul3A_705 : vector<16xi32>
      %xor3A_707 = arith.xori %xor3A_703, %mul3A_706 : vector<16xi32>
      %and3A_708 = arith.constant 524287 : i32
      %and3A_709 = vector.broadcast %and3A_708 : i32 to vector<16xi32>
      %and3A_710 = arith.andi %xor3A_707, %and3A_709 : vector<16xi32>
      %shift_right_arithmetic3A_711 = arith.constant 7 : i32
      %shift_right_arithmetic3A_712 = vector.broadcast %shift_right_arithmetic3A_711 : i32 to vector<16xi32>
      %shift_right_arithmetic3A_713 = arith.shrsi %and3A_710, %shift_right_arithmetic3A_712 : vector<16xi32>
      %shift_left3A_714 = arith.constant 8 : i32
      %shift_left3A_715 = vector.broadcast %shift_left3A_714 : i32 to vector<16xi32>
      %shift_left3A_716 = arith.shli %shift_right_arithmetic3A_713, %shift_left3A_715 : vector<16xi32>
      %and3A_717 = arith.constant 127 : i32
      %and3A_718 = vector.broadcast %and3A_717 : i32 to vector<16xi32>
      %and3A_719 = arith.andi %and3A_710, %and3A_718 : vector<16xi32>
      %add3A_720 = arith.addi %shift_left3A_716, %and3A_719 : vector<16xi32>
      %add3A_721 = arith.constant 7340032 : i32
      %add3A_722 = vector.broadcast %add3A_721 : i32 to vector<16xi32>
      %add3A_723 = arith.addi %add3A_720, %add3A_722 : vector<16xi32>
      %add3A_724 = arith.constant 4864 : i32
      %add3A_725 = vector.broadcast %add3A_724 : i32 to vector<16xi32>
      %add3A_726 = arith.addi %add3A_275, %add3A_725 : vector<16xi32>
      %add3A_727 = arith.constant 0 : i32
      %add3A_728 = vector.broadcast %add3A_727 : i32 to vector<16xi32>
      %add3A_729 = arith.addi %add3A_723, %add3A_728 : vector<16xi32>
      %scatter3A_730 = arith.constant 1 : i32
      %scatter3A_731 = arith.constant 0 : i32
      %scatter3A_732 = tpu.memref_slice %arg6[%scatter3A_730, %scatter3A_731] : memref<2x16384xi32, #tpu.memory_space<vmem>> -> memref<1x16384xi32, #tpu.memory_space<vmem>>
      %scatter3A_733 = tpu.memref_squeeze %scatter3A_732 : memref<1x16384xi32, #tpu.memory_space<vmem>> -> memref<16384xi32, #tpu.memory_space<vmem>>
      tpu.vector_store_idx %scatter3A_733[%add3A_726], %add3A_729 : memref<16384xi32, #tpu.memory_space<vmem>>[vector<16xi32>], vector<16xi32>,
      %add3A_734 = arith.constant 4992 : i32
      %add3A_735 = vector.broadcast %add3A_734 : i32 to vector<16xi32>
      %add3A_736 = arith.addi %add3A_275, %add3A_735 : vector<16xi32>
      %add3A_737 = arith.constant 128 : i32
      %add3A_738 = vector.broadcast %add3A_737 : i32 to vector<16xi32>
      %add3A_739 = arith.addi %add3A_723, %add3A_738 : vector<16xi32>
      %scatter3A_740 = arith.constant 1 : i32
      %scatter3A_741 = arith.constant 0 : i32
      %scatter3A_742 = tpu.memref_slice %arg6[%scatter3A_740, %scatter3A_741] : memref<2x16384xi32, #tpu.memory_space<vmem>> -> memref<1x16384xi32, #tpu.memory_space<vmem>>
      %scatter3A_743 = tpu.memref_squeeze %scatter3A_742 : memref<1x16384xi32, #tpu.memory_space<vmem>> -> memref<16384xi32, #tpu.memory_space<vmem>>
      tpu.vector_store_idx %scatter3A_743[%add3A_736], %add3A_739 : memref<16384xi32, #tpu.memory_space<vmem>>[vector<16xi32>], vector<16xi32>,
      %mul3A_744 = arith.constant 4.100000e+02 : f32
      %mul3A_745 = vector.broadcast %mul3A_744 : f32 to vector<16xf32>
      %mul3A_746 = arith.mulf %get3A_250, %mul3A_745 : vector<16xf32>
      %convert_element_type3A_747 = arith.fptosi %mul3A_746 : vector<16xf32> to vector<16xi32>
      %mul3A_748 = arith.constant 4.100000e+02 : f32
      %mul3A_749 = vector.broadcast %mul3A_748 : f32 to vector<16xf32>
      %mul3A_750 = arith.mulf %get3A_258, %mul3A_749 : vector<16xf32>
      %convert_element_type3A_751 = arith.fptosi %mul3A_750 : vector<16xf32> to vector<16xi32>
      %mul3A_752 = arith.constant 4.100000e+02 : f32
      %mul3A_753 = vector.broadcast %mul3A_752 : f32 to vector<16xf32>
      %mul3A_754 = arith.mulf %get3A_266, %mul3A_753 : vector<16xf32>
      %convert_element_type3A_755 = arith.fptosi %mul3A_754 : vector<16xf32> to vector<16xi32>
      %mul3A_756 = arith.constant 73856093 : i32
      %mul3A_757 = vector.broadcast %mul3A_756 : i32 to vector<16xi32>
      %mul3A_758 = arith.muli %convert_element_type3A_747, %mul3A_757 : vector<16xi32>
      %mul3A_759 = arith.constant 19349663 : i32
      %mul3A_760 = vector.broadcast %mul3A_759 : i32 to vector<16xi32>
      %mul3A_761 = arith.muli %convert_element_type3A_751, %mul3A_760 : vector<16xi32>
      %xor3A_762 = arith.xori %mul3A_758, %mul3A_761 : vector<16xi32>
      %mul3A_763 = arith.constant 83492791 : i32
      %mul3A_764 = vector.broadcast %mul3A_763 : i32 to vector<16xi32>
      %mul3A_765 = arith.muli %convert_element_type3A_755, %mul3A_764 : vector<16xi32>
      %xor3A_766 = arith.xori %xor3A_762, %mul3A_765 : vector<16xi32>
      %and3A_767 = arith.constant 524287 : i32
      %and3A_768 = vector.broadcast %and3A_767 : i32 to vector<16xi32>
      %and3A_769 = arith.andi %xor3A_766, %and3A_768 : vector<16xi32>
      %shift_right_arithmetic3A_770 = arith.constant 7 : i32
      %shift_right_arithmetic3A_771 = vector.broadcast %shift_right_arithmetic3A_770 : i32 to vector<16xi32>
      %shift_right_arithmetic3A_772 = arith.shrsi %and3A_769, %shift_right_arithmetic3A_771 : vector<16xi32>
      %shift_left3A_773 = arith.constant 8 : i32
      %shift_left3A_774 = vector.broadcast %shift_left3A_773 : i32 to vector<16xi32>
      %shift_left3A_775 = arith.shli %shift_right_arithmetic3A_772, %shift_left3A_774 : vector<16xi32>
      %and3A_776 = arith.constant 127 : i32
      %and3A_777 = vector.broadcast %and3A_776 : i32 to vector<16xi32>
      %and3A_778 = arith.andi %and3A_769, %and3A_777 : vector<16xi32>
      %add3A_779 = arith.addi %shift_left3A_775, %and3A_778 : vector<16xi32>
      %add3A_780 = arith.constant 8388608 : i32
      %add3A_781 = vector.broadcast %add3A_780 : i32 to vector<16xi32>
      %add3A_782 = arith.addi %add3A_779, %add3A_781 : vector<16xi32>
      %add3A_783 = arith.constant 8192 : i32
      %add3A_784 = vector.broadcast %add3A_783 : i32 to vector<16xi32>
      %add3A_785 = arith.addi %add3A_275, %add3A_784 : vector<16xi32>
      %add3A_786 = arith.constant 0 : i32
      %add3A_787 = vector.broadcast %add3A_786 : i32 to vector<16xi32>
      %add3A_788 = arith.addi %add3A_782, %add3A_787 : vector<16xi32>
      %scatter3A_789 = arith.constant 1 : i32
      %scatter3A_790 = arith.constant 0 : i32
      %scatter3A_791 = tpu.memref_slice %arg6[%scatter3A_789, %scatter3A_790] : memref<2x16384xi32, #tpu.memory_space<vmem>> -> memref<1x16384xi32, #tpu.memory_space<vmem>>
      %scatter3A_792 = tpu.memref_squeeze %scatter3A_791 : memref<1x16384xi32, #tpu.memory_space<vmem>> -> memref<16384xi32, #tpu.memory_space<vmem>>
      tpu.vector_store_idx %scatter3A_792[%add3A_785], %add3A_788 : memref<16384xi32, #tpu.memory_space<vmem>>[vector<16xi32>], vector<16xi32>,
      %add3A_793 = arith.constant 8320 : i32
      %add3A_794 = vector.broadcast %add3A_793 : i32 to vector<16xi32>
      %add3A_795 = arith.addi %add3A_275, %add3A_794 : vector<16xi32>
      %add3A_796 = arith.constant 128 : i32
      %add3A_797 = vector.broadcast %add3A_796 : i32 to vector<16xi32>
      %add3A_798 = arith.addi %add3A_782, %add3A_797 : vector<16xi32>
      %scatter3A_799 = arith.constant 1 : i32
      %scatter3A_800 = arith.constant 0 : i32
      %scatter3A_801 = tpu.memref_slice %arg6[%scatter3A_799, %scatter3A_800] : memref<2x16384xi32, #tpu.memory_space<vmem>> -> memref<1x16384xi32, #tpu.memory_space<vmem>>
      %scatter3A_802 = tpu.memref_squeeze %scatter3A_801 : memref<1x16384xi32, #tpu.memory_space<vmem>> -> memref<16384xi32, #tpu.memory_space<vmem>>
      tpu.vector_store_idx %scatter3A_802[%add3A_795], %add3A_798 : memref<16384xi32, #tpu.memory_space<vmem>>[vector<16xi32>], vector<16xi32>,
      %mul3A_803 = arith.constant 6.150000e+02 : f32
      %mul3A_804 = vector.broadcast %mul3A_803 : f32 to vector<16xf32>
      %mul3A_805 = arith.mulf %get3A_250, %mul3A_804 : vector<16xf32>
      %convert_element_type3A_806 = arith.fptosi %mul3A_805 : vector<16xf32> to vector<16xi32>
      %mul3A_807 = arith.constant 6.150000e+02 : f32
      %mul3A_808 = vector.broadcast %mul3A_807 : f32 to vector<16xf32>
      %mul3A_809 = arith.mulf %get3A_258, %mul3A_808 : vector<16xf32>
      %convert_element_type3A_810 = arith.fptosi %mul3A_809 : vector<16xf32> to vector<16xi32>
      %mul3A_811 = arith.constant 6.150000e+02 : f32
      %mul3A_812 = vector.broadcast %mul3A_811 : f32 to vector<16xf32>
      %mul3A_813 = arith.mulf %get3A_266, %mul3A_812 : vector<16xf32>
      %convert_element_type3A_814 = arith.fptosi %mul3A_813 : vector<16xf32> to vector<16xi32>
      %mul3A_815 = arith.constant 73856093 : i32
      %mul3A_816 = vector.broadcast %mul3A_815 : i32 to vector<16xi32>
      %mul3A_817 = arith.muli %convert_element_type3A_806, %mul3A_816 : vector<16xi32>
      %mul3A_818 = arith.constant 19349663 : i32
      %mul3A_819 = vector.broadcast %mul3A_818 : i32 to vector<16xi32>
      %mul3A_820 = arith.muli %convert_element_type3A_810, %mul3A_819 : vector<16xi32>
      %xor3A_821 = arith.xori %mul3A_817, %mul3A_820 : vector<16xi32>
      %mul3A_822 = arith.constant 83492791 : i32
      %mul3A_823 = vector.broadcast %mul3A_822 : i32 to vector<16xi32>
      %mul3A_824 = arith.muli %convert_element_type3A_814, %mul3A_823 : vector<16xi32>
      %xor3A_825 = arith.xori %xor3A_821, %mul3A_824 : vector<16xi32>
      %and3A_826 = arith.constant 524287 : i32
      %and3A_827 = vector.broadcast %and3A_826 : i32 to vector<16xi32>
      %and3A_828 = arith.andi %xor3A_825, %and3A_827 : vector<16xi32>
      %shift_right_arithmetic3A_829 = arith.constant 7 : i32
      %shift_right_arithmetic3A_830 = vector.broadcast %shift_right_arithmetic3A_829 : i32 to vector<16xi32>
      %shift_right_arithmetic3A_831 = arith.shrsi %and3A_828, %shift_right_arithmetic3A_830 : vector<16xi32>
      %shift_left3A_832 = arith.constant 8 : i32
      %shift_left3A_833 = vector.broadcast %shift_left3A_832 : i32 to vector<16xi32>
      %shift_left3A_834 = arith.shli %shift_right_arithmetic3A_831, %shift_left3A_833 : vector<16xi32>
      %and3A_835 = arith.constant 127 : i32
      %and3A_836 = vector.broadcast %and3A_835 : i32 to vector<16xi32>
      %and3A_837 = arith.andi %and3A_828, %and3A_836 : vector<16xi32>
      %add3A_838 = arith.addi %shift_left3A_834, %and3A_837 : vector<16xi32>
      %add3A_839 = arith.constant 9437184 : i32
      %add3A_840 = vector.broadcast %add3A_839 : i32 to vector<16xi32>
      %add3A_841 = arith.addi %add3A_838, %add3A_840 : vector<16xi32>
      %add3A_842 = arith.constant 8448 : i32
      %add3A_843 = vector.broadcast %add3A_842 : i32 to vector<16xi32>
      %add3A_844 = arith.addi %add3A_275, %add3A_843 : vector<16xi32>
      %add3A_845 = arith.constant 0 : i32
      %add3A_846 = vector.broadcast %add3A_845 : i32 to vector<16xi32>
      %add3A_847 = arith.addi %add3A_841, %add3A_846 : vector<16xi32>
      %scatter3A_848 = arith.constant 1 : i32
      %scatter3A_849 = arith.constant 0 : i32
      %scatter3A_850 = tpu.memref_slice %arg6[%scatter3A_848, %scatter3A_849] : memref<2x16384xi32, #tpu.memory_space<vmem>> -> memref<1x16384xi32, #tpu.memory_space<vmem>>
      %scatter3A_851 = tpu.memref_squeeze %scatter3A_850 : memref<1x16384xi32, #tpu.memory_space<vmem>> -> memref<16384xi32, #tpu.memory_space<vmem>>
      tpu.vector_store_idx %scatter3A_851[%add3A_844], %add3A_847 : memref<16384xi32, #tpu.memory_space<vmem>>[vector<16xi32>], vector<16xi32>,
      %add3A_852 = arith.constant 8576 : i32
      %add3A_853 = vector.broadcast %add3A_852 : i32 to vector<16xi32>
      %add3A_854 = arith.addi %add3A_275, %add3A_853 : vector<16xi32>
      %add3A_855 = arith.constant 128 : i32
      %add3A_856 = vector.broadcast %add3A_855 : i32 to vector<16xi32>
      %add3A_857 = arith.addi %add3A_841, %add3A_856 : vector<16xi32>
      %scatter3A_858 = arith.constant 1 : i32
      %scatter3A_859 = arith.constant 0 : i32
      %scatter3A_860 = tpu.memref_slice %arg6[%scatter3A_858, %scatter3A_859] : memref<2x16384xi32, #tpu.memory_space<vmem>> -> memref<1x16384xi32, #tpu.memory_space<vmem>>
      %scatter3A_861 = tpu.memref_squeeze %scatter3A_860 : memref<1x16384xi32, #tpu.memory_space<vmem>> -> memref<16384xi32, #tpu.memory_space<vmem>>
      tpu.vector_store_idx %scatter3A_861[%add3A_854], %add3A_857 : memref<16384xi32, #tpu.memory_space<vmem>>[vector<16xi32>], vector<16xi32>,
      %mul3A_862 = arith.constant 9.220000e+02 : f32
      %mul3A_863 = vector.broadcast %mul3A_862 : f32 to vector<16xf32>
      %mul3A_864 = arith.mulf %get3A_250, %mul3A_863 : vector<16xf32>
      %convert_element_type3A_865 = arith.fptosi %mul3A_864 : vector<16xf32> to vector<16xi32>
      %mul3A_866 = arith.constant 9.220000e+02 : f32
      %mul3A_867 = vector.broadcast %mul3A_866 : f32 to vector<16xf32>
      %mul3A_868 = arith.mulf %get3A_258, %mul3A_867 : vector<16xf32>
      %convert_element_type3A_869 = arith.fptosi %mul3A_868 : vector<16xf32> to vector<16xi32>
      %mul3A_870 = arith.constant 9.220000e+02 : f32
      %mul3A_871 = vector.broadcast %mul3A_870 : f32 to vector<16xf32>
      %mul3A_872 = arith.mulf %get3A_266, %mul3A_871 : vector<16xf32>
      %convert_element_type3A_873 = arith.fptosi %mul3A_872 : vector<16xf32> to vector<16xi32>
      %mul3A_874 = arith.constant 73856093 : i32
      %mul3A_875 = vector.broadcast %mul3A_874 : i32 to vector<16xi32>
      %mul3A_876 = arith.muli %convert_element_type3A_865, %mul3A_875 : vector<16xi32>
      %mul3A_877 = arith.constant 19349663 : i32
      %mul3A_878 = vector.broadcast %mul3A_877 : i32 to vector<16xi32>
      %mul3A_879 = arith.muli %convert_element_type3A_869, %mul3A_878 : vector<16xi32>
      %xor3A_880 = arith.xori %mul3A_876, %mul3A_879 : vector<16xi32>
      %mul3A_881 = arith.constant 83492791 : i32
      %mul3A_882 = vector.broadcast %mul3A_881 : i32 to vector<16xi32>
      %mul3A_883 = arith.muli %convert_element_type3A_873, %mul3A_882 : vector<16xi32>
      %xor3A_884 = arith.xori %xor3A_880, %mul3A_883 : vector<16xi32>
      %and3A_885 = arith.constant 524287 : i32
      %and3A_886 = vector.broadcast %and3A_885 : i32 to vector<16xi32>
      %and3A_887 = arith.andi %xor3A_884, %and3A_886 : vector<16xi32>
      %shift_right_arithmetic3A_888 = arith.constant 7 : i32
      %shift_right_arithmetic3A_889 = vector.broadcast %shift_right_arithmetic3A_888 : i32 to vector<16xi32>
      %shift_right_arithmetic3A_890 = arith.shrsi %and3A_887, %shift_right_arithmetic3A_889 : vector<16xi32>
      %shift_left3A_891 = arith.constant 8 : i32
      %shift_left3A_892 = vector.broadcast %shift_left3A_891 : i32 to vector<16xi32>
      %shift_left3A_893 = arith.shli %shift_right_arithmetic3A_890, %shift_left3A_892 : vector<16xi32>
      %and3A_894 = arith.constant 127 : i32
      %and3A_895 = vector.broadcast %and3A_894 : i32 to vector<16xi32>
      %and3A_896 = arith.andi %and3A_887, %and3A_895 : vector<16xi32>
      %add3A_897 = arith.addi %shift_left3A_893, %and3A_896 : vector<16xi32>
      %add3A_898 = arith.constant 10485760 : i32
      %add3A_899 = vector.broadcast %add3A_898 : i32 to vector<16xi32>
      %add3A_900 = arith.addi %add3A_897, %add3A_899 : vector<16xi32>
      %add3A_901 = arith.constant 8704 : i32
      %add3A_902 = vector.broadcast %add3A_901 : i32 to vector<16xi32>
      %add3A_903 = arith.addi %add3A_275, %add3A_902 : vector<16xi32>
      %add3A_904 = arith.constant 0 : i32
      %add3A_905 = vector.broadcast %add3A_904 : i32 to vector<16xi32>
      %add3A_906 = arith.addi %add3A_900, %add3A_905 : vector<16xi32>
      %scatter3A_907 = arith.constant 1 : i32
      %scatter3A_908 = arith.constant 0 : i32
      %scatter3A_909 = tpu.memref_slice %arg6[%scatter3A_907, %scatter3A_908] : memref<2x16384xi32, #tpu.memory_space<vmem>> -> memref<1x16384xi32, #tpu.memory_space<vmem>>
      %scatter3A_910 = tpu.memref_squeeze %scatter3A_909 : memref<1x16384xi32, #tpu.memory_space<vmem>> -> memref<16384xi32, #tpu.memory_space<vmem>>
      tpu.vector_store_idx %scatter3A_910[%add3A_903], %add3A_906 : memref<16384xi32, #tpu.memory_space<vmem>>[vector<16xi32>], vector<16xi32>,
      %add3A_911 = arith.constant 8832 : i32
      %add3A_912 = vector.broadcast %add3A_911 : i32 to vector<16xi32>
      %add3A_913 = arith.addi %add3A_275, %add3A_912 : vector<16xi32>
      %add3A_914 = arith.constant 128 : i32
      %add3A_915 = vector.broadcast %add3A_914 : i32 to vector<16xi32>
      %add3A_916 = arith.addi %add3A_900, %add3A_915 : vector<16xi32>
      %scatter3A_917 = arith.constant 1 : i32
      %scatter3A_918 = arith.constant 0 : i32
      %scatter3A_919 = tpu.memref_slice %arg6[%scatter3A_917, %scatter3A_918] : memref<2x16384xi32, #tpu.memory_space<vmem>> -> memref<1x16384xi32, #tpu.memory_space<vmem>>
      %scatter3A_920 = tpu.memref_squeeze %scatter3A_919 : memref<1x16384xi32, #tpu.memory_space<vmem>> -> memref<16384xi32, #tpu.memory_space<vmem>>
      tpu.vector_store_idx %scatter3A_920[%add3A_913], %add3A_916 : memref<16384xi32, #tpu.memory_space<vmem>>[vector<16xi32>], vector<16xi32>,
      %mul3A_921 = arith.constant 1.383000e+03 : f32
      %mul3A_922 = vector.broadcast %mul3A_921 : f32 to vector<16xf32>
      %mul3A_923 = arith.mulf %get3A_250, %mul3A_922 : vector<16xf32>
      %convert_element_type3A_924 = arith.fptosi %mul3A_923 : vector<16xf32> to vector<16xi32>
      %mul3A_925 = arith.constant 1.383000e+03 : f32
      %mul3A_926 = vector.broadcast %mul3A_925 : f32 to vector<16xf32>
      %mul3A_927 = arith.mulf %get3A_258, %mul3A_926 : vector<16xf32>
      %convert_element_type3A_928 = arith.fptosi %mul3A_927 : vector<16xf32> to vector<16xi32>
      %mul3A_929 = arith.constant 1.383000e+03 : f32
      %mul3A_930 = vector.broadcast %mul3A_929 : f32 to vector<16xf32>
      %mul3A_931 = arith.mulf %get3A_266, %mul3A_930 : vector<16xf32>
      %convert_element_type3A_932 = arith.fptosi %mul3A_931 : vector<16xf32> to vector<16xi32>
      %mul3A_933 = arith.constant 73856093 : i32
      %mul3A_934 = vector.broadcast %mul3A_933 : i32 to vector<16xi32>
      %mul3A_935 = arith.muli %convert_element_type3A_924, %mul3A_934 : vector<16xi32>
      %mul3A_936 = arith.constant 19349663 : i32
      %mul3A_937 = vector.broadcast %mul3A_936 : i32 to vector<16xi32>
      %mul3A_938 = arith.muli %convert_element_type3A_928, %mul3A_937 : vector<16xi32>
      %xor3A_939 = arith.xori %mul3A_935, %mul3A_938 : vector<16xi32>
      %mul3A_940 = arith.constant 83492791 : i32
      %mul3A_941 = vector.broadcast %mul3A_940 : i32 to vector<16xi32>
      %mul3A_942 = arith.muli %convert_element_type3A_932, %mul3A_941 : vector<16xi32>
      %xor3A_943 = arith.xori %xor3A_939, %mul3A_942 : vector<16xi32>
      %and3A_944 = arith.constant 524287 : i32
      %and3A_945 = vector.broadcast %and3A_944 : i32 to vector<16xi32>
      %and3A_946 = arith.andi %xor3A_943, %and3A_945 : vector<16xi32>
      %shift_right_arithmetic3A_947 = arith.constant 7 : i32
      %shift_right_arithmetic3A_948 = vector.broadcast %shift_right_arithmetic3A_947 : i32 to vector<16xi32>
      %shift_right_arithmetic3A_949 = arith.shrsi %and3A_946, %shift_right_arithmetic3A_948 : vector<16xi32>
      %shift_left3A_950 = arith.constant 8 : i32
      %shift_left3A_951 = vector.broadcast %shift_left3A_950 : i32 to vector<16xi32>
      %shift_left3A_952 = arith.shli %shift_right_arithmetic3A_949, %shift_left3A_951 : vector<16xi32>
      %and3A_953 = arith.constant 127 : i32
      %and3A_954 = vector.broadcast %and3A_953 : i32 to vector<16xi32>
      %and3A_955 = arith.andi %and3A_946, %and3A_954 : vector<16xi32>
      %add3A_956 = arith.addi %shift_left3A_952, %and3A_955 : vector<16xi32>
      %add3A_957 = arith.constant 11534336 : i32
      %add3A_958 = vector.broadcast %add3A_957 : i32 to vector<16xi32>
      %add3A_959 = arith.addi %add3A_956, %add3A_958 : vector<16xi32>
      %add3A_960 = arith.constant 8960 : i32
      %add3A_961 = vector.broadcast %add3A_960 : i32 to vector<16xi32>
      %add3A_962 = arith.addi %add3A_275, %add3A_961 : vector<16xi32>
      %add3A_963 = arith.constant 0 : i32
      %add3A_964 = vector.broadcast %add3A_963 : i32 to vector<16xi32>
      %add3A_965 = arith.addi %add3A_959, %add3A_964 : vector<16xi32>
      %scatter3A_966 = arith.constant 1 : i32
      %scatter3A_967 = arith.constant 0 : i32
      %scatter3A_968 = tpu.memref_slice %arg6[%scatter3A_966, %scatter3A_967] : memref<2x16384xi32, #tpu.memory_space<vmem>> -> memref<1x16384xi32, #tpu.memory_space<vmem>>
      %scatter3A_969 = tpu.memref_squeeze %scatter3A_968 : memref<1x16384xi32, #tpu.memory_space<vmem>> -> memref<16384xi32, #tpu.memory_space<vmem>>
      tpu.vector_store_idx %scatter3A_969[%add3A_962], %add3A_965 : memref<16384xi32, #tpu.memory_space<vmem>>[vector<16xi32>], vector<16xi32>,
      %add3A_970 = arith.constant 9088 : i32
      %add3A_971 = vector.broadcast %add3A_970 : i32 to vector<16xi32>
      %add3A_972 = arith.addi %add3A_275, %add3A_971 : vector<16xi32>
      %add3A_973 = arith.constant 128 : i32
      %add3A_974 = vector.broadcast %add3A_973 : i32 to vector<16xi32>
      %add3A_975 = arith.addi %add3A_959, %add3A_974 : vector<16xi32>
      %scatter3A_976 = arith.constant 1 : i32
      %scatter3A_977 = arith.constant 0 : i32
      %scatter3A_978 = tpu.memref_slice %arg6[%scatter3A_976, %scatter3A_977] : memref<2x16384xi32, #tpu.memory_space<vmem>> -> memref<1x16384xi32, #tpu.memory_space<vmem>>
      %scatter3A_979 = tpu.memref_squeeze %scatter3A_978 : memref<1x16384xi32, #tpu.memory_space<vmem>> -> memref<16384xi32, #tpu.memory_space<vmem>>
      tpu.vector_store_idx %scatter3A_979[%add3A_972], %add3A_975 : memref<16384xi32, #tpu.memory_space<vmem>>[vector<16xi32>], vector<16xi32>,
      %mul3A_980 = arith.constant 2.075000e+03 : f32
      %mul3A_981 = vector.broadcast %mul3A_980 : f32 to vector<16xf32>
      %mul3A_982 = arith.mulf %get3A_250, %mul3A_981 : vector<16xf32>
      %convert_element_type3A_983 = arith.fptosi %mul3A_982 : vector<16xf32> to vector<16xi32>
      %mul3A_984 = arith.constant 2.075000e+03 : f32
      %mul3A_985 = vector.broadcast %mul3A_984 : f32 to vector<16xf32>
      %mul3A_986 = arith.mulf %get3A_258, %mul3A_985 : vector<16xf32>
      %convert_element_type3A_987 = arith.fptosi %mul3A_986 : vector<16xf32> to vector<16xi32>
      %mul3A_988 = arith.constant 2.075000e+03 : f32
      %mul3A_989 = vector.broadcast %mul3A_988 : f32 to vector<16xf32>
      %mul3A_990 = arith.mulf %get3A_266, %mul3A_989 : vector<16xf32>
      %convert_element_type3A_991 = arith.fptosi %mul3A_990 : vector<16xf32> to vector<16xi32>
      %mul3A_992 = arith.constant 73856093 : i32
      %mul3A_993 = vector.broadcast %mul3A_992 : i32 to vector<16xi32>
      %mul3A_994 = arith.muli %convert_element_type3A_983, %mul3A_993 : vector<16xi32>
      %mul3A_995 = arith.constant 19349663 : i32
      %mul3A_996 = vector.broadcast %mul3A_995 : i32 to vector<16xi32>
      %mul3A_997 = arith.muli %convert_element_type3A_987, %mul3A_996 : vector<16xi32>
      %xor3A_998 = arith.xori %mul3A_994, %mul3A_997 : vector<16xi32>
      %mul3A_999 = arith.constant 83492791 : i32
      %mul3A_1000 = vector.broadcast %mul3A_999 : i32 to vector<16xi32>
      %mul3A_1001 = arith.muli %convert_element_type3A_991, %mul3A_1000 : vector<16xi32>
      %xor3A_1002 = arith.xori %xor3A_998, %mul3A_1001 : vector<16xi32>
      %and3A_1003 = arith.constant 524287 : i32
      %and3A_1004 = vector.broadcast %and3A_1003 : i32 to vector<16xi32>
      %and3A_1005 = arith.andi %xor3A_1002, %and3A_1004 : vector<16xi32>
      %shift_right_arithmetic3A_1006 = arith.constant 7 : i32
      %shift_right_arithmetic3A_1007 = vector.broadcast %shift_right_arithmetic3A_1006 : i32 to vector<16xi32>
      %shift_right_arithmetic3A_1008 = arith.shrsi %and3A_1005, %shift_right_arithmetic3A_1007 : vector<16xi32>
      %shift_left3A_1009 = arith.constant 8 : i32
      %shift_left3A_1010 = vector.broadcast %shift_left3A_1009 : i32 to vector<16xi32>
      %shift_left3A_1011 = arith.shli %shift_right_arithmetic3A_1008, %shift_left3A_1010 : vector<16xi32>
      %and3A_1012 = arith.constant 127 : i32
      %and3A_1013 = vector.broadcast %and3A_1012 : i32 to vector<16xi32>
      %and3A_1014 = arith.andi %and3A_1005, %and3A_1013 : vector<16xi32>
      %add3A_1015 = arith.addi %shift_left3A_1011, %and3A_1014 : vector<16xi32>
      %add3A_1016 = arith.constant 12582912 : i32
      %add3A_1017 = vector.broadcast %add3A_1016 : i32 to vector<16xi32>
      %add3A_1018 = arith.addi %add3A_1015, %add3A_1017 : vector<16xi32>
      %add3A_1019 = arith.constant 12288 : i32
      %add3A_1020 = vector.broadcast %add3A_1019 : i32 to vector<16xi32>
      %add3A_1021 = arith.addi %add3A_275, %add3A_1020 : vector<16xi32>
      %add3A_1022 = arith.constant 0 : i32
      %add3A_1023 = vector.broadcast %add3A_1022 : i32 to vector<16xi32>
      %add3A_1024 = arith.addi %add3A_1018, %add3A_1023 : vector<16xi32>
      %scatter3A_1025 = arith.constant 1 : i32
      %scatter3A_1026 = arith.constant 0 : i32
      %scatter3A_1027 = tpu.memref_slice %arg6[%scatter3A_1025, %scatter3A_1026] : memref<2x16384xi32, #tpu.memory_space<vmem>> -> memref<1x16384xi32, #tpu.memory_space<vmem>>
      %scatter3A_1028 = tpu.memref_squeeze %scatter3A_1027 : memref<1x16384xi32, #tpu.memory_space<vmem>> -> memref<16384xi32, #tpu.memory_space<vmem>>
      tpu.vector_store_idx %scatter3A_1028[%add3A_1021], %add3A_1024 : memref<16384xi32, #tpu.memory_space<vmem>>[vector<16xi32>], vector<16xi32>,
      %add3A_1029 = arith.constant 12416 : i32
      %add3A_1030 = vector.broadcast %add3A_1029 : i32 to vector<16xi32>
      %add3A_1031 = arith.addi %add3A_275, %add3A_1030 : vector<16xi32>
      %add3A_1032 = arith.constant 128 : i32
      %add3A_1033 = vector.broadcast %add3A_1032 : i32 to vector<16xi32>
      %add3A_1034 = arith.addi %add3A_1018, %add3A_1033 : vector<16xi32>
      %scatter3A_1035 = arith.constant 1 : i32
      %scatter3A_1036 = arith.constant 0 : i32
      %scatter3A_1037 = tpu.memref_slice %arg6[%scatter3A_1035, %scatter3A_1036] : memref<2x16384xi32, #tpu.memory_space<vmem>> -> memref<1x16384xi32, #tpu.memory_space<vmem>>
      %scatter3A_1038 = tpu.memref_squeeze %scatter3A_1037 : memref<1x16384xi32, #tpu.memory_space<vmem>> -> memref<16384xi32, #tpu.memory_space<vmem>>
      tpu.vector_store_idx %scatter3A_1038[%add3A_1031], %add3A_1034 : memref<16384xi32, #tpu.memory_space<vmem>>[vector<16xi32>], vector<16xi32>,
      %mul3A_1039 = arith.constant 3.113000e+03 : f32
      %mul3A_1040 = vector.broadcast %mul3A_1039 : f32 to vector<16xf32>
      %mul3A_1041 = arith.mulf %get3A_250, %mul3A_1040 : vector<16xf32>
      %convert_element_type3A_1042 = arith.fptosi %mul3A_1041 : vector<16xf32> to vector<16xi32>
      %mul3A_1043 = arith.constant 3.113000e+03 : f32
      %mul3A_1044 = vector.broadcast %mul3A_1043 : f32 to vector<16xf32>
      %mul3A_1045 = arith.mulf %get3A_258, %mul3A_1044 : vector<16xf32>
      %convert_element_type3A_1046 = arith.fptosi %mul3A_1045 : vector<16xf32> to vector<16xi32>
      %mul3A_1047 = arith.constant 3.113000e+03 : f32
      %mul3A_1048 = vector.broadcast %mul3A_1047 : f32 to vector<16xf32>
      %mul3A_1049 = arith.mulf %get3A_266, %mul3A_1048 : vector<16xf32>
      %convert_element_type3A_1050 = arith.fptosi %mul3A_1049 : vector<16xf32> to vector<16xi32>
      %mul3A_1051 = arith.constant 73856093 : i32
      %mul3A_1052 = vector.broadcast %mul3A_1051 : i32 to vector<16xi32>
      %mul3A_1053 = arith.muli %convert_element_type3A_1042, %mul3A_1052 : vector<16xi32>
      %mul3A_1054 = arith.constant 19349663 : i32
      %mul3A_1055 = vector.broadcast %mul3A_1054 : i32 to vector<16xi32>
      %mul3A_1056 = arith.muli %convert_element_type3A_1046, %mul3A_1055 : vector<16xi32>
      %xor3A_1057 = arith.xori %mul3A_1053, %mul3A_1056 : vector<16xi32>
      %mul3A_1058 = arith.constant 83492791 : i32
      %mul3A_1059 = vector.broadcast %mul3A_1058 : i32 to vector<16xi32>
      %mul3A_1060 = arith.muli %convert_element_type3A_1050, %mul3A_1059 : vector<16xi32>
      %xor3A_1061 = arith.xori %xor3A_1057, %mul3A_1060 : vector<16xi32>
      %and3A_1062 = arith.constant 524287 : i32
      %and3A_1063 = vector.broadcast %and3A_1062 : i32 to vector<16xi32>
      %and3A_1064 = arith.andi %xor3A_1061, %and3A_1063 : vector<16xi32>
      %shift_right_arithmetic3A_1065 = arith.constant 7 : i32
      %shift_right_arithmetic3A_1066 = vector.broadcast %shift_right_arithmetic3A_1065 : i32 to vector<16xi32>
      %shift_right_arithmetic3A_1067 = arith.shrsi %and3A_1064, %shift_right_arithmetic3A_1066 : vector<16xi32>
      %shift_left3A_1068 = arith.constant 8 : i32
      %shift_left3A_1069 = vector.broadcast %shift_left3A_1068 : i32 to vector<16xi32>
      %shift_left3A_1070 = arith.shli %shift_right_arithmetic3A_1067, %shift_left3A_1069 : vector<16xi32>
      %and3A_1071 = arith.constant 127 : i32
      %and3A_1072 = vector.broadcast %and3A_1071 : i32 to vector<16xi32>
      %and3A_1073 = arith.andi %and3A_1064, %and3A_1072 : vector<16xi32>
      %add3A_1074 = arith.addi %shift_left3A_1070, %and3A_1073 : vector<16xi32>
      %add3A_1075 = arith.constant 13631488 : i32
      %add3A_1076 = vector.broadcast %add3A_1075 : i32 to vector<16xi32>
      %add3A_1077 = arith.addi %add3A_1074, %add3A_1076 : vector<16xi32>
      %add3A_1078 = arith.constant 12544 : i32
      %add3A_1079 = vector.broadcast %add3A_1078 : i32 to vector<16xi32>
      %add3A_1080 = arith.addi %add3A_275, %add3A_1079 : vector<16xi32>
      %add3A_1081 = arith.constant 0 : i32
      %add3A_1082 = vector.broadcast %add3A_1081 : i32 to vector<16xi32>
      %add3A_1083 = arith.addi %add3A_1077, %add3A_1082 : vector<16xi32>
      %scatter3A_1084 = arith.constant 1 : i32
      %scatter3A_1085 = arith.constant 0 : i32
      %scatter3A_1086 = tpu.memref_slice %arg6[%scatter3A_1084, %scatter3A_1085] : memref<2x16384xi32, #tpu.memory_space<vmem>> -> memref<1x16384xi32, #tpu.memory_space<vmem>>
      %scatter3A_1087 = tpu.memref_squeeze %scatter3A_1086 : memref<1x16384xi32, #tpu.memory_space<vmem>> -> memref<16384xi32, #tpu.memory_space<vmem>>
      tpu.vector_store_idx %scatter3A_1087[%add3A_1080], %add3A_1083 : memref<16384xi32, #tpu.memory_space<vmem>>[vector<16xi32>], vector<16xi32>,
      %add3A_1088 = arith.constant 12672 : i32
      %add3A_1089 = vector.broadcast %add3A_1088 : i32 to vector<16xi32>
      %add3A_1090 = arith.addi %add3A_275, %add3A_1089 : vector<16xi32>
      %add3A_1091 = arith.constant 128 : i32
      %add3A_1092 = vector.broadcast %add3A_1091 : i32 to vector<16xi32>
      %add3A_1093 = arith.addi %add3A_1077, %add3A_1092 : vector<16xi32>
      %scatter3A_1094 = arith.constant 1 : i32
      %scatter3A_1095 = arith.constant 0 : i32
      %scatter3A_1096 = tpu.memref_slice %arg6[%scatter3A_1094, %scatter3A_1095] : memref<2x16384xi32, #tpu.memory_space<vmem>> -> memref<1x16384xi32, #tpu.memory_space<vmem>>
      %scatter3A_1097 = tpu.memref_squeeze %scatter3A_1096 : memref<1x16384xi32, #tpu.memory_space<vmem>> -> memref<16384xi32, #tpu.memory_space<vmem>>
      tpu.vector_store_idx %scatter3A_1097[%add3A_1090], %add3A_1093 : memref<16384xi32, #tpu.memory_space<vmem>>[vector<16xi32>], vector<16xi32>,
      %mul3A_1098 = arith.constant 4.670000e+03 : f32
      %mul3A_1099 = vector.broadcast %mul3A_1098 : f32 to vector<16xf32>
      %mul3A_1100 = arith.mulf %get3A_250, %mul3A_1099 : vector<16xf32>
      %convert_element_type3A_1101 = arith.fptosi %mul3A_1100 : vector<16xf32> to vector<16xi32>
      %mul3A_1102 = arith.constant 4.670000e+03 : f32
      %mul3A_1103 = vector.broadcast %mul3A_1102 : f32 to vector<16xf32>
      %mul3A_1104 = arith.mulf %get3A_258, %mul3A_1103 : vector<16xf32>
      %convert_element_type3A_1105 = arith.fptosi %mul3A_1104 : vector<16xf32> to vector<16xi32>
      %mul3A_1106 = arith.constant 4.670000e+03 : f32
      %mul3A_1107 = vector.broadcast %mul3A_1106 : f32 to vector<16xf32>
      %mul3A_1108 = arith.mulf %get3A_266, %mul3A_1107 : vector<16xf32>
      %convert_element_type3A_1109 = arith.fptosi %mul3A_1108 : vector<16xf32> to vector<16xi32>
      %mul3A_1110 = arith.constant 73856093 : i32
      %mul3A_1111 = vector.broadcast %mul3A_1110 : i32 to vector<16xi32>
      %mul3A_1112 = arith.muli %convert_element_type3A_1101, %mul3A_1111 : vector<16xi32>
      %mul3A_1113 = arith.constant 19349663 : i32
      %mul3A_1114 = vector.broadcast %mul3A_1113 : i32 to vector<16xi32>
      %mul3A_1115 = arith.muli %convert_element_type3A_1105, %mul3A_1114 : vector<16xi32>
      %xor3A_1116 = arith.xori %mul3A_1112, %mul3A_1115 : vector<16xi32>
      %mul3A_1117 = arith.constant 83492791 : i32
      %mul3A_1118 = vector.broadcast %mul3A_1117 : i32 to vector<16xi32>
      %mul3A_1119 = arith.muli %convert_element_type3A_1109, %mul3A_1118 : vector<16xi32>
      %xor3A_1120 = arith.xori %xor3A_1116, %mul3A_1119 : vector<16xi32>
      %and3A_1121 = arith.constant 524287 : i32
      %and3A_1122 = vector.broadcast %and3A_1121 : i32 to vector<16xi32>
      %and3A_1123 = arith.andi %xor3A_1120, %and3A_1122 : vector<16xi32>
      %shift_right_arithmetic3A_1124 = arith.constant 7 : i32
      %shift_right_arithmetic3A_1125 = vector.broadcast %shift_right_arithmetic3A_1124 : i32 to vector<16xi32>
      %shift_right_arithmetic3A_1126 = arith.shrsi %and3A_1123, %shift_right_arithmetic3A_1125 : vector<16xi32>
      %shift_left3A_1127 = arith.constant 8 : i32
      %shift_left3A_1128 = vector.broadcast %shift_left3A_1127 : i32 to vector<16xi32>
      %shift_left3A_1129 = arith.shli %shift_right_arithmetic3A_1126, %shift_left3A_1128 : vector<16xi32>
      %and3A_1130 = arith.constant 127 : i32
      %and3A_1131 = vector.broadcast %and3A_1130 : i32 to vector<16xi32>
      %and3A_1132 = arith.andi %and3A_1123, %and3A_1131 : vector<16xi32>
      %add3A_1133 = arith.addi %shift_left3A_1129, %and3A_1132 : vector<16xi32>
      %add3A_1134 = arith.constant 14680064 : i32
      %add3A_1135 = vector.broadcast %add3A_1134 : i32 to vector<16xi32>
      %add3A_1136 = arith.addi %add3A_1133, %add3A_1135 : vector<16xi32>
      %add3A_1137 = arith.constant 12800 : i32
      %add3A_1138 = vector.broadcast %add3A_1137 : i32 to vector<16xi32>
      %add3A_1139 = arith.addi %add3A_275, %add3A_1138 : vector<16xi32>
      %add3A_1140 = arith.constant 0 : i32
      %add3A_1141 = vector.broadcast %add3A_1140 : i32 to vector<16xi32>
      %add3A_1142 = arith.addi %add3A_1136, %add3A_1141 : vector<16xi32>
      %scatter3A_1143 = arith.constant 1 : i32
      %scatter3A_1144 = arith.constant 0 : i32
      %scatter3A_1145 = tpu.memref_slice %arg6[%scatter3A_1143, %scatter3A_1144] : memref<2x16384xi32, #tpu.memory_space<vmem>> -> memref<1x16384xi32, #tpu.memory_space<vmem>>
      %scatter3A_1146 = tpu.memref_squeeze %scatter3A_1145 : memref<1x16384xi32, #tpu.memory_space<vmem>> -> memref<16384xi32, #tpu.memory_space<vmem>>
      tpu.vector_store_idx %scatter3A_1146[%add3A_1139], %add3A_1142 : memref<16384xi32, #tpu.memory_space<vmem>>[vector<16xi32>], vector<16xi32>,
      %add3A_1147 = arith.constant 12928 : i32
      %add3A_1148 = vector.broadcast %add3A_1147 : i32 to vector<16xi32>
      %add3A_1149 = arith.addi %add3A_275, %add3A_1148 : vector<16xi32>
      %add3A_1150 = arith.constant 128 : i32
      %add3A_1151 = vector.broadcast %add3A_1150 : i32 to vector<16xi32>
      %add3A_1152 = arith.addi %add3A_1136, %add3A_1151 : vector<16xi32>
      %scatter3A_1153 = arith.constant 1 : i32
      %scatter3A_1154 = arith.constant 0 : i32
      %scatter3A_1155 = tpu.memref_slice %arg6[%scatter3A_1153, %scatter3A_1154] : memref<2x16384xi32, #tpu.memory_space<vmem>> -> memref<1x16384xi32, #tpu.memory_space<vmem>>
      %scatter3A_1156 = tpu.memref_squeeze %scatter3A_1155 : memref<1x16384xi32, #tpu.memory_space<vmem>> -> memref<16384xi32, #tpu.memory_space<vmem>>
      tpu.vector_store_idx %scatter3A_1156[%add3A_1149], %add3A_1152 : memref<16384xi32, #tpu.memory_space<vmem>>[vector<16xi32>], vector<16xi32>,
      %mul3A_1157 = arith.constant 7.006000e+03 : f32
      %mul3A_1158 = vector.broadcast %mul3A_1157 : f32 to vector<16xf32>
      %mul3A_1159 = arith.mulf %get3A_250, %mul3A_1158 : vector<16xf32>
      %convert_element_type3A_1160 = arith.fptosi %mul3A_1159 : vector<16xf32> to vector<16xi32>
      %mul3A_1161 = arith.constant 7.006000e+03 : f32
      %mul3A_1162 = vector.broadcast %mul3A_1161 : f32 to vector<16xf32>
      %mul3A_1163 = arith.mulf %get3A_258, %mul3A_1162 : vector<16xf32>
      %convert_element_type3A_1164 = arith.fptosi %mul3A_1163 : vector<16xf32> to vector<16xi32>
      %mul3A_1165 = arith.constant 7.006000e+03 : f32
      %mul3A_1166 = vector.broadcast %mul3A_1165 : f32 to vector<16xf32>
      %mul3A_1167 = arith.mulf %get3A_266, %mul3A_1166 : vector<16xf32>
      %convert_element_type3A_1168 = arith.fptosi %mul3A_1167 : vector<16xf32> to vector<16xi32>
      %mul3A_1169 = arith.constant 73856093 : i32
      %mul3A_1170 = vector.broadcast %mul3A_1169 : i32 to vector<16xi32>
      %mul3A_1171 = arith.muli %convert_element_type3A_1160, %mul3A_1170 : vector<16xi32>
      %mul3A_1172 = arith.constant 19349663 : i32
      %mul3A_1173 = vector.broadcast %mul3A_1172 : i32 to vector<16xi32>
      %mul3A_1174 = arith.muli %convert_element_type3A_1164, %mul3A_1173 : vector<16xi32>
      %xor3A_1175 = arith.xori %mul3A_1171, %mul3A_1174 : vector<16xi32>
      %mul3A_1176 = arith.constant 83492791 : i32
      %mul3A_1177 = vector.broadcast %mul3A_1176 : i32 to vector<16xi32>
      %mul3A_1178 = arith.muli %convert_element_type3A_1168, %mul3A_1177 : vector<16xi32>
      %xor3A_1179 = arith.xori %xor3A_1175, %mul3A_1178 : vector<16xi32>
      %and3A_1180 = arith.constant 524287 : i32
      %and3A_1181 = vector.broadcast %and3A_1180 : i32 to vector<16xi32>
      %and3A_1182 = arith.andi %xor3A_1179, %and3A_1181 : vector<16xi32>
      %shift_right_arithmetic3A_1183 = arith.constant 7 : i32
      %shift_right_arithmetic3A_1184 = vector.broadcast %shift_right_arithmetic3A_1183 : i32 to vector<16xi32>
      %shift_right_arithmetic3A_1185 = arith.shrsi %and3A_1182, %shift_right_arithmetic3A_1184 : vector<16xi32>
      %shift_left3A_1186 = arith.constant 8 : i32
      %shift_left3A_1187 = vector.broadcast %shift_left3A_1186 : i32 to vector<16xi32>
      %shift_left3A_1188 = arith.shli %shift_right_arithmetic3A_1185, %shift_left3A_1187 : vector<16xi32>
      %and3A_1189 = arith.constant 127 : i32
      %and3A_1190 = vector.broadcast %and3A_1189 : i32 to vector<16xi32>
      %and3A_1191 = arith.andi %and3A_1182, %and3A_1190 : vector<16xi32>
      %add3A_1192 = arith.addi %shift_left3A_1188, %and3A_1191 : vector<16xi32>
      %add3A_1193 = arith.constant 15728640 : i32
      %add3A_1194 = vector.broadcast %add3A_1193 : i32 to vector<16xi32>
      %add3A_1195 = arith.addi %add3A_1192, %add3A_1194 : vector<16xi32>
      %add3A_1196 = arith.constant 13056 : i32
      %add3A_1197 = vector.broadcast %add3A_1196 : i32 to vector<16xi32>
      %add3A_1198 = arith.addi %add3A_275, %add3A_1197 : vector<16xi32>
      %add3A_1199 = arith.constant 0 : i32
      %add3A_1200 = vector.broadcast %add3A_1199 : i32 to vector<16xi32>
      %add3A_1201 = arith.addi %add3A_1195, %add3A_1200 : vector<16xi32>
      %scatter3A_1202 = arith.constant 1 : i32
      %scatter3A_1203 = arith.constant 0 : i32
      %scatter3A_1204 = tpu.memref_slice %arg6[%scatter3A_1202, %scatter3A_1203] : memref<2x16384xi32, #tpu.memory_space<vmem>> -> memref<1x16384xi32, #tpu.memory_space<vmem>>
      %scatter3A_1205 = tpu.memref_squeeze %scatter3A_1204 : memref<1x16384xi32, #tpu.memory_space<vmem>> -> memref<16384xi32, #tpu.memory_space<vmem>>
      tpu.vector_store_idx %scatter3A_1205[%add3A_1198], %add3A_1201 : memref<16384xi32, #tpu.memory_space<vmem>>[vector<16xi32>], vector<16xi32>,
      %add3A_1206 = arith.constant 13184 : i32
      %add3A_1207 = vector.broadcast %add3A_1206 : i32 to vector<16xi32>
      %add3A_1208 = arith.addi %add3A_275, %add3A_1207 : vector<16xi32>
      %add3A_1209 = arith.constant 128 : i32
      %add3A_1210 = vector.broadcast %add3A_1209 : i32 to vector<16xi32>
      %add3A_1211 = arith.addi %add3A_1195, %add3A_1210 : vector<16xi32>
      %scatter3A_1212 = arith.constant 1 : i32
      %scatter3A_1213 = arith.constant 0 : i32
      %scatter3A_1214 = tpu.memref_slice %arg6[%scatter3A_1212, %scatter3A_1213] : memref<2x16384xi32, #tpu.memory_space<vmem>> -> memref<1x16384xi32, #tpu.memory_space<vmem>>
      %scatter3A_1215 = tpu.memref_squeeze %scatter3A_1214 : memref<1x16384xi32, #tpu.memory_space<vmem>> -> memref<16384xi32, #tpu.memory_space<vmem>>
      tpu.vector_store_idx %scatter3A_1215[%add3A_1208], %add3A_1211 : memref<16384xi32, #tpu.memory_space<vmem>>[vector<16xi32>], vector<16xi32>,
    }
    %scan3A_127 = arith.constant 32 : i32
    %dma_start3A_128 = arith.constant 1 : i32
    %dma_start3A_129 = arith.constant 1 : i32
    %dma_start3A_130 = arith.constant 0 : i32
    %dma_start3A_131 = tpu.memref_slice %arg7[%dma_start3A_129, %dma_start3A_130] : memref<2x16384xf32, #tpu.memory_space<vmem>> -> memref<1x8192xf32, #tpu.memory_space<vmem>>
    %dma_start3A_132 = tpu.memref_squeeze %dma_start3A_131 : memref<1x8192xf32, #tpu.memory_space<vmem>> -> memref<8192xf32, #tpu.memory_space<vmem>>
    %dma_start3A_133 = arith.constant 0 : i32
    %dma_start3A_134 = tpu.memref_slice %arg6[%dma_start3A_128, %dma_start3A_133] : memref<2x16384xi32, #tpu.memory_space<vmem>> -> memref<1x8192xi32, #tpu.memory_space<vmem>>
    %dma_start3A_135 = tpu.memref_squeeze %dma_start3A_134 : memref<1x8192xi32, #tpu.memory_space<vmem>> -> memref<8192xi32, #tpu.memory_space<vmem>>
    %dma_start3A_136 = arith.constant 0 : i32
    %dma_start3A_137 = tpu.memref_slice %arg3[%dma_start3A_136] : memref<16777216xf32, #tpu.memory_space<hbm>> -> memref<16777216xf32, #tpu.memory_space<hbm>>
    tpu.enqueue_indirect_dma source(%dma_start3A_137 : memref<16777216xf32, #tpu.memory_space<hbm>>) target(%dma_start3A_132 : memref<8192xf32, #tpu.memory_space<vmem>>) offsets(%dma_start3A_135 : memref<8192xi32, #tpu.memory_space<vmem>>) semaphore(%arg10 : memref<!tpu.dma_semaphore, #tpu.memory_space<semaphore_mem>>)
    %dma_start3A_138 = arith.constant 1 : i32
    %dma_start3A_139 = arith.constant 1 : i32
    %dma_start3A_140 = arith.constant 8192 : i32
    %dma_start3A_141 = tpu.memref_slice %arg7[%dma_start3A_139, %dma_start3A_140] : memref<2x16384xf32, #tpu.memory_space<vmem>> -> memref<1x8192xf32, #tpu.memory_space<vmem>>
    %dma_start3A_142 = tpu.memref_squeeze %dma_start3A_141 : memref<1x8192xf32, #tpu.memory_space<vmem>> -> memref<8192xf32, #tpu.memory_space<vmem>>
    %dma_start3A_143 = arith.constant 8192 : i32
    %dma_start3A_144 = tpu.memref_slice %arg6[%dma_start3A_138, %dma_start3A_143] : memref<2x16384xi32, #tpu.memory_space<vmem>> -> memref<1x8192xi32, #tpu.memory_space<vmem>>
    %dma_start3A_145 = tpu.memref_squeeze %dma_start3A_144 : memref<1x8192xi32, #tpu.memory_space<vmem>> -> memref<8192xi32, #tpu.memory_space<vmem>>
    %dma_start3A_146 = arith.constant 0 : i32
    %dma_start3A_147 = tpu.memref_slice %arg3[%dma_start3A_146] : memref<16777216xf32, #tpu.memory_space<hbm>> -> memref<16777216xf32, #tpu.memory_space<hbm>>
    tpu.enqueue_indirect_dma source(%dma_start3A_147 : memref<16777216xf32, #tpu.memory_space<hbm>>) target(%dma_start3A_142 : memref<8192xf32, #tpu.memory_space<vmem>>) offsets(%dma_start3A_145 : memref<8192xi32, #tpu.memory_space<vmem>>) semaphore(%arg10 : memref<!tpu.dma_semaphore, #tpu.memory_space<semaphore_mem>>)
    %scan3A_148 = arith.constant 0 : i32
    %scan3A_149 = arith.constant 0 : i32
    %scan3A_150 = arith.constant 31 : i32
    %scan3A_151 = arith.addi %scan3A_149, %scan3A_150 : i32
    %scan3A_152 = arith.constant 1 : i32
    scf.for %scan3A_245 = %scan3A_149 to %scan3A_151 step %scan3A_152  : i32 {
      %mul3A_246 = arith.constant 2 : i32
      %mul3A_247 = arith.muli %scan3A_245, %mul3A_246 : i32
      %dma_wait3A_248 = arith.constant 0 : i32
      %dma_wait3A_249 = arith.constant 0 : i32
      %dma_wait3A_250 = arith.constant 0 : i32
      %dma_wait3A_251 = tpu.memref_slice %arg7[%dma_wait3A_249, %dma_wait3A_250] : memref<2x16384xf32, #tpu.memory_space<vmem>> -> memref<1x16384xf32, #tpu.memory_space<vmem>>
      %dma_wait3A_252 = tpu.memref_squeeze %dma_wait3A_251 : memref<1x16384xf32, #tpu.memory_space<vmem>> -> memref<16384xf32, #tpu.memory_space<vmem>>
      %dma_wait3A_253 = arith.constant 0 : i32
      %dma_wait3A_254 = tpu.memref_slice %arg6[%dma_wait3A_248, %dma_wait3A_253] : memref<2x16384xi32, #tpu.memory_space<vmem>> -> memref<1x16384xi32, #tpu.memory_space<vmem>>
      %dma_wait3A_255 = tpu.memref_squeeze %dma_wait3A_254 : memref<1x16384xi32, #tpu.memory_space<vmem>> -> memref<16384xi32, #tpu.memory_space<vmem>>
      %dma_wait3A_256 = arith.constant 0 : i32
      %dma_wait3A_257 = tpu.memref_slice %arg3[%dma_wait3A_256] : memref<16777216xf32, #tpu.memory_space<hbm>> -> memref<16777216xf32, #tpu.memory_space<hbm>>
      tpu.wait_indirect_dma semaphore(%arg9 : memref<!tpu.dma_semaphore, #tpu.memory_space<semaphore_mem>>) src(%dma_wait3A_257 : memref<16777216xf32, #tpu.memory_space<hbm>>) dst(%dma_wait3A_252 : memref<16384xf32, #tpu.memory_space<vmem>>)
      %add3A_258 = arith.addi %mul3A_2, %mul3A_247 : i32
      %mul3A_259 = arith.constant 512 : i32
      %mul3A_260 = arith.muli %add3A_258, %mul3A_259 : i32
      %mul3A_261 = arith.constant 8 : i32
      %mul3A_262 = arith.muli %mul3A_260, %mul3A_261 : i32
      %add3A_263 = arith.constant 0 : i32
      %add3A_264 = arith.addi %add3A_263, %mul3A_262 : i32
      %run_scoped3A_265 = arith.constant 0 : i32
      "tpu.region"() ({
        %run_scoped3A_484 = tpu.sem_alloc : memref<!tpu.dma_semaphore, #tpu.memory_space<semaphore_mem>>
        %dma_start3A_485 = arith.constant 0 : i32
        %dma_start3A_486 = tpu.memref_slice %arg7[%run_scoped3A_265, %dma_start3A_485] : memref<2x16384xf32, #tpu.memory_space<vmem>> -> memref<1x4096xf32, #tpu.memory_space<vmem>>
        %dma_start3A_487 = tpu.memref_squeeze %dma_start3A_486 : memref<1x4096xf32, #tpu.memory_space<vmem>> -> memref<4096xf32, #tpu.memory_space<vmem>>
        %dma_start3A_488 = tpu.memref_slice %arg4[%add3A_264] : memref<33554432xf32, #tpu.memory_space<hbm>> -> memref<4096xf32, #tpu.memory_space<hbm>>
        %dma_start3A_489 = tpu.memref_slice %arg4[%add3A_264] : memref<33554432xf32, #tpu.memory_space<hbm>> -> memref<4096xf32, #tpu.memory_space<hbm>>
        %dma_start3A_490 = arith.constant 0 : i32
        %dma_start3A_491 = tpu.memref_slice %arg7[%run_scoped3A_265, %dma_start3A_490] : memref<2x16384xf32, #tpu.memory_space<vmem>> -> memref<1x4096xf32, #tpu.memory_space<vmem>>
        %dma_start3A_492 = tpu.memref_squeeze %dma_start3A_491 : memref<1x4096xf32, #tpu.memory_space<vmem>> -> memref<4096xf32, #tpu.memory_space<vmem>>
        tpu.enqueue_dma source(%dma_start3A_492 : memref<4096xf32, #tpu.memory_space<vmem>>) target(%dma_start3A_489 : memref<4096xf32, #tpu.memory_space<hbm>>) target_semaphore(%run_scoped3A_484 : memref<!tpu.dma_semaphore, #tpu.memory_space<semaphore_mem>>)
        %dma_wait3A_493 = arith.constant 0 : i32
        %dma_wait3A_494 = tpu.memref_slice %arg7[%run_scoped3A_265, %dma_wait3A_493] : memref<2x16384xf32, #tpu.memory_space<vmem>> -> memref<1x4096xf32, #tpu.memory_space<vmem>>
        %dma_wait3A_495 = tpu.memref_squeeze %dma_wait3A_494 : memref<1x4096xf32, #tpu.memory_space<vmem>> -> memref<4096xf32, #tpu.memory_space<vmem>>
        %dma_wait3A_496 = tpu.memref_slice %arg4[%add3A_264] : memref<33554432xf32, #tpu.memory_space<hbm>> -> memref<4096xf32, #tpu.memory_space<hbm>>
        %dma_wait3A_497 = tpu.memref_slice %arg4[%add3A_264] : memref<33554432xf32, #tpu.memory_space<hbm>> -> memref<4096xf32, #tpu.memory_space<hbm>>
        %dma_wait3A_498 = arith.constant 0 : i32
        %dma_wait3A_499 = tpu.memref_slice %arg7[%run_scoped3A_265, %dma_wait3A_498] : memref<2x16384xf32, #tpu.memory_space<vmem>> -> memref<1x4096xf32, #tpu.memory_space<vmem>>
        %dma_wait3A_500 = tpu.memref_squeeze %dma_wait3A_499 : memref<1x4096xf32, #tpu.memory_space<vmem>> -> memref<4096xf32, #tpu.memory_space<vmem>>
        tpu.wait_dma2 semaphore(%run_scoped3A_484 : memref<!tpu.dma_semaphore, #tpu.memory_space<semaphore_mem>>) src(%dma_wait3A_500 : memref<4096xf32, #tpu.memory_space<vmem>>) dst(%dma_wait3A_497 : memref<4096xf32, #tpu.memory_space<hbm>>)
        tpu.yield
      }) : () -> ()
      %add3A_266 = arith.addi %mul3A_2, %mul3A_247 : i32
      %mul3A_267 = arith.constant 512 : i32
      %mul3A_268 = arith.muli %add3A_266, %mul3A_267 : i32
      %mul3A_269 = arith.constant 8 : i32
      %mul3A_270 = arith.muli %mul3A_268, %mul3A_269 : i32
      %add3A_271 = arith.constant 8388608 : i32
      %add3A_272 = arith.addi %add3A_271, %mul3A_270 : i32
      %run_scoped3A_273 = arith.constant 0 : i32
      "tpu.region"() ({
        %run_scoped3A_484 = tpu.sem_alloc : memref<!tpu.dma_semaphore, #tpu.memory_space<semaphore_mem>>
        %dma_start3A_485 = arith.constant 4096 : i32
        %dma_start3A_486 = tpu.memref_slice %arg7[%run_scoped3A_273, %dma_start3A_485] : memref<2x16384xf32, #tpu.memory_space<vmem>> -> memref<1x4096xf32, #tpu.memory_space<vmem>>
        %dma_start3A_487 = tpu.memref_squeeze %dma_start3A_486 : memref<1x4096xf32, #tpu.memory_space<vmem>> -> memref<4096xf32, #tpu.memory_space<vmem>>
        %dma_start3A_488 = tpu.memref_slice %arg4[%add3A_272] : memref<33554432xf32, #tpu.memory_space<hbm>> -> memref<4096xf32, #tpu.memory_space<hbm>>
        %dma_start3A_489 = tpu.memref_slice %arg4[%add3A_272] : memref<33554432xf32, #tpu.memory_space<hbm>> -> memref<4096xf32, #tpu.memory_space<hbm>>
        %dma_start3A_490 = arith.constant 4096 : i32
        %dma_start3A_491 = tpu.memref_slice %arg7[%run_scoped3A_273, %dma_start3A_490] : memref<2x16384xf32, #tpu.memory_space<vmem>> -> memref<1x4096xf32, #tpu.memory_space<vmem>>
        %dma_start3A_492 = tpu.memref_squeeze %dma_start3A_491 : memref<1x4096xf32, #tpu.memory_space<vmem>> -> memref<4096xf32, #tpu.memory_space<vmem>>
        tpu.enqueue_dma source(%dma_start3A_492 : memref<4096xf32, #tpu.memory_space<vmem>>) target(%dma_start3A_489 : memref<4096xf32, #tpu.memory_space<hbm>>) target_semaphore(%run_scoped3A_484 : memref<!tpu.dma_semaphore, #tpu.memory_space<semaphore_mem>>)
        %dma_wait3A_493 = arith.constant 4096 : i32
        %dma_wait3A_494 = tpu.memref_slice %arg7[%run_scoped3A_273, %dma_wait3A_493] : memref<2x16384xf32, #tpu.memory_space<vmem>> -> memref<1x4096xf32, #tpu.memory_space<vmem>>
        %dma_wait3A_495 = tpu.memref_squeeze %dma_wait3A_494 : memref<1x4096xf32, #tpu.memory_space<vmem>> -> memref<4096xf32, #tpu.memory_space<vmem>>
        %dma_wait3A_496 = tpu.memref_slice %arg4[%add3A_272] : memref<33554432xf32, #tpu.memory_space<hbm>> -> memref<4096xf32, #tpu.memory_space<hbm>>
        %dma_wait3A_497 = tpu.memref_slice %arg4[%add3A_272] : memref<33554432xf32, #tpu.memory_space<hbm>> -> memref<4096xf32, #tpu.memory_space<hbm>>
        %dma_wait3A_498 = arith.constant 4096 : i32
        %dma_wait3A_499 = tpu.memref_slice %arg7[%run_scoped3A_273, %dma_wait3A_498] : memref<2x16384xf32, #tpu.memory_space<vmem>> -> memref<1x4096xf32, #tpu.memory_space<vmem>>
        %dma_wait3A_500 = tpu.memref_squeeze %dma_wait3A_499 : memref<1x4096xf32, #tpu.memory_space<vmem>> -> memref<4096xf32, #tpu.memory_space<vmem>>
        tpu.wait_dma2 semaphore(%run_scoped3A_484 : memref<!tpu.dma_semaphore, #tpu.memory_space<semaphore_mem>>) src(%dma_wait3A_500 : memref<4096xf32, #tpu.memory_space<vmem>>) dst(%dma_wait3A_497 : memref<4096xf32, #tpu.memory_space<hbm>>)
        tpu.yield
      }) : () -> ()
      %add3A_274 = arith.addi %mul3A_2, %mul3A_247 : i32
      %mul3A_275 = arith.constant 512 : i32
      %mul3A_276 = arith.muli %add3A_274, %mul3A_275 : i32
      %mul3A_277 = arith.constant 8 : i32
      %mul3A_278 = arith.muli %mul3A_276, %mul3A_277 : i32
      %add3A_279 = arith.constant 16777216 : i32
      %add3A_280 = arith.addi %add3A_279, %mul3A_278 : i32
      %run_scoped3A_281 = arith.constant 0 : i32
      "tpu.region"() ({
        %run_scoped3A_484 = tpu.sem_alloc : memref<!tpu.dma_semaphore, #tpu.memory_space<semaphore_mem>>
        %dma_start3A_485 = arith.constant 8192 : i32
        %dma_start3A_486 = tpu.memref_slice %arg7[%run_scoped3A_281, %dma_start3A_485] : memref<2x16384xf32, #tpu.memory_space<vmem>> -> memref<1x4096xf32, #tpu.memory_space<vmem>>
        %dma_start3A_487 = tpu.memref_squeeze %dma_start3A_486 : memref<1x4096xf32, #tpu.memory_space<vmem>> -> memref<4096xf32, #tpu.memory_space<vmem>>
        %dma_start3A_488 = tpu.memref_slice %arg4[%add3A_280] : memref<33554432xf32, #tpu.memory_space<hbm>> -> memref<4096xf32, #tpu.memory_space<hbm>>
        %dma_start3A_489 = tpu.memref_slice %arg4[%add3A_280] : memref<33554432xf32, #tpu.memory_space<hbm>> -> memref<4096xf32, #tpu.memory_space<hbm>>
        %dma_start3A_490 = arith.constant 8192 : i32
        %dma_start3A_491 = tpu.memref_slice %arg7[%run_scoped3A_281, %dma_start3A_490] : memref<2x16384xf32, #tpu.memory_space<vmem>> -> memref<1x4096xf32, #tpu.memory_space<vmem>>
        %dma_start3A_492 = tpu.memref_squeeze %dma_start3A_491 : memref<1x4096xf32, #tpu.memory_space<vmem>> -> memref<4096xf32, #tpu.memory_space<vmem>>
        tpu.enqueue_dma source(%dma_start3A_492 : memref<4096xf32, #tpu.memory_space<vmem>>) target(%dma_start3A_489 : memref<4096xf32, #tpu.memory_space<hbm>>) target_semaphore(%run_scoped3A_484 : memref<!tpu.dma_semaphore, #tpu.memory_space<semaphore_mem>>)
        %dma_wait3A_493 = arith.constant 8192 : i32
        %dma_wait3A_494 = tpu.memref_slice %arg7[%run_scoped3A_281, %dma_wait3A_493] : memref<2x16384xf32, #tpu.memory_space<vmem>> -> memref<1x4096xf32, #tpu.memory_space<vmem>>
        %dma_wait3A_495 = tpu.memref_squeeze %dma_wait3A_494 : memref<1x4096xf32, #tpu.memory_space<vmem>> -> memref<4096xf32, #tpu.memory_space<vmem>>
        %dma_wait3A_496 = tpu.memref_slice %arg4[%add3A_280] : memref<33554432xf32, #tpu.memory_space<hbm>> -> memref<4096xf32, #tpu.memory_space<hbm>>
        %dma_wait3A_497 = tpu.memref_slice %arg4[%add3A_280] : memref<33554432xf32, #tpu.memory_space<hbm>> -> memref<4096xf32, #tpu.memory_space<hbm>>
        %dma_wait3A_498 = arith.constant 8192 : i32
        %dma_wait3A_499 = tpu.memref_slice %arg7[%run_scoped3A_281, %dma_wait3A_498] : memref<2x16384xf32, #tpu.memory_space<vmem>> -> memref<1x4096xf32, #tpu.memory_space<vmem>>
        %dma_wait3A_500 = tpu.memref_squeeze %dma_wait3A_499 : memref<1x4096xf32, #tpu.memory_space<vmem>> -> memref<4096xf32, #tpu.memory_space<vmem>>
        tpu.wait_dma2 semaphore(%run_scoped3A_484 : memref<!tpu.dma_semaphore, #tpu.memory_space<semaphore_mem>>) src(%dma_wait3A_500 : memref<4096xf32, #tpu.memory_space<vmem>>) dst(%dma_wait3A_497 : memref<4096xf32, #tpu.memory_space<hbm>>)
        tpu.yield
      }) : () -> ()
      %add3A_282 = arith.addi %mul3A_2, %mul3A_247 : i32
      %mul3A_283 = arith.constant 512 : i32
      %mul3A_284 = arith.muli %add3A_282, %mul3A_283 : i32
      %mul3A_285 = arith.constant 8 : i32
      %mul3A_286 = arith.muli %mul3A_284, %mul3A_285 : i32
      %add3A_287 = arith.constant 25165824 : i32
      %add3A_288 = arith.addi %add3A_287, %mul3A_286 : i32
      %run_scoped3A_289 = arith.constant 0 : i32
      "tpu.region"() ({
        %run_scoped3A_484 = tpu.sem_alloc : memref<!tpu.dma_semaphore, #tpu.memory_space<semaphore_mem>>
        %dma_start3A_485 = arith.constant 12288 : i32
        %dma_start3A_486 = tpu.memref_slice %arg7[%run_scoped3A_289, %dma_start3A_485] : memref<2x16384xf32, #tpu.memory_space<vmem>> -> memref<1x4096xf32, #tpu.memory_space<vmem>>
        %dma_start3A_487 = tpu.memref_squeeze %dma_start3A_486 : memref<1x4096xf32, #tpu.memory_space<vmem>> -> memref<4096xf32, #tpu.memory_space<vmem>>
        %dma_start3A_488 = tpu.memref_slice %arg4[%add3A_288] : memref<33554432xf32, #tpu.memory_space<hbm>> -> memref<4096xf32, #tpu.memory_space<hbm>>
        %dma_start3A_489 = tpu.memref_slice %arg4[%add3A_288] : memref<33554432xf32, #tpu.memory_space<hbm>> -> memref<4096xf32, #tpu.memory_space<hbm>>
        %dma_start3A_490 = arith.constant 12288 : i32
        %dma_start3A_491 = tpu.memref_slice %arg7[%run_scoped3A_289, %dma_start3A_490] : memref<2x16384xf32, #tpu.memory_space<vmem>> -> memref<1x4096xf32, #tpu.memory_space<vmem>>
        %dma_start3A_492 = tpu.memref_squeeze %dma_start3A_491 : memref<1x4096xf32, #tpu.memory_space<vmem>> -> memref<4096xf32, #tpu.memory_space<vmem>>
        tpu.enqueue_dma source(%dma_start3A_492 : memref<4096xf32, #tpu.memory_space<vmem>>) target(%dma_start3A_489 : memref<4096xf32, #tpu.memory_space<hbm>>) target_semaphore(%run_scoped3A_484 : memref<!tpu.dma_semaphore, #tpu.memory_space<semaphore_mem>>)
        %dma_wait3A_493 = arith.constant 12288 : i32
        %dma_wait3A_494 = tpu.memref_slice %arg7[%run_scoped3A_289, %dma_wait3A_493] : memref<2x16384xf32, #tpu.memory_space<vmem>> -> memref<1x4096xf32, #tpu.memory_space<vmem>>
        %dma_wait3A_495 = tpu.memref_squeeze %dma_wait3A_494 : memref<1x4096xf32, #tpu.memory_space<vmem>> -> memref<4096xf32, #tpu.memory_space<vmem>>
        %dma_wait3A_496 = tpu.memref_slice %arg4[%add3A_288] : memref<33554432xf32, #tpu.memory_space<hbm>> -> memref<4096xf32, #tpu.memory_space<hbm>>
        %dma_wait3A_497 = tpu.memref_slice %arg4[%add3A_288] : memref<33554432xf32, #tpu.memory_space<hbm>> -> memref<4096xf32, #tpu.memory_space<hbm>>
        %dma_wait3A_498 = arith.constant 12288 : i32
        %dma_wait3A_499 = tpu.memref_slice %arg7[%run_scoped3A_289, %dma_wait3A_498] : memref<2x16384xf32, #tpu.memory_space<vmem>> -> memref<1x4096xf32, #tpu.memory_space<vmem>>
        %dma_wait3A_500 = tpu.memref_squeeze %dma_wait3A_499 : memref<1x4096xf32, #tpu.memory_space<vmem>> -> memref<4096xf32, #tpu.memory_space<vmem>>
        tpu.wait_dma2 semaphore(%run_scoped3A_484 : memref<!tpu.dma_semaphore, #tpu.memory_space<semaphore_mem>>) src(%dma_wait3A_500 : memref<4096xf32, #tpu.memory_space<vmem>>) dst(%dma_wait3A_497 : memref<4096xf32, #tpu.memory_space<hbm>>)
        tpu.yield
      }) : () -> ()
      %add3A_290 = arith.constant 2 : i32
      %add3A_291 = arith.addi %mul3A_247, %add3A_290 : i32
      %add3A_292 = arith.addi %mul3A_2, %add3A_291 : i32
      %mul3A_293 = arith.constant 512 : i32
      %mul3A_294 = arith.muli %add3A_292, %mul3A_293 : i32
      %add3A_295 = arith.constant 0 : i32
      %add3A_296 = arith.addi %add3A_295, %mul3A_294 : i32
      %dma_start3A_297 = arith.constant 0 : i32
      %dma_start3A_298 = arith.constant 0 : i32
      %dma_start3A_299 = tpu.memref_slice %arg5[%dma_start3A_297, %dma_start3A_298] : memref<2x1536xf32, #tpu.memory_space<vmem>> -> memref<1x512xf32, #tpu.memory_space<vmem>>
      %dma_start3A_300 = tpu.memref_squeeze %dma_start3A_299 : memref<1x512xf32, #tpu.memory_space<vmem>> -> memref<512xf32, #tpu.memory_space<vmem>>
      %dma_start3A_301 = tpu.memref_slice %arg2[%add3A_296] : memref<3145728xf32, #tpu.memory_space<hbm>> -> memref<512xf32, #tpu.memory_space<hbm>>
      %dma_start3A_302 = arith.constant 0 : i32
      %dma_start3A_303 = tpu.memref_slice %arg5[%dma_start3A_297, %dma_start3A_302] : memref<2x1536xf32, #tpu.memory_space<vmem>> -> memref<1x512xf32, #tpu.memory_space<vmem>>
      %dma_start3A_304 = tpu.memref_squeeze %dma_start3A_303 : memref<1x512xf32, #tpu.memory_space<vmem>> -> memref<512xf32, #tpu.memory_space<vmem>>
      %dma_start3A_305 = tpu.memref_slice %arg2[%add3A_296] : memref<3145728xf32, #tpu.memory_space<hbm>> -> memref<512xf32, #tpu.memory_space<hbm>>
      tpu.enqueue_dma source(%dma_start3A_305 : memref<512xf32, #tpu.memory_space<hbm>>) target(%dma_start3A_304 : memref<512xf32, #tpu.memory_space<vmem>>) target_semaphore(%arg8 : memref<!tpu.dma_semaphore, #tpu.memory_space<semaphore_mem>>)
      %add3A_306 = arith.constant 1048576 : i32
      %add3A_307 = arith.addi %add3A_306, %mul3A_294 : i32
      %dma_start3A_308 = arith.constant 0 : i32
      %dma_start3A_309 = arith.constant 512 : i32
      %dma_start3A_310 = tpu.memref_slice %arg5[%dma_start3A_308, %dma_start3A_309] : memref<2x1536xf32, #tpu.memory_space<vmem>> -> memref<1x512xf32, #tpu.memory_space<vmem>>
      %dma_start3A_311 = tpu.memref_squeeze %dma_start3A_310 : memref<1x512xf32, #tpu.memory_space<vmem>> -> memref<512xf32, #tpu.memory_space<vmem>>
      %dma_start3A_312 = tpu.memref_slice %arg2[%add3A_307] : memref<3145728xf32, #tpu.memory_space<hbm>> -> memref<512xf32, #tpu.memory_space<hbm>>
      %dma_start3A_313 = arith.constant 512 : i32
      %dma_start3A_314 = tpu.memref_slice %arg5[%dma_start3A_308, %dma_start3A_313] : memref<2x1536xf32, #tpu.memory_space<vmem>> -> memref<1x512xf32, #tpu.memory_space<vmem>>
      %dma_start3A_315 = tpu.memref_squeeze %dma_start3A_314 : memref<1x512xf32, #tpu.memory_space<vmem>> -> memref<512xf32, #tpu.memory_space<vmem>>
      %dma_start3A_316 = tpu.memref_slice %arg2[%add3A_307] : memref<3145728xf32, #tpu.memory_space<hbm>> -> memref<512xf32, #tpu.memory_space<hbm>>
      tpu.enqueue_dma source(%dma_start3A_316 : memref<512xf32, #tpu.memory_space<hbm>>) target(%dma_start3A_315 : memref<512xf32, #tpu.memory_space<vmem>>) target_semaphore(%arg8 : memref<!tpu.dma_semaphore, #tpu.memory_space<semaphore_mem>>)
      %add3A_317 = arith.constant 2097152 : i32
      %add3A_318 = arith.addi %add3A_317, %mul3A_294 : i32
      %dma_start3A_319 = arith.constant 0 : i32
      %dma_start3A_320 = arith.constant 1024 : i32
      %dma_start3A_321 = tpu.memref_slice %arg5[%dma_start3A_319, %dma_start3A_320] : memref<2x1536xf32, #tpu.memory_space<vmem>> -> memref<1x512xf32, #tpu.memory_space<vmem>>
      %dma_start3A_322 = tpu.memref_squeeze %dma_start3A_321 : memref<1x512xf32, #tpu.memory_space<vmem>> -> memref<512xf32, #tpu.memory_space<vmem>>
      %dma_start3A_323 = tpu.memref_slice %arg2[%add3A_318] : memref<3145728xf32, #tpu.memory_space<hbm>> -> memref<512xf32, #tpu.memory_space<hbm>>
      %dma_start3A_324 = arith.constant 1024 : i32
      %dma_start3A_325 = tpu.memref_slice %arg5[%dma_start3A_319, %dma_start3A_324] : memref<2x1536xf32, #tpu.memory_space<vmem>> -> memref<1x512xf32, #tpu.memory_space<vmem>>
      %dma_start3A_326 = tpu.memref_squeeze %dma_start3A_325 : memref<1x512xf32, #tpu.memory_space<vmem>> -> memref<512xf32, #tpu.memory_space<vmem>>
      %dma_start3A_327 = tpu.memref_slice %arg2[%add3A_318] : memref<3145728xf32, #tpu.memory_space<hbm>> -> memref<512xf32, #tpu.memory_space<hbm>>
      tpu.enqueue_dma source(%dma_start3A_327 : memref<512xf32, #tpu.memory_space<hbm>>) target(%dma_start3A_326 : memref<512xf32, #tpu.memory_space<vmem>>) target_semaphore(%arg8 : memref<!tpu.dma_semaphore, #tpu.memory_space<semaphore_mem>>)
      %dma_wait3A_328 = arith.constant 0 : i32
      %dma_wait3A_329 = arith.constant 0 : i32
      %dma_wait3A_330 = tpu.memref_slice %arg5[%dma_wait3A_328, %dma_wait3A_329] : memref<2x1536xf32, #tpu.memory_space<vmem>> -> memref<1x1536xf32, #tpu.memory_space<vmem>>
      %dma_wait3A_331 = tpu.memref_squeeze %dma_wait3A_330 : memref<1x1536xf32, #tpu.memory_space<vmem>> -> memref<1536xf32, #tpu.memory_space<vmem>>
      %dma_wait3A_332 = arith.constant 0 : i32
      %dma_wait3A_333 = tpu.memref_slice %arg2[%dma_wait3A_332] : memref<3145728xf32, #tpu.memory_space<hbm>> -> memref<1536xf32, #tpu.memory_space<hbm>>
      %dma_wait3A_334 = arith.constant 0 : i32
      %dma_wait3A_335 = tpu.memref_slice %arg5[%dma_wait3A_328, %dma_wait3A_334] : memref<2x1536xf32, #tpu.memory_space<vmem>> -> memref<1x1536xf32, #tpu.memory_space<vmem>>
      %dma_wait3A_336 = tpu.memref_squeeze %dma_wait3A_335 : memref<1x1536xf32, #tpu.memory_space<vmem>> -> memref<1536xf32, #tpu.memory_space<vmem>>
      %dma_wait3A_337 = arith.constant 0 : i32
      %dma_wait3A_338 = tpu.memref_slice %arg2[%dma_wait3A_337] : memref<3145728xf32, #tpu.memory_space<hbm>> -> memref<1536xf32, #tpu.memory_space<hbm>>
      tpu.wait_dma2 semaphore(%arg8 : memref<!tpu.dma_semaphore, #tpu.memory_space<semaphore_mem>>) src(%dma_wait3A_338 : memref<1536xf32, #tpu.memory_space<hbm>>) dst(%dma_wait3A_336 : memref<1536xf32, #tpu.memory_space<vmem>>)
      %scan3A_339 = arith.constant 0 : i32
      %scan3A_340 = arith.constant 0 : i32
      %scan3A_341 = arith.constant 32 : i32
      %scan3A_342 = arith.addi %scan3A_340, %scan3A_341 : i32
      %scan3A_343 = arith.constant 1 : i32
      scf.for %scan3A_484 = %scan3A_340 to %scan3A_342 step %scan3A_343  : i32 {
        %mul3A_485 = arith.constant 16 : i32
        %mul3A_486 = arith.muli %scan3A_484, %mul3A_485 : i32
        %get3A = arith.constant 0 : i32
        %get3A_487 = arith.index_cast %get3A : i32 to index
        %get3A_488 = arith.index_cast %mul3A_486 : i32 to index
        %get3A_489 = tpu.vector_load %arg5[%get3A_487, %get3A_488] {strides = array<i32>} : memref<2x1536xf32, #tpu.memory_space<vmem>>, vector<16xf32>,
        %mul3A_490 = arith.constant 16 : i32
        %mul3A_491 = arith.muli %scan3A_484, %mul3A_490 : i32
        %add3A_492 = arith.constant 512 : i32
        %add3A_493 = arith.addi %add3A_492, %mul3A_491 : i32
        %get3A_494 = arith.constant 0 : i32
        %get3A_495 = arith.index_cast %get3A_494 : i32 to index
        %get3A_496 = arith.index_cast %add3A_493 : i32 to index
        %get3A_497 = tpu.vector_load %arg5[%get3A_495, %get3A_496] {strides = array<i32>} : memref<2x1536xf32, #tpu.memory_space<vmem>>, vector<16xf32>,
        %mul3A_498 = arith.constant 16 : i32
        %mul3A_499 = arith.muli %scan3A_484, %mul3A_498 : i32
        %add3A_500 = arith.constant 1024 : i32
        %add3A_501 = arith.addi %add3A_500, %mul3A_499 : i32
        %get3A_502 = arith.constant 0 : i32
        %get3A_503 = arith.index_cast %get3A_502 : i32 to index
        %get3A_504 = arith.index_cast %add3A_501 : i32 to index
        %get3A_505 = tpu.vector_load %arg5[%get3A_503, %get3A_504] {strides = array<i32>} : memref<2x1536xf32, #tpu.memory_space<vmem>>, vector<16xf32>,
        %shift_right_arithmetic3A = arith.constant 3 : i32
        %shift_right_arithmetic3A_506 = arith.shrsi %scan3A_484, %shift_right_arithmetic3A : i32
        %mul3A_507 = arith.constant 1024 : i32
        %mul3A_508 = arith.muli %shift_right_arithmetic3A_506, %mul3A_507 : i32
        %and3A = arith.constant 7 : i32
        %and3A_509 = arith.andi %scan3A_484, %and3A : i32
        %mul3A_510 = arith.constant 16 : i32
        %mul3A_511 = arith.muli %and3A_509, %mul3A_510 : i32
        %add3A_512 = arith.addi %mul3A_508, %mul3A_511 : i32
        %add3A_513 = vector.broadcast %add3A_512 : i32 to vector<16xi32>
        %add3A_514 = arith.addi %add3A_513, %iota3A : vector<16xi32>
        %mul3A_515 = arith.constant 1.600000e+01 : f32
        %mul3A_516 = vector.broadcast %mul3A_515 : f32 to vector<16xf32>
        %mul3A_517 = arith.mulf %get3A_489, %mul3A_516 : vector<16xf32>
        %convert_element_type3A = arith.fptosi %mul3A_517 : vector<16xf32> to vector<16xi32>
        %mul3A_518 = arith.constant 1.600000e+01 : f32
        %mul3A_519 = vector.broadcast %mul3A_518 : f32 to vector<16xf32>
        %mul3A_520 = arith.mulf %get3A_497, %mul3A_519 : vector<16xf32>
        %convert_element_type3A_521 = arith.fptosi %mul3A_520 : vector<16xf32> to vector<16xi32>
        %mul3A_522 = arith.constant 1.600000e+01 : f32
        %mul3A_523 = vector.broadcast %mul3A_522 : f32 to vector<16xf32>
        %mul3A_524 = arith.mulf %get3A_505, %mul3A_523 : vector<16xf32>
        %convert_element_type3A_525 = arith.fptosi %mul3A_524 : vector<16xf32> to vector<16xi32>
        %mul3A_526 = arith.constant 73856093 : i32
        %mul3A_527 = vector.broadcast %mul3A_526 : i32 to vector<16xi32>
        %mul3A_528 = arith.muli %convert_element_type3A, %mul3A_527 : vector<16xi32>
        %mul3A_529 = arith.constant 19349663 : i32
        %mul3A_530 = vector.broadcast %mul3A_529 : i32 to vector<16xi32>
        %mul3A_531 = arith.muli %convert_element_type3A_521, %mul3A_530 : vector<16xi32>
        %xor3A = arith.xori %mul3A_528, %mul3A_531 : vector<16xi32>
        %mul3A_532 = arith.constant 83492791 : i32
        %mul3A_533 = vector.broadcast %mul3A_532 : i32 to vector<16xi32>
        %mul3A_534 = arith.muli %convert_element_type3A_525, %mul3A_533 : vector<16xi32>
        %xor3A_535 = arith.xori %xor3A, %mul3A_534 : vector<16xi32>
        %and3A_536 = arith.constant 524287 : i32
        %and3A_537 = vector.broadcast %and3A_536 : i32 to vector<16xi32>
        %and3A_538 = arith.andi %xor3A_535, %and3A_537 : vector<16xi32>
        %shift_right_arithmetic3A_539 = arith.constant 7 : i32
        %shift_right_arithmetic3A_540 = vector.broadcast %shift_right_arithmetic3A_539 : i32 to vector<16xi32>
        %shift_right_arithmetic3A_541 = arith.shrsi %and3A_538, %shift_right_arithmetic3A_540 : vector<16xi32>
        %shift_left3A = arith.constant 8 : i32
        %shift_left3A_542 = vector.broadcast %shift_left3A : i32 to vector<16xi32>
        %shift_left3A_543 = arith.shli %shift_right_arithmetic3A_541, %shift_left3A_542 : vector<16xi32>
        %and3A_544 = arith.constant 127 : i32
        %and3A_545 = vector.broadcast %and3A_544 : i32 to vector<16xi32>
        %and3A_546 = arith.andi %and3A_538, %and3A_545 : vector<16xi32>
        %add3A_547 = arith.addi %shift_left3A_543, %and3A_546 : vector<16xi32>
        %add3A_548 = arith.constant 0 : i32
        %add3A_549 = vector.broadcast %add3A_548 : i32 to vector<16xi32>
        %add3A_550 = arith.addi %add3A_547, %add3A_549 : vector<16xi32>
        %add3A_551 = arith.constant 0 : i32
        %add3A_552 = vector.broadcast %add3A_551 : i32 to vector<16xi32>
        %add3A_553 = arith.addi %add3A_514, %add3A_552 : vector<16xi32>
        %add3A_554 = arith.constant 0 : i32
        %add3A_555 = vector.broadcast %add3A_554 : i32 to vector<16xi32>
        %add3A_556 = arith.addi %add3A_550, %add3A_555 : vector<16xi32>
        %scatter3A = arith.constant 0 : i32
        %scatter3A_557 = arith.constant 0 : i32
        %scatter3A_558 = tpu.memref_slice %arg6[%scatter3A, %scatter3A_557] : memref<2x16384xi32, #tpu.memory_space<vmem>> -> memref<1x16384xi32, #tpu.memory_space<vmem>>
        %scatter3A_559 = tpu.memref_squeeze %scatter3A_558 : memref<1x16384xi32, #tpu.memory_space<vmem>> -> memref<16384xi32, #tpu.memory_space<vmem>>
        tpu.vector_store_idx %scatter3A_559[%add3A_553], %add3A_556 : memref<16384xi32, #tpu.memory_space<vmem>>[vector<16xi32>], vector<16xi32>,
        %add3A_560 = arith.constant 128 : i32
        %add3A_561 = vector.broadcast %add3A_560 : i32 to vector<16xi32>
        %add3A_562 = arith.addi %add3A_514, %add3A_561 : vector<16xi32>
        %add3A_563 = arith.constant 128 : i32
        %add3A_564 = vector.broadcast %add3A_563 : i32 to vector<16xi32>
        %add3A_565 = arith.addi %add3A_550, %add3A_564 : vector<16xi32>
        %scatter3A_566 = arith.constant 0 : i32
        %scatter3A_567 = arith.constant 0 : i32
        %scatter3A_568 = tpu.memref_slice %arg6[%scatter3A_566, %scatter3A_567] : memref<2x16384xi32, #tpu.memory_space<vmem>> -> memref<1x16384xi32, #tpu.memory_space<vmem>>
        %scatter3A_569 = tpu.memref_squeeze %scatter3A_568 : memref<1x16384xi32, #tpu.memory_space<vmem>> -> memref<16384xi32, #tpu.memory_space<vmem>>
        tpu.vector_store_idx %scatter3A_569[%add3A_562], %add3A_565 : memref<16384xi32, #tpu.memory_space<vmem>>[vector<16xi32>], vector<16xi32>,
        %mul3A_570 = arith.constant 2.400000e+01 : f32
        %mul3A_571 = vector.broadcast %mul3A_570 : f32 to vector<16xf32>
        %mul3A_572 = arith.mulf %get3A_489, %mul3A_571 : vector<16xf32>
        %convert_element_type3A_573 = arith.fptosi %mul3A_572 : vector<16xf32> to vector<16xi32>
        %mul3A_574 = arith.constant 2.400000e+01 : f32
        %mul3A_575 = vector.broadcast %mul3A_574 : f32 to vector<16xf32>
        %mul3A_576 = arith.mulf %get3A_497, %mul3A_575 : vector<16xf32>
        %convert_element_type3A_577 = arith.fptosi %mul3A_576 : vector<16xf32> to vector<16xi32>
        %mul3A_578 = arith.constant 2.400000e+01 : f32
        %mul3A_579 = vector.broadcast %mul3A_578 : f32 to vector<16xf32>
        %mul3A_580 = arith.mulf %get3A_505, %mul3A_579 : vector<16xf32>
        %convert_element_type3A_581 = arith.fptosi %mul3A_580 : vector<16xf32> to vector<16xi32>
        %mul3A_582 = arith.constant 73856093 : i32
        %mul3A_583 = vector.broadcast %mul3A_582 : i32 to vector<16xi32>
        %mul3A_584 = arith.muli %convert_element_type3A_573, %mul3A_583 : vector<16xi32>
        %mul3A_585 = arith.constant 19349663 : i32
        %mul3A_586 = vector.broadcast %mul3A_585 : i32 to vector<16xi32>
        %mul3A_587 = arith.muli %convert_element_type3A_577, %mul3A_586 : vector<16xi32>
        %xor3A_588 = arith.xori %mul3A_584, %mul3A_587 : vector<16xi32>
        %mul3A_589 = arith.constant 83492791 : i32
        %mul3A_590 = vector.broadcast %mul3A_589 : i32 to vector<16xi32>
        %mul3A_591 = arith.muli %convert_element_type3A_581, %mul3A_590 : vector<16xi32>
        %xor3A_592 = arith.xori %xor3A_588, %mul3A_591 : vector<16xi32>
        %and3A_593 = arith.constant 524287 : i32
        %and3A_594 = vector.broadcast %and3A_593 : i32 to vector<16xi32>
        %and3A_595 = arith.andi %xor3A_592, %and3A_594 : vector<16xi32>
        %shift_right_arithmetic3A_596 = arith.constant 7 : i32
        %shift_right_arithmetic3A_597 = vector.broadcast %shift_right_arithmetic3A_596 : i32 to vector<16xi32>
        %shift_right_arithmetic3A_598 = arith.shrsi %and3A_595, %shift_right_arithmetic3A_597 : vector<16xi32>
        %shift_left3A_599 = arith.constant 8 : i32
        %shift_left3A_600 = vector.broadcast %shift_left3A_599 : i32 to vector<16xi32>
        %shift_left3A_601 = arith.shli %shift_right_arithmetic3A_598, %shift_left3A_600 : vector<16xi32>
        %and3A_602 = arith.constant 127 : i32
        %and3A_603 = vector.broadcast %and3A_602 : i32 to vector<16xi32>
        %and3A_604 = arith.andi %and3A_595, %and3A_603 : vector<16xi32>
        %add3A_605 = arith.addi %shift_left3A_601, %and3A_604 : vector<16xi32>
        %add3A_606 = arith.constant 1048576 : i32
        %add3A_607 = vector.broadcast %add3A_606 : i32 to vector<16xi32>
        %add3A_608 = arith.addi %add3A_605, %add3A_607 : vector<16xi32>
        %add3A_609 = arith.constant 256 : i32
        %add3A_610 = vector.broadcast %add3A_609 : i32 to vector<16xi32>
        %add3A_611 = arith.addi %add3A_514, %add3A_610 : vector<16xi32>
        %add3A_612 = arith.constant 0 : i32
        %add3A_613 = vector.broadcast %add3A_612 : i32 to vector<16xi32>
        %add3A_614 = arith.addi %add3A_608, %add3A_613 : vector<16xi32>
        %scatter3A_615 = arith.constant 0 : i32
        %scatter3A_616 = arith.constant 0 : i32
        %scatter3A_617 = tpu.memref_slice %arg6[%scatter3A_615, %scatter3A_616] : memref<2x16384xi32, #tpu.memory_space<vmem>> -> memref<1x16384xi32, #tpu.memory_space<vmem>>
        %scatter3A_618 = tpu.memref_squeeze %scatter3A_617 : memref<1x16384xi32, #tpu.memory_space<vmem>> -> memref<16384xi32, #tpu.memory_space<vmem>>
        tpu.vector_store_idx %scatter3A_618[%add3A_611], %add3A_614 : memref<16384xi32, #tpu.memory_space<vmem>>[vector<16xi32>], vector<16xi32>,
        %add3A_619 = arith.constant 384 : i32
        %add3A_620 = vector.broadcast %add3A_619 : i32 to vector<16xi32>
        %add3A_621 = arith.addi %add3A_514, %add3A_620 : vector<16xi32>
        %add3A_622 = arith.constant 128 : i32
        %add3A_623 = vector.broadcast %add3A_622 : i32 to vector<16xi32>
        %add3A_624 = arith.addi %add3A_608, %add3A_623 : vector<16xi32>
        %scatter3A_625 = arith.constant 0 : i32
        %scatter3A_626 = arith.constant 0 : i32
        %scatter3A_627 = tpu.memref_slice %arg6[%scatter3A_625, %scatter3A_626] : memref<2x16384xi32, #tpu.memory_space<vmem>> -> memref<1x16384xi32, #tpu.memory_space<vmem>>
        %scatter3A_628 = tpu.memref_squeeze %scatter3A_627 : memref<1x16384xi32, #tpu.memory_space<vmem>> -> memref<16384xi32, #tpu.memory_space<vmem>>
        tpu.vector_store_idx %scatter3A_628[%add3A_621], %add3A_624 : memref<16384xi32, #tpu.memory_space<vmem>>[vector<16xi32>], vector<16xi32>,
        %mul3A_629 = arith.constant 3.600000e+01 : f32
        %mul3A_630 = vector.broadcast %mul3A_629 : f32 to vector<16xf32>
        %mul3A_631 = arith.mulf %get3A_489, %mul3A_630 : vector<16xf32>
        %convert_element_type3A_632 = arith.fptosi %mul3A_631 : vector<16xf32> to vector<16xi32>
        %mul3A_633 = arith.constant 3.600000e+01 : f32
        %mul3A_634 = vector.broadcast %mul3A_633 : f32 to vector<16xf32>
        %mul3A_635 = arith.mulf %get3A_497, %mul3A_634 : vector<16xf32>
        %convert_element_type3A_636 = arith.fptosi %mul3A_635 : vector<16xf32> to vector<16xi32>
        %mul3A_637 = arith.constant 3.600000e+01 : f32
        %mul3A_638 = vector.broadcast %mul3A_637 : f32 to vector<16xf32>
        %mul3A_639 = arith.mulf %get3A_505, %mul3A_638 : vector<16xf32>
        %convert_element_type3A_640 = arith.fptosi %mul3A_639 : vector<16xf32> to vector<16xi32>
        %mul3A_641 = arith.constant 73856093 : i32
        %mul3A_642 = vector.broadcast %mul3A_641 : i32 to vector<16xi32>
        %mul3A_643 = arith.muli %convert_element_type3A_632, %mul3A_642 : vector<16xi32>
        %mul3A_644 = arith.constant 19349663 : i32
        %mul3A_645 = vector.broadcast %mul3A_644 : i32 to vector<16xi32>
        %mul3A_646 = arith.muli %convert_element_type3A_636, %mul3A_645 : vector<16xi32>
        %xor3A_647 = arith.xori %mul3A_643, %mul3A_646 : vector<16xi32>
        %mul3A_648 = arith.constant 83492791 : i32
        %mul3A_649 = vector.broadcast %mul3A_648 : i32 to vector<16xi32>
        %mul3A_650 = arith.muli %convert_element_type3A_640, %mul3A_649 : vector<16xi32>
        %xor3A_651 = arith.xori %xor3A_647, %mul3A_650 : vector<16xi32>
        %and3A_652 = arith.constant 524287 : i32
        %and3A_653 = vector.broadcast %and3A_652 : i32 to vector<16xi32>
        %and3A_654 = arith.andi %xor3A_651, %and3A_653 : vector<16xi32>
        %shift_right_arithmetic3A_655 = arith.constant 7 : i32
        %shift_right_arithmetic3A_656 = vector.broadcast %shift_right_arithmetic3A_655 : i32 to vector<16xi32>
        %shift_right_arithmetic3A_657 = arith.shrsi %and3A_654, %shift_right_arithmetic3A_656 : vector<16xi32>
        %shift_left3A_658 = arith.constant 8 : i32
        %shift_left3A_659 = vector.broadcast %shift_left3A_658 : i32 to vector<16xi32>
        %shift_left3A_660 = arith.shli %shift_right_arithmetic3A_657, %shift_left3A_659 : vector<16xi32>
        %and3A_661 = arith.constant 127 : i32
        %and3A_662 = vector.broadcast %and3A_661 : i32 to vector<16xi32>
        %and3A_663 = arith.andi %and3A_654, %and3A_662 : vector<16xi32>
        %add3A_664 = arith.addi %shift_left3A_660, %and3A_663 : vector<16xi32>
        %add3A_665 = arith.constant 2097152 : i32
        %add3A_666 = vector.broadcast %add3A_665 : i32 to vector<16xi32>
        %add3A_667 = arith.addi %add3A_664, %add3A_666 : vector<16xi32>
        %add3A_668 = arith.constant 512 : i32
        %add3A_669 = vector.broadcast %add3A_668 : i32 to vector<16xi32>
        %add3A_670 = arith.addi %add3A_514, %add3A_669 : vector<16xi32>
        %add3A_671 = arith.constant 0 : i32
        %add3A_672 = vector.broadcast %add3A_671 : i32 to vector<16xi32>
        %add3A_673 = arith.addi %add3A_667, %add3A_672 : vector<16xi32>
        %scatter3A_674 = arith.constant 0 : i32
        %scatter3A_675 = arith.constant 0 : i32
        %scatter3A_676 = tpu.memref_slice %arg6[%scatter3A_674, %scatter3A_675] : memref<2x16384xi32, #tpu.memory_space<vmem>> -> memref<1x16384xi32, #tpu.memory_space<vmem>>
        %scatter3A_677 = tpu.memref_squeeze %scatter3A_676 : memref<1x16384xi32, #tpu.memory_space<vmem>> -> memref<16384xi32, #tpu.memory_space<vmem>>
        tpu.vector_store_idx %scatter3A_677[%add3A_670], %add3A_673 : memref<16384xi32, #tpu.memory_space<vmem>>[vector<16xi32>], vector<16xi32>,
        %add3A_678 = arith.constant 640 : i32
        %add3A_679 = vector.broadcast %add3A_678 : i32 to vector<16xi32>
        %add3A_680 = arith.addi %add3A_514, %add3A_679 : vector<16xi32>
        %add3A_681 = arith.constant 128 : i32
        %add3A_682 = vector.broadcast %add3A_681 : i32 to vector<16xi32>
        %add3A_683 = arith.addi %add3A_667, %add3A_682 : vector<16xi32>
        %scatter3A_684 = arith.constant 0 : i32
        %scatter3A_685 = arith.constant 0 : i32
        %scatter3A_686 = tpu.memref_slice %arg6[%scatter3A_684, %scatter3A_685] : memref<2x16384xi32, #tpu.memory_space<vmem>> -> memref<1x16384xi32, #tpu.memory_space<vmem>>
        %scatter3A_687 = tpu.memref_squeeze %scatter3A_686 : memref<1x16384xi32, #tpu.memory_space<vmem>> -> memref<16384xi32, #tpu.memory_space<vmem>>
        tpu.vector_store_idx %scatter3A_687[%add3A_680], %add3A_683 : memref<16384xi32, #tpu.memory_space<vmem>>[vector<16xi32>], vector<16xi32>,
        %mul3A_688 = arith.constant 5.400000e+01 : f32
        %mul3A_689 = vector.broadcast %mul3A_688 : f32 to vector<16xf32>
        %mul3A_690 = arith.mulf %get3A_489, %mul3A_689 : vector<16xf32>
        %convert_element_type3A_691 = arith.fptosi %mul3A_690 : vector<16xf32> to vector<16xi32>
        %mul3A_692 = arith.constant 5.400000e+01 : f32
        %mul3A_693 = vector.broadcast %mul3A_692 : f32 to vector<16xf32>
        %mul3A_694 = arith.mulf %get3A_497, %mul3A_693 : vector<16xf32>
        %convert_element_type3A_695 = arith.fptosi %mul3A_694 : vector<16xf32> to vector<16xi32>
        %mul3A_696 = arith.constant 5.400000e+01 : f32
        %mul3A_697 = vector.broadcast %mul3A_696 : f32 to vector<16xf32>
        %mul3A_698 = arith.mulf %get3A_505, %mul3A_697 : vector<16xf32>
        %convert_element_type3A_699 = arith.fptosi %mul3A_698 : vector<16xf32> to vector<16xi32>
        %mul3A_700 = arith.constant 73856093 : i32
        %mul3A_701 = vector.broadcast %mul3A_700 : i32 to vector<16xi32>
        %mul3A_702 = arith.muli %convert_element_type3A_691, %mul3A_701 : vector<16xi32>
        %mul3A_703 = arith.constant 19349663 : i32
        %mul3A_704 = vector.broadcast %mul3A_703 : i32 to vector<16xi32>
        %mul3A_705 = arith.muli %convert_element_type3A_695, %mul3A_704 : vector<16xi32>
        %xor3A_706 = arith.xori %mul3A_702, %mul3A_705 : vector<16xi32>
        %mul3A_707 = arith.constant 83492791 : i32
        %mul3A_708 = vector.broadcast %mul3A_707 : i32 to vector<16xi32>
        %mul3A_709 = arith.muli %convert_element_type3A_699, %mul3A_708 : vector<16xi32>
        %xor3A_710 = arith.xori %xor3A_706, %mul3A_709 : vector<16xi32>
        %and3A_711 = arith.constant 524287 : i32
        %and3A_712 = vector.broadcast %and3A_711 : i32 to vector<16xi32>
        %and3A_713 = arith.andi %xor3A_710, %and3A_712 : vector<16xi32>
        %shift_right_arithmetic3A_714 = arith.constant 7 : i32
        %shift_right_arithmetic3A_715 = vector.broadcast %shift_right_arithmetic3A_714 : i32 to vector<16xi32>
        %shift_right_arithmetic3A_716 = arith.shrsi %and3A_713, %shift_right_arithmetic3A_715 : vector<16xi32>
        %shift_left3A_717 = arith.constant 8 : i32
        %shift_left3A_718 = vector.broadcast %shift_left3A_717 : i32 to vector<16xi32>
        %shift_left3A_719 = arith.shli %shift_right_arithmetic3A_716, %shift_left3A_718 : vector<16xi32>
        %and3A_720 = arith.constant 127 : i32
        %and3A_721 = vector.broadcast %and3A_720 : i32 to vector<16xi32>
        %and3A_722 = arith.andi %and3A_713, %and3A_721 : vector<16xi32>
        %add3A_723 = arith.addi %shift_left3A_719, %and3A_722 : vector<16xi32>
        %add3A_724 = arith.constant 3145728 : i32
        %add3A_725 = vector.broadcast %add3A_724 : i32 to vector<16xi32>
        %add3A_726 = arith.addi %add3A_723, %add3A_725 : vector<16xi32>
        %add3A_727 = arith.constant 768 : i32
        %add3A_728 = vector.broadcast %add3A_727 : i32 to vector<16xi32>
        %add3A_729 = arith.addi %add3A_514, %add3A_728 : vector<16xi32>
        %add3A_730 = arith.constant 0 : i32
        %add3A_731 = vector.broadcast %add3A_730 : i32 to vector<16xi32>
        %add3A_732 = arith.addi %add3A_726, %add3A_731 : vector<16xi32>
        %scatter3A_733 = arith.constant 0 : i32
        %scatter3A_734 = arith.constant 0 : i32
        %scatter3A_735 = tpu.memref_slice %arg6[%scatter3A_733, %scatter3A_734] : memref<2x16384xi32, #tpu.memory_space<vmem>> -> memref<1x16384xi32, #tpu.memory_space<vmem>>
        %scatter3A_736 = tpu.memref_squeeze %scatter3A_735 : memref<1x16384xi32, #tpu.memory_space<vmem>> -> memref<16384xi32, #tpu.memory_space<vmem>>
        tpu.vector_store_idx %scatter3A_736[%add3A_729], %add3A_732 : memref<16384xi32, #tpu.memory_space<vmem>>[vector<16xi32>], vector<16xi32>,
        %add3A_737 = arith.constant 896 : i32
        %add3A_738 = vector.broadcast %add3A_737 : i32 to vector<16xi32>
        %add3A_739 = arith.addi %add3A_514, %add3A_738 : vector<16xi32>
        %add3A_740 = arith.constant 128 : i32
        %add3A_741 = vector.broadcast %add3A_740 : i32 to vector<16xi32>
        %add3A_742 = arith.addi %add3A_726, %add3A_741 : vector<16xi32>
        %scatter3A_743 = arith.constant 0 : i32
        %scatter3A_744 = arith.constant 0 : i32
        %scatter3A_745 = tpu.memref_slice %arg6[%scatter3A_743, %scatter3A_744] : memref<2x16384xi32, #tpu.memory_space<vmem>> -> memref<1x16384xi32, #tpu.memory_space<vmem>>
        %scatter3A_746 = tpu.memref_squeeze %scatter3A_745 : memref<1x16384xi32, #tpu.memory_space<vmem>> -> memref<16384xi32, #tpu.memory_space<vmem>>
        tpu.vector_store_idx %scatter3A_746[%add3A_739], %add3A_742 : memref<16384xi32, #tpu.memory_space<vmem>>[vector<16xi32>], vector<16xi32>,
        %mul3A_747 = arith.constant 8.100000e+01 : f32
        %mul3A_748 = vector.broadcast %mul3A_747 : f32 to vector<16xf32>
        %mul3A_749 = arith.mulf %get3A_489, %mul3A_748 : vector<16xf32>
        %convert_element_type3A_750 = arith.fptosi %mul3A_749 : vector<16xf32> to vector<16xi32>
        %mul3A_751 = arith.constant 8.100000e+01 : f32
        %mul3A_752 = vector.broadcast %mul3A_751 : f32 to vector<16xf32>
        %mul3A_753 = arith.mulf %get3A_497, %mul3A_752 : vector<16xf32>
        %convert_element_type3A_754 = arith.fptosi %mul3A_753 : vector<16xf32> to vector<16xi32>
        %mul3A_755 = arith.constant 8.100000e+01 : f32
        %mul3A_756 = vector.broadcast %mul3A_755 : f32 to vector<16xf32>
        %mul3A_757 = arith.mulf %get3A_505, %mul3A_756 : vector<16xf32>
        %convert_element_type3A_758 = arith.fptosi %mul3A_757 : vector<16xf32> to vector<16xi32>
        %mul3A_759 = arith.constant 73856093 : i32
        %mul3A_760 = vector.broadcast %mul3A_759 : i32 to vector<16xi32>
        %mul3A_761 = arith.muli %convert_element_type3A_750, %mul3A_760 : vector<16xi32>
        %mul3A_762 = arith.constant 19349663 : i32
        %mul3A_763 = vector.broadcast %mul3A_762 : i32 to vector<16xi32>
        %mul3A_764 = arith.muli %convert_element_type3A_754, %mul3A_763 : vector<16xi32>
        %xor3A_765 = arith.xori %mul3A_761, %mul3A_764 : vector<16xi32>
        %mul3A_766 = arith.constant 83492791 : i32
        %mul3A_767 = vector.broadcast %mul3A_766 : i32 to vector<16xi32>
        %mul3A_768 = arith.muli %convert_element_type3A_758, %mul3A_767 : vector<16xi32>
        %xor3A_769 = arith.xori %xor3A_765, %mul3A_768 : vector<16xi32>
        %and3A_770 = arith.constant 524287 : i32
        %and3A_771 = vector.broadcast %and3A_770 : i32 to vector<16xi32>
        %and3A_772 = arith.andi %xor3A_769, %and3A_771 : vector<16xi32>
        %shift_right_arithmetic3A_773 = arith.constant 7 : i32
        %shift_right_arithmetic3A_774 = vector.broadcast %shift_right_arithmetic3A_773 : i32 to vector<16xi32>
        %shift_right_arithmetic3A_775 = arith.shrsi %and3A_772, %shift_right_arithmetic3A_774 : vector<16xi32>
        %shift_left3A_776 = arith.constant 8 : i32
        %shift_left3A_777 = vector.broadcast %shift_left3A_776 : i32 to vector<16xi32>
        %shift_left3A_778 = arith.shli %shift_right_arithmetic3A_775, %shift_left3A_777 : vector<16xi32>
        %and3A_779 = arith.constant 127 : i32
        %and3A_780 = vector.broadcast %and3A_779 : i32 to vector<16xi32>
        %and3A_781 = arith.andi %and3A_772, %and3A_780 : vector<16xi32>
        %add3A_782 = arith.addi %shift_left3A_778, %and3A_781 : vector<16xi32>
        %add3A_783 = arith.constant 4194304 : i32
        %add3A_784 = vector.broadcast %add3A_783 : i32 to vector<16xi32>
        %add3A_785 = arith.addi %add3A_782, %add3A_784 : vector<16xi32>
        %add3A_786 = arith.constant 4096 : i32
        %add3A_787 = vector.broadcast %add3A_786 : i32 to vector<16xi32>
        %add3A_788 = arith.addi %add3A_514, %add3A_787 : vector<16xi32>
        %add3A_789 = arith.constant 0 : i32
        %add3A_790 = vector.broadcast %add3A_789 : i32 to vector<16xi32>
        %add3A_791 = arith.addi %add3A_785, %add3A_790 : vector<16xi32>
        %scatter3A_792 = arith.constant 0 : i32
        %scatter3A_793 = arith.constant 0 : i32
        %scatter3A_794 = tpu.memref_slice %arg6[%scatter3A_792, %scatter3A_793] : memref<2x16384xi32, #tpu.memory_space<vmem>> -> memref<1x16384xi32, #tpu.memory_space<vmem>>
        %scatter3A_795 = tpu.memref_squeeze %scatter3A_794 : memref<1x16384xi32, #tpu.memory_space<vmem>> -> memref<16384xi32, #tpu.memory_space<vmem>>
        tpu.vector_store_idx %scatter3A_795[%add3A_788], %add3A_791 : memref<16384xi32, #tpu.memory_space<vmem>>[vector<16xi32>], vector<16xi32>,
        %add3A_796 = arith.constant 4224 : i32
        %add3A_797 = vector.broadcast %add3A_796 : i32 to vector<16xi32>
        %add3A_798 = arith.addi %add3A_514, %add3A_797 : vector<16xi32>
        %add3A_799 = arith.constant 128 : i32
        %add3A_800 = vector.broadcast %add3A_799 : i32 to vector<16xi32>
        %add3A_801 = arith.addi %add3A_785, %add3A_800 : vector<16xi32>
        %scatter3A_802 = arith.constant 0 : i32
        %scatter3A_803 = arith.constant 0 : i32
        %scatter3A_804 = tpu.memref_slice %arg6[%scatter3A_802, %scatter3A_803] : memref<2x16384xi32, #tpu.memory_space<vmem>> -> memref<1x16384xi32, #tpu.memory_space<vmem>>
        %scatter3A_805 = tpu.memref_squeeze %scatter3A_804 : memref<1x16384xi32, #tpu.memory_space<vmem>> -> memref<16384xi32, #tpu.memory_space<vmem>>
        tpu.vector_store_idx %scatter3A_805[%add3A_798], %add3A_801 : memref<16384xi32, #tpu.memory_space<vmem>>[vector<16xi32>], vector<16xi32>,
        %mul3A_806 = arith.constant 1.210000e+02 : f32
        %mul3A_807 = vector.broadcast %mul3A_806 : f32 to vector<16xf32>
        %mul3A_808 = arith.mulf %get3A_489, %mul3A_807 : vector<16xf32>
        %convert_element_type3A_809 = arith.fptosi %mul3A_808 : vector<16xf32> to vector<16xi32>
        %mul3A_810 = arith.constant 1.210000e+02 : f32
        %mul3A_811 = vector.broadcast %mul3A_810 : f32 to vector<16xf32>
        %mul3A_812 = arith.mulf %get3A_497, %mul3A_811 : vector<16xf32>
        %convert_element_type3A_813 = arith.fptosi %mul3A_812 : vector<16xf32> to vector<16xi32>
        %mul3A_814 = arith.constant 1.210000e+02 : f32
        %mul3A_815 = vector.broadcast %mul3A_814 : f32 to vector<16xf32>
        %mul3A_816 = arith.mulf %get3A_505, %mul3A_815 : vector<16xf32>
        %convert_element_type3A_817 = arith.fptosi %mul3A_816 : vector<16xf32> to vector<16xi32>
        %mul3A_818 = arith.constant 73856093 : i32
        %mul3A_819 = vector.broadcast %mul3A_818 : i32 to vector<16xi32>
        %mul3A_820 = arith.muli %convert_element_type3A_809, %mul3A_819 : vector<16xi32>
        %mul3A_821 = arith.constant 19349663 : i32
        %mul3A_822 = vector.broadcast %mul3A_821 : i32 to vector<16xi32>
        %mul3A_823 = arith.muli %convert_element_type3A_813, %mul3A_822 : vector<16xi32>
        %xor3A_824 = arith.xori %mul3A_820, %mul3A_823 : vector<16xi32>
        %mul3A_825 = arith.constant 83492791 : i32
        %mul3A_826 = vector.broadcast %mul3A_825 : i32 to vector<16xi32>
        %mul3A_827 = arith.muli %convert_element_type3A_817, %mul3A_826 : vector<16xi32>
        %xor3A_828 = arith.xori %xor3A_824, %mul3A_827 : vector<16xi32>
        %and3A_829 = arith.constant 524287 : i32
        %and3A_830 = vector.broadcast %and3A_829 : i32 to vector<16xi32>
        %and3A_831 = arith.andi %xor3A_828, %and3A_830 : vector<16xi32>
        %shift_right_arithmetic3A_832 = arith.constant 7 : i32
        %shift_right_arithmetic3A_833 = vector.broadcast %shift_right_arithmetic3A_832 : i32 to vector<16xi32>
        %shift_right_arithmetic3A_834 = arith.shrsi %and3A_831, %shift_right_arithmetic3A_833 : vector<16xi32>
        %shift_left3A_835 = arith.constant 8 : i32
        %shift_left3A_836 = vector.broadcast %shift_left3A_835 : i32 to vector<16xi32>
        %shift_left3A_837 = arith.shli %shift_right_arithmetic3A_834, %shift_left3A_836 : vector<16xi32>
        %and3A_838 = arith.constant 127 : i32
        %and3A_839 = vector.broadcast %and3A_838 : i32 to vector<16xi32>
        %and3A_840 = arith.andi %and3A_831, %and3A_839 : vector<16xi32>
        %add3A_841 = arith.addi %shift_left3A_837, %and3A_840 : vector<16xi32>
        %add3A_842 = arith.constant 5242880 : i32
        %add3A_843 = vector.broadcast %add3A_842 : i32 to vector<16xi32>
        %add3A_844 = arith.addi %add3A_841, %add3A_843 : vector<16xi32>
        %add3A_845 = arith.constant 4352 : i32
        %add3A_846 = vector.broadcast %add3A_845 : i32 to vector<16xi32>
        %add3A_847 = arith.addi %add3A_514, %add3A_846 : vector<16xi32>
        %add3A_848 = arith.constant 0 : i32
        %add3A_849 = vector.broadcast %add3A_848 : i32 to vector<16xi32>
        %add3A_850 = arith.addi %add3A_844, %add3A_849 : vector<16xi32>
        %scatter3A_851 = arith.constant 0 : i32
        %scatter3A_852 = arith.constant 0 : i32
        %scatter3A_853 = tpu.memref_slice %arg6[%scatter3A_851, %scatter3A_852] : memref<2x16384xi32, #tpu.memory_space<vmem>> -> memref<1x16384xi32, #tpu.memory_space<vmem>>
        %scatter3A_854 = tpu.memref_squeeze %scatter3A_853 : memref<1x16384xi32, #tpu.memory_space<vmem>> -> memref<16384xi32, #tpu.memory_space<vmem>>
        tpu.vector_store_idx %scatter3A_854[%add3A_847], %add3A_850 : memref<16384xi32, #tpu.memory_space<vmem>>[vector<16xi32>], vector<16xi32>,
        %add3A_855 = arith.constant 4480 : i32
        %add3A_856 = vector.broadcast %add3A_855 : i32 to vector<16xi32>
        %add3A_857 = arith.addi %add3A_514, %add3A_856 : vector<16xi32>
        %add3A_858 = arith.constant 128 : i32
        %add3A_859 = vector.broadcast %add3A_858 : i32 to vector<16xi32>
        %add3A_860 = arith.addi %add3A_844, %add3A_859 : vector<16xi32>
        %scatter3A_861 = arith.constant 0 : i32
        %scatter3A_862 = arith.constant 0 : i32
        %scatter3A_863 = tpu.memref_slice %arg6[%scatter3A_861, %scatter3A_862] : memref<2x16384xi32, #tpu.memory_space<vmem>> -> memref<1x16384xi32, #tpu.memory_space<vmem>>
        %scatter3A_864 = tpu.memref_squeeze %scatter3A_863 : memref<1x16384xi32, #tpu.memory_space<vmem>> -> memref<16384xi32, #tpu.memory_space<vmem>>
        tpu.vector_store_idx %scatter3A_864[%add3A_857], %add3A_860 : memref<16384xi32, #tpu.memory_space<vmem>>[vector<16xi32>], vector<16xi32>,
        %mul3A_865 = arith.constant 1.820000e+02 : f32
        %mul3A_866 = vector.broadcast %mul3A_865 : f32 to vector<16xf32>
        %mul3A_867 = arith.mulf %get3A_489, %mul3A_866 : vector<16xf32>
        %convert_element_type3A_868 = arith.fptosi %mul3A_867 : vector<16xf32> to vector<16xi32>
        %mul3A_869 = arith.constant 1.820000e+02 : f32
        %mul3A_870 = vector.broadcast %mul3A_869 : f32 to vector<16xf32>
        %mul3A_871 = arith.mulf %get3A_497, %mul3A_870 : vector<16xf32>
        %convert_element_type3A_872 = arith.fptosi %mul3A_871 : vector<16xf32> to vector<16xi32>
        %mul3A_873 = arith.constant 1.820000e+02 : f32
        %mul3A_874 = vector.broadcast %mul3A_873 : f32 to vector<16xf32>
        %mul3A_875 = arith.mulf %get3A_505, %mul3A_874 : vector<16xf32>
        %convert_element_type3A_876 = arith.fptosi %mul3A_875 : vector<16xf32> to vector<16xi32>
        %mul3A_877 = arith.constant 73856093 : i32
        %mul3A_878 = vector.broadcast %mul3A_877 : i32 to vector<16xi32>
        %mul3A_879 = arith.muli %convert_element_type3A_868, %mul3A_878 : vector<16xi32>
        %mul3A_880 = arith.constant 19349663 : i32
        %mul3A_881 = vector.broadcast %mul3A_880 : i32 to vector<16xi32>
        %mul3A_882 = arith.muli %convert_element_type3A_872, %mul3A_881 : vector<16xi32>
        %xor3A_883 = arith.xori %mul3A_879, %mul3A_882 : vector<16xi32>
        %mul3A_884 = arith.constant 83492791 : i32
        %mul3A_885 = vector.broadcast %mul3A_884 : i32 to vector<16xi32>
        %mul3A_886 = arith.muli %convert_element_type3A_876, %mul3A_885 : vector<16xi32>
        %xor3A_887 = arith.xori %xor3A_883, %mul3A_886 : vector<16xi32>
        %and3A_888 = arith.constant 524287 : i32
        %and3A_889 = vector.broadcast %and3A_888 : i32 to vector<16xi32>
        %and3A_890 = arith.andi %xor3A_887, %and3A_889 : vector<16xi32>
        %shift_right_arithmetic3A_891 = arith.constant 7 : i32
        %shift_right_arithmetic3A_892 = vector.broadcast %shift_right_arithmetic3A_891 : i32 to vector<16xi32>
        %shift_right_arithmetic3A_893 = arith.shrsi %and3A_890, %shift_right_arithmetic3A_892 : vector<16xi32>
        %shift_left3A_894 = arith.constant 8 : i32
        %shift_left3A_895 = vector.broadcast %shift_left3A_894 : i32 to vector<16xi32>
        %shift_left3A_896 = arith.shli %shift_right_arithmetic3A_893, %shift_left3A_895 : vector<16xi32>
        %and3A_897 = arith.constant 127 : i32
        %and3A_898 = vector.broadcast %and3A_897 : i32 to vector<16xi32>
        %and3A_899 = arith.andi %and3A_890, %and3A_898 : vector<16xi32>
        %add3A_900 = arith.addi %shift_left3A_896, %and3A_899 : vector<16xi32>
        %add3A_901 = arith.constant 6291456 : i32
        %add3A_902 = vector.broadcast %add3A_901 : i32 to vector<16xi32>
        %add3A_903 = arith.addi %add3A_900, %add3A_902 : vector<16xi32>
        %add3A_904 = arith.constant 4608 : i32
        %add3A_905 = vector.broadcast %add3A_904 : i32 to vector<16xi32>
        %add3A_906 = arith.addi %add3A_514, %add3A_905 : vector<16xi32>
        %add3A_907 = arith.constant 0 : i32
        %add3A_908 = vector.broadcast %add3A_907 : i32 to vector<16xi32>
        %add3A_909 = arith.addi %add3A_903, %add3A_908 : vector<16xi32>
        %scatter3A_910 = arith.constant 0 : i32
        %scatter3A_911 = arith.constant 0 : i32
        %scatter3A_912 = tpu.memref_slice %arg6[%scatter3A_910, %scatter3A_911] : memref<2x16384xi32, #tpu.memory_space<vmem>> -> memref<1x16384xi32, #tpu.memory_space<vmem>>
        %scatter3A_913 = tpu.memref_squeeze %scatter3A_912 : memref<1x16384xi32, #tpu.memory_space<vmem>> -> memref<16384xi32, #tpu.memory_space<vmem>>
        tpu.vector_store_idx %scatter3A_913[%add3A_906], %add3A_909 : memref<16384xi32, #tpu.memory_space<vmem>>[vector<16xi32>], vector<16xi32>,
        %add3A_914 = arith.constant 4736 : i32
        %add3A_915 = vector.broadcast %add3A_914 : i32 to vector<16xi32>
        %add3A_916 = arith.addi %add3A_514, %add3A_915 : vector<16xi32>
        %add3A_917 = arith.constant 128 : i32
        %add3A_918 = vector.broadcast %add3A_917 : i32 to vector<16xi32>
        %add3A_919 = arith.addi %add3A_903, %add3A_918 : vector<16xi32>
        %scatter3A_920 = arith.constant 0 : i32
        %scatter3A_921 = arith.constant 0 : i32
        %scatter3A_922 = tpu.memref_slice %arg6[%scatter3A_920, %scatter3A_921] : memref<2x16384xi32, #tpu.memory_space<vmem>> -> memref<1x16384xi32, #tpu.memory_space<vmem>>
        %scatter3A_923 = tpu.memref_squeeze %scatter3A_922 : memref<1x16384xi32, #tpu.memory_space<vmem>> -> memref<16384xi32, #tpu.memory_space<vmem>>
        tpu.vector_store_idx %scatter3A_923[%add3A_916], %add3A_919 : memref<16384xi32, #tpu.memory_space<vmem>>[vector<16xi32>], vector<16xi32>,
        %mul3A_924 = arith.constant 2.730000e+02 : f32
        %mul3A_925 = vector.broadcast %mul3A_924 : f32 to vector<16xf32>
        %mul3A_926 = arith.mulf %get3A_489, %mul3A_925 : vector<16xf32>
        %convert_element_type3A_927 = arith.fptosi %mul3A_926 : vector<16xf32> to vector<16xi32>
        %mul3A_928 = arith.constant 2.730000e+02 : f32
        %mul3A_929 = vector.broadcast %mul3A_928 : f32 to vector<16xf32>
        %mul3A_930 = arith.mulf %get3A_497, %mul3A_929 : vector<16xf32>
        %convert_element_type3A_931 = arith.fptosi %mul3A_930 : vector<16xf32> to vector<16xi32>
        %mul3A_932 = arith.constant 2.730000e+02 : f32
        %mul3A_933 = vector.broadcast %mul3A_932 : f32 to vector<16xf32>
        %mul3A_934 = arith.mulf %get3A_505, %mul3A_933 : vector<16xf32>
        %convert_element_type3A_935 = arith.fptosi %mul3A_934 : vector<16xf32> to vector<16xi32>
        %mul3A_936 = arith.constant 73856093 : i32
        %mul3A_937 = vector.broadcast %mul3A_936 : i32 to vector<16xi32>
        %mul3A_938 = arith.muli %convert_element_type3A_927, %mul3A_937 : vector<16xi32>
        %mul3A_939 = arith.constant 19349663 : i32
        %mul3A_940 = vector.broadcast %mul3A_939 : i32 to vector<16xi32>
        %mul3A_941 = arith.muli %convert_element_type3A_931, %mul3A_940 : vector<16xi32>
        %xor3A_942 = arith.xori %mul3A_938, %mul3A_941 : vector<16xi32>
        %mul3A_943 = arith.constant 83492791 : i32
        %mul3A_944 = vector.broadcast %mul3A_943 : i32 to vector<16xi32>
        %mul3A_945 = arith.muli %convert_element_type3A_935, %mul3A_944 : vector<16xi32>
        %xor3A_946 = arith.xori %xor3A_942, %mul3A_945 : vector<16xi32>
        %and3A_947 = arith.constant 524287 : i32
        %and3A_948 = vector.broadcast %and3A_947 : i32 to vector<16xi32>
        %and3A_949 = arith.andi %xor3A_946, %and3A_948 : vector<16xi32>
        %shift_right_arithmetic3A_950 = arith.constant 7 : i32
        %shift_right_arithmetic3A_951 = vector.broadcast %shift_right_arithmetic3A_950 : i32 to vector<16xi32>
        %shift_right_arithmetic3A_952 = arith.shrsi %and3A_949, %shift_right_arithmetic3A_951 : vector<16xi32>
        %shift_left3A_953 = arith.constant 8 : i32
        %shift_left3A_954 = vector.broadcast %shift_left3A_953 : i32 to vector<16xi32>
        %shift_left3A_955 = arith.shli %shift_right_arithmetic3A_952, %shift_left3A_954 : vector<16xi32>
        %and3A_956 = arith.constant 127 : i32
        %and3A_957 = vector.broadcast %and3A_956 : i32 to vector<16xi32>
        %and3A_958 = arith.andi %and3A_949, %and3A_957 : vector<16xi32>
        %add3A_959 = arith.addi %shift_left3A_955, %and3A_958 : vector<16xi32>
        %add3A_960 = arith.constant 7340032 : i32
        %add3A_961 = vector.broadcast %add3A_960 : i32 to vector<16xi32>
        %add3A_962 = arith.addi %add3A_959, %add3A_961 : vector<16xi32>
        %add3A_963 = arith.constant 4864 : i32
        %add3A_964 = vector.broadcast %add3A_963 : i32 to vector<16xi32>
        %add3A_965 = arith.addi %add3A_514, %add3A_964 : vector<16xi32>
        %add3A_966 = arith.constant 0 : i32
        %add3A_967 = vector.broadcast %add3A_966 : i32 to vector<16xi32>
        %add3A_968 = arith.addi %add3A_962, %add3A_967 : vector<16xi32>
        %scatter3A_969 = arith.constant 0 : i32
        %scatter3A_970 = arith.constant 0 : i32
        %scatter3A_971 = tpu.memref_slice %arg6[%scatter3A_969, %scatter3A_970] : memref<2x16384xi32, #tpu.memory_space<vmem>> -> memref<1x16384xi32, #tpu.memory_space<vmem>>
        %scatter3A_972 = tpu.memref_squeeze %scatter3A_971 : memref<1x16384xi32, #tpu.memory_space<vmem>> -> memref<16384xi32, #tpu.memory_space<vmem>>
        tpu.vector_store_idx %scatter3A_972[%add3A_965], %add3A_968 : memref<16384xi32, #tpu.memory_space<vmem>>[vector<16xi32>], vector<16xi32>,
        %add3A_973 = arith.constant 4992 : i32
        %add3A_974 = vector.broadcast %add3A_973 : i32 to vector<16xi32>
        %add3A_975 = arith.addi %add3A_514, %add3A_974 : vector<16xi32>
        %add3A_976 = arith.constant 128 : i32
        %add3A_977 = vector.broadcast %add3A_976 : i32 to vector<16xi32>
        %add3A_978 = arith.addi %add3A_962, %add3A_977 : vector<16xi32>
        %scatter3A_979 = arith.constant 0 : i32
        %scatter3A_980 = arith.constant 0 : i32
        %scatter3A_981 = tpu.memref_slice %arg6[%scatter3A_979, %scatter3A_980] : memref<2x16384xi32, #tpu.memory_space<vmem>> -> memref<1x16384xi32, #tpu.memory_space<vmem>>
        %scatter3A_982 = tpu.memref_squeeze %scatter3A_981 : memref<1x16384xi32, #tpu.memory_space<vmem>> -> memref<16384xi32, #tpu.memory_space<vmem>>
        tpu.vector_store_idx %scatter3A_982[%add3A_975], %add3A_978 : memref<16384xi32, #tpu.memory_space<vmem>>[vector<16xi32>], vector<16xi32>,
        %mul3A_983 = arith.constant 4.100000e+02 : f32
        %mul3A_984 = vector.broadcast %mul3A_983 : f32 to vector<16xf32>
        %mul3A_985 = arith.mulf %get3A_489, %mul3A_984 : vector<16xf32>
        %convert_element_type3A_986 = arith.fptosi %mul3A_985 : vector<16xf32> to vector<16xi32>
        %mul3A_987 = arith.constant 4.100000e+02 : f32
        %mul3A_988 = vector.broadcast %mul3A_987 : f32 to vector<16xf32>
        %mul3A_989 = arith.mulf %get3A_497, %mul3A_988 : vector<16xf32>
        %convert_element_type3A_990 = arith.fptosi %mul3A_989 : vector<16xf32> to vector<16xi32>
        %mul3A_991 = arith.constant 4.100000e+02 : f32
        %mul3A_992 = vector.broadcast %mul3A_991 : f32 to vector<16xf32>
        %mul3A_993 = arith.mulf %get3A_505, %mul3A_992 : vector<16xf32>
        %convert_element_type3A_994 = arith.fptosi %mul3A_993 : vector<16xf32> to vector<16xi32>
        %mul3A_995 = arith.constant 73856093 : i32
        %mul3A_996 = vector.broadcast %mul3A_995 : i32 to vector<16xi32>
        %mul3A_997 = arith.muli %convert_element_type3A_986, %mul3A_996 : vector<16xi32>
        %mul3A_998 = arith.constant 19349663 : i32
        %mul3A_999 = vector.broadcast %mul3A_998 : i32 to vector<16xi32>
        %mul3A_1000 = arith.muli %convert_element_type3A_990, %mul3A_999 : vector<16xi32>
        %xor3A_1001 = arith.xori %mul3A_997, %mul3A_1000 : vector<16xi32>
        %mul3A_1002 = arith.constant 83492791 : i32
        %mul3A_1003 = vector.broadcast %mul3A_1002 : i32 to vector<16xi32>
        %mul3A_1004 = arith.muli %convert_element_type3A_994, %mul3A_1003 : vector<16xi32>
        %xor3A_1005 = arith.xori %xor3A_1001, %mul3A_1004 : vector<16xi32>
        %and3A_1006 = arith.constant 524287 : i32
        %and3A_1007 = vector.broadcast %and3A_1006 : i32 to vector<16xi32>
        %and3A_1008 = arith.andi %xor3A_1005, %and3A_1007 : vector<16xi32>
        %shift_right_arithmetic3A_1009 = arith.constant 7 : i32
        %shift_right_arithmetic3A_1010 = vector.broadcast %shift_right_arithmetic3A_1009 : i32 to vector<16xi32>
        %shift_right_arithmetic3A_1011 = arith.shrsi %and3A_1008, %shift_right_arithmetic3A_1010 : vector<16xi32>
        %shift_left3A_1012 = arith.constant 8 : i32
        %shift_left3A_1013 = vector.broadcast %shift_left3A_1012 : i32 to vector<16xi32>
        %shift_left3A_1014 = arith.shli %shift_right_arithmetic3A_1011, %shift_left3A_1013 : vector<16xi32>
        %and3A_1015 = arith.constant 127 : i32
        %and3A_1016 = vector.broadcast %and3A_1015 : i32 to vector<16xi32>
        %and3A_1017 = arith.andi %and3A_1008, %and3A_1016 : vector<16xi32>
        %add3A_1018 = arith.addi %shift_left3A_1014, %and3A_1017 : vector<16xi32>
        %add3A_1019 = arith.constant 8388608 : i32
        %add3A_1020 = vector.broadcast %add3A_1019 : i32 to vector<16xi32>
        %add3A_1021 = arith.addi %add3A_1018, %add3A_1020 : vector<16xi32>
        %add3A_1022 = arith.constant 8192 : i32
        %add3A_1023 = vector.broadcast %add3A_1022 : i32 to vector<16xi32>
        %add3A_1024 = arith.addi %add3A_514, %add3A_1023 : vector<16xi32>
        %add3A_1025 = arith.constant 0 : i32
        %add3A_1026 = vector.broadcast %add3A_1025 : i32 to vector<16xi32>
        %add3A_1027 = arith.addi %add3A_1021, %add3A_1026 : vector<16xi32>
        %scatter3A_1028 = arith.constant 0 : i32
        %scatter3A_1029 = arith.constant 0 : i32
        %scatter3A_1030 = tpu.memref_slice %arg6[%scatter3A_1028, %scatter3A_1029] : memref<2x16384xi32, #tpu.memory_space<vmem>> -> memref<1x16384xi32, #tpu.memory_space<vmem>>
        %scatter3A_1031 = tpu.memref_squeeze %scatter3A_1030 : memref<1x16384xi32, #tpu.memory_space<vmem>> -> memref<16384xi32, #tpu.memory_space<vmem>>
        tpu.vector_store_idx %scatter3A_1031[%add3A_1024], %add3A_1027 : memref<16384xi32, #tpu.memory_space<vmem>>[vector<16xi32>], vector<16xi32>,
        %add3A_1032 = arith.constant 8320 : i32
        %add3A_1033 = vector.broadcast %add3A_1032 : i32 to vector<16xi32>
        %add3A_1034 = arith.addi %add3A_514, %add3A_1033 : vector<16xi32>
        %add3A_1035 = arith.constant 128 : i32
        %add3A_1036 = vector.broadcast %add3A_1035 : i32 to vector<16xi32>
        %add3A_1037 = arith.addi %add3A_1021, %add3A_1036 : vector<16xi32>
        %scatter3A_1038 = arith.constant 0 : i32
        %scatter3A_1039 = arith.constant 0 : i32
        %scatter3A_1040 = tpu.memref_slice %arg6[%scatter3A_1038, %scatter3A_1039] : memref<2x16384xi32, #tpu.memory_space<vmem>> -> memref<1x16384xi32, #tpu.memory_space<vmem>>
        %scatter3A_1041 = tpu.memref_squeeze %scatter3A_1040 : memref<1x16384xi32, #tpu.memory_space<vmem>> -> memref<16384xi32, #tpu.memory_space<vmem>>
        tpu.vector_store_idx %scatter3A_1041[%add3A_1034], %add3A_1037 : memref<16384xi32, #tpu.memory_space<vmem>>[vector<16xi32>], vector<16xi32>,
        %mul3A_1042 = arith.constant 6.150000e+02 : f32
        %mul3A_1043 = vector.broadcast %mul3A_1042 : f32 to vector<16xf32>
        %mul3A_1044 = arith.mulf %get3A_489, %mul3A_1043 : vector<16xf32>
        %convert_element_type3A_1045 = arith.fptosi %mul3A_1044 : vector<16xf32> to vector<16xi32>
        %mul3A_1046 = arith.constant 6.150000e+02 : f32
        %mul3A_1047 = vector.broadcast %mul3A_1046 : f32 to vector<16xf32>
        %mul3A_1048 = arith.mulf %get3A_497, %mul3A_1047 : vector<16xf32>
        %convert_element_type3A_1049 = arith.fptosi %mul3A_1048 : vector<16xf32> to vector<16xi32>
        %mul3A_1050 = arith.constant 6.150000e+02 : f32
        %mul3A_1051 = vector.broadcast %mul3A_1050 : f32 to vector<16xf32>
        %mul3A_1052 = arith.mulf %get3A_505, %mul3A_1051 : vector<16xf32>
        %convert_element_type3A_1053 = arith.fptosi %mul3A_1052 : vector<16xf32> to vector<16xi32>
        %mul3A_1054 = arith.constant 73856093 : i32
        %mul3A_1055 = vector.broadcast %mul3A_1054 : i32 to vector<16xi32>
        %mul3A_1056 = arith.muli %convert_element_type3A_1045, %mul3A_1055 : vector<16xi32>
        %mul3A_1057 = arith.constant 19349663 : i32
        %mul3A_1058 = vector.broadcast %mul3A_1057 : i32 to vector<16xi32>
        %mul3A_1059 = arith.muli %convert_element_type3A_1049, %mul3A_1058 : vector<16xi32>
        %xor3A_1060 = arith.xori %mul3A_1056, %mul3A_1059 : vector<16xi32>
        %mul3A_1061 = arith.constant 83492791 : i32
        %mul3A_1062 = vector.broadcast %mul3A_1061 : i32 to vector<16xi32>
        %mul3A_1063 = arith.muli %convert_element_type3A_1053, %mul3A_1062 : vector<16xi32>
        %xor3A_1064 = arith.xori %xor3A_1060, %mul3A_1063 : vector<16xi32>
        %and3A_1065 = arith.constant 524287 : i32
        %and3A_1066 = vector.broadcast %and3A_1065 : i32 to vector<16xi32>
        %and3A_1067 = arith.andi %xor3A_1064, %and3A_1066 : vector<16xi32>
        %shift_right_arithmetic3A_1068 = arith.constant 7 : i32
        %shift_right_arithmetic3A_1069 = vector.broadcast %shift_right_arithmetic3A_1068 : i32 to vector<16xi32>
        %shift_right_arithmetic3A_1070 = arith.shrsi %and3A_1067, %shift_right_arithmetic3A_1069 : vector<16xi32>
        %shift_left3A_1071 = arith.constant 8 : i32
        %shift_left3A_1072 = vector.broadcast %shift_left3A_1071 : i32 to vector<16xi32>
        %shift_left3A_1073 = arith.shli %shift_right_arithmetic3A_1070, %shift_left3A_1072 : vector<16xi32>
        %and3A_1074 = arith.constant 127 : i32
        %and3A_1075 = vector.broadcast %and3A_1074 : i32 to vector<16xi32>
        %and3A_1076 = arith.andi %and3A_1067, %and3A_1075 : vector<16xi32>
        %add3A_1077 = arith.addi %shift_left3A_1073, %and3A_1076 : vector<16xi32>
        %add3A_1078 = arith.constant 9437184 : i32
        %add3A_1079 = vector.broadcast %add3A_1078 : i32 to vector<16xi32>
        %add3A_1080 = arith.addi %add3A_1077, %add3A_1079 : vector<16xi32>
        %add3A_1081 = arith.constant 8448 : i32
        %add3A_1082 = vector.broadcast %add3A_1081 : i32 to vector<16xi32>
        %add3A_1083 = arith.addi %add3A_514, %add3A_1082 : vector<16xi32>
        %add3A_1084 = arith.constant 0 : i32
        %add3A_1085 = vector.broadcast %add3A_1084 : i32 to vector<16xi32>
        %add3A_1086 = arith.addi %add3A_1080, %add3A_1085 : vector<16xi32>
        %scatter3A_1087 = arith.constant 0 : i32
        %scatter3A_1088 = arith.constant 0 : i32
        %scatter3A_1089 = tpu.memref_slice %arg6[%scatter3A_1087, %scatter3A_1088] : memref<2x16384xi32, #tpu.memory_space<vmem>> -> memref<1x16384xi32, #tpu.memory_space<vmem>>
        %scatter3A_1090 = tpu.memref_squeeze %scatter3A_1089 : memref<1x16384xi32, #tpu.memory_space<vmem>> -> memref<16384xi32, #tpu.memory_space<vmem>>
        tpu.vector_store_idx %scatter3A_1090[%add3A_1083], %add3A_1086 : memref<16384xi32, #tpu.memory_space<vmem>>[vector<16xi32>], vector<16xi32>,
        %add3A_1091 = arith.constant 8576 : i32
        %add3A_1092 = vector.broadcast %add3A_1091 : i32 to vector<16xi32>
        %add3A_1093 = arith.addi %add3A_514, %add3A_1092 : vector<16xi32>
        %add3A_1094 = arith.constant 128 : i32
        %add3A_1095 = vector.broadcast %add3A_1094 : i32 to vector<16xi32>
        %add3A_1096 = arith.addi %add3A_1080, %add3A_1095 : vector<16xi32>
        %scatter3A_1097 = arith.constant 0 : i32
        %scatter3A_1098 = arith.constant 0 : i32
        %scatter3A_1099 = tpu.memref_slice %arg6[%scatter3A_1097, %scatter3A_1098] : memref<2x16384xi32, #tpu.memory_space<vmem>> -> memref<1x16384xi32, #tpu.memory_space<vmem>>
        %scatter3A_1100 = tpu.memref_squeeze %scatter3A_1099 : memref<1x16384xi32, #tpu.memory_space<vmem>> -> memref<16384xi32, #tpu.memory_space<vmem>>
        tpu.vector_store_idx %scatter3A_1100[%add3A_1093], %add3A_1096 : memref<16384xi32, #tpu.memory_space<vmem>>[vector<16xi32>], vector<16xi32>,
        %mul3A_1101 = arith.constant 9.220000e+02 : f32
        %mul3A_1102 = vector.broadcast %mul3A_1101 : f32 to vector<16xf32>
        %mul3A_1103 = arith.mulf %get3A_489, %mul3A_1102 : vector<16xf32>
        %convert_element_type3A_1104 = arith.fptosi %mul3A_1103 : vector<16xf32> to vector<16xi32>
        %mul3A_1105 = arith.constant 9.220000e+02 : f32
        %mul3A_1106 = vector.broadcast %mul3A_1105 : f32 to vector<16xf32>
        %mul3A_1107 = arith.mulf %get3A_497, %mul3A_1106 : vector<16xf32>
        %convert_element_type3A_1108 = arith.fptosi %mul3A_1107 : vector<16xf32> to vector<16xi32>
        %mul3A_1109 = arith.constant 9.220000e+02 : f32
        %mul3A_1110 = vector.broadcast %mul3A_1109 : f32 to vector<16xf32>
        %mul3A_1111 = arith.mulf %get3A_505, %mul3A_1110 : vector<16xf32>
        %convert_element_type3A_1112 = arith.fptosi %mul3A_1111 : vector<16xf32> to vector<16xi32>
        %mul3A_1113 = arith.constant 73856093 : i32
        %mul3A_1114 = vector.broadcast %mul3A_1113 : i32 to vector<16xi32>
        %mul3A_1115 = arith.muli %convert_element_type3A_1104, %mul3A_1114 : vector<16xi32>
        %mul3A_1116 = arith.constant 19349663 : i32
        %mul3A_1117 = vector.broadcast %mul3A_1116 : i32 to vector<16xi32>
        %mul3A_1118 = arith.muli %convert_element_type3A_1108, %mul3A_1117 : vector<16xi32>
        %xor3A_1119 = arith.xori %mul3A_1115, %mul3A_1118 : vector<16xi32>
        %mul3A_1120 = arith.constant 83492791 : i32
        %mul3A_1121 = vector.broadcast %mul3A_1120 : i32 to vector<16xi32>
        %mul3A_1122 = arith.muli %convert_element_type3A_1112, %mul3A_1121 : vector<16xi32>
        %xor3A_1123 = arith.xori %xor3A_1119, %mul3A_1122 : vector<16xi32>
        %and3A_1124 = arith.constant 524287 : i32
        %and3A_1125 = vector.broadcast %and3A_1124 : i32 to vector<16xi32>
        %and3A_1126 = arith.andi %xor3A_1123, %and3A_1125 : vector<16xi32>
        %shift_right_arithmetic3A_1127 = arith.constant 7 : i32
        %shift_right_arithmetic3A_1128 = vector.broadcast %shift_right_arithmetic3A_1127 : i32 to vector<16xi32>
        %shift_right_arithmetic3A_1129 = arith.shrsi %and3A_1126, %shift_right_arithmetic3A_1128 : vector<16xi32>
        %shift_left3A_1130 = arith.constant 8 : i32
        %shift_left3A_1131 = vector.broadcast %shift_left3A_1130 : i32 to vector<16xi32>
        %shift_left3A_1132 = arith.shli %shift_right_arithmetic3A_1129, %shift_left3A_1131 : vector<16xi32>
        %and3A_1133 = arith.constant 127 : i32
        %and3A_1134 = vector.broadcast %and3A_1133 : i32 to vector<16xi32>
        %and3A_1135 = arith.andi %and3A_1126, %and3A_1134 : vector<16xi32>
        %add3A_1136 = arith.addi %shift_left3A_1132, %and3A_1135 : vector<16xi32>
        %add3A_1137 = arith.constant 10485760 : i32
        %add3A_1138 = vector.broadcast %add3A_1137 : i32 to vector<16xi32>
        %add3A_1139 = arith.addi %add3A_1136, %add3A_1138 : vector<16xi32>
        %add3A_1140 = arith.constant 8704 : i32
        %add3A_1141 = vector.broadcast %add3A_1140 : i32 to vector<16xi32>
        %add3A_1142 = arith.addi %add3A_514, %add3A_1141 : vector<16xi32>
        %add3A_1143 = arith.constant 0 : i32
        %add3A_1144 = vector.broadcast %add3A_1143 : i32 to vector<16xi32>
        %add3A_1145 = arith.addi %add3A_1139, %add3A_1144 : vector<16xi32>
        %scatter3A_1146 = arith.constant 0 : i32
        %scatter3A_1147 = arith.constant 0 : i32
        %scatter3A_1148 = tpu.memref_slice %arg6[%scatter3A_1146, %scatter3A_1147] : memref<2x16384xi32, #tpu.memory_space<vmem>> -> memref<1x16384xi32, #tpu.memory_space<vmem>>
        %scatter3A_1149 = tpu.memref_squeeze %scatter3A_1148 : memref<1x16384xi32, #tpu.memory_space<vmem>> -> memref<16384xi32, #tpu.memory_space<vmem>>
        tpu.vector_store_idx %scatter3A_1149[%add3A_1142], %add3A_1145 : memref<16384xi32, #tpu.memory_space<vmem>>[vector<16xi32>], vector<16xi32>,
        %add3A_1150 = arith.constant 8832 : i32
        %add3A_1151 = vector.broadcast %add3A_1150 : i32 to vector<16xi32>
        %add3A_1152 = arith.addi %add3A_514, %add3A_1151 : vector<16xi32>
        %add3A_1153 = arith.constant 128 : i32
        %add3A_1154 = vector.broadcast %add3A_1153 : i32 to vector<16xi32>
        %add3A_1155 = arith.addi %add3A_1139, %add3A_1154 : vector<16xi32>
        %scatter3A_1156 = arith.constant 0 : i32
        %scatter3A_1157 = arith.constant 0 : i32
        %scatter3A_1158 = tpu.memref_slice %arg6[%scatter3A_1156, %scatter3A_1157] : memref<2x16384xi32, #tpu.memory_space<vmem>> -> memref<1x16384xi32, #tpu.memory_space<vmem>>
        %scatter3A_1159 = tpu.memref_squeeze %scatter3A_1158 : memref<1x16384xi32, #tpu.memory_space<vmem>> -> memref<16384xi32, #tpu.memory_space<vmem>>
        tpu.vector_store_idx %scatter3A_1159[%add3A_1152], %add3A_1155 : memref<16384xi32, #tpu.memory_space<vmem>>[vector<16xi32>], vector<16xi32>,
        %mul3A_1160 = arith.constant 1.383000e+03 : f32
        %mul3A_1161 = vector.broadcast %mul3A_1160 : f32 to vector<16xf32>
        %mul3A_1162 = arith.mulf %get3A_489, %mul3A_1161 : vector<16xf32>
        %convert_element_type3A_1163 = arith.fptosi %mul3A_1162 : vector<16xf32> to vector<16xi32>
        %mul3A_1164 = arith.constant 1.383000e+03 : f32
        %mul3A_1165 = vector.broadcast %mul3A_1164 : f32 to vector<16xf32>
        %mul3A_1166 = arith.mulf %get3A_497, %mul3A_1165 : vector<16xf32>
        %convert_element_type3A_1167 = arith.fptosi %mul3A_1166 : vector<16xf32> to vector<16xi32>
        %mul3A_1168 = arith.constant 1.383000e+03 : f32
        %mul3A_1169 = vector.broadcast %mul3A_1168 : f32 to vector<16xf32>
        %mul3A_1170 = arith.mulf %get3A_505, %mul3A_1169 : vector<16xf32>
        %convert_element_type3A_1171 = arith.fptosi %mul3A_1170 : vector<16xf32> to vector<16xi32>
        %mul3A_1172 = arith.constant 73856093 : i32
        %mul3A_1173 = vector.broadcast %mul3A_1172 : i32 to vector<16xi32>
        %mul3A_1174 = arith.muli %convert_element_type3A_1163, %mul3A_1173 : vector<16xi32>
        %mul3A_1175 = arith.constant 19349663 : i32
        %mul3A_1176 = vector.broadcast %mul3A_1175 : i32 to vector<16xi32>
        %mul3A_1177 = arith.muli %convert_element_type3A_1167, %mul3A_1176 : vector<16xi32>
        %xor3A_1178 = arith.xori %mul3A_1174, %mul3A_1177 : vector<16xi32>
        %mul3A_1179 = arith.constant 83492791 : i32
        %mul3A_1180 = vector.broadcast %mul3A_1179 : i32 to vector<16xi32>
        %mul3A_1181 = arith.muli %convert_element_type3A_1171, %mul3A_1180 : vector<16xi32>
        %xor3A_1182 = arith.xori %xor3A_1178, %mul3A_1181 : vector<16xi32>
        %and3A_1183 = arith.constant 524287 : i32
        %and3A_1184 = vector.broadcast %and3A_1183 : i32 to vector<16xi32>
        %and3A_1185 = arith.andi %xor3A_1182, %and3A_1184 : vector<16xi32>
        %shift_right_arithmetic3A_1186 = arith.constant 7 : i32
        %shift_right_arithmetic3A_1187 = vector.broadcast %shift_right_arithmetic3A_1186 : i32 to vector<16xi32>
        %shift_right_arithmetic3A_1188 = arith.shrsi %and3A_1185, %shift_right_arithmetic3A_1187 : vector<16xi32>
        %shift_left3A_1189 = arith.constant 8 : i32
        %shift_left3A_1190 = vector.broadcast %shift_left3A_1189 : i32 to vector<16xi32>
        %shift_left3A_1191 = arith.shli %shift_right_arithmetic3A_1188, %shift_left3A_1190 : vector<16xi32>
        %and3A_1192 = arith.constant 127 : i32
        %and3A_1193 = vector.broadcast %and3A_1192 : i32 to vector<16xi32>
        %and3A_1194 = arith.andi %and3A_1185, %and3A_1193 : vector<16xi32>
        %add3A_1195 = arith.addi %shift_left3A_1191, %and3A_1194 : vector<16xi32>
        %add3A_1196 = arith.constant 11534336 : i32
        %add3A_1197 = vector.broadcast %add3A_1196 : i32 to vector<16xi32>
        %add3A_1198 = arith.addi %add3A_1195, %add3A_1197 : vector<16xi32>
        %add3A_1199 = arith.constant 8960 : i32
        %add3A_1200 = vector.broadcast %add3A_1199 : i32 to vector<16xi32>
        %add3A_1201 = arith.addi %add3A_514, %add3A_1200 : vector<16xi32>
        %add3A_1202 = arith.constant 0 : i32
        %add3A_1203 = vector.broadcast %add3A_1202 : i32 to vector<16xi32>
        %add3A_1204 = arith.addi %add3A_1198, %add3A_1203 : vector<16xi32>
        %scatter3A_1205 = arith.constant 0 : i32
        %scatter3A_1206 = arith.constant 0 : i32
        %scatter3A_1207 = tpu.memref_slice %arg6[%scatter3A_1205, %scatter3A_1206] : memref<2x16384xi32, #tpu.memory_space<vmem>> -> memref<1x16384xi32, #tpu.memory_space<vmem>>
        %scatter3A_1208 = tpu.memref_squeeze %scatter3A_1207 : memref<1x16384xi32, #tpu.memory_space<vmem>> -> memref<16384xi32, #tpu.memory_space<vmem>>
        tpu.vector_store_idx %scatter3A_1208[%add3A_1201], %add3A_1204 : memref<16384xi32, #tpu.memory_space<vmem>>[vector<16xi32>], vector<16xi32>,
        %add3A_1209 = arith.constant 9088 : i32
        %add3A_1210 = vector.broadcast %add3A_1209 : i32 to vector<16xi32>
        %add3A_1211 = arith.addi %add3A_514, %add3A_1210 : vector<16xi32>
        %add3A_1212 = arith.constant 128 : i32
        %add3A_1213 = vector.broadcast %add3A_1212 : i32 to vector<16xi32>
        %add3A_1214 = arith.addi %add3A_1198, %add3A_1213 : vector<16xi32>
        %scatter3A_1215 = arith.constant 0 : i32
        %scatter3A_1216 = arith.constant 0 : i32
        %scatter3A_1217 = tpu.memref_slice %arg6[%scatter3A_1215, %scatter3A_1216] : memref<2x16384xi32, #tpu.memory_space<vmem>> -> memref<1x16384xi32, #tpu.memory_space<vmem>>
        %scatter3A_1218 = tpu.memref_squeeze %scatter3A_1217 : memref<1x16384xi32, #tpu.memory_space<vmem>> -> memref<16384xi32, #tpu.memory_space<vmem>>
        tpu.vector_store_idx %scatter3A_1218[%add3A_1211], %add3A_1214 : memref<16384xi32, #tpu.memory_space<vmem>>[vector<16xi32>], vector<16xi32>,
        %mul3A_1219 = arith.constant 2.075000e+03 : f32
        %mul3A_1220 = vector.broadcast %mul3A_1219 : f32 to vector<16xf32>
        %mul3A_1221 = arith.mulf %get3A_489, %mul3A_1220 : vector<16xf32>
        %convert_element_type3A_1222 = arith.fptosi %mul3A_1221 : vector<16xf32> to vector<16xi32>
        %mul3A_1223 = arith.constant 2.075000e+03 : f32
        %mul3A_1224 = vector.broadcast %mul3A_1223 : f32 to vector<16xf32>
        %mul3A_1225 = arith.mulf %get3A_497, %mul3A_1224 : vector<16xf32>
        %convert_element_type3A_1226 = arith.fptosi %mul3A_1225 : vector<16xf32> to vector<16xi32>
        %mul3A_1227 = arith.constant 2.075000e+03 : f32
        %mul3A_1228 = vector.broadcast %mul3A_1227 : f32 to vector<16xf32>
        %mul3A_1229 = arith.mulf %get3A_505, %mul3A_1228 : vector<16xf32>
        %convert_element_type3A_1230 = arith.fptosi %mul3A_1229 : vector<16xf32> to vector<16xi32>
        %mul3A_1231 = arith.constant 73856093 : i32
        %mul3A_1232 = vector.broadcast %mul3A_1231 : i32 to vector<16xi32>
        %mul3A_1233 = arith.muli %convert_element_type3A_1222, %mul3A_1232 : vector<16xi32>
        %mul3A_1234 = arith.constant 19349663 : i32
        %mul3A_1235 = vector.broadcast %mul3A_1234 : i32 to vector<16xi32>
        %mul3A_1236 = arith.muli %convert_element_type3A_1226, %mul3A_1235 : vector<16xi32>
        %xor3A_1237 = arith.xori %mul3A_1233, %mul3A_1236 : vector<16xi32>
        %mul3A_1238 = arith.constant 83492791 : i32
        %mul3A_1239 = vector.broadcast %mul3A_1238 : i32 to vector<16xi32>
        %mul3A_1240 = arith.muli %convert_element_type3A_1230, %mul3A_1239 : vector<16xi32>
        %xor3A_1241 = arith.xori %xor3A_1237, %mul3A_1240 : vector<16xi32>
        %and3A_1242 = arith.constant 524287 : i32
        %and3A_1243 = vector.broadcast %and3A_1242 : i32 to vector<16xi32>
        %and3A_1244 = arith.andi %xor3A_1241, %and3A_1243 : vector<16xi32>
        %shift_right_arithmetic3A_1245 = arith.constant 7 : i32
        %shift_right_arithmetic3A_1246 = vector.broadcast %shift_right_arithmetic3A_1245 : i32 to vector<16xi32>
        %shift_right_arithmetic3A_1247 = arith.shrsi %and3A_1244, %shift_right_arithmetic3A_1246 : vector<16xi32>
        %shift_left3A_1248 = arith.constant 8 : i32
        %shift_left3A_1249 = vector.broadcast %shift_left3A_1248 : i32 to vector<16xi32>
        %shift_left3A_1250 = arith.shli %shift_right_arithmetic3A_1247, %shift_left3A_1249 : vector<16xi32>
        %and3A_1251 = arith.constant 127 : i32
        %and3A_1252 = vector.broadcast %and3A_1251 : i32 to vector<16xi32>
        %and3A_1253 = arith.andi %and3A_1244, %and3A_1252 : vector<16xi32>
        %add3A_1254 = arith.addi %shift_left3A_1250, %and3A_1253 : vector<16xi32>
        %add3A_1255 = arith.constant 12582912 : i32
        %add3A_1256 = vector.broadcast %add3A_1255 : i32 to vector<16xi32>
        %add3A_1257 = arith.addi %add3A_1254, %add3A_1256 : vector<16xi32>
        %add3A_1258 = arith.constant 12288 : i32
        %add3A_1259 = vector.broadcast %add3A_1258 : i32 to vector<16xi32>
        %add3A_1260 = arith.addi %add3A_514, %add3A_1259 : vector<16xi32>
        %add3A_1261 = arith.constant 0 : i32
        %add3A_1262 = vector.broadcast %add3A_1261 : i32 to vector<16xi32>
        %add3A_1263 = arith.addi %add3A_1257, %add3A_1262 : vector<16xi32>
        %scatter3A_1264 = arith.constant 0 : i32
        %scatter3A_1265 = arith.constant 0 : i32
        %scatter3A_1266 = tpu.memref_slice %arg6[%scatter3A_1264, %scatter3A_1265] : memref<2x16384xi32, #tpu.memory_space<vmem>> -> memref<1x16384xi32, #tpu.memory_space<vmem>>
        %scatter3A_1267 = tpu.memref_squeeze %scatter3A_1266 : memref<1x16384xi32, #tpu.memory_space<vmem>> -> memref<16384xi32, #tpu.memory_space<vmem>>
        tpu.vector_store_idx %scatter3A_1267[%add3A_1260], %add3A_1263 : memref<16384xi32, #tpu.memory_space<vmem>>[vector<16xi32>], vector<16xi32>,
        %add3A_1268 = arith.constant 12416 : i32
        %add3A_1269 = vector.broadcast %add3A_1268 : i32 to vector<16xi32>
        %add3A_1270 = arith.addi %add3A_514, %add3A_1269 : vector<16xi32>
        %add3A_1271 = arith.constant 128 : i32
        %add3A_1272 = vector.broadcast %add3A_1271 : i32 to vector<16xi32>
        %add3A_1273 = arith.addi %add3A_1257, %add3A_1272 : vector<16xi32>
        %scatter3A_1274 = arith.constant 0 : i32
        %scatter3A_1275 = arith.constant 0 : i32
        %scatter3A_1276 = tpu.memref_slice %arg6[%scatter3A_1274, %scatter3A_1275] : memref<2x16384xi32, #tpu.memory_space<vmem>> -> memref<1x16384xi32, #tpu.memory_space<vmem>>
        %scatter3A_1277 = tpu.memref_squeeze %scatter3A_1276 : memref<1x16384xi32, #tpu.memory_space<vmem>> -> memref<16384xi32, #tpu.memory_space<vmem>>
        tpu.vector_store_idx %scatter3A_1277[%add3A_1270], %add3A_1273 : memref<16384xi32, #tpu.memory_space<vmem>>[vector<16xi32>], vector<16xi32>,
        %mul3A_1278 = arith.constant 3.113000e+03 : f32
        %mul3A_1279 = vector.broadcast %mul3A_1278 : f32 to vector<16xf32>
        %mul3A_1280 = arith.mulf %get3A_489, %mul3A_1279 : vector<16xf32>
        %convert_element_type3A_1281 = arith.fptosi %mul3A_1280 : vector<16xf32> to vector<16xi32>
        %mul3A_1282 = arith.constant 3.113000e+03 : f32
        %mul3A_1283 = vector.broadcast %mul3A_1282 : f32 to vector<16xf32>
        %mul3A_1284 = arith.mulf %get3A_497, %mul3A_1283 : vector<16xf32>
        %convert_element_type3A_1285 = arith.fptosi %mul3A_1284 : vector<16xf32> to vector<16xi32>
        %mul3A_1286 = arith.constant 3.113000e+03 : f32
        %mul3A_1287 = vector.broadcast %mul3A_1286 : f32 to vector<16xf32>
        %mul3A_1288 = arith.mulf %get3A_505, %mul3A_1287 : vector<16xf32>
        %convert_element_type3A_1289 = arith.fptosi %mul3A_1288 : vector<16xf32> to vector<16xi32>
        %mul3A_1290 = arith.constant 73856093 : i32
        %mul3A_1291 = vector.broadcast %mul3A_1290 : i32 to vector<16xi32>
        %mul3A_1292 = arith.muli %convert_element_type3A_1281, %mul3A_1291 : vector<16xi32>
        %mul3A_1293 = arith.constant 19349663 : i32
        %mul3A_1294 = vector.broadcast %mul3A_1293 : i32 to vector<16xi32>
        %mul3A_1295 = arith.muli %convert_element_type3A_1285, %mul3A_1294 : vector<16xi32>
        %xor3A_1296 = arith.xori %mul3A_1292, %mul3A_1295 : vector<16xi32>
        %mul3A_1297 = arith.constant 83492791 : i32
        %mul3A_1298 = vector.broadcast %mul3A_1297 : i32 to vector<16xi32>
        %mul3A_1299 = arith.muli %convert_element_type3A_1289, %mul3A_1298 : vector<16xi32>
        %xor3A_1300 = arith.xori %xor3A_1296, %mul3A_1299 : vector<16xi32>
        %and3A_1301 = arith.constant 524287 : i32
        %and3A_1302 = vector.broadcast %and3A_1301 : i32 to vector<16xi32>
        %and3A_1303 = arith.andi %xor3A_1300, %and3A_1302 : vector<16xi32>
        %shift_right_arithmetic3A_1304 = arith.constant 7 : i32
        %shift_right_arithmetic3A_1305 = vector.broadcast %shift_right_arithmetic3A_1304 : i32 to vector<16xi32>
        %shift_right_arithmetic3A_1306 = arith.shrsi %and3A_1303, %shift_right_arithmetic3A_1305 : vector<16xi32>
        %shift_left3A_1307 = arith.constant 8 : i32
        %shift_left3A_1308 = vector.broadcast %shift_left3A_1307 : i32 to vector<16xi32>
        %shift_left3A_1309 = arith.shli %shift_right_arithmetic3A_1306, %shift_left3A_1308 : vector<16xi32>
        %and3A_1310 = arith.constant 127 : i32
        %and3A_1311 = vector.broadcast %and3A_1310 : i32 to vector<16xi32>
        %and3A_1312 = arith.andi %and3A_1303, %and3A_1311 : vector<16xi32>
        %add3A_1313 = arith.addi %shift_left3A_1309, %and3A_1312 : vector<16xi32>
        %add3A_1314 = arith.constant 13631488 : i32
        %add3A_1315 = vector.broadcast %add3A_1314 : i32 to vector<16xi32>
        %add3A_1316 = arith.addi %add3A_1313, %add3A_1315 : vector<16xi32>
        %add3A_1317 = arith.constant 12544 : i32
        %add3A_1318 = vector.broadcast %add3A_1317 : i32 to vector<16xi32>
        %add3A_1319 = arith.addi %add3A_514, %add3A_1318 : vector<16xi32>
        %add3A_1320 = arith.constant 0 : i32
        %add3A_1321 = vector.broadcast %add3A_1320 : i32 to vector<16xi32>
        %add3A_1322 = arith.addi %add3A_1316, %add3A_1321 : vector<16xi32>
        %scatter3A_1323 = arith.constant 0 : i32
        %scatter3A_1324 = arith.constant 0 : i32
        %scatter3A_1325 = tpu.memref_slice %arg6[%scatter3A_1323, %scatter3A_1324] : memref<2x16384xi32, #tpu.memory_space<vmem>> -> memref<1x16384xi32, #tpu.memory_space<vmem>>
        %scatter3A_1326 = tpu.memref_squeeze %scatter3A_1325 : memref<1x16384xi32, #tpu.memory_space<vmem>> -> memref<16384xi32, #tpu.memory_space<vmem>>
        tpu.vector_store_idx %scatter3A_1326[%add3A_1319], %add3A_1322 : memref<16384xi32, #tpu.memory_space<vmem>>[vector<16xi32>], vector<16xi32>,
        %add3A_1327 = arith.constant 12672 : i32
        %add3A_1328 = vector.broadcast %add3A_1327 : i32 to vector<16xi32>
        %add3A_1329 = arith.addi %add3A_514, %add3A_1328 : vector<16xi32>
        %add3A_1330 = arith.constant 128 : i32
        %add3A_1331 = vector.broadcast %add3A_1330 : i32 to vector<16xi32>
        %add3A_1332 = arith.addi %add3A_1316, %add3A_1331 : vector<16xi32>
        %scatter3A_1333 = arith.constant 0 : i32
        %scatter3A_1334 = arith.constant 0 : i32
        %scatter3A_1335 = tpu.memref_slice %arg6[%scatter3A_1333, %scatter3A_1334] : memref<2x16384xi32, #tpu.memory_space<vmem>> -> memref<1x16384xi32, #tpu.memory_space<vmem>>
        %scatter3A_1336 = tpu.memref_squeeze %scatter3A_1335 : memref<1x16384xi32, #tpu.memory_space<vmem>> -> memref<16384xi32, #tpu.memory_space<vmem>>
        tpu.vector_store_idx %scatter3A_1336[%add3A_1329], %add3A_1332 : memref<16384xi32, #tpu.memory_space<vmem>>[vector<16xi32>], vector<16xi32>,
        %mul3A_1337 = arith.constant 4.670000e+03 : f32
        %mul3A_1338 = vector.broadcast %mul3A_1337 : f32 to vector<16xf32>
        %mul3A_1339 = arith.mulf %get3A_489, %mul3A_1338 : vector<16xf32>
        %convert_element_type3A_1340 = arith.fptosi %mul3A_1339 : vector<16xf32> to vector<16xi32>
        %mul3A_1341 = arith.constant 4.670000e+03 : f32
        %mul3A_1342 = vector.broadcast %mul3A_1341 : f32 to vector<16xf32>
        %mul3A_1343 = arith.mulf %get3A_497, %mul3A_1342 : vector<16xf32>
        %convert_element_type3A_1344 = arith.fptosi %mul3A_1343 : vector<16xf32> to vector<16xi32>
        %mul3A_1345 = arith.constant 4.670000e+03 : f32
        %mul3A_1346 = vector.broadcast %mul3A_1345 : f32 to vector<16xf32>
        %mul3A_1347 = arith.mulf %get3A_505, %mul3A_1346 : vector<16xf32>
        %convert_element_type3A_1348 = arith.fptosi %mul3A_1347 : vector<16xf32> to vector<16xi32>
        %mul3A_1349 = arith.constant 73856093 : i32
        %mul3A_1350 = vector.broadcast %mul3A_1349 : i32 to vector<16xi32>
        %mul3A_1351 = arith.muli %convert_element_type3A_1340, %mul3A_1350 : vector<16xi32>
        %mul3A_1352 = arith.constant 19349663 : i32
        %mul3A_1353 = vector.broadcast %mul3A_1352 : i32 to vector<16xi32>
        %mul3A_1354 = arith.muli %convert_element_type3A_1344, %mul3A_1353 : vector<16xi32>
        %xor3A_1355 = arith.xori %mul3A_1351, %mul3A_1354 : vector<16xi32>
        %mul3A_1356 = arith.constant 83492791 : i32
        %mul3A_1357 = vector.broadcast %mul3A_1356 : i32 to vector<16xi32>
        %mul3A_1358 = arith.muli %convert_element_type3A_1348, %mul3A_1357 : vector<16xi32>
        %xor3A_1359 = arith.xori %xor3A_1355, %mul3A_1358 : vector<16xi32>
        %and3A_1360 = arith.constant 524287 : i32
        %and3A_1361 = vector.broadcast %and3A_1360 : i32 to vector<16xi32>
        %and3A_1362 = arith.andi %xor3A_1359, %and3A_1361 : vector<16xi32>
        %shift_right_arithmetic3A_1363 = arith.constant 7 : i32
        %shift_right_arithmetic3A_1364 = vector.broadcast %shift_right_arithmetic3A_1363 : i32 to vector<16xi32>
        %shift_right_arithmetic3A_1365 = arith.shrsi %and3A_1362, %shift_right_arithmetic3A_1364 : vector<16xi32>
        %shift_left3A_1366 = arith.constant 8 : i32
        %shift_left3A_1367 = vector.broadcast %shift_left3A_1366 : i32 to vector<16xi32>
        %shift_left3A_1368 = arith.shli %shift_right_arithmetic3A_1365, %shift_left3A_1367 : vector<16xi32>
        %and3A_1369 = arith.constant 127 : i32
        %and3A_1370 = vector.broadcast %and3A_1369 : i32 to vector<16xi32>
        %and3A_1371 = arith.andi %and3A_1362, %and3A_1370 : vector<16xi32>
        %add3A_1372 = arith.addi %shift_left3A_1368, %and3A_1371 : vector<16xi32>
        %add3A_1373 = arith.constant 14680064 : i32
        %add3A_1374 = vector.broadcast %add3A_1373 : i32 to vector<16xi32>
        %add3A_1375 = arith.addi %add3A_1372, %add3A_1374 : vector<16xi32>
        %add3A_1376 = arith.constant 12800 : i32
        %add3A_1377 = vector.broadcast %add3A_1376 : i32 to vector<16xi32>
        %add3A_1378 = arith.addi %add3A_514, %add3A_1377 : vector<16xi32>
        %add3A_1379 = arith.constant 0 : i32
        %add3A_1380 = vector.broadcast %add3A_1379 : i32 to vector<16xi32>
        %add3A_1381 = arith.addi %add3A_1375, %add3A_1380 : vector<16xi32>
        %scatter3A_1382 = arith.constant 0 : i32
        %scatter3A_1383 = arith.constant 0 : i32
        %scatter3A_1384 = tpu.memref_slice %arg6[%scatter3A_1382, %scatter3A_1383] : memref<2x16384xi32, #tpu.memory_space<vmem>> -> memref<1x16384xi32, #tpu.memory_space<vmem>>
        %scatter3A_1385 = tpu.memref_squeeze %scatter3A_1384 : memref<1x16384xi32, #tpu.memory_space<vmem>> -> memref<16384xi32, #tpu.memory_space<vmem>>
        tpu.vector_store_idx %scatter3A_1385[%add3A_1378], %add3A_1381 : memref<16384xi32, #tpu.memory_space<vmem>>[vector<16xi32>], vector<16xi32>,
        %add3A_1386 = arith.constant 12928 : i32
        %add3A_1387 = vector.broadcast %add3A_1386 : i32 to vector<16xi32>
        %add3A_1388 = arith.addi %add3A_514, %add3A_1387 : vector<16xi32>
        %add3A_1389 = arith.constant 128 : i32
        %add3A_1390 = vector.broadcast %add3A_1389 : i32 to vector<16xi32>
        %add3A_1391 = arith.addi %add3A_1375, %add3A_1390 : vector<16xi32>
        %scatter3A_1392 = arith.constant 0 : i32
        %scatter3A_1393 = arith.constant 0 : i32
        %scatter3A_1394 = tpu.memref_slice %arg6[%scatter3A_1392, %scatter3A_1393] : memref<2x16384xi32, #tpu.memory_space<vmem>> -> memref<1x16384xi32, #tpu.memory_space<vmem>>
        %scatter3A_1395 = tpu.memref_squeeze %scatter3A_1394 : memref<1x16384xi32, #tpu.memory_space<vmem>> -> memref<16384xi32, #tpu.memory_space<vmem>>
        tpu.vector_store_idx %scatter3A_1395[%add3A_1388], %add3A_1391 : memref<16384xi32, #tpu.memory_space<vmem>>[vector<16xi32>], vector<16xi32>,
        %mul3A_1396 = arith.constant 7.006000e+03 : f32
        %mul3A_1397 = vector.broadcast %mul3A_1396 : f32 to vector<16xf32>
        %mul3A_1398 = arith.mulf %get3A_489, %mul3A_1397 : vector<16xf32>
        %convert_element_type3A_1399 = arith.fptosi %mul3A_1398 : vector<16xf32> to vector<16xi32>
        %mul3A_1400 = arith.constant 7.006000e+03 : f32
        %mul3A_1401 = vector.broadcast %mul3A_1400 : f32 to vector<16xf32>
        %mul3A_1402 = arith.mulf %get3A_497, %mul3A_1401 : vector<16xf32>
        %convert_element_type3A_1403 = arith.fptosi %mul3A_1402 : vector<16xf32> to vector<16xi32>
        %mul3A_1404 = arith.constant 7.006000e+03 : f32
        %mul3A_1405 = vector.broadcast %mul3A_1404 : f32 to vector<16xf32>
        %mul3A_1406 = arith.mulf %get3A_505, %mul3A_1405 : vector<16xf32>
        %convert_element_type3A_1407 = arith.fptosi %mul3A_1406 : vector<16xf32> to vector<16xi32>
        %mul3A_1408 = arith.constant 73856093 : i32
        %mul3A_1409 = vector.broadcast %mul3A_1408 : i32 to vector<16xi32>
        %mul3A_1410 = arith.muli %convert_element_type3A_1399, %mul3A_1409 : vector<16xi32>
        %mul3A_1411 = arith.constant 19349663 : i32
        %mul3A_1412 = vector.broadcast %mul3A_1411 : i32 to vector<16xi32>
        %mul3A_1413 = arith.muli %convert_element_type3A_1403, %mul3A_1412 : vector<16xi32>
        %xor3A_1414 = arith.xori %mul3A_1410, %mul3A_1413 : vector<16xi32>
        %mul3A_1415 = arith.constant 83492791 : i32
        %mul3A_1416 = vector.broadcast %mul3A_1415 : i32 to vector<16xi32>
        %mul3A_1417 = arith.muli %convert_element_type3A_1407, %mul3A_1416 : vector<16xi32>
        %xor3A_1418 = arith.xori %xor3A_1414, %mul3A_1417 : vector<16xi32>
        %and3A_1419 = arith.constant 524287 : i32
        %and3A_1420 = vector.broadcast %and3A_1419 : i32 to vector<16xi32>
        %and3A_1421 = arith.andi %xor3A_1418, %and3A_1420 : vector<16xi32>
        %shift_right_arithmetic3A_1422 = arith.constant 7 : i32
        %shift_right_arithmetic3A_1423 = vector.broadcast %shift_right_arithmetic3A_1422 : i32 to vector<16xi32>
        %shift_right_arithmetic3A_1424 = arith.shrsi %and3A_1421, %shift_right_arithmetic3A_1423 : vector<16xi32>
        %shift_left3A_1425 = arith.constant 8 : i32
        %shift_left3A_1426 = vector.broadcast %shift_left3A_1425 : i32 to vector<16xi32>
        %shift_left3A_1427 = arith.shli %shift_right_arithmetic3A_1424, %shift_left3A_1426 : vector<16xi32>
        %and3A_1428 = arith.constant 127 : i32
        %and3A_1429 = vector.broadcast %and3A_1428 : i32 to vector<16xi32>
        %and3A_1430 = arith.andi %and3A_1421, %and3A_1429 : vector<16xi32>
        %add3A_1431 = arith.addi %shift_left3A_1427, %and3A_1430 : vector<16xi32>
        %add3A_1432 = arith.constant 15728640 : i32
        %add3A_1433 = vector.broadcast %add3A_1432 : i32 to vector<16xi32>
        %add3A_1434 = arith.addi %add3A_1431, %add3A_1433 : vector<16xi32>
        %add3A_1435 = arith.constant 13056 : i32
        %add3A_1436 = vector.broadcast %add3A_1435 : i32 to vector<16xi32>
        %add3A_1437 = arith.addi %add3A_514, %add3A_1436 : vector<16xi32>
        %add3A_1438 = arith.constant 0 : i32
        %add3A_1439 = vector.broadcast %add3A_1438 : i32 to vector<16xi32>
        %add3A_1440 = arith.addi %add3A_1434, %add3A_1439 : vector<16xi32>
        %scatter3A_1441 = arith.constant 0 : i32
        %scatter3A_1442 = arith.constant 0 : i32
        %scatter3A_1443 = tpu.memref_slice %arg6[%scatter3A_1441, %scatter3A_1442] : memref<2x16384xi32, #tpu.memory_space<vmem>> -> memref<1x16384xi32, #tpu.memory_space<vmem>>
        %scatter3A_1444 = tpu.memref_squeeze %scatter3A_1443 : memref<1x16384xi32, #tpu.memory_space<vmem>> -> memref<16384xi32, #tpu.memory_space<vmem>>
        tpu.vector_store_idx %scatter3A_1444[%add3A_1437], %add3A_1440 : memref<16384xi32, #tpu.memory_space<vmem>>[vector<16xi32>], vector<16xi32>,
        %add3A_1445 = arith.constant 13184 : i32
        %add3A_1446 = vector.broadcast %add3A_1445 : i32 to vector<16xi32>
        %add3A_1447 = arith.addi %add3A_514, %add3A_1446 : vector<16xi32>
        %add3A_1448 = arith.constant 128 : i32
        %add3A_1449 = vector.broadcast %add3A_1448 : i32 to vector<16xi32>
        %add3A_1450 = arith.addi %add3A_1434, %add3A_1449 : vector<16xi32>
        %scatter3A_1451 = arith.constant 0 : i32
        %scatter3A_1452 = arith.constant 0 : i32
        %scatter3A_1453 = tpu.memref_slice %arg6[%scatter3A_1451, %scatter3A_1452] : memref<2x16384xi32, #tpu.memory_space<vmem>> -> memref<1x16384xi32, #tpu.memory_space<vmem>>
        %scatter3A_1454 = tpu.memref_squeeze %scatter3A_1453 : memref<1x16384xi32, #tpu.memory_space<vmem>> -> memref<16384xi32, #tpu.memory_space<vmem>>
        tpu.vector_store_idx %scatter3A_1454[%add3A_1447], %add3A_1450 : memref<16384xi32, #tpu.memory_space<vmem>>[vector<16xi32>], vector<16xi32>,
      }
      %scan3A_344 = arith.constant 32 : i32
      %dma_start3A_345 = arith.constant 0 : i32
      %dma_start3A_346 = arith.constant 0 : i32
      %dma_start3A_347 = arith.constant 0 : i32
      %dma_start3A_348 = tpu.memref_slice %arg7[%dma_start3A_346, %dma_start3A_347] : memref<2x16384xf32, #tpu.memory_space<vmem>> -> memref<1x8192xf32, #tpu.memory_space<vmem>>
      %dma_start3A_349 = tpu.memref_squeeze %dma_start3A_348 : memref<1x8192xf32, #tpu.memory_space<vmem>> -> memref<8192xf32, #tpu.memory_space<vmem>>
      %dma_start3A_350 = arith.constant 0 : i32
      %dma_start3A_351 = tpu.memref_slice %arg6[%dma_start3A_345, %dma_start3A_350] : memref<2x16384xi32, #tpu.memory_space<vmem>> -> memref<1x8192xi32, #tpu.memory_space<vmem>>
      %dma_start3A_352 = tpu.memref_squeeze %dma_start3A_351 : memref<1x8192xi32, #tpu.memory_space<vmem>> -> memref<8192xi32, #tpu.memory_space<vmem>>
      %dma_start3A_353 = arith.constant 0 : i32
      %dma_start3A_354 = tpu.memref_slice %arg3[%dma_start3A_353] : memref<16777216xf32, #tpu.memory_space<hbm>> -> memref<16777216xf32, #tpu.memory_space<hbm>>
      tpu.enqueue_indirect_dma source(%dma_start3A_354 : memref<16777216xf32, #tpu.memory_space<hbm>>) target(%dma_start3A_349 : memref<8192xf32, #tpu.memory_space<vmem>>) offsets(%dma_start3A_352 : memref<8192xi32, #tpu.memory_space<vmem>>) semaphore(%arg9 : memref<!tpu.dma_semaphore, #tpu.memory_space<semaphore_mem>>)
      %dma_start3A_355 = arith.constant 0 : i32
      %dma_start3A_356 = arith.constant 0 : i32
      %dma_start3A_357 = arith.constant 8192 : i32
      %dma_start3A_358 = tpu.memref_slice %arg7[%dma_start3A_356, %dma_start3A_357] : memref<2x16384xf32, #tpu.memory_space<vmem>> -> memref<1x8192xf32, #tpu.memory_space<vmem>>
      %dma_start3A_359 = tpu.memref_squeeze %dma_start3A_358 : memref<1x8192xf32, #tpu.memory_space<vmem>> -> memref<8192xf32, #tpu.memory_space<vmem>>
      %dma_start3A_360 = arith.constant 8192 : i32
      %dma_start3A_361 = tpu.memref_slice %arg6[%dma_start3A_355, %dma_start3A_360] : memref<2x16384xi32, #tpu.memory_space<vmem>> -> memref<1x8192xi32, #tpu.memory_space<vmem>>
      %dma_start3A_362 = tpu.memref_squeeze %dma_start3A_361 : memref<1x8192xi32, #tpu.memory_space<vmem>> -> memref<8192xi32, #tpu.memory_space<vmem>>
      %dma_start3A_363 = arith.constant 0 : i32
      %dma_start3A_364 = tpu.memref_slice %arg3[%dma_start3A_363] : memref<16777216xf32, #tpu.memory_space<hbm>> -> memref<16777216xf32, #tpu.memory_space<hbm>>
      tpu.enqueue_indirect_dma source(%dma_start3A_364 : memref<16777216xf32, #tpu.memory_space<hbm>>) target(%dma_start3A_359 : memref<8192xf32, #tpu.memory_space<vmem>>) offsets(%dma_start3A_362 : memref<8192xi32, #tpu.memory_space<vmem>>) semaphore(%arg9 : memref<!tpu.dma_semaphore, #tpu.memory_space<semaphore_mem>>)
      %add3A_365 = arith.constant 1 : i32
      %add3A_366 = arith.addi %mul3A_247, %add3A_365 : i32
      %dma_wait3A_367 = arith.constant 1 : i32
      %dma_wait3A_368 = arith.constant 1 : i32
      %dma_wait3A_369 = arith.constant 0 : i32
      %dma_wait3A_370 = tpu.memref_slice %arg7[%dma_wait3A_368, %dma_wait3A_369] : memref<2x16384xf32, #tpu.memory_space<vmem>> -> memref<1x16384xf32, #tpu.memory_space<vmem>>
      %dma_wait3A_371 = tpu.memref_squeeze %dma_wait3A_370 : memref<1x16384xf32, #tpu.memory_space<vmem>> -> memref<16384xf32, #tpu.memory_space<vmem>>
      %dma_wait3A_372 = arith.constant 0 : i32
      %dma_wait3A_373 = tpu.memref_slice %arg6[%dma_wait3A_367, %dma_wait3A_372] : memref<2x16384xi32, #tpu.memory_space<vmem>> -> memref<1x16384xi32, #tpu.memory_space<vmem>>
      %dma_wait3A_374 = tpu.memref_squeeze %dma_wait3A_373 : memref<1x16384xi32, #tpu.memory_space<vmem>> -> memref<16384xi32, #tpu.memory_space<vmem>>
      %dma_wait3A_375 = arith.constant 0 : i32
      %dma_wait3A_376 = tpu.memref_slice %arg3[%dma_wait3A_375] : memref<16777216xf32, #tpu.memory_space<hbm>> -> memref<16777216xf32, #tpu.memory_space<hbm>>
      tpu.wait_indirect_dma semaphore(%arg10 : memref<!tpu.dma_semaphore, #tpu.memory_space<semaphore_mem>>) src(%dma_wait3A_376 : memref<16777216xf32, #tpu.memory_space<hbm>>) dst(%dma_wait3A_371 : memref<16384xf32, #tpu.memory_space<vmem>>)
      %add3A_377 = arith.addi %mul3A_2, %add3A_366 : i32
      %mul3A_378 = arith.constant 512 : i32
      %mul3A_379 = arith.muli %add3A_377, %mul3A_378 : i32
      %mul3A_380 = arith.constant 8 : i32
      %mul3A_381 = arith.muli %mul3A_379, %mul3A_380 : i32
      %add3A_382 = arith.constant 0 : i32
      %add3A_383 = arith.addi %add3A_382, %mul3A_381 : i32
      %run_scoped3A_384 = arith.constant 1 : i32
      "tpu.region"() ({
        %run_scoped3A_484 = tpu.sem_alloc : memref<!tpu.dma_semaphore, #tpu.memory_space<semaphore_mem>>
        %dma_start3A_485 = arith.constant 0 : i32
        %dma_start3A_486 = tpu.memref_slice %arg7[%run_scoped3A_384, %dma_start3A_485] : memref<2x16384xf32, #tpu.memory_space<vmem>> -> memref<1x4096xf32, #tpu.memory_space<vmem>>
        %dma_start3A_487 = tpu.memref_squeeze %dma_start3A_486 : memref<1x4096xf32, #tpu.memory_space<vmem>> -> memref<4096xf32, #tpu.memory_space<vmem>>
        %dma_start3A_488 = tpu.memref_slice %arg4[%add3A_383] : memref<33554432xf32, #tpu.memory_space<hbm>> -> memref<4096xf32, #tpu.memory_space<hbm>>
        %dma_start3A_489 = tpu.memref_slice %arg4[%add3A_383] : memref<33554432xf32, #tpu.memory_space<hbm>> -> memref<4096xf32, #tpu.memory_space<hbm>>
        %dma_start3A_490 = arith.constant 0 : i32
        %dma_start3A_491 = tpu.memref_slice %arg7[%run_scoped3A_384, %dma_start3A_490] : memref<2x16384xf32, #tpu.memory_space<vmem>> -> memref<1x4096xf32, #tpu.memory_space<vmem>>
        %dma_start3A_492 = tpu.memref_squeeze %dma_start3A_491 : memref<1x4096xf32, #tpu.memory_space<vmem>> -> memref<4096xf32, #tpu.memory_space<vmem>>
        tpu.enqueue_dma source(%dma_start3A_492 : memref<4096xf32, #tpu.memory_space<vmem>>) target(%dma_start3A_489 : memref<4096xf32, #tpu.memory_space<hbm>>) target_semaphore(%run_scoped3A_484 : memref<!tpu.dma_semaphore, #tpu.memory_space<semaphore_mem>>)
        %dma_wait3A_493 = arith.constant 0 : i32
        %dma_wait3A_494 = tpu.memref_slice %arg7[%run_scoped3A_384, %dma_wait3A_493] : memref<2x16384xf32, #tpu.memory_space<vmem>> -> memref<1x4096xf32, #tpu.memory_space<vmem>>
        %dma_wait3A_495 = tpu.memref_squeeze %dma_wait3A_494 : memref<1x4096xf32, #tpu.memory_space<vmem>> -> memref<4096xf32, #tpu.memory_space<vmem>>
        %dma_wait3A_496 = tpu.memref_slice %arg4[%add3A_383] : memref<33554432xf32, #tpu.memory_space<hbm>> -> memref<4096xf32, #tpu.memory_space<hbm>>
        %dma_wait3A_497 = tpu.memref_slice %arg4[%add3A_383] : memref<33554432xf32, #tpu.memory_space<hbm>> -> memref<4096xf32, #tpu.memory_space<hbm>>
        %dma_wait3A_498 = arith.constant 0 : i32
        %dma_wait3A_499 = tpu.memref_slice %arg7[%run_scoped3A_384, %dma_wait3A_498] : memref<2x16384xf32, #tpu.memory_space<vmem>> -> memref<1x4096xf32, #tpu.memory_space<vmem>>
        %dma_wait3A_500 = tpu.memref_squeeze %dma_wait3A_499 : memref<1x4096xf32, #tpu.memory_space<vmem>> -> memref<4096xf32, #tpu.memory_space<vmem>>
        tpu.wait_dma2 semaphore(%run_scoped3A_484 : memref<!tpu.dma_semaphore, #tpu.memory_space<semaphore_mem>>) src(%dma_wait3A_500 : memref<4096xf32, #tpu.memory_space<vmem>>) dst(%dma_wait3A_497 : memref<4096xf32, #tpu.memory_space<hbm>>)
        tpu.yield
      }) : () -> ()
      %add3A_385 = arith.addi %mul3A_2, %add3A_366 : i32
      %mul3A_386 = arith.constant 512 : i32
      %mul3A_387 = arith.muli %add3A_385, %mul3A_386 : i32
      %mul3A_388 = arith.constant 8 : i32
      %mul3A_389 = arith.muli %mul3A_387, %mul3A_388 : i32
      %add3A_390 = arith.constant 8388608 : i32
      %add3A_391 = arith.addi %add3A_390, %mul3A_389 : i32
      %run_scoped3A_392 = arith.constant 1 : i32
      "tpu.region"() ({
        %run_scoped3A_484 = tpu.sem_alloc : memref<!tpu.dma_semaphore, #tpu.memory_space<semaphore_mem>>
        %dma_start3A_485 = arith.constant 4096 : i32
        %dma_start3A_486 = tpu.memref_slice %arg7[%run_scoped3A_392, %dma_start3A_485] : memref<2x16384xf32, #tpu.memory_space<vmem>> -> memref<1x4096xf32, #tpu.memory_space<vmem>>
        %dma_start3A_487 = tpu.memref_squeeze %dma_start3A_486 : memref<1x4096xf32, #tpu.memory_space<vmem>> -> memref<4096xf32, #tpu.memory_space<vmem>>
        %dma_start3A_488 = tpu.memref_slice %arg4[%add3A_391] : memref<33554432xf32, #tpu.memory_space<hbm>> -> memref<4096xf32, #tpu.memory_space<hbm>>
        %dma_start3A_489 = tpu.memref_slice %arg4[%add3A_391] : memref<33554432xf32, #tpu.memory_space<hbm>> -> memref<4096xf32, #tpu.memory_space<hbm>>
        %dma_start3A_490 = arith.constant 4096 : i32
        %dma_start3A_491 = tpu.memref_slice %arg7[%run_scoped3A_392, %dma_start3A_490] : memref<2x16384xf32, #tpu.memory_space<vmem>> -> memref<1x4096xf32, #tpu.memory_space<vmem>>
        %dma_start3A_492 = tpu.memref_squeeze %dma_start3A_491 : memref<1x4096xf32, #tpu.memory_space<vmem>> -> memref<4096xf32, #tpu.memory_space<vmem>>
        tpu.enqueue_dma source(%dma_start3A_492 : memref<4096xf32, #tpu.memory_space<vmem>>) target(%dma_start3A_489 : memref<4096xf32, #tpu.memory_space<hbm>>) target_semaphore(%run_scoped3A_484 : memref<!tpu.dma_semaphore, #tpu.memory_space<semaphore_mem>>)
        %dma_wait3A_493 = arith.constant 4096 : i32
        %dma_wait3A_494 = tpu.memref_slice %arg7[%run_scoped3A_392, %dma_wait3A_493] : memref<2x16384xf32, #tpu.memory_space<vmem>> -> memref<1x4096xf32, #tpu.memory_space<vmem>>
        %dma_wait3A_495 = tpu.memref_squeeze %dma_wait3A_494 : memref<1x4096xf32, #tpu.memory_space<vmem>> -> memref<4096xf32, #tpu.memory_space<vmem>>
        %dma_wait3A_496 = tpu.memref_slice %arg4[%add3A_391] : memref<33554432xf32, #tpu.memory_space<hbm>> -> memref<4096xf32, #tpu.memory_space<hbm>>
        %dma_wait3A_497 = tpu.memref_slice %arg4[%add3A_391] : memref<33554432xf32, #tpu.memory_space<hbm>> -> memref<4096xf32, #tpu.memory_space<hbm>>
        %dma_wait3A_498 = arith.constant 4096 : i32
        %dma_wait3A_499 = tpu.memref_slice %arg7[%run_scoped3A_392, %dma_wait3A_498] : memref<2x16384xf32, #tpu.memory_space<vmem>> -> memref<1x4096xf32, #tpu.memory_space<vmem>>
        %dma_wait3A_500 = tpu.memref_squeeze %dma_wait3A_499 : memref<1x4096xf32, #tpu.memory_space<vmem>> -> memref<4096xf32, #tpu.memory_space<vmem>>
        tpu.wait_dma2 semaphore(%run_scoped3A_484 : memref<!tpu.dma_semaphore, #tpu.memory_space<semaphore_mem>>) src(%dma_wait3A_500 : memref<4096xf32, #tpu.memory_space<vmem>>) dst(%dma_wait3A_497 : memref<4096xf32, #tpu.memory_space<hbm>>)
        tpu.yield
      }) : () -> ()
      %add3A_393 = arith.addi %mul3A_2, %add3A_366 : i32
      %mul3A_394 = arith.constant 512 : i32
      %mul3A_395 = arith.muli %add3A_393, %mul3A_394 : i32
      %mul3A_396 = arith.constant 8 : i32
      %mul3A_397 = arith.muli %mul3A_395, %mul3A_396 : i32
      %add3A_398 = arith.constant 16777216 : i32
      %add3A_399 = arith.addi %add3A_398, %mul3A_397 : i32
      %run_scoped3A_400 = arith.constant 1 : i32
      "tpu.region"() ({
        %run_scoped3A_484 = tpu.sem_alloc : memref<!tpu.dma_semaphore, #tpu.memory_space<semaphore_mem>>
        %dma_start3A_485 = arith.constant 8192 : i32
        %dma_start3A_486 = tpu.memref_slice %arg7[%run_scoped3A_400, %dma_start3A_485] : memref<2x16384xf32, #tpu.memory_space<vmem>> -> memref<1x4096xf32, #tpu.memory_space<vmem>>
        %dma_start3A_487 = tpu.memref_squeeze %dma_start3A_486 : memref<1x4096xf32, #tpu.memory_space<vmem>> -> memref<4096xf32, #tpu.memory_space<vmem>>
        %dma_start3A_488 = tpu.memref_slice %arg4[%add3A_399] : memref<33554432xf32, #tpu.memory_space<hbm>> -> memref<4096xf32, #tpu.memory_space<hbm>>
        %dma_start3A_489 = tpu.memref_slice %arg4[%add3A_399] : memref<33554432xf32, #tpu.memory_space<hbm>> -> memref<4096xf32, #tpu.memory_space<hbm>>
        %dma_start3A_490 = arith.constant 8192 : i32
        %dma_start3A_491 = tpu.memref_slice %arg7[%run_scoped3A_400, %dma_start3A_490] : memref<2x16384xf32, #tpu.memory_space<vmem>> -> memref<1x4096xf32, #tpu.memory_space<vmem>>
        %dma_start3A_492 = tpu.memref_squeeze %dma_start3A_491 : memref<1x4096xf32, #tpu.memory_space<vmem>> -> memref<4096xf32, #tpu.memory_space<vmem>>
        tpu.enqueue_dma source(%dma_start3A_492 : memref<4096xf32, #tpu.memory_space<vmem>>) target(%dma_start3A_489 : memref<4096xf32, #tpu.memory_space<hbm>>) target_semaphore(%run_scoped3A_484 : memref<!tpu.dma_semaphore, #tpu.memory_space<semaphore_mem>>)
        %dma_wait3A_493 = arith.constant 8192 : i32
        %dma_wait3A_494 = tpu.memref_slice %arg7[%run_scoped3A_400, %dma_wait3A_493] : memref<2x16384xf32, #tpu.memory_space<vmem>> -> memref<1x4096xf32, #tpu.memory_space<vmem>>
        %dma_wait3A_495 = tpu.memref_squeeze %dma_wait3A_494 : memref<1x4096xf32, #tpu.memory_space<vmem>> -> memref<4096xf32, #tpu.memory_space<vmem>>
        %dma_wait3A_496 = tpu.memref_slice %arg4[%add3A_399] : memref<33554432xf32, #tpu.memory_space<hbm>> -> memref<4096xf32, #tpu.memory_space<hbm>>
        %dma_wait3A_497 = tpu.memref_slice %arg4[%add3A_399] : memref<33554432xf32, #tpu.memory_space<hbm>> -> memref<4096xf32, #tpu.memory_space<hbm>>
        %dma_wait3A_498 = arith.constant 8192 : i32
        %dma_wait3A_499 = tpu.memref_slice %arg7[%run_scoped3A_400, %dma_wait3A_498] : memref<2x16384xf32, #tpu.memory_space<vmem>> -> memref<1x4096xf32, #tpu.memory_space<vmem>>
        %dma_wait3A_500 = tpu.memref_squeeze %dma_wait3A_499 : memref<1x4096xf32, #tpu.memory_space<vmem>> -> memref<4096xf32, #tpu.memory_space<vmem>>
        tpu.wait_dma2 semaphore(%run_scoped3A_484 : memref<!tpu.dma_semaphore, #tpu.memory_space<semaphore_mem>>) src(%dma_wait3A_500 : memref<4096xf32, #tpu.memory_space<vmem>>) dst(%dma_wait3A_497 : memref<4096xf32, #tpu.memory_space<hbm>>)
        tpu.yield
      }) : () -> ()
      %add3A_401 = arith.addi %mul3A_2, %add3A_366 : i32
      %mul3A_402 = arith.constant 512 : i32
      %mul3A_403 = arith.muli %add3A_401, %mul3A_402 : i32
      %mul3A_404 = arith.constant 8 : i32
      %mul3A_405 = arith.muli %mul3A_403, %mul3A_404 : i32
      %add3A_406 = arith.constant 25165824 : i32
      %add3A_407 = arith.addi %add3A_406, %mul3A_405 : i32
      %run_scoped3A_408 = arith.constant 1 : i32
      "tpu.region"() ({
        %run_scoped3A_484 = tpu.sem_alloc : memref<!tpu.dma_semaphore, #tpu.memory_space<semaphore_mem>>
        %dma_start3A_485 = arith.constant 12288 : i32
        %dma_start3A_486 = tpu.memref_slice %arg7[%run_scoped3A_408, %dma_start3A_485] : memref<2x16384xf32, #tpu.memory_space<vmem>> -> memref<1x4096xf32, #tpu.memory_space<vmem>>
        %dma_start3A_487 = tpu.memref_squeeze %dma_start3A_486 : memref<1x4096xf32, #tpu.memory_space<vmem>> -> memref<4096xf32, #tpu.memory_space<vmem>>
        %dma_start3A_488 = tpu.memref_slice %arg4[%add3A_407] : memref<33554432xf32, #tpu.memory_space<hbm>> -> memref<4096xf32, #tpu.memory_space<hbm>>
        %dma_start3A_489 = tpu.memref_slice %arg4[%add3A_407] : memref<33554432xf32, #tpu.memory_space<hbm>> -> memref<4096xf32, #tpu.memory_space<hbm>>
        %dma_start3A_490 = arith.constant 12288 : i32
        %dma_start3A_491 = tpu.memref_slice %arg7[%run_scoped3A_408, %dma_start3A_490] : memref<2x16384xf32, #tpu.memory_space<vmem>> -> memref<1x4096xf32, #tpu.memory_space<vmem>>
        %dma_start3A_492 = tpu.memref_squeeze %dma_start3A_491 : memref<1x4096xf32, #tpu.memory_space<vmem>> -> memref<4096xf32, #tpu.memory_space<vmem>>
        tpu.enqueue_dma source(%dma_start3A_492 : memref<4096xf32, #tpu.memory_space<vmem>>) target(%dma_start3A_489 : memref<4096xf32, #tpu.memory_space<hbm>>) target_semaphore(%run_scoped3A_484 : memref<!tpu.dma_semaphore, #tpu.memory_space<semaphore_mem>>)
        %dma_wait3A_493 = arith.constant 12288 : i32
        %dma_wait3A_494 = tpu.memref_slice %arg7[%run_scoped3A_408, %dma_wait3A_493] : memref<2x16384xf32, #tpu.memory_space<vmem>> -> memref<1x4096xf32, #tpu.memory_space<vmem>>
        %dma_wait3A_495 = tpu.memref_squeeze %dma_wait3A_494 : memref<1x4096xf32, #tpu.memory_space<vmem>> -> memref<4096xf32, #tpu.memory_space<vmem>>
        %dma_wait3A_496 = tpu.memref_slice %arg4[%add3A_407] : memref<33554432xf32, #tpu.memory_space<hbm>> -> memref<4096xf32, #tpu.memory_space<hbm>>
        %dma_wait3A_497 = tpu.memref_slice %arg4[%add3A_407] : memref<33554432xf32, #tpu.memory_space<hbm>> -> memref<4096xf32, #tpu.memory_space<hbm>>
        %dma_wait3A_498 = arith.constant 12288 : i32
        %dma_wait3A_499 = tpu.memref_slice %arg7[%run_scoped3A_408, %dma_wait3A_498] : memref<2x16384xf32, #tpu.memory_space<vmem>> -> memref<1x4096xf32, #tpu.memory_space<vmem>>
        %dma_wait3A_500 = tpu.memref_squeeze %dma_wait3A_499 : memref<1x4096xf32, #tpu.memory_space<vmem>> -> memref<4096xf32, #tpu.memory_space<vmem>>
        tpu.wait_dma2 semaphore(%run_scoped3A_484 : memref<!tpu.dma_semaphore, #tpu.memory_space<semaphore_mem>>) src(%dma_wait3A_500 : memref<4096xf32, #tpu.memory_space<vmem>>) dst(%dma_wait3A_497 : memref<4096xf32, #tpu.memory_space<hbm>>)
        tpu.yield
      }) : () -> ()
      %add3A_409 = arith.constant 3 : i32
      %add3A_410 = arith.addi %mul3A_247, %add3A_409 : i32
      %add3A_411 = arith.addi %mul3A_2, %add3A_410 : i32
      %mul3A_412 = arith.constant 512 : i32
      %mul3A_413 = arith.muli %add3A_411, %mul3A_412 : i32
      %add3A_414 = arith.constant 0 : i32
      %add3A_415 = arith.addi %add3A_414, %mul3A_413 : i32
      %dma_start3A_416 = arith.constant 1 : i32
      %dma_start3A_417 = arith.constant 0 : i32
      %dma_start3A_418 = tpu.memref_slice %arg5[%dma_start3A_416, %dma_start3A_417] : memref<2x1536xf32, #tpu.memory_space<vmem>> -> memref<1x512xf32, #tpu.memory_space<vmem>>
      %dma_start3A_419 = tpu.memref_squeeze %dma_start3A_418 : memref<1x512xf32, #tpu.memory_space<vmem>> -> memref<512xf32, #tpu.memory_space<vmem>>
      %dma_start3A_420 = tpu.memref_slice %arg2[%add3A_415] : memref<3145728xf32, #tpu.memory_space<hbm>> -> memref<512xf32, #tpu.memory_space<hbm>>
      %dma_start3A_421 = arith.constant 0 : i32
      %dma_start3A_422 = tpu.memref_slice %arg5[%dma_start3A_416, %dma_start3A_421] : memref<2x1536xf32, #tpu.memory_space<vmem>> -> memref<1x512xf32, #tpu.memory_space<vmem>>
      %dma_start3A_423 = tpu.memref_squeeze %dma_start3A_422 : memref<1x512xf32, #tpu.memory_space<vmem>> -> memref<512xf32, #tpu.memory_space<vmem>>
      %dma_start3A_424 = tpu.memref_slice %arg2[%add3A_415] : memref<3145728xf32, #tpu.memory_space<hbm>> -> memref<512xf32, #tpu.memory_space<hbm>>
      tpu.enqueue_dma source(%dma_start3A_424 : memref<512xf32, #tpu.memory_space<hbm>>) target(%dma_start3A_423 : memref<512xf32, #tpu.memory_space<vmem>>) target_semaphore(%arg8 : memref<!tpu.dma_semaphore, #tpu.memory_space<semaphore_mem>>)
      %add3A_425 = arith.constant 1048576 : i32
      %add3A_426 = arith.addi %add3A_425, %mul3A_413 : i32
      %dma_start3A_427 = arith.constant 1 : i32
      %dma_start3A_428 = arith.constant 512 : i32
      %dma_start3A_429 = tpu.memref_slice %arg5[%dma_start3A_427, %dma_start3A_428] : memref<2x1536xf32, #tpu.memory_space<vmem>> -> memref<1x512xf32, #tpu.memory_space<vmem>>
      %dma_start3A_430 = tpu.memref_squeeze %dma_start3A_429 : memref<1x512xf32, #tpu.memory_space<vmem>> -> memref<512xf32, #tpu.memory_space<vmem>>
      %dma_start3A_431 = tpu.memref_slice %arg2[%add3A_426] : memref<3145728xf32, #tpu.memory_space<hbm>> -> memref<512xf32, #tpu.memory_space<hbm>>
      %dma_start3A_432 = arith.constant 512 : i32
      %dma_start3A_433 = tpu.memref_slice %arg5[%dma_start3A_427, %dma_start3A_432] : memref<2x1536xf32, #tpu.memory_space<vmem>> -> memref<1x512xf32, #tpu.memory_space<vmem>>
      %dma_start3A_434 = tpu.memref_squeeze %dma_start3A_433 : memref<1x512xf32, #tpu.memory_space<vmem>> -> memref<512xf32, #tpu.memory_space<vmem>>
      %dma_start3A_435 = tpu.memref_slice %arg2[%add3A_426] : memref<3145728xf32, #tpu.memory_space<hbm>> -> memref<512xf32, #tpu.memory_space<hbm>>
      tpu.enqueue_dma source(%dma_start3A_435 : memref<512xf32, #tpu.memory_space<hbm>>) target(%dma_start3A_434 : memref<512xf32, #tpu.memory_space<vmem>>) target_semaphore(%arg8 : memref<!tpu.dma_semaphore, #tpu.memory_space<semaphore_mem>>)
      %add3A_436 = arith.constant 2097152 : i32
      %add3A_437 = arith.addi %add3A_436, %mul3A_413 : i32
      %dma_start3A_438 = arith.constant 1 : i32
      %dma_start3A_439 = arith.constant 1024 : i32
      %dma_start3A_440 = tpu.memref_slice %arg5[%dma_start3A_438, %dma_start3A_439] : memref<2x1536xf32, #tpu.memory_space<vmem>> -> memref<1x512xf32, #tpu.memory_space<vmem>>
      %dma_start3A_441 = tpu.memref_squeeze %dma_start3A_440 : memref<1x512xf32, #tpu.memory_space<vmem>> -> memref<512xf32, #tpu.memory_space<vmem>>
      %dma_start3A_442 = tpu.memref_slice %arg2[%add3A_437] : memref<3145728xf32, #tpu.memory_space<hbm>> -> memref<512xf32, #tpu.memory_space<hbm>>
      %dma_start3A_443 = arith.constant 1024 : i32
      %dma_start3A_444 = tpu.memref_slice %arg5[%dma_start3A_438, %dma_start3A_443] : memref<2x1536xf32, #tpu.memory_space<vmem>> -> memref<1x512xf32, #tpu.memory_space<vmem>>
      %dma_start3A_445 = tpu.memref_squeeze %dma_start3A_444 : memref<1x512xf32, #tpu.memory_space<vmem>> -> memref<512xf32, #tpu.memory_space<vmem>>
      %dma_start3A_446 = tpu.memref_slice %arg2[%add3A_437] : memref<3145728xf32, #tpu.memory_space<hbm>> -> memref<512xf32, #tpu.memory_space<hbm>>
      tpu.enqueue_dma source(%dma_start3A_446 : memref<512xf32, #tpu.memory_space<hbm>>) target(%dma_start3A_445 : memref<512xf32, #tpu.memory_space<vmem>>) target_semaphore(%arg8 : memref<!tpu.dma_semaphore, #tpu.memory_space<semaphore_mem>>)
      %dma_wait3A_447 = arith.constant 1 : i32
      %dma_wait3A_448 = arith.constant 0 : i32
      %dma_wait3A_449 = tpu.memref_slice %arg5[%dma_wait3A_447, %dma_wait3A_448] : memref<2x1536xf32, #tpu.memory_space<vmem>> -> memref<1x1536xf32, #tpu.memory_space<vmem>>
      %dma_wait3A_450 = tpu.memref_squeeze %dma_wait3A_449 : memref<1x1536xf32, #tpu.memory_space<vmem>> -> memref<1536xf32, #tpu.memory_space<vmem>>
      %dma_wait3A_451 = arith.constant 0 : i32
      %dma_wait3A_452 = tpu.memref_slice %arg2[%dma_wait3A_451] : memref<3145728xf32, #tpu.memory_space<hbm>> -> memref<1536xf32, #tpu.memory_space<hbm>>
      %dma_wait3A_453 = arith.constant 0 : i32
      %dma_wait3A_454 = tpu.memref_slice %arg5[%dma_wait3A_447, %dma_wait3A_453] : memref<2x1536xf32, #tpu.memory_space<vmem>> -> memref<1x1536xf32, #tpu.memory_space<vmem>>
      %dma_wait3A_455 = tpu.memref_squeeze %dma_wait3A_454 : memref<1x1536xf32, #tpu.memory_space<vmem>> -> memref<1536xf32, #tpu.memory_space<vmem>>
      %dma_wait3A_456 = arith.constant 0 : i32
      %dma_wait3A_457 = tpu.memref_slice %arg2[%dma_wait3A_456] : memref<3145728xf32, #tpu.memory_space<hbm>> -> memref<1536xf32, #tpu.memory_space<hbm>>
      tpu.wait_dma2 semaphore(%arg8 : memref<!tpu.dma_semaphore, #tpu.memory_space<semaphore_mem>>) src(%dma_wait3A_457 : memref<1536xf32, #tpu.memory_space<hbm>>) dst(%dma_wait3A_455 : memref<1536xf32, #tpu.memory_space<vmem>>)
      %scan3A_458 = arith.constant 0 : i32
      %scan3A_459 = arith.constant 0 : i32
      %scan3A_460 = arith.constant 32 : i32
      %scan3A_461 = arith.addi %scan3A_459, %scan3A_460 : i32
      %scan3A_462 = arith.constant 1 : i32
      scf.for %scan3A_484 = %scan3A_459 to %scan3A_461 step %scan3A_462  : i32 {
        %mul3A_485 = arith.constant 16 : i32
        %mul3A_486 = arith.muli %scan3A_484, %mul3A_485 : i32
        %get3A = arith.constant 1 : i32
        %get3A_487 = arith.index_cast %get3A : i32 to index
        %get3A_488 = arith.index_cast %mul3A_486 : i32 to index
        %get3A_489 = tpu.vector_load %arg5[%get3A_487, %get3A_488] {strides = array<i32>} : memref<2x1536xf32, #tpu.memory_space<vmem>>, vector<16xf32>,
        %mul3A_490 = arith.constant 16 : i32
        %mul3A_491 = arith.muli %scan3A_484, %mul3A_490 : i32
        %add3A_492 = arith.constant 512 : i32
        %add3A_493 = arith.addi %add3A_492, %mul3A_491 : i32
        %get3A_494 = arith.constant 1 : i32
        %get3A_495 = arith.index_cast %get3A_494 : i32 to index
        %get3A_496 = arith.index_cast %add3A_493 : i32 to index
        %get3A_497 = tpu.vector_load %arg5[%get3A_495, %get3A_496] {strides = array<i32>} : memref<2x1536xf32, #tpu.memory_space<vmem>>, vector<16xf32>,
        %mul3A_498 = arith.constant 16 : i32
        %mul3A_499 = arith.muli %scan3A_484, %mul3A_498 : i32
        %add3A_500 = arith.constant 1024 : i32
        %add3A_501 = arith.addi %add3A_500, %mul3A_499 : i32
        %get3A_502 = arith.constant 1 : i32
        %get3A_503 = arith.index_cast %get3A_502 : i32 to index
        %get3A_504 = arith.index_cast %add3A_501 : i32 to index
        %get3A_505 = tpu.vector_load %arg5[%get3A_503, %get3A_504] {strides = array<i32>} : memref<2x1536xf32, #tpu.memory_space<vmem>>, vector<16xf32>,
        %shift_right_arithmetic3A = arith.constant 3 : i32
        %shift_right_arithmetic3A_506 = arith.shrsi %scan3A_484, %shift_right_arithmetic3A : i32
        %mul3A_507 = arith.constant 1024 : i32
        %mul3A_508 = arith.muli %shift_right_arithmetic3A_506, %mul3A_507 : i32
        %and3A = arith.constant 7 : i32
        %and3A_509 = arith.andi %scan3A_484, %and3A : i32
        %mul3A_510 = arith.constant 16 : i32
        %mul3A_511 = arith.muli %and3A_509, %mul3A_510 : i32
        %add3A_512 = arith.addi %mul3A_508, %mul3A_511 : i32
        %add3A_513 = vector.broadcast %add3A_512 : i32 to vector<16xi32>
        %add3A_514 = arith.addi %add3A_513, %iota3A : vector<16xi32>
        %mul3A_515 = arith.constant 1.600000e+01 : f32
        %mul3A_516 = vector.broadcast %mul3A_515 : f32 to vector<16xf32>
        %mul3A_517 = arith.mulf %get3A_489, %mul3A_516 : vector<16xf32>
        %convert_element_type3A = arith.fptosi %mul3A_517 : vector<16xf32> to vector<16xi32>
        %mul3A_518 = arith.constant 1.600000e+01 : f32
        %mul3A_519 = vector.broadcast %mul3A_518 : f32 to vector<16xf32>
        %mul3A_520 = arith.mulf %get3A_497, %mul3A_519 : vector<16xf32>
        %convert_element_type3A_521 = arith.fptosi %mul3A_520 : vector<16xf32> to vector<16xi32>
        %mul3A_522 = arith.constant 1.600000e+01 : f32
        %mul3A_523 = vector.broadcast %mul3A_522 : f32 to vector<16xf32>
        %mul3A_524 = arith.mulf %get3A_505, %mul3A_523 : vector<16xf32>
        %convert_element_type3A_525 = arith.fptosi %mul3A_524 : vector<16xf32> to vector<16xi32>
        %mul3A_526 = arith.constant 73856093 : i32
        %mul3A_527 = vector.broadcast %mul3A_526 : i32 to vector<16xi32>
        %mul3A_528 = arith.muli %convert_element_type3A, %mul3A_527 : vector<16xi32>
        %mul3A_529 = arith.constant 19349663 : i32
        %mul3A_530 = vector.broadcast %mul3A_529 : i32 to vector<16xi32>
        %mul3A_531 = arith.muli %convert_element_type3A_521, %mul3A_530 : vector<16xi32>
        %xor3A = arith.xori %mul3A_528, %mul3A_531 : vector<16xi32>
        %mul3A_532 = arith.constant 83492791 : i32
        %mul3A_533 = vector.broadcast %mul3A_532 : i32 to vector<16xi32>
        %mul3A_534 = arith.muli %convert_element_type3A_525, %mul3A_533 : vector<16xi32>
        %xor3A_535 = arith.xori %xor3A, %mul3A_534 : vector<16xi32>
        %and3A_536 = arith.constant 524287 : i32
        %and3A_537 = vector.broadcast %and3A_536 : i32 to vector<16xi32>
        %and3A_538 = arith.andi %xor3A_535, %and3A_537 : vector<16xi32>
        %shift_right_arithmetic3A_539 = arith.constant 7 : i32
        %shift_right_arithmetic3A_540 = vector.broadcast %shift_right_arithmetic3A_539 : i32 to vector<16xi32>
        %shift_right_arithmetic3A_541 = arith.shrsi %and3A_538, %shift_right_arithmetic3A_540 : vector<16xi32>
        %shift_left3A = arith.constant 8 : i32
        %shift_left3A_542 = vector.broadcast %shift_left3A : i32 to vector<16xi32>
        %shift_left3A_543 = arith.shli %shift_right_arithmetic3A_541, %shift_left3A_542 : vector<16xi32>
        %and3A_544 = arith.constant 127 : i32
        %and3A_545 = vector.broadcast %and3A_544 : i32 to vector<16xi32>
        %and3A_546 = arith.andi %and3A_538, %and3A_545 : vector<16xi32>
        %add3A_547 = arith.addi %shift_left3A_543, %and3A_546 : vector<16xi32>
        %add3A_548 = arith.constant 0 : i32
        %add3A_549 = vector.broadcast %add3A_548 : i32 to vector<16xi32>
        %add3A_550 = arith.addi %add3A_547, %add3A_549 : vector<16xi32>
        %add3A_551 = arith.constant 0 : i32
        %add3A_552 = vector.broadcast %add3A_551 : i32 to vector<16xi32>
        %add3A_553 = arith.addi %add3A_514, %add3A_552 : vector<16xi32>
        %add3A_554 = arith.constant 0 : i32
        %add3A_555 = vector.broadcast %add3A_554 : i32 to vector<16xi32>
        %add3A_556 = arith.addi %add3A_550, %add3A_555 : vector<16xi32>
        %scatter3A = arith.constant 1 : i32
        %scatter3A_557 = arith.constant 0 : i32
        %scatter3A_558 = tpu.memref_slice %arg6[%scatter3A, %scatter3A_557] : memref<2x16384xi32, #tpu.memory_space<vmem>> -> memref<1x16384xi32, #tpu.memory_space<vmem>>
        %scatter3A_559 = tpu.memref_squeeze %scatter3A_558 : memref<1x16384xi32, #tpu.memory_space<vmem>> -> memref<16384xi32, #tpu.memory_space<vmem>>
        tpu.vector_store_idx %scatter3A_559[%add3A_553], %add3A_556 : memref<16384xi32, #tpu.memory_space<vmem>>[vector<16xi32>], vector<16xi32>,
        %add3A_560 = arith.constant 128 : i32
        %add3A_561 = vector.broadcast %add3A_560 : i32 to vector<16xi32>
        %add3A_562 = arith.addi %add3A_514, %add3A_561 : vector<16xi32>
        %add3A_563 = arith.constant 128 : i32
        %add3A_564 = vector.broadcast %add3A_563 : i32 to vector<16xi32>
        %add3A_565 = arith.addi %add3A_550, %add3A_564 : vector<16xi32>
        %scatter3A_566 = arith.constant 1 : i32
        %scatter3A_567 = arith.constant 0 : i32
        %scatter3A_568 = tpu.memref_slice %arg6[%scatter3A_566, %scatter3A_567] : memref<2x16384xi32, #tpu.memory_space<vmem>> -> memref<1x16384xi32, #tpu.memory_space<vmem>>
        %scatter3A_569 = tpu.memref_squeeze %scatter3A_568 : memref<1x16384xi32, #tpu.memory_space<vmem>> -> memref<16384xi32, #tpu.memory_space<vmem>>
        tpu.vector_store_idx %scatter3A_569[%add3A_562], %add3A_565 : memref<16384xi32, #tpu.memory_space<vmem>>[vector<16xi32>], vector<16xi32>,
        %mul3A_570 = arith.constant 2.400000e+01 : f32
        %mul3A_571 = vector.broadcast %mul3A_570 : f32 to vector<16xf32>
        %mul3A_572 = arith.mulf %get3A_489, %mul3A_571 : vector<16xf32>
        %convert_element_type3A_573 = arith.fptosi %mul3A_572 : vector<16xf32> to vector<16xi32>
        %mul3A_574 = arith.constant 2.400000e+01 : f32
        %mul3A_575 = vector.broadcast %mul3A_574 : f32 to vector<16xf32>
        %mul3A_576 = arith.mulf %get3A_497, %mul3A_575 : vector<16xf32>
        %convert_element_type3A_577 = arith.fptosi %mul3A_576 : vector<16xf32> to vector<16xi32>
        %mul3A_578 = arith.constant 2.400000e+01 : f32
        %mul3A_579 = vector.broadcast %mul3A_578 : f32 to vector<16xf32>
        %mul3A_580 = arith.mulf %get3A_505, %mul3A_579 : vector<16xf32>
        %convert_element_type3A_581 = arith.fptosi %mul3A_580 : vector<16xf32> to vector<16xi32>
        %mul3A_582 = arith.constant 73856093 : i32
        %mul3A_583 = vector.broadcast %mul3A_582 : i32 to vector<16xi32>
        %mul3A_584 = arith.muli %convert_element_type3A_573, %mul3A_583 : vector<16xi32>
        %mul3A_585 = arith.constant 19349663 : i32
        %mul3A_586 = vector.broadcast %mul3A_585 : i32 to vector<16xi32>
        %mul3A_587 = arith.muli %convert_element_type3A_577, %mul3A_586 : vector<16xi32>
        %xor3A_588 = arith.xori %mul3A_584, %mul3A_587 : vector<16xi32>
        %mul3A_589 = arith.constant 83492791 : i32
        %mul3A_590 = vector.broadcast %mul3A_589 : i32 to vector<16xi32>
        %mul3A_591 = arith.muli %convert_element_type3A_581, %mul3A_590 : vector<16xi32>
        %xor3A_592 = arith.xori %xor3A_588, %mul3A_591 : vector<16xi32>
        %and3A_593 = arith.constant 524287 : i32
        %and3A_594 = vector.broadcast %and3A_593 : i32 to vector<16xi32>
        %and3A_595 = arith.andi %xor3A_592, %and3A_594 : vector<16xi32>
        %shift_right_arithmetic3A_596 = arith.constant 7 : i32
        %shift_right_arithmetic3A_597 = vector.broadcast %shift_right_arithmetic3A_596 : i32 to vector<16xi32>
        %shift_right_arithmetic3A_598 = arith.shrsi %and3A_595, %shift_right_arithmetic3A_597 : vector<16xi32>
        %shift_left3A_599 = arith.constant 8 : i32
        %shift_left3A_600 = vector.broadcast %shift_left3A_599 : i32 to vector<16xi32>
        %shift_left3A_601 = arith.shli %shift_right_arithmetic3A_598, %shift_left3A_600 : vector<16xi32>
        %and3A_602 = arith.constant 127 : i32
        %and3A_603 = vector.broadcast %and3A_602 : i32 to vector<16xi32>
        %and3A_604 = arith.andi %and3A_595, %and3A_603 : vector<16xi32>
        %add3A_605 = arith.addi %shift_left3A_601, %and3A_604 : vector<16xi32>
        %add3A_606 = arith.constant 1048576 : i32
        %add3A_607 = vector.broadcast %add3A_606 : i32 to vector<16xi32>
        %add3A_608 = arith.addi %add3A_605, %add3A_607 : vector<16xi32>
        %add3A_609 = arith.constant 256 : i32
        %add3A_610 = vector.broadcast %add3A_609 : i32 to vector<16xi32>
        %add3A_611 = arith.addi %add3A_514, %add3A_610 : vector<16xi32>
        %add3A_612 = arith.constant 0 : i32
        %add3A_613 = vector.broadcast %add3A_612 : i32 to vector<16xi32>
        %add3A_614 = arith.addi %add3A_608, %add3A_613 : vector<16xi32>
        %scatter3A_615 = arith.constant 1 : i32
        %scatter3A_616 = arith.constant 0 : i32
        %scatter3A_617 = tpu.memref_slice %arg6[%scatter3A_615, %scatter3A_616] : memref<2x16384xi32, #tpu.memory_space<vmem>> -> memref<1x16384xi32, #tpu.memory_space<vmem>>
        %scatter3A_618 = tpu.memref_squeeze %scatter3A_617 : memref<1x16384xi32, #tpu.memory_space<vmem>> -> memref<16384xi32, #tpu.memory_space<vmem>>
        tpu.vector_store_idx %scatter3A_618[%add3A_611], %add3A_614 : memref<16384xi32, #tpu.memory_space<vmem>>[vector<16xi32>], vector<16xi32>,
        %add3A_619 = arith.constant 384 : i32
        %add3A_620 = vector.broadcast %add3A_619 : i32 to vector<16xi32>
        %add3A_621 = arith.addi %add3A_514, %add3A_620 : vector<16xi32>
        %add3A_622 = arith.constant 128 : i32
        %add3A_623 = vector.broadcast %add3A_622 : i32 to vector<16xi32>
        %add3A_624 = arith.addi %add3A_608, %add3A_623 : vector<16xi32>
        %scatter3A_625 = arith.constant 1 : i32
        %scatter3A_626 = arith.constant 0 : i32
        %scatter3A_627 = tpu.memref_slice %arg6[%scatter3A_625, %scatter3A_626] : memref<2x16384xi32, #tpu.memory_space<vmem>> -> memref<1x16384xi32, #tpu.memory_space<vmem>>
        %scatter3A_628 = tpu.memref_squeeze %scatter3A_627 : memref<1x16384xi32, #tpu.memory_space<vmem>> -> memref<16384xi32, #tpu.memory_space<vmem>>
        tpu.vector_store_idx %scatter3A_628[%add3A_621], %add3A_624 : memref<16384xi32, #tpu.memory_space<vmem>>[vector<16xi32>], vector<16xi32>,
        %mul3A_629 = arith.constant 3.600000e+01 : f32
        %mul3A_630 = vector.broadcast %mul3A_629 : f32 to vector<16xf32>
        %mul3A_631 = arith.mulf %get3A_489, %mul3A_630 : vector<16xf32>
        %convert_element_type3A_632 = arith.fptosi %mul3A_631 : vector<16xf32> to vector<16xi32>
        %mul3A_633 = arith.constant 3.600000e+01 : f32
        %mul3A_634 = vector.broadcast %mul3A_633 : f32 to vector<16xf32>
        %mul3A_635 = arith.mulf %get3A_497, %mul3A_634 : vector<16xf32>
        %convert_element_type3A_636 = arith.fptosi %mul3A_635 : vector<16xf32> to vector<16xi32>
        %mul3A_637 = arith.constant 3.600000e+01 : f32
        %mul3A_638 = vector.broadcast %mul3A_637 : f32 to vector<16xf32>
        %mul3A_639 = arith.mulf %get3A_505, %mul3A_638 : vector<16xf32>
        %convert_element_type3A_640 = arith.fptosi %mul3A_639 : vector<16xf32> to vector<16xi32>
        %mul3A_641 = arith.constant 73856093 : i32
        %mul3A_642 = vector.broadcast %mul3A_641 : i32 to vector<16xi32>
        %mul3A_643 = arith.muli %convert_element_type3A_632, %mul3A_642 : vector<16xi32>
        %mul3A_644 = arith.constant 19349663 : i32
        %mul3A_645 = vector.broadcast %mul3A_644 : i32 to vector<16xi32>
        %mul3A_646 = arith.muli %convert_element_type3A_636, %mul3A_645 : vector<16xi32>
        %xor3A_647 = arith.xori %mul3A_643, %mul3A_646 : vector<16xi32>
        %mul3A_648 = arith.constant 83492791 : i32
        %mul3A_649 = vector.broadcast %mul3A_648 : i32 to vector<16xi32>
        %mul3A_650 = arith.muli %convert_element_type3A_640, %mul3A_649 : vector<16xi32>
        %xor3A_651 = arith.xori %xor3A_647, %mul3A_650 : vector<16xi32>
        %and3A_652 = arith.constant 524287 : i32
        %and3A_653 = vector.broadcast %and3A_652 : i32 to vector<16xi32>
        %and3A_654 = arith.andi %xor3A_651, %and3A_653 : vector<16xi32>
        %shift_right_arithmetic3A_655 = arith.constant 7 : i32
        %shift_right_arithmetic3A_656 = vector.broadcast %shift_right_arithmetic3A_655 : i32 to vector<16xi32>
        %shift_right_arithmetic3A_657 = arith.shrsi %and3A_654, %shift_right_arithmetic3A_656 : vector<16xi32>
        %shift_left3A_658 = arith.constant 8 : i32
        %shift_left3A_659 = vector.broadcast %shift_left3A_658 : i32 to vector<16xi32>
        %shift_left3A_660 = arith.shli %shift_right_arithmetic3A_657, %shift_left3A_659 : vector<16xi32>
        %and3A_661 = arith.constant 127 : i32
        %and3A_662 = vector.broadcast %and3A_661 : i32 to vector<16xi32>
        %and3A_663 = arith.andi %and3A_654, %and3A_662 : vector<16xi32>
        %add3A_664 = arith.addi %shift_left3A_660, %and3A_663 : vector<16xi32>
        %add3A_665 = arith.constant 2097152 : i32
        %add3A_666 = vector.broadcast %add3A_665 : i32 to vector<16xi32>
        %add3A_667 = arith.addi %add3A_664, %add3A_666 : vector<16xi32>
        %add3A_668 = arith.constant 512 : i32
        %add3A_669 = vector.broadcast %add3A_668 : i32 to vector<16xi32>
        %add3A_670 = arith.addi %add3A_514, %add3A_669 : vector<16xi32>
        %add3A_671 = arith.constant 0 : i32
        %add3A_672 = vector.broadcast %add3A_671 : i32 to vector<16xi32>
        %add3A_673 = arith.addi %add3A_667, %add3A_672 : vector<16xi32>
        %scatter3A_674 = arith.constant 1 : i32
        %scatter3A_675 = arith.constant 0 : i32
        %scatter3A_676 = tpu.memref_slice %arg6[%scatter3A_674, %scatter3A_675] : memref<2x16384xi32, #tpu.memory_space<vmem>> -> memref<1x16384xi32, #tpu.memory_space<vmem>>
        %scatter3A_677 = tpu.memref_squeeze %scatter3A_676 : memref<1x16384xi32, #tpu.memory_space<vmem>> -> memref<16384xi32, #tpu.memory_space<vmem>>
        tpu.vector_store_idx %scatter3A_677[%add3A_670], %add3A_673 : memref<16384xi32, #tpu.memory_space<vmem>>[vector<16xi32>], vector<16xi32>,
        %add3A_678 = arith.constant 640 : i32
        %add3A_679 = vector.broadcast %add3A_678 : i32 to vector<16xi32>
        %add3A_680 = arith.addi %add3A_514, %add3A_679 : vector<16xi32>
        %add3A_681 = arith.constant 128 : i32
        %add3A_682 = vector.broadcast %add3A_681 : i32 to vector<16xi32>
        %add3A_683 = arith.addi %add3A_667, %add3A_682 : vector<16xi32>
        %scatter3A_684 = arith.constant 1 : i32
        %scatter3A_685 = arith.constant 0 : i32
        %scatter3A_686 = tpu.memref_slice %arg6[%scatter3A_684, %scatter3A_685] : memref<2x16384xi32, #tpu.memory_space<vmem>> -> memref<1x16384xi32, #tpu.memory_space<vmem>>
        %scatter3A_687 = tpu.memref_squeeze %scatter3A_686 : memref<1x16384xi32, #tpu.memory_space<vmem>> -> memref<16384xi32, #tpu.memory_space<vmem>>
        tpu.vector_store_idx %scatter3A_687[%add3A_680], %add3A_683 : memref<16384xi32, #tpu.memory_space<vmem>>[vector<16xi32>], vector<16xi32>,
        %mul3A_688 = arith.constant 5.400000e+01 : f32
        %mul3A_689 = vector.broadcast %mul3A_688 : f32 to vector<16xf32>
        %mul3A_690 = arith.mulf %get3A_489, %mul3A_689 : vector<16xf32>
        %convert_element_type3A_691 = arith.fptosi %mul3A_690 : vector<16xf32> to vector<16xi32>
        %mul3A_692 = arith.constant 5.400000e+01 : f32
        %mul3A_693 = vector.broadcast %mul3A_692 : f32 to vector<16xf32>
        %mul3A_694 = arith.mulf %get3A_497, %mul3A_693 : vector<16xf32>
        %convert_element_type3A_695 = arith.fptosi %mul3A_694 : vector<16xf32> to vector<16xi32>
        %mul3A_696 = arith.constant 5.400000e+01 : f32
        %mul3A_697 = vector.broadcast %mul3A_696 : f32 to vector<16xf32>
        %mul3A_698 = arith.mulf %get3A_505, %mul3A_697 : vector<16xf32>
        %convert_element_type3A_699 = arith.fptosi %mul3A_698 : vector<16xf32> to vector<16xi32>
        %mul3A_700 = arith.constant 73856093 : i32
        %mul3A_701 = vector.broadcast %mul3A_700 : i32 to vector<16xi32>
        %mul3A_702 = arith.muli %convert_element_type3A_691, %mul3A_701 : vector<16xi32>
        %mul3A_703 = arith.constant 19349663 : i32
        %mul3A_704 = vector.broadcast %mul3A_703 : i32 to vector<16xi32>
        %mul3A_705 = arith.muli %convert_element_type3A_695, %mul3A_704 : vector<16xi32>
        %xor3A_706 = arith.xori %mul3A_702, %mul3A_705 : vector<16xi32>
        %mul3A_707 = arith.constant 83492791 : i32
        %mul3A_708 = vector.broadcast %mul3A_707 : i32 to vector<16xi32>
        %mul3A_709 = arith.muli %convert_element_type3A_699, %mul3A_708 : vector<16xi32>
        %xor3A_710 = arith.xori %xor3A_706, %mul3A_709 : vector<16xi32>
        %and3A_711 = arith.constant 524287 : i32
        %and3A_712 = vector.broadcast %and3A_711 : i32 to vector<16xi32>
        %and3A_713 = arith.andi %xor3A_710, %and3A_712 : vector<16xi32>
        %shift_right_arithmetic3A_714 = arith.constant 7 : i32
        %shift_right_arithmetic3A_715 = vector.broadcast %shift_right_arithmetic3A_714 : i32 to vector<16xi32>
        %shift_right_arithmetic3A_716 = arith.shrsi %and3A_713, %shift_right_arithmetic3A_715 : vector<16xi32>
        %shift_left3A_717 = arith.constant 8 : i32
        %shift_left3A_718 = vector.broadcast %shift_left3A_717 : i32 to vector<16xi32>
        %shift_left3A_719 = arith.shli %shift_right_arithmetic3A_716, %shift_left3A_718 : vector<16xi32>
        %and3A_720 = arith.constant 127 : i32
        %and3A_721 = vector.broadcast %and3A_720 : i32 to vector<16xi32>
        %and3A_722 = arith.andi %and3A_713, %and3A_721 : vector<16xi32>
        %add3A_723 = arith.addi %shift_left3A_719, %and3A_722 : vector<16xi32>
        %add3A_724 = arith.constant 3145728 : i32
        %add3A_725 = vector.broadcast %add3A_724 : i32 to vector<16xi32>
        %add3A_726 = arith.addi %add3A_723, %add3A_725 : vector<16xi32>
        %add3A_727 = arith.constant 768 : i32
        %add3A_728 = vector.broadcast %add3A_727 : i32 to vector<16xi32>
        %add3A_729 = arith.addi %add3A_514, %add3A_728 : vector<16xi32>
        %add3A_730 = arith.constant 0 : i32
        %add3A_731 = vector.broadcast %add3A_730 : i32 to vector<16xi32>
        %add3A_732 = arith.addi %add3A_726, %add3A_731 : vector<16xi32>
        %scatter3A_733 = arith.constant 1 : i32
        %scatter3A_734 = arith.constant 0 : i32
        %scatter3A_735 = tpu.memref_slice %arg6[%scatter3A_733, %scatter3A_734] : memref<2x16384xi32, #tpu.memory_space<vmem>> -> memref<1x16384xi32, #tpu.memory_space<vmem>>
        %scatter3A_736 = tpu.memref_squeeze %scatter3A_735 : memref<1x16384xi32, #tpu.memory_space<vmem>> -> memref<16384xi32, #tpu.memory_space<vmem>>
        tpu.vector_store_idx %scatter3A_736[%add3A_729], %add3A_732 : memref<16384xi32, #tpu.memory_space<vmem>>[vector<16xi32>], vector<16xi32>,
        %add3A_737 = arith.constant 896 : i32
        %add3A_738 = vector.broadcast %add3A_737 : i32 to vector<16xi32>
        %add3A_739 = arith.addi %add3A_514, %add3A_738 : vector<16xi32>
        %add3A_740 = arith.constant 128 : i32
        %add3A_741 = vector.broadcast %add3A_740 : i32 to vector<16xi32>
        %add3A_742 = arith.addi %add3A_726, %add3A_741 : vector<16xi32>
        %scatter3A_743 = arith.constant 1 : i32
        %scatter3A_744 = arith.constant 0 : i32
        %scatter3A_745 = tpu.memref_slice %arg6[%scatter3A_743, %scatter3A_744] : memref<2x16384xi32, #tpu.memory_space<vmem>> -> memref<1x16384xi32, #tpu.memory_space<vmem>>
        %scatter3A_746 = tpu.memref_squeeze %scatter3A_745 : memref<1x16384xi32, #tpu.memory_space<vmem>> -> memref<16384xi32, #tpu.memory_space<vmem>>
        tpu.vector_store_idx %scatter3A_746[%add3A_739], %add3A_742 : memref<16384xi32, #tpu.memory_space<vmem>>[vector<16xi32>], vector<16xi32>,
        %mul3A_747 = arith.constant 8.100000e+01 : f32
        %mul3A_748 = vector.broadcast %mul3A_747 : f32 to vector<16xf32>
        %mul3A_749 = arith.mulf %get3A_489, %mul3A_748 : vector<16xf32>
        %convert_element_type3A_750 = arith.fptosi %mul3A_749 : vector<16xf32> to vector<16xi32>
        %mul3A_751 = arith.constant 8.100000e+01 : f32
        %mul3A_752 = vector.broadcast %mul3A_751 : f32 to vector<16xf32>
        %mul3A_753 = arith.mulf %get3A_497, %mul3A_752 : vector<16xf32>
        %convert_element_type3A_754 = arith.fptosi %mul3A_753 : vector<16xf32> to vector<16xi32>
        %mul3A_755 = arith.constant 8.100000e+01 : f32
        %mul3A_756 = vector.broadcast %mul3A_755 : f32 to vector<16xf32>
        %mul3A_757 = arith.mulf %get3A_505, %mul3A_756 : vector<16xf32>
        %convert_element_type3A_758 = arith.fptosi %mul3A_757 : vector<16xf32> to vector<16xi32>
        %mul3A_759 = arith.constant 73856093 : i32
        %mul3A_760 = vector.broadcast %mul3A_759 : i32 to vector<16xi32>
        %mul3A_761 = arith.muli %convert_element_type3A_750, %mul3A_760 : vector<16xi32>
        %mul3A_762 = arith.constant 19349663 : i32
        %mul3A_763 = vector.broadcast %mul3A_762 : i32 to vector<16xi32>
        %mul3A_764 = arith.muli %convert_element_type3A_754, %mul3A_763 : vector<16xi32>
        %xor3A_765 = arith.xori %mul3A_761, %mul3A_764 : vector<16xi32>
        %mul3A_766 = arith.constant 83492791 : i32
        %mul3A_767 = vector.broadcast %mul3A_766 : i32 to vector<16xi32>
        %mul3A_768 = arith.muli %convert_element_type3A_758, %mul3A_767 : vector<16xi32>
        %xor3A_769 = arith.xori %xor3A_765, %mul3A_768 : vector<16xi32>
        %and3A_770 = arith.constant 524287 : i32
        %and3A_771 = vector.broadcast %and3A_770 : i32 to vector<16xi32>
        %and3A_772 = arith.andi %xor3A_769, %and3A_771 : vector<16xi32>
        %shift_right_arithmetic3A_773 = arith.constant 7 : i32
        %shift_right_arithmetic3A_774 = vector.broadcast %shift_right_arithmetic3A_773 : i32 to vector<16xi32>
        %shift_right_arithmetic3A_775 = arith.shrsi %and3A_772, %shift_right_arithmetic3A_774 : vector<16xi32>
        %shift_left3A_776 = arith.constant 8 : i32
        %shift_left3A_777 = vector.broadcast %shift_left3A_776 : i32 to vector<16xi32>
        %shift_left3A_778 = arith.shli %shift_right_arithmetic3A_775, %shift_left3A_777 : vector<16xi32>
        %and3A_779 = arith.constant 127 : i32
        %and3A_780 = vector.broadcast %and3A_779 : i32 to vector<16xi32>
        %and3A_781 = arith.andi %and3A_772, %and3A_780 : vector<16xi32>
        %add3A_782 = arith.addi %shift_left3A_778, %and3A_781 : vector<16xi32>
        %add3A_783 = arith.constant 4194304 : i32
        %add3A_784 = vector.broadcast %add3A_783 : i32 to vector<16xi32>
        %add3A_785 = arith.addi %add3A_782, %add3A_784 : vector<16xi32>
        %add3A_786 = arith.constant 4096 : i32
        %add3A_787 = vector.broadcast %add3A_786 : i32 to vector<16xi32>
        %add3A_788 = arith.addi %add3A_514, %add3A_787 : vector<16xi32>
        %add3A_789 = arith.constant 0 : i32
        %add3A_790 = vector.broadcast %add3A_789 : i32 to vector<16xi32>
        %add3A_791 = arith.addi %add3A_785, %add3A_790 : vector<16xi32>
        %scatter3A_792 = arith.constant 1 : i32
        %scatter3A_793 = arith.constant 0 : i32
        %scatter3A_794 = tpu.memref_slice %arg6[%scatter3A_792, %scatter3A_793] : memref<2x16384xi32, #tpu.memory_space<vmem>> -> memref<1x16384xi32, #tpu.memory_space<vmem>>
        %scatter3A_795 = tpu.memref_squeeze %scatter3A_794 : memref<1x16384xi32, #tpu.memory_space<vmem>> -> memref<16384xi32, #tpu.memory_space<vmem>>
        tpu.vector_store_idx %scatter3A_795[%add3A_788], %add3A_791 : memref<16384xi32, #tpu.memory_space<vmem>>[vector<16xi32>], vector<16xi32>,
        %add3A_796 = arith.constant 4224 : i32
        %add3A_797 = vector.broadcast %add3A_796 : i32 to vector<16xi32>
        %add3A_798 = arith.addi %add3A_514, %add3A_797 : vector<16xi32>
        %add3A_799 = arith.constant 128 : i32
        %add3A_800 = vector.broadcast %add3A_799 : i32 to vector<16xi32>
        %add3A_801 = arith.addi %add3A_785, %add3A_800 : vector<16xi32>
        %scatter3A_802 = arith.constant 1 : i32
        %scatter3A_803 = arith.constant 0 : i32
        %scatter3A_804 = tpu.memref_slice %arg6[%scatter3A_802, %scatter3A_803] : memref<2x16384xi32, #tpu.memory_space<vmem>> -> memref<1x16384xi32, #tpu.memory_space<vmem>>
        %scatter3A_805 = tpu.memref_squeeze %scatter3A_804 : memref<1x16384xi32, #tpu.memory_space<vmem>> -> memref<16384xi32, #tpu.memory_space<vmem>>
        tpu.vector_store_idx %scatter3A_805[%add3A_798], %add3A_801 : memref<16384xi32, #tpu.memory_space<vmem>>[vector<16xi32>], vector<16xi32>,
        %mul3A_806 = arith.constant 1.210000e+02 : f32
        %mul3A_807 = vector.broadcast %mul3A_806 : f32 to vector<16xf32>
        %mul3A_808 = arith.mulf %get3A_489, %mul3A_807 : vector<16xf32>
        %convert_element_type3A_809 = arith.fptosi %mul3A_808 : vector<16xf32> to vector<16xi32>
        %mul3A_810 = arith.constant 1.210000e+02 : f32
        %mul3A_811 = vector.broadcast %mul3A_810 : f32 to vector<16xf32>
        %mul3A_812 = arith.mulf %get3A_497, %mul3A_811 : vector<16xf32>
        %convert_element_type3A_813 = arith.fptosi %mul3A_812 : vector<16xf32> to vector<16xi32>
        %mul3A_814 = arith.constant 1.210000e+02 : f32
        %mul3A_815 = vector.broadcast %mul3A_814 : f32 to vector<16xf32>
        %mul3A_816 = arith.mulf %get3A_505, %mul3A_815 : vector<16xf32>
        %convert_element_type3A_817 = arith.fptosi %mul3A_816 : vector<16xf32> to vector<16xi32>
        %mul3A_818 = arith.constant 73856093 : i32
        %mul3A_819 = vector.broadcast %mul3A_818 : i32 to vector<16xi32>
        %mul3A_820 = arith.muli %convert_element_type3A_809, %mul3A_819 : vector<16xi32>
        %mul3A_821 = arith.constant 19349663 : i32
        %mul3A_822 = vector.broadcast %mul3A_821 : i32 to vector<16xi32>
        %mul3A_823 = arith.muli %convert_element_type3A_813, %mul3A_822 : vector<16xi32>
        %xor3A_824 = arith.xori %mul3A_820, %mul3A_823 : vector<16xi32>
        %mul3A_825 = arith.constant 83492791 : i32
        %mul3A_826 = vector.broadcast %mul3A_825 : i32 to vector<16xi32>
        %mul3A_827 = arith.muli %convert_element_type3A_817, %mul3A_826 : vector<16xi32>
        %xor3A_828 = arith.xori %xor3A_824, %mul3A_827 : vector<16xi32>
        %and3A_829 = arith.constant 524287 : i32
        %and3A_830 = vector.broadcast %and3A_829 : i32 to vector<16xi32>
        %and3A_831 = arith.andi %xor3A_828, %and3A_830 : vector<16xi32>
        %shift_right_arithmetic3A_832 = arith.constant 7 : i32
        %shift_right_arithmetic3A_833 = vector.broadcast %shift_right_arithmetic3A_832 : i32 to vector<16xi32>
        %shift_right_arithmetic3A_834 = arith.shrsi %and3A_831, %shift_right_arithmetic3A_833 : vector<16xi32>
        %shift_left3A_835 = arith.constant 8 : i32
        %shift_left3A_836 = vector.broadcast %shift_left3A_835 : i32 to vector<16xi32>
        %shift_left3A_837 = arith.shli %shift_right_arithmetic3A_834, %shift_left3A_836 : vector<16xi32>
        %and3A_838 = arith.constant 127 : i32
        %and3A_839 = vector.broadcast %and3A_838 : i32 to vector<16xi32>
        %and3A_840 = arith.andi %and3A_831, %and3A_839 : vector<16xi32>
        %add3A_841 = arith.addi %shift_left3A_837, %and3A_840 : vector<16xi32>
        %add3A_842 = arith.constant 5242880 : i32
        %add3A_843 = vector.broadcast %add3A_842 : i32 to vector<16xi32>
        %add3A_844 = arith.addi %add3A_841, %add3A_843 : vector<16xi32>
        %add3A_845 = arith.constant 4352 : i32
        %add3A_846 = vector.broadcast %add3A_845 : i32 to vector<16xi32>
        %add3A_847 = arith.addi %add3A_514, %add3A_846 : vector<16xi32>
        %add3A_848 = arith.constant 0 : i32
        %add3A_849 = vector.broadcast %add3A_848 : i32 to vector<16xi32>
        %add3A_850 = arith.addi %add3A_844, %add3A_849 : vector<16xi32>
        %scatter3A_851 = arith.constant 1 : i32
        %scatter3A_852 = arith.constant 0 : i32
        %scatter3A_853 = tpu.memref_slice %arg6[%scatter3A_851, %scatter3A_852] : memref<2x16384xi32, #tpu.memory_space<vmem>> -> memref<1x16384xi32, #tpu.memory_space<vmem>>
        %scatter3A_854 = tpu.memref_squeeze %scatter3A_853 : memref<1x16384xi32, #tpu.memory_space<vmem>> -> memref<16384xi32, #tpu.memory_space<vmem>>
        tpu.vector_store_idx %scatter3A_854[%add3A_847], %add3A_850 : memref<16384xi32, #tpu.memory_space<vmem>>[vector<16xi32>], vector<16xi32>,
        %add3A_855 = arith.constant 4480 : i32
        %add3A_856 = vector.broadcast %add3A_855 : i32 to vector<16xi32>
        %add3A_857 = arith.addi %add3A_514, %add3A_856 : vector<16xi32>
        %add3A_858 = arith.constant 128 : i32
        %add3A_859 = vector.broadcast %add3A_858 : i32 to vector<16xi32>
        %add3A_860 = arith.addi %add3A_844, %add3A_859 : vector<16xi32>
        %scatter3A_861 = arith.constant 1 : i32
        %scatter3A_862 = arith.constant 0 : i32
        %scatter3A_863 = tpu.memref_slice %arg6[%scatter3A_861, %scatter3A_862] : memref<2x16384xi32, #tpu.memory_space<vmem>> -> memref<1x16384xi32, #tpu.memory_space<vmem>>
        %scatter3A_864 = tpu.memref_squeeze %scatter3A_863 : memref<1x16384xi32, #tpu.memory_space<vmem>> -> memref<16384xi32, #tpu.memory_space<vmem>>
        tpu.vector_store_idx %scatter3A_864[%add3A_857], %add3A_860 : memref<16384xi32, #tpu.memory_space<vmem>>[vector<16xi32>], vector<16xi32>,
        %mul3A_865 = arith.constant 1.820000e+02 : f32
        %mul3A_866 = vector.broadcast %mul3A_865 : f32 to vector<16xf32>
        %mul3A_867 = arith.mulf %get3A_489, %mul3A_866 : vector<16xf32>
        %convert_element_type3A_868 = arith.fptosi %mul3A_867 : vector<16xf32> to vector<16xi32>
        %mul3A_869 = arith.constant 1.820000e+02 : f32
        %mul3A_870 = vector.broadcast %mul3A_869 : f32 to vector<16xf32>
        %mul3A_871 = arith.mulf %get3A_497, %mul3A_870 : vector<16xf32>
        %convert_element_type3A_872 = arith.fptosi %mul3A_871 : vector<16xf32> to vector<16xi32>
        %mul3A_873 = arith.constant 1.820000e+02 : f32
        %mul3A_874 = vector.broadcast %mul3A_873 : f32 to vector<16xf32>
        %mul3A_875 = arith.mulf %get3A_505, %mul3A_874 : vector<16xf32>
        %convert_element_type3A_876 = arith.fptosi %mul3A_875 : vector<16xf32> to vector<16xi32>
        %mul3A_877 = arith.constant 73856093 : i32
        %mul3A_878 = vector.broadcast %mul3A_877 : i32 to vector<16xi32>
        %mul3A_879 = arith.muli %convert_element_type3A_868, %mul3A_878 : vector<16xi32>
        %mul3A_880 = arith.constant 19349663 : i32
        %mul3A_881 = vector.broadcast %mul3A_880 : i32 to vector<16xi32>
        %mul3A_882 = arith.muli %convert_element_type3A_872, %mul3A_881 : vector<16xi32>
        %xor3A_883 = arith.xori %mul3A_879, %mul3A_882 : vector<16xi32>
        %mul3A_884 = arith.constant 83492791 : i32
        %mul3A_885 = vector.broadcast %mul3A_884 : i32 to vector<16xi32>
        %mul3A_886 = arith.muli %convert_element_type3A_876, %mul3A_885 : vector<16xi32>
        %xor3A_887 = arith.xori %xor3A_883, %mul3A_886 : vector<16xi32>
        %and3A_888 = arith.constant 524287 : i32
        %and3A_889 = vector.broadcast %and3A_888 : i32 to vector<16xi32>
        %and3A_890 = arith.andi %xor3A_887, %and3A_889 : vector<16xi32>
        %shift_right_arithmetic3A_891 = arith.constant 7 : i32
        %shift_right_arithmetic3A_892 = vector.broadcast %shift_right_arithmetic3A_891 : i32 to vector<16xi32>
        %shift_right_arithmetic3A_893 = arith.shrsi %and3A_890, %shift_right_arithmetic3A_892 : vector<16xi32>
        %shift_left3A_894 = arith.constant 8 : i32
        %shift_left3A_895 = vector.broadcast %shift_left3A_894 : i32 to vector<16xi32>
        %shift_left3A_896 = arith.shli %shift_right_arithmetic3A_893, %shift_left3A_895 : vector<16xi32>
        %and3A_897 = arith.constant 127 : i32
        %and3A_898 = vector.broadcast %and3A_897 : i32 to vector<16xi32>
        %and3A_899 = arith.andi %and3A_890, %and3A_898 : vector<16xi32>
        %add3A_900 = arith.addi %shift_left3A_896, %and3A_899 : vector<16xi32>
        %add3A_901 = arith.constant 6291456 : i32
        %add3A_902 = vector.broadcast %add3A_901 : i32 to vector<16xi32>
        %add3A_903 = arith.addi %add3A_900, %add3A_902 : vector<16xi32>
        %add3A_904 = arith.constant 4608 : i32
        %add3A_905 = vector.broadcast %add3A_904 : i32 to vector<16xi32>
        %add3A_906 = arith.addi %add3A_514, %add3A_905 : vector<16xi32>
        %add3A_907 = arith.constant 0 : i32
        %add3A_908 = vector.broadcast %add3A_907 : i32 to vector<16xi32>
        %add3A_909 = arith.addi %add3A_903, %add3A_908 : vector<16xi32>
        %scatter3A_910 = arith.constant 1 : i32
        %scatter3A_911 = arith.constant 0 : i32
        %scatter3A_912 = tpu.memref_slice %arg6[%scatter3A_910, %scatter3A_911] : memref<2x16384xi32, #tpu.memory_space<vmem>> -> memref<1x16384xi32, #tpu.memory_space<vmem>>
        %scatter3A_913 = tpu.memref_squeeze %scatter3A_912 : memref<1x16384xi32, #tpu.memory_space<vmem>> -> memref<16384xi32, #tpu.memory_space<vmem>>
        tpu.vector_store_idx %scatter3A_913[%add3A_906], %add3A_909 : memref<16384xi32, #tpu.memory_space<vmem>>[vector<16xi32>], vector<16xi32>,
        %add3A_914 = arith.constant 4736 : i32
        %add3A_915 = vector.broadcast %add3A_914 : i32 to vector<16xi32>
        %add3A_916 = arith.addi %add3A_514, %add3A_915 : vector<16xi32>
        %add3A_917 = arith.constant 128 : i32
        %add3A_918 = vector.broadcast %add3A_917 : i32 to vector<16xi32>
        %add3A_919 = arith.addi %add3A_903, %add3A_918 : vector<16xi32>
        %scatter3A_920 = arith.constant 1 : i32
        %scatter3A_921 = arith.constant 0 : i32
        %scatter3A_922 = tpu.memref_slice %arg6[%scatter3A_920, %scatter3A_921] : memref<2x16384xi32, #tpu.memory_space<vmem>> -> memref<1x16384xi32, #tpu.memory_space<vmem>>
        %scatter3A_923 = tpu.memref_squeeze %scatter3A_922 : memref<1x16384xi32, #tpu.memory_space<vmem>> -> memref<16384xi32, #tpu.memory_space<vmem>>
        tpu.vector_store_idx %scatter3A_923[%add3A_916], %add3A_919 : memref<16384xi32, #tpu.memory_space<vmem>>[vector<16xi32>], vector<16xi32>,
        %mul3A_924 = arith.constant 2.730000e+02 : f32
        %mul3A_925 = vector.broadcast %mul3A_924 : f32 to vector<16xf32>
        %mul3A_926 = arith.mulf %get3A_489, %mul3A_925 : vector<16xf32>
        %convert_element_type3A_927 = arith.fptosi %mul3A_926 : vector<16xf32> to vector<16xi32>
        %mul3A_928 = arith.constant 2.730000e+02 : f32
        %mul3A_929 = vector.broadcast %mul3A_928 : f32 to vector<16xf32>
        %mul3A_930 = arith.mulf %get3A_497, %mul3A_929 : vector<16xf32>
        %convert_element_type3A_931 = arith.fptosi %mul3A_930 : vector<16xf32> to vector<16xi32>
        %mul3A_932 = arith.constant 2.730000e+02 : f32
        %mul3A_933 = vector.broadcast %mul3A_932 : f32 to vector<16xf32>
        %mul3A_934 = arith.mulf %get3A_505, %mul3A_933 : vector<16xf32>
        %convert_element_type3A_935 = arith.fptosi %mul3A_934 : vector<16xf32> to vector<16xi32>
        %mul3A_936 = arith.constant 73856093 : i32
        %mul3A_937 = vector.broadcast %mul3A_936 : i32 to vector<16xi32>
        %mul3A_938 = arith.muli %convert_element_type3A_927, %mul3A_937 : vector<16xi32>
        %mul3A_939 = arith.constant 19349663 : i32
        %mul3A_940 = vector.broadcast %mul3A_939 : i32 to vector<16xi32>
        %mul3A_941 = arith.muli %convert_element_type3A_931, %mul3A_940 : vector<16xi32>
        %xor3A_942 = arith.xori %mul3A_938, %mul3A_941 : vector<16xi32>
        %mul3A_943 = arith.constant 83492791 : i32
        %mul3A_944 = vector.broadcast %mul3A_943 : i32 to vector<16xi32>
        %mul3A_945 = arith.muli %convert_element_type3A_935, %mul3A_944 : vector<16xi32>
        %xor3A_946 = arith.xori %xor3A_942, %mul3A_945 : vector<16xi32>
        %and3A_947 = arith.constant 524287 : i32
        %and3A_948 = vector.broadcast %and3A_947 : i32 to vector<16xi32>
        %and3A_949 = arith.andi %xor3A_946, %and3A_948 : vector<16xi32>
        %shift_right_arithmetic3A_950 = arith.constant 7 : i32
        %shift_right_arithmetic3A_951 = vector.broadcast %shift_right_arithmetic3A_950 : i32 to vector<16xi32>
        %shift_right_arithmetic3A_952 = arith.shrsi %and3A_949, %shift_right_arithmetic3A_951 : vector<16xi32>
        %shift_left3A_953 = arith.constant 8 : i32
        %shift_left3A_954 = vector.broadcast %shift_left3A_953 : i32 to vector<16xi32>
        %shift_left3A_955 = arith.shli %shift_right_arithmetic3A_952, %shift_left3A_954 : vector<16xi32>
        %and3A_956 = arith.constant 127 : i32
        %and3A_957 = vector.broadcast %and3A_956 : i32 to vector<16xi32>
        %and3A_958 = arith.andi %and3A_949, %and3A_957 : vector<16xi32>
        %add3A_959 = arith.addi %shift_left3A_955, %and3A_958 : vector<16xi32>
        %add3A_960 = arith.constant 7340032 : i32
        %add3A_961 = vector.broadcast %add3A_960 : i32 to vector<16xi32>
        %add3A_962 = arith.addi %add3A_959, %add3A_961 : vector<16xi32>
        %add3A_963 = arith.constant 4864 : i32
        %add3A_964 = vector.broadcast %add3A_963 : i32 to vector<16xi32>
        %add3A_965 = arith.addi %add3A_514, %add3A_964 : vector<16xi32>
        %add3A_966 = arith.constant 0 : i32
        %add3A_967 = vector.broadcast %add3A_966 : i32 to vector<16xi32>
        %add3A_968 = arith.addi %add3A_962, %add3A_967 : vector<16xi32>
        %scatter3A_969 = arith.constant 1 : i32
        %scatter3A_970 = arith.constant 0 : i32
        %scatter3A_971 = tpu.memref_slice %arg6[%scatter3A_969, %scatter3A_970] : memref<2x16384xi32, #tpu.memory_space<vmem>> -> memref<1x16384xi32, #tpu.memory_space<vmem>>
        %scatter3A_972 = tpu.memref_squeeze %scatter3A_971 : memref<1x16384xi32, #tpu.memory_space<vmem>> -> memref<16384xi32, #tpu.memory_space<vmem>>
        tpu.vector_store_idx %scatter3A_972[%add3A_965], %add3A_968 : memref<16384xi32, #tpu.memory_space<vmem>>[vector<16xi32>], vector<16xi32>,
        %add3A_973 = arith.constant 4992 : i32
        %add3A_974 = vector.broadcast %add3A_973 : i32 to vector<16xi32>
        %add3A_975 = arith.addi %add3A_514, %add3A_974 : vector<16xi32>
        %add3A_976 = arith.constant 128 : i32
        %add3A_977 = vector.broadcast %add3A_976 : i32 to vector<16xi32>
        %add3A_978 = arith.addi %add3A_962, %add3A_977 : vector<16xi32>
        %scatter3A_979 = arith.constant 1 : i32
        %scatter3A_980 = arith.constant 0 : i32
        %scatter3A_981 = tpu.memref_slice %arg6[%scatter3A_979, %scatter3A_980] : memref<2x16384xi32, #tpu.memory_space<vmem>> -> memref<1x16384xi32, #tpu.memory_space<vmem>>
        %scatter3A_982 = tpu.memref_squeeze %scatter3A_981 : memref<1x16384xi32, #tpu.memory_space<vmem>> -> memref<16384xi32, #tpu.memory_space<vmem>>
        tpu.vector_store_idx %scatter3A_982[%add3A_975], %add3A_978 : memref<16384xi32, #tpu.memory_space<vmem>>[vector<16xi32>], vector<16xi32>,
        %mul3A_983 = arith.constant 4.100000e+02 : f32
        %mul3A_984 = vector.broadcast %mul3A_983 : f32 to vector<16xf32>
        %mul3A_985 = arith.mulf %get3A_489, %mul3A_984 : vector<16xf32>
        %convert_element_type3A_986 = arith.fptosi %mul3A_985 : vector<16xf32> to vector<16xi32>
        %mul3A_987 = arith.constant 4.100000e+02 : f32
        %mul3A_988 = vector.broadcast %mul3A_987 : f32 to vector<16xf32>
        %mul3A_989 = arith.mulf %get3A_497, %mul3A_988 : vector<16xf32>
        %convert_element_type3A_990 = arith.fptosi %mul3A_989 : vector<16xf32> to vector<16xi32>
        %mul3A_991 = arith.constant 4.100000e+02 : f32
        %mul3A_992 = vector.broadcast %mul3A_991 : f32 to vector<16xf32>
        %mul3A_993 = arith.mulf %get3A_505, %mul3A_992 : vector<16xf32>
        %convert_element_type3A_994 = arith.fptosi %mul3A_993 : vector<16xf32> to vector<16xi32>
        %mul3A_995 = arith.constant 73856093 : i32
        %mul3A_996 = vector.broadcast %mul3A_995 : i32 to vector<16xi32>
        %mul3A_997 = arith.muli %convert_element_type3A_986, %mul3A_996 : vector<16xi32>
        %mul3A_998 = arith.constant 19349663 : i32
        %mul3A_999 = vector.broadcast %mul3A_998 : i32 to vector<16xi32>
        %mul3A_1000 = arith.muli %convert_element_type3A_990, %mul3A_999 : vector<16xi32>
        %xor3A_1001 = arith.xori %mul3A_997, %mul3A_1000 : vector<16xi32>
        %mul3A_1002 = arith.constant 83492791 : i32
        %mul3A_1003 = vector.broadcast %mul3A_1002 : i32 to vector<16xi32>
        %mul3A_1004 = arith.muli %convert_element_type3A_994, %mul3A_1003 : vector<16xi32>
        %xor3A_1005 = arith.xori %xor3A_1001, %mul3A_1004 : vector<16xi32>
        %and3A_1006 = arith.constant 524287 : i32
        %and3A_1007 = vector.broadcast %and3A_1006 : i32 to vector<16xi32>
        %and3A_1008 = arith.andi %xor3A_1005, %and3A_1007 : vector<16xi32>
        %shift_right_arithmetic3A_1009 = arith.constant 7 : i32
        %shift_right_arithmetic3A_1010 = vector.broadcast %shift_right_arithmetic3A_1009 : i32 to vector<16xi32>
        %shift_right_arithmetic3A_1011 = arith.shrsi %and3A_1008, %shift_right_arithmetic3A_1010 : vector<16xi32>
        %shift_left3A_1012 = arith.constant 8 : i32
        %shift_left3A_1013 = vector.broadcast %shift_left3A_1012 : i32 to vector<16xi32>
        %shift_left3A_1014 = arith.shli %shift_right_arithmetic3A_1011, %shift_left3A_1013 : vector<16xi32>
        %and3A_1015 = arith.constant 127 : i32
        %and3A_1016 = vector.broadcast %and3A_1015 : i32 to vector<16xi32>
        %and3A_1017 = arith.andi %and3A_1008, %and3A_1016 : vector<16xi32>
        %add3A_1018 = arith.addi %shift_left3A_1014, %and3A_1017 : vector<16xi32>
        %add3A_1019 = arith.constant 8388608 : i32
        %add3A_1020 = vector.broadcast %add3A_1019 : i32 to vector<16xi32>
        %add3A_1021 = arith.addi %add3A_1018, %add3A_1020 : vector<16xi32>
        %add3A_1022 = arith.constant 8192 : i32
        %add3A_1023 = vector.broadcast %add3A_1022 : i32 to vector<16xi32>
        %add3A_1024 = arith.addi %add3A_514, %add3A_1023 : vector<16xi32>
        %add3A_1025 = arith.constant 0 : i32
        %add3A_1026 = vector.broadcast %add3A_1025 : i32 to vector<16xi32>
        %add3A_1027 = arith.addi %add3A_1021, %add3A_1026 : vector<16xi32>
        %scatter3A_1028 = arith.constant 1 : i32
        %scatter3A_1029 = arith.constant 0 : i32
        %scatter3A_1030 = tpu.memref_slice %arg6[%scatter3A_1028, %scatter3A_1029] : memref<2x16384xi32, #tpu.memory_space<vmem>> -> memref<1x16384xi32, #tpu.memory_space<vmem>>
        %scatter3A_1031 = tpu.memref_squeeze %scatter3A_1030 : memref<1x16384xi32, #tpu.memory_space<vmem>> -> memref<16384xi32, #tpu.memory_space<vmem>>
        tpu.vector_store_idx %scatter3A_1031[%add3A_1024], %add3A_1027 : memref<16384xi32, #tpu.memory_space<vmem>>[vector<16xi32>], vector<16xi32>,
        %add3A_1032 = arith.constant 8320 : i32
        %add3A_1033 = vector.broadcast %add3A_1032 : i32 to vector<16xi32>
        %add3A_1034 = arith.addi %add3A_514, %add3A_1033 : vector<16xi32>
        %add3A_1035 = arith.constant 128 : i32
        %add3A_1036 = vector.broadcast %add3A_1035 : i32 to vector<16xi32>
        %add3A_1037 = arith.addi %add3A_1021, %add3A_1036 : vector<16xi32>
        %scatter3A_1038 = arith.constant 1 : i32
        %scatter3A_1039 = arith.constant 0 : i32
        %scatter3A_1040 = tpu.memref_slice %arg6[%scatter3A_1038, %scatter3A_1039] : memref<2x16384xi32, #tpu.memory_space<vmem>> -> memref<1x16384xi32, #tpu.memory_space<vmem>>
        %scatter3A_1041 = tpu.memref_squeeze %scatter3A_1040 : memref<1x16384xi32, #tpu.memory_space<vmem>> -> memref<16384xi32, #tpu.memory_space<vmem>>
        tpu.vector_store_idx %scatter3A_1041[%add3A_1034], %add3A_1037 : memref<16384xi32, #tpu.memory_space<vmem>>[vector<16xi32>], vector<16xi32>,
        %mul3A_1042 = arith.constant 6.150000e+02 : f32
        %mul3A_1043 = vector.broadcast %mul3A_1042 : f32 to vector<16xf32>
        %mul3A_1044 = arith.mulf %get3A_489, %mul3A_1043 : vector<16xf32>
        %convert_element_type3A_1045 = arith.fptosi %mul3A_1044 : vector<16xf32> to vector<16xi32>
        %mul3A_1046 = arith.constant 6.150000e+02 : f32
        %mul3A_1047 = vector.broadcast %mul3A_1046 : f32 to vector<16xf32>
        %mul3A_1048 = arith.mulf %get3A_497, %mul3A_1047 : vector<16xf32>
        %convert_element_type3A_1049 = arith.fptosi %mul3A_1048 : vector<16xf32> to vector<16xi32>
        %mul3A_1050 = arith.constant 6.150000e+02 : f32
        %mul3A_1051 = vector.broadcast %mul3A_1050 : f32 to vector<16xf32>
        %mul3A_1052 = arith.mulf %get3A_505, %mul3A_1051 : vector<16xf32>
        %convert_element_type3A_1053 = arith.fptosi %mul3A_1052 : vector<16xf32> to vector<16xi32>
        %mul3A_1054 = arith.constant 73856093 : i32
        %mul3A_1055 = vector.broadcast %mul3A_1054 : i32 to vector<16xi32>
        %mul3A_1056 = arith.muli %convert_element_type3A_1045, %mul3A_1055 : vector<16xi32>
        %mul3A_1057 = arith.constant 19349663 : i32
        %mul3A_1058 = vector.broadcast %mul3A_1057 : i32 to vector<16xi32>
        %mul3A_1059 = arith.muli %convert_element_type3A_1049, %mul3A_1058 : vector<16xi32>
        %xor3A_1060 = arith.xori %mul3A_1056, %mul3A_1059 : vector<16xi32>
        %mul3A_1061 = arith.constant 83492791 : i32
        %mul3A_1062 = vector.broadcast %mul3A_1061 : i32 to vector<16xi32>
        %mul3A_1063 = arith.muli %convert_element_type3A_1053, %mul3A_1062 : vector<16xi32>
        %xor3A_1064 = arith.xori %xor3A_1060, %mul3A_1063 : vector<16xi32>
        %and3A_1065 = arith.constant 524287 : i32
        %and3A_1066 = vector.broadcast %and3A_1065 : i32 to vector<16xi32>
        %and3A_1067 = arith.andi %xor3A_1064, %and3A_1066 : vector<16xi32>
        %shift_right_arithmetic3A_1068 = arith.constant 7 : i32
        %shift_right_arithmetic3A_1069 = vector.broadcast %shift_right_arithmetic3A_1068 : i32 to vector<16xi32>
        %shift_right_arithmetic3A_1070 = arith.shrsi %and3A_1067, %shift_right_arithmetic3A_1069 : vector<16xi32>
        %shift_left3A_1071 = arith.constant 8 : i32
        %shift_left3A_1072 = vector.broadcast %shift_left3A_1071 : i32 to vector<16xi32>
        %shift_left3A_1073 = arith.shli %shift_right_arithmetic3A_1070, %shift_left3A_1072 : vector<16xi32>
        %and3A_1074 = arith.constant 127 : i32
        %and3A_1075 = vector.broadcast %and3A_1074 : i32 to vector<16xi32>
        %and3A_1076 = arith.andi %and3A_1067, %and3A_1075 : vector<16xi32>
        %add3A_1077 = arith.addi %shift_left3A_1073, %and3A_1076 : vector<16xi32>
        %add3A_1078 = arith.constant 9437184 : i32
        %add3A_1079 = vector.broadcast %add3A_1078 : i32 to vector<16xi32>
        %add3A_1080 = arith.addi %add3A_1077, %add3A_1079 : vector<16xi32>
        %add3A_1081 = arith.constant 8448 : i32
        %add3A_1082 = vector.broadcast %add3A_1081 : i32 to vector<16xi32>
        %add3A_1083 = arith.addi %add3A_514, %add3A_1082 : vector<16xi32>
        %add3A_1084 = arith.constant 0 : i32
        %add3A_1085 = vector.broadcast %add3A_1084 : i32 to vector<16xi32>
        %add3A_1086 = arith.addi %add3A_1080, %add3A_1085 : vector<16xi32>
        %scatter3A_1087 = arith.constant 1 : i32
        %scatter3A_1088 = arith.constant 0 : i32
        %scatter3A_1089 = tpu.memref_slice %arg6[%scatter3A_1087, %scatter3A_1088] : memref<2x16384xi32, #tpu.memory_space<vmem>> -> memref<1x16384xi32, #tpu.memory_space<vmem>>
        %scatter3A_1090 = tpu.memref_squeeze %scatter3A_1089 : memref<1x16384xi32, #tpu.memory_space<vmem>> -> memref<16384xi32, #tpu.memory_space<vmem>>
        tpu.vector_store_idx %scatter3A_1090[%add3A_1083], %add3A_1086 : memref<16384xi32, #tpu.memory_space<vmem>>[vector<16xi32>], vector<16xi32>,
        %add3A_1091 = arith.constant 8576 : i32
        %add3A_1092 = vector.broadcast %add3A_1091 : i32 to vector<16xi32>
        %add3A_1093 = arith.addi %add3A_514, %add3A_1092 : vector<16xi32>
        %add3A_1094 = arith.constant 128 : i32
        %add3A_1095 = vector.broadcast %add3A_1094 : i32 to vector<16xi32>
        %add3A_1096 = arith.addi %add3A_1080, %add3A_1095 : vector<16xi32>
        %scatter3A_1097 = arith.constant 1 : i32
        %scatter3A_1098 = arith.constant 0 : i32
        %scatter3A_1099 = tpu.memref_slice %arg6[%scatter3A_1097, %scatter3A_1098] : memref<2x16384xi32, #tpu.memory_space<vmem>> -> memref<1x16384xi32, #tpu.memory_space<vmem>>
        %scatter3A_1100 = tpu.memref_squeeze %scatter3A_1099 : memref<1x16384xi32, #tpu.memory_space<vmem>> -> memref<16384xi32, #tpu.memory_space<vmem>>
        tpu.vector_store_idx %scatter3A_1100[%add3A_1093], %add3A_1096 : memref<16384xi32, #tpu.memory_space<vmem>>[vector<16xi32>], vector<16xi32>,
        %mul3A_1101 = arith.constant 9.220000e+02 : f32
        %mul3A_1102 = vector.broadcast %mul3A_1101 : f32 to vector<16xf32>
        %mul3A_1103 = arith.mulf %get3A_489, %mul3A_1102 : vector<16xf32>
        %convert_element_type3A_1104 = arith.fptosi %mul3A_1103 : vector<16xf32> to vector<16xi32>
        %mul3A_1105 = arith.constant 9.220000e+02 : f32
        %mul3A_1106 = vector.broadcast %mul3A_1105 : f32 to vector<16xf32>
        %mul3A_1107 = arith.mulf %get3A_497, %mul3A_1106 : vector<16xf32>
        %convert_element_type3A_1108 = arith.fptosi %mul3A_1107 : vector<16xf32> to vector<16xi32>
        %mul3A_1109 = arith.constant 9.220000e+02 : f32
        %mul3A_1110 = vector.broadcast %mul3A_1109 : f32 to vector<16xf32>
        %mul3A_1111 = arith.mulf %get3A_505, %mul3A_1110 : vector<16xf32>
        %convert_element_type3A_1112 = arith.fptosi %mul3A_1111 : vector<16xf32> to vector<16xi32>
        %mul3A_1113 = arith.constant 73856093 : i32
        %mul3A_1114 = vector.broadcast %mul3A_1113 : i32 to vector<16xi32>
        %mul3A_1115 = arith.muli %convert_element_type3A_1104, %mul3A_1114 : vector<16xi32>
        %mul3A_1116 = arith.constant 19349663 : i32
        %mul3A_1117 = vector.broadcast %mul3A_1116 : i32 to vector<16xi32>
        %mul3A_1118 = arith.muli %convert_element_type3A_1108, %mul3A_1117 : vector<16xi32>
        %xor3A_1119 = arith.xori %mul3A_1115, %mul3A_1118 : vector<16xi32>
        %mul3A_1120 = arith.constant 83492791 : i32
        %mul3A_1121 = vector.broadcast %mul3A_1120 : i32 to vector<16xi32>
        %mul3A_1122 = arith.muli %convert_element_type3A_1112, %mul3A_1121 : vector<16xi32>
        %xor3A_1123 = arith.xori %xor3A_1119, %mul3A_1122 : vector<16xi32>
        %and3A_1124 = arith.constant 524287 : i32
        %and3A_1125 = vector.broadcast %and3A_1124 : i32 to vector<16xi32>
        %and3A_1126 = arith.andi %xor3A_1123, %and3A_1125 : vector<16xi32>
        %shift_right_arithmetic3A_1127 = arith.constant 7 : i32
        %shift_right_arithmetic3A_1128 = vector.broadcast %shift_right_arithmetic3A_1127 : i32 to vector<16xi32>
        %shift_right_arithmetic3A_1129 = arith.shrsi %and3A_1126, %shift_right_arithmetic3A_1128 : vector<16xi32>
        %shift_left3A_1130 = arith.constant 8 : i32
        %shift_left3A_1131 = vector.broadcast %shift_left3A_1130 : i32 to vector<16xi32>
        %shift_left3A_1132 = arith.shli %shift_right_arithmetic3A_1129, %shift_left3A_1131 : vector<16xi32>
        %and3A_1133 = arith.constant 127 : i32
        %and3A_1134 = vector.broadcast %and3A_1133 : i32 to vector<16xi32>
        %and3A_1135 = arith.andi %and3A_1126, %and3A_1134 : vector<16xi32>
        %add3A_1136 = arith.addi %shift_left3A_1132, %and3A_1135 : vector<16xi32>
        %add3A_1137 = arith.constant 10485760 : i32
        %add3A_1138 = vector.broadcast %add3A_1137 : i32 to vector<16xi32>
        %add3A_1139 = arith.addi %add3A_1136, %add3A_1138 : vector<16xi32>
        %add3A_1140 = arith.constant 8704 : i32
        %add3A_1141 = vector.broadcast %add3A_1140 : i32 to vector<16xi32>
        %add3A_1142 = arith.addi %add3A_514, %add3A_1141 : vector<16xi32>
        %add3A_1143 = arith.constant 0 : i32
        %add3A_1144 = vector.broadcast %add3A_1143 : i32 to vector<16xi32>
        %add3A_1145 = arith.addi %add3A_1139, %add3A_1144 : vector<16xi32>
        %scatter3A_1146 = arith.constant 1 : i32
        %scatter3A_1147 = arith.constant 0 : i32
        %scatter3A_1148 = tpu.memref_slice %arg6[%scatter3A_1146, %scatter3A_1147] : memref<2x16384xi32, #tpu.memory_space<vmem>> -> memref<1x16384xi32, #tpu.memory_space<vmem>>
        %scatter3A_1149 = tpu.memref_squeeze %scatter3A_1148 : memref<1x16384xi32, #tpu.memory_space<vmem>> -> memref<16384xi32, #tpu.memory_space<vmem>>
        tpu.vector_store_idx %scatter3A_1149[%add3A_1142], %add3A_1145 : memref<16384xi32, #tpu.memory_space<vmem>>[vector<16xi32>], vector<16xi32>,
        %add3A_1150 = arith.constant 8832 : i32
        %add3A_1151 = vector.broadcast %add3A_1150 : i32 to vector<16xi32>
        %add3A_1152 = arith.addi %add3A_514, %add3A_1151 : vector<16xi32>
        %add3A_1153 = arith.constant 128 : i32
        %add3A_1154 = vector.broadcast %add3A_1153 : i32 to vector<16xi32>
        %add3A_1155 = arith.addi %add3A_1139, %add3A_1154 : vector<16xi32>
        %scatter3A_1156 = arith.constant 1 : i32
        %scatter3A_1157 = arith.constant 0 : i32
        %scatter3A_1158 = tpu.memref_slice %arg6[%scatter3A_1156, %scatter3A_1157] : memref<2x16384xi32, #tpu.memory_space<vmem>> -> memref<1x16384xi32, #tpu.memory_space<vmem>>
        %scatter3A_1159 = tpu.memref_squeeze %scatter3A_1158 : memref<1x16384xi32, #tpu.memory_space<vmem>> -> memref<16384xi32, #tpu.memory_space<vmem>>
        tpu.vector_store_idx %scatter3A_1159[%add3A_1152], %add3A_1155 : memref<16384xi32, #tpu.memory_space<vmem>>[vector<16xi32>], vector<16xi32>,
        %mul3A_1160 = arith.constant 1.383000e+03 : f32
        %mul3A_1161 = vector.broadcast %mul3A_1160 : f32 to vector<16xf32>
        %mul3A_1162 = arith.mulf %get3A_489, %mul3A_1161 : vector<16xf32>
        %convert_element_type3A_1163 = arith.fptosi %mul3A_1162 : vector<16xf32> to vector<16xi32>
        %mul3A_1164 = arith.constant 1.383000e+03 : f32
        %mul3A_1165 = vector.broadcast %mul3A_1164 : f32 to vector<16xf32>
        %mul3A_1166 = arith.mulf %get3A_497, %mul3A_1165 : vector<16xf32>
        %convert_element_type3A_1167 = arith.fptosi %mul3A_1166 : vector<16xf32> to vector<16xi32>
        %mul3A_1168 = arith.constant 1.383000e+03 : f32
        %mul3A_1169 = vector.broadcast %mul3A_1168 : f32 to vector<16xf32>
        %mul3A_1170 = arith.mulf %get3A_505, %mul3A_1169 : vector<16xf32>
        %convert_element_type3A_1171 = arith.fptosi %mul3A_1170 : vector<16xf32> to vector<16xi32>
        %mul3A_1172 = arith.constant 73856093 : i32
        %mul3A_1173 = vector.broadcast %mul3A_1172 : i32 to vector<16xi32>
        %mul3A_1174 = arith.muli %convert_element_type3A_1163, %mul3A_1173 : vector<16xi32>
        %mul3A_1175 = arith.constant 19349663 : i32
        %mul3A_1176 = vector.broadcast %mul3A_1175 : i32 to vector<16xi32>
        %mul3A_1177 = arith.muli %convert_element_type3A_1167, %mul3A_1176 : vector<16xi32>
        %xor3A_1178 = arith.xori %mul3A_1174, %mul3A_1177 : vector<16xi32>
        %mul3A_1179 = arith.constant 83492791 : i32
        %mul3A_1180 = vector.broadcast %mul3A_1179 : i32 to vector<16xi32>
        %mul3A_1181 = arith.muli %convert_element_type3A_1171, %mul3A_1180 : vector<16xi32>
        %xor3A_1182 = arith.xori %xor3A_1178, %mul3A_1181 : vector<16xi32>
        %and3A_1183 = arith.constant 524287 : i32
        %and3A_1184 = vector.broadcast %and3A_1183 : i32 to vector<16xi32>
        %and3A_1185 = arith.andi %xor3A_1182, %and3A_1184 : vector<16xi32>
        %shift_right_arithmetic3A_1186 = arith.constant 7 : i32
        %shift_right_arithmetic3A_1187 = vector.broadcast %shift_right_arithmetic3A_1186 : i32 to vector<16xi32>
        %shift_right_arithmetic3A_1188 = arith.shrsi %and3A_1185, %shift_right_arithmetic3A_1187 : vector<16xi32>
        %shift_left3A_1189 = arith.constant 8 : i32
        %shift_left3A_1190 = vector.broadcast %shift_left3A_1189 : i32 to vector<16xi32>
        %shift_left3A_1191 = arith.shli %shift_right_arithmetic3A_1188, %shift_left3A_1190 : vector<16xi32>
        %and3A_1192 = arith.constant 127 : i32
        %and3A_1193 = vector.broadcast %and3A_1192 : i32 to vector<16xi32>
        %and3A_1194 = arith.andi %and3A_1185, %and3A_1193 : vector<16xi32>
        %add3A_1195 = arith.addi %shift_left3A_1191, %and3A_1194 : vector<16xi32>
        %add3A_1196 = arith.constant 11534336 : i32
        %add3A_1197 = vector.broadcast %add3A_1196 : i32 to vector<16xi32>
        %add3A_1198 = arith.addi %add3A_1195, %add3A_1197 : vector<16xi32>
        %add3A_1199 = arith.constant 8960 : i32
        %add3A_1200 = vector.broadcast %add3A_1199 : i32 to vector<16xi32>
        %add3A_1201 = arith.addi %add3A_514, %add3A_1200 : vector<16xi32>
        %add3A_1202 = arith.constant 0 : i32
        %add3A_1203 = vector.broadcast %add3A_1202 : i32 to vector<16xi32>
        %add3A_1204 = arith.addi %add3A_1198, %add3A_1203 : vector<16xi32>
        %scatter3A_1205 = arith.constant 1 : i32
        %scatter3A_1206 = arith.constant 0 : i32
        %scatter3A_1207 = tpu.memref_slice %arg6[%scatter3A_1205, %scatter3A_1206] : memref<2x16384xi32, #tpu.memory_space<vmem>> -> memref<1x16384xi32, #tpu.memory_space<vmem>>
        %scatter3A_1208 = tpu.memref_squeeze %scatter3A_1207 : memref<1x16384xi32, #tpu.memory_space<vmem>> -> memref<16384xi32, #tpu.memory_space<vmem>>
        tpu.vector_store_idx %scatter3A_1208[%add3A_1201], %add3A_1204 : memref<16384xi32, #tpu.memory_space<vmem>>[vector<16xi32>], vector<16xi32>,
        %add3A_1209 = arith.constant 9088 : i32
        %add3A_1210 = vector.broadcast %add3A_1209 : i32 to vector<16xi32>
        %add3A_1211 = arith.addi %add3A_514, %add3A_1210 : vector<16xi32>
        %add3A_1212 = arith.constant 128 : i32
        %add3A_1213 = vector.broadcast %add3A_1212 : i32 to vector<16xi32>
        %add3A_1214 = arith.addi %add3A_1198, %add3A_1213 : vector<16xi32>
        %scatter3A_1215 = arith.constant 1 : i32
        %scatter3A_1216 = arith.constant 0 : i32
        %scatter3A_1217 = tpu.memref_slice %arg6[%scatter3A_1215, %scatter3A_1216] : memref<2x16384xi32, #tpu.memory_space<vmem>> -> memref<1x16384xi32, #tpu.memory_space<vmem>>
        %scatter3A_1218 = tpu.memref_squeeze %scatter3A_1217 : memref<1x16384xi32, #tpu.memory_space<vmem>> -> memref<16384xi32, #tpu.memory_space<vmem>>
        tpu.vector_store_idx %scatter3A_1218[%add3A_1211], %add3A_1214 : memref<16384xi32, #tpu.memory_space<vmem>>[vector<16xi32>], vector<16xi32>,
        %mul3A_1219 = arith.constant 2.075000e+03 : f32
        %mul3A_1220 = vector.broadcast %mul3A_1219 : f32 to vector<16xf32>
        %mul3A_1221 = arith.mulf %get3A_489, %mul3A_1220 : vector<16xf32>
        %convert_element_type3A_1222 = arith.fptosi %mul3A_1221 : vector<16xf32> to vector<16xi32>
        %mul3A_1223 = arith.constant 2.075000e+03 : f32
        %mul3A_1224 = vector.broadcast %mul3A_1223 : f32 to vector<16xf32>
        %mul3A_1225 = arith.mulf %get3A_497, %mul3A_1224 : vector<16xf32>
        %convert_element_type3A_1226 = arith.fptosi %mul3A_1225 : vector<16xf32> to vector<16xi32>
        %mul3A_1227 = arith.constant 2.075000e+03 : f32
        %mul3A_1228 = vector.broadcast %mul3A_1227 : f32 to vector<16xf32>
        %mul3A_1229 = arith.mulf %get3A_505, %mul3A_1228 : vector<16xf32>
        %convert_element_type3A_1230 = arith.fptosi %mul3A_1229 : vector<16xf32> to vector<16xi32>
        %mul3A_1231 = arith.constant 73856093 : i32
        %mul3A_1232 = vector.broadcast %mul3A_1231 : i32 to vector<16xi32>
        %mul3A_1233 = arith.muli %convert_element_type3A_1222, %mul3A_1232 : vector<16xi32>
        %mul3A_1234 = arith.constant 19349663 : i32
        %mul3A_1235 = vector.broadcast %mul3A_1234 : i32 to vector<16xi32>
        %mul3A_1236 = arith.muli %convert_element_type3A_1226, %mul3A_1235 : vector<16xi32>
        %xor3A_1237 = arith.xori %mul3A_1233, %mul3A_1236 : vector<16xi32>
        %mul3A_1238 = arith.constant 83492791 : i32
        %mul3A_1239 = vector.broadcast %mul3A_1238 : i32 to vector<16xi32>
        %mul3A_1240 = arith.muli %convert_element_type3A_1230, %mul3A_1239 : vector<16xi32>
        %xor3A_1241 = arith.xori %xor3A_1237, %mul3A_1240 : vector<16xi32>
        %and3A_1242 = arith.constant 524287 : i32
        %and3A_1243 = vector.broadcast %and3A_1242 : i32 to vector<16xi32>
        %and3A_1244 = arith.andi %xor3A_1241, %and3A_1243 : vector<16xi32>
        %shift_right_arithmetic3A_1245 = arith.constant 7 : i32
        %shift_right_arithmetic3A_1246 = vector.broadcast %shift_right_arithmetic3A_1245 : i32 to vector<16xi32>
        %shift_right_arithmetic3A_1247 = arith.shrsi %and3A_1244, %shift_right_arithmetic3A_1246 : vector<16xi32>
        %shift_left3A_1248 = arith.constant 8 : i32
        %shift_left3A_1249 = vector.broadcast %shift_left3A_1248 : i32 to vector<16xi32>
        %shift_left3A_1250 = arith.shli %shift_right_arithmetic3A_1247, %shift_left3A_1249 : vector<16xi32>
        %and3A_1251 = arith.constant 127 : i32
        %and3A_1252 = vector.broadcast %and3A_1251 : i32 to vector<16xi32>
        %and3A_1253 = arith.andi %and3A_1244, %and3A_1252 : vector<16xi32>
        %add3A_1254 = arith.addi %shift_left3A_1250, %and3A_1253 : vector<16xi32>
        %add3A_1255 = arith.constant 12582912 : i32
        %add3A_1256 = vector.broadcast %add3A_1255 : i32 to vector<16xi32>
        %add3A_1257 = arith.addi %add3A_1254, %add3A_1256 : vector<16xi32>
        %add3A_1258 = arith.constant 12288 : i32
        %add3A_1259 = vector.broadcast %add3A_1258 : i32 to vector<16xi32>
        %add3A_1260 = arith.addi %add3A_514, %add3A_1259 : vector<16xi32>
        %add3A_1261 = arith.constant 0 : i32
        %add3A_1262 = vector.broadcast %add3A_1261 : i32 to vector<16xi32>
        %add3A_1263 = arith.addi %add3A_1257, %add3A_1262 : vector<16xi32>
        %scatter3A_1264 = arith.constant 1 : i32
        %scatter3A_1265 = arith.constant 0 : i32
        %scatter3A_1266 = tpu.memref_slice %arg6[%scatter3A_1264, %scatter3A_1265] : memref<2x16384xi32, #tpu.memory_space<vmem>> -> memref<1x16384xi32, #tpu.memory_space<vmem>>
        %scatter3A_1267 = tpu.memref_squeeze %scatter3A_1266 : memref<1x16384xi32, #tpu.memory_space<vmem>> -> memref<16384xi32, #tpu.memory_space<vmem>>
        tpu.vector_store_idx %scatter3A_1267[%add3A_1260], %add3A_1263 : memref<16384xi32, #tpu.memory_space<vmem>>[vector<16xi32>], vector<16xi32>,
        %add3A_1268 = arith.constant 12416 : i32
        %add3A_1269 = vector.broadcast %add3A_1268 : i32 to vector<16xi32>
        %add3A_1270 = arith.addi %add3A_514, %add3A_1269 : vector<16xi32>
        %add3A_1271 = arith.constant 128 : i32
        %add3A_1272 = vector.broadcast %add3A_1271 : i32 to vector<16xi32>
        %add3A_1273 = arith.addi %add3A_1257, %add3A_1272 : vector<16xi32>
        %scatter3A_1274 = arith.constant 1 : i32
        %scatter3A_1275 = arith.constant 0 : i32
        %scatter3A_1276 = tpu.memref_slice %arg6[%scatter3A_1274, %scatter3A_1275] : memref<2x16384xi32, #tpu.memory_space<vmem>> -> memref<1x16384xi32, #tpu.memory_space<vmem>>
        %scatter3A_1277 = tpu.memref_squeeze %scatter3A_1276 : memref<1x16384xi32, #tpu.memory_space<vmem>> -> memref<16384xi32, #tpu.memory_space<vmem>>
        tpu.vector_store_idx %scatter3A_1277[%add3A_1270], %add3A_1273 : memref<16384xi32, #tpu.memory_space<vmem>>[vector<16xi32>], vector<16xi32>,
        %mul3A_1278 = arith.constant 3.113000e+03 : f32
        %mul3A_1279 = vector.broadcast %mul3A_1278 : f32 to vector<16xf32>
        %mul3A_1280 = arith.mulf %get3A_489, %mul3A_1279 : vector<16xf32>
        %convert_element_type3A_1281 = arith.fptosi %mul3A_1280 : vector<16xf32> to vector<16xi32>
        %mul3A_1282 = arith.constant 3.113000e+03 : f32
        %mul3A_1283 = vector.broadcast %mul3A_1282 : f32 to vector<16xf32>
        %mul3A_1284 = arith.mulf %get3A_497, %mul3A_1283 : vector<16xf32>
        %convert_element_type3A_1285 = arith.fptosi %mul3A_1284 : vector<16xf32> to vector<16xi32>
        %mul3A_1286 = arith.constant 3.113000e+03 : f32
        %mul3A_1287 = vector.broadcast %mul3A_1286 : f32 to vector<16xf32>
        %mul3A_1288 = arith.mulf %get3A_505, %mul3A_1287 : vector<16xf32>
        %convert_element_type3A_1289 = arith.fptosi %mul3A_1288 : vector<16xf32> to vector<16xi32>
        %mul3A_1290 = arith.constant 73856093 : i32
        %mul3A_1291 = vector.broadcast %mul3A_1290 : i32 to vector<16xi32>
        %mul3A_1292 = arith.muli %convert_element_type3A_1281, %mul3A_1291 : vector<16xi32>
        %mul3A_1293 = arith.constant 19349663 : i32
        %mul3A_1294 = vector.broadcast %mul3A_1293 : i32 to vector<16xi32>
        %mul3A_1295 = arith.muli %convert_element_type3A_1285, %mul3A_1294 : vector<16xi32>
        %xor3A_1296 = arith.xori %mul3A_1292, %mul3A_1295 : vector<16xi32>
        %mul3A_1297 = arith.constant 83492791 : i32
        %mul3A_1298 = vector.broadcast %mul3A_1297 : i32 to vector<16xi32>
        %mul3A_1299 = arith.muli %convert_element_type3A_1289, %mul3A_1298 : vector<16xi32>
        %xor3A_1300 = arith.xori %xor3A_1296, %mul3A_1299 : vector<16xi32>
        %and3A_1301 = arith.constant 524287 : i32
        %and3A_1302 = vector.broadcast %and3A_1301 : i32 to vector<16xi32>
        %and3A_1303 = arith.andi %xor3A_1300, %and3A_1302 : vector<16xi32>
        %shift_right_arithmetic3A_1304 = arith.constant 7 : i32
        %shift_right_arithmetic3A_1305 = vector.broadcast %shift_right_arithmetic3A_1304 : i32 to vector<16xi32>
        %shift_right_arithmetic3A_1306 = arith.shrsi %and3A_1303, %shift_right_arithmetic3A_1305 : vector<16xi32>
        %shift_left3A_1307 = arith.constant 8 : i32
        %shift_left3A_1308 = vector.broadcast %shift_left3A_1307 : i32 to vector<16xi32>
        %shift_left3A_1309 = arith.shli %shift_right_arithmetic3A_1306, %shift_left3A_1308 : vector<16xi32>
        %and3A_1310 = arith.constant 127 : i32
        %and3A_1311 = vector.broadcast %and3A_1310 : i32 to vector<16xi32>
        %and3A_1312 = arith.andi %and3A_1303, %and3A_1311 : vector<16xi32>
        %add3A_1313 = arith.addi %shift_left3A_1309, %and3A_1312 : vector<16xi32>
        %add3A_1314 = arith.constant 13631488 : i32
        %add3A_1315 = vector.broadcast %add3A_1314 : i32 to vector<16xi32>
        %add3A_1316 = arith.addi %add3A_1313, %add3A_1315 : vector<16xi32>
        %add3A_1317 = arith.constant 12544 : i32
        %add3A_1318 = vector.broadcast %add3A_1317 : i32 to vector<16xi32>
        %add3A_1319 = arith.addi %add3A_514, %add3A_1318 : vector<16xi32>
        %add3A_1320 = arith.constant 0 : i32
        %add3A_1321 = vector.broadcast %add3A_1320 : i32 to vector<16xi32>
        %add3A_1322 = arith.addi %add3A_1316, %add3A_1321 : vector<16xi32>
        %scatter3A_1323 = arith.constant 1 : i32
        %scatter3A_1324 = arith.constant 0 : i32
        %scatter3A_1325 = tpu.memref_slice %arg6[%scatter3A_1323, %scatter3A_1324] : memref<2x16384xi32, #tpu.memory_space<vmem>> -> memref<1x16384xi32, #tpu.memory_space<vmem>>
        %scatter3A_1326 = tpu.memref_squeeze %scatter3A_1325 : memref<1x16384xi32, #tpu.memory_space<vmem>> -> memref<16384xi32, #tpu.memory_space<vmem>>
        tpu.vector_store_idx %scatter3A_1326[%add3A_1319], %add3A_1322 : memref<16384xi32, #tpu.memory_space<vmem>>[vector<16xi32>], vector<16xi32>,
        %add3A_1327 = arith.constant 12672 : i32
        %add3A_1328 = vector.broadcast %add3A_1327 : i32 to vector<16xi32>
        %add3A_1329 = arith.addi %add3A_514, %add3A_1328 : vector<16xi32>
        %add3A_1330 = arith.constant 128 : i32
        %add3A_1331 = vector.broadcast %add3A_1330 : i32 to vector<16xi32>
        %add3A_1332 = arith.addi %add3A_1316, %add3A_1331 : vector<16xi32>
        %scatter3A_1333 = arith.constant 1 : i32
        %scatter3A_1334 = arith.constant 0 : i32
        %scatter3A_1335 = tpu.memref_slice %arg6[%scatter3A_1333, %scatter3A_1334] : memref<2x16384xi32, #tpu.memory_space<vmem>> -> memref<1x16384xi32, #tpu.memory_space<vmem>>
        %scatter3A_1336 = tpu.memref_squeeze %scatter3A_1335 : memref<1x16384xi32, #tpu.memory_space<vmem>> -> memref<16384xi32, #tpu.memory_space<vmem>>
        tpu.vector_store_idx %scatter3A_1336[%add3A_1329], %add3A_1332 : memref<16384xi32, #tpu.memory_space<vmem>>[vector<16xi32>], vector<16xi32>,
        %mul3A_1337 = arith.constant 4.670000e+03 : f32
        %mul3A_1338 = vector.broadcast %mul3A_1337 : f32 to vector<16xf32>
        %mul3A_1339 = arith.mulf %get3A_489, %mul3A_1338 : vector<16xf32>
        %convert_element_type3A_1340 = arith.fptosi %mul3A_1339 : vector<16xf32> to vector<16xi32>
        %mul3A_1341 = arith.constant 4.670000e+03 : f32
        %mul3A_1342 = vector.broadcast %mul3A_1341 : f32 to vector<16xf32>
        %mul3A_1343 = arith.mulf %get3A_497, %mul3A_1342 : vector<16xf32>
        %convert_element_type3A_1344 = arith.fptosi %mul3A_1343 : vector<16xf32> to vector<16xi32>
        %mul3A_1345 = arith.constant 4.670000e+03 : f32
        %mul3A_1346 = vector.broadcast %mul3A_1345 : f32 to vector<16xf32>
        %mul3A_1347 = arith.mulf %get3A_505, %mul3A_1346 : vector<16xf32>
        %convert_element_type3A_1348 = arith.fptosi %mul3A_1347 : vector<16xf32> to vector<16xi32>
        %mul3A_1349 = arith.constant 73856093 : i32
        %mul3A_1350 = vector.broadcast %mul3A_1349 : i32 to vector<16xi32>
        %mul3A_1351 = arith.muli %convert_element_type3A_1340, %mul3A_1350 : vector<16xi32>
        %mul3A_1352 = arith.constant 19349663 : i32
        %mul3A_1353 = vector.broadcast %mul3A_1352 : i32 to vector<16xi32>
        %mul3A_1354 = arith.muli %convert_element_type3A_1344, %mul3A_1353 : vector<16xi32>
        %xor3A_1355 = arith.xori %mul3A_1351, %mul3A_1354 : vector<16xi32>
        %mul3A_1356 = arith.constant 83492791 : i32
        %mul3A_1357 = vector.broadcast %mul3A_1356 : i32 to vector<16xi32>
        %mul3A_1358 = arith.muli %convert_element_type3A_1348, %mul3A_1357 : vector<16xi32>
        %xor3A_1359 = arith.xori %xor3A_1355, %mul3A_1358 : vector<16xi32>
        %and3A_1360 = arith.constant 524287 : i32
        %and3A_1361 = vector.broadcast %and3A_1360 : i32 to vector<16xi32>
        %and3A_1362 = arith.andi %xor3A_1359, %and3A_1361 : vector<16xi32>
        %shift_right_arithmetic3A_1363 = arith.constant 7 : i32
        %shift_right_arithmetic3A_1364 = vector.broadcast %shift_right_arithmetic3A_1363 : i32 to vector<16xi32>
        %shift_right_arithmetic3A_1365 = arith.shrsi %and3A_1362, %shift_right_arithmetic3A_1364 : vector<16xi32>
        %shift_left3A_1366 = arith.constant 8 : i32
        %shift_left3A_1367 = vector.broadcast %shift_left3A_1366 : i32 to vector<16xi32>
        %shift_left3A_1368 = arith.shli %shift_right_arithmetic3A_1365, %shift_left3A_1367 : vector<16xi32>
        %and3A_1369 = arith.constant 127 : i32
        %and3A_1370 = vector.broadcast %and3A_1369 : i32 to vector<16xi32>
        %and3A_1371 = arith.andi %and3A_1362, %and3A_1370 : vector<16xi32>
        %add3A_1372 = arith.addi %shift_left3A_1368, %and3A_1371 : vector<16xi32>
        %add3A_1373 = arith.constant 14680064 : i32
        %add3A_1374 = vector.broadcast %add3A_1373 : i32 to vector<16xi32>
        %add3A_1375 = arith.addi %add3A_1372, %add3A_1374 : vector<16xi32>
        %add3A_1376 = arith.constant 12800 : i32
        %add3A_1377 = vector.broadcast %add3A_1376 : i32 to vector<16xi32>
        %add3A_1378 = arith.addi %add3A_514, %add3A_1377 : vector<16xi32>
        %add3A_1379 = arith.constant 0 : i32
        %add3A_1380 = vector.broadcast %add3A_1379 : i32 to vector<16xi32>
        %add3A_1381 = arith.addi %add3A_1375, %add3A_1380 : vector<16xi32>
        %scatter3A_1382 = arith.constant 1 : i32
        %scatter3A_1383 = arith.constant 0 : i32
        %scatter3A_1384 = tpu.memref_slice %arg6[%scatter3A_1382, %scatter3A_1383] : memref<2x16384xi32, #tpu.memory_space<vmem>> -> memref<1x16384xi32, #tpu.memory_space<vmem>>
        %scatter3A_1385 = tpu.memref_squeeze %scatter3A_1384 : memref<1x16384xi32, #tpu.memory_space<vmem>> -> memref<16384xi32, #tpu.memory_space<vmem>>
        tpu.vector_store_idx %scatter3A_1385[%add3A_1378], %add3A_1381 : memref<16384xi32, #tpu.memory_space<vmem>>[vector<16xi32>], vector<16xi32>,
        %add3A_1386 = arith.constant 12928 : i32
        %add3A_1387 = vector.broadcast %add3A_1386 : i32 to vector<16xi32>
        %add3A_1388 = arith.addi %add3A_514, %add3A_1387 : vector<16xi32>
        %add3A_1389 = arith.constant 128 : i32
        %add3A_1390 = vector.broadcast %add3A_1389 : i32 to vector<16xi32>
        %add3A_1391 = arith.addi %add3A_1375, %add3A_1390 : vector<16xi32>
        %scatter3A_1392 = arith.constant 1 : i32
        %scatter3A_1393 = arith.constant 0 : i32
        %scatter3A_1394 = tpu.memref_slice %arg6[%scatter3A_1392, %scatter3A_1393] : memref<2x16384xi32, #tpu.memory_space<vmem>> -> memref<1x16384xi32, #tpu.memory_space<vmem>>
        %scatter3A_1395 = tpu.memref_squeeze %scatter3A_1394 : memref<1x16384xi32, #tpu.memory_space<vmem>> -> memref<16384xi32, #tpu.memory_space<vmem>>
        tpu.vector_store_idx %scatter3A_1395[%add3A_1388], %add3A_1391 : memref<16384xi32, #tpu.memory_space<vmem>>[vector<16xi32>], vector<16xi32>,
        %mul3A_1396 = arith.constant 7.006000e+03 : f32
        %mul3A_1397 = vector.broadcast %mul3A_1396 : f32 to vector<16xf32>
        %mul3A_1398 = arith.mulf %get3A_489, %mul3A_1397 : vector<16xf32>
        %convert_element_type3A_1399 = arith.fptosi %mul3A_1398 : vector<16xf32> to vector<16xi32>
        %mul3A_1400 = arith.constant 7.006000e+03 : f32
        %mul3A_1401 = vector.broadcast %mul3A_1400 : f32 to vector<16xf32>
        %mul3A_1402 = arith.mulf %get3A_497, %mul3A_1401 : vector<16xf32>
        %convert_element_type3A_1403 = arith.fptosi %mul3A_1402 : vector<16xf32> to vector<16xi32>
        %mul3A_1404 = arith.constant 7.006000e+03 : f32
        %mul3A_1405 = vector.broadcast %mul3A_1404 : f32 to vector<16xf32>
        %mul3A_1406 = arith.mulf %get3A_505, %mul3A_1405 : vector<16xf32>
        %convert_element_type3A_1407 = arith.fptosi %mul3A_1406 : vector<16xf32> to vector<16xi32>
        %mul3A_1408 = arith.constant 73856093 : i32
        %mul3A_1409 = vector.broadcast %mul3A_1408 : i32 to vector<16xi32>
        %mul3A_1410 = arith.muli %convert_element_type3A_1399, %mul3A_1409 : vector<16xi32>
        %mul3A_1411 = arith.constant 19349663 : i32
        %mul3A_1412 = vector.broadcast %mul3A_1411 : i32 to vector<16xi32>
        %mul3A_1413 = arith.muli %convert_element_type3A_1403, %mul3A_1412 : vector<16xi32>
        %xor3A_1414 = arith.xori %mul3A_1410, %mul3A_1413 : vector<16xi32>
        %mul3A_1415 = arith.constant 83492791 : i32
        %mul3A_1416 = vector.broadcast %mul3A_1415 : i32 to vector<16xi32>
        %mul3A_1417 = arith.muli %convert_element_type3A_1407, %mul3A_1416 : vector<16xi32>
        %xor3A_1418 = arith.xori %xor3A_1414, %mul3A_1417 : vector<16xi32>
        %and3A_1419 = arith.constant 524287 : i32
        %and3A_1420 = vector.broadcast %and3A_1419 : i32 to vector<16xi32>
        %and3A_1421 = arith.andi %xor3A_1418, %and3A_1420 : vector<16xi32>
        %shift_right_arithmetic3A_1422 = arith.constant 7 : i32
        %shift_right_arithmetic3A_1423 = vector.broadcast %shift_right_arithmetic3A_1422 : i32 to vector<16xi32>
        %shift_right_arithmetic3A_1424 = arith.shrsi %and3A_1421, %shift_right_arithmetic3A_1423 : vector<16xi32>
        %shift_left3A_1425 = arith.constant 8 : i32
        %shift_left3A_1426 = vector.broadcast %shift_left3A_1425 : i32 to vector<16xi32>
        %shift_left3A_1427 = arith.shli %shift_right_arithmetic3A_1424, %shift_left3A_1426 : vector<16xi32>
        %and3A_1428 = arith.constant 127 : i32
        %and3A_1429 = vector.broadcast %and3A_1428 : i32 to vector<16xi32>
        %and3A_1430 = arith.andi %and3A_1421, %and3A_1429 : vector<16xi32>
        %add3A_1431 = arith.addi %shift_left3A_1427, %and3A_1430 : vector<16xi32>
        %add3A_1432 = arith.constant 15728640 : i32
        %add3A_1433 = vector.broadcast %add3A_1432 : i32 to vector<16xi32>
        %add3A_1434 = arith.addi %add3A_1431, %add3A_1433 : vector<16xi32>
        %add3A_1435 = arith.constant 13056 : i32
        %add3A_1436 = vector.broadcast %add3A_1435 : i32 to vector<16xi32>
        %add3A_1437 = arith.addi %add3A_514, %add3A_1436 : vector<16xi32>
        %add3A_1438 = arith.constant 0 : i32
        %add3A_1439 = vector.broadcast %add3A_1438 : i32 to vector<16xi32>
        %add3A_1440 = arith.addi %add3A_1434, %add3A_1439 : vector<16xi32>
        %scatter3A_1441 = arith.constant 1 : i32
        %scatter3A_1442 = arith.constant 0 : i32
        %scatter3A_1443 = tpu.memref_slice %arg6[%scatter3A_1441, %scatter3A_1442] : memref<2x16384xi32, #tpu.memory_space<vmem>> -> memref<1x16384xi32, #tpu.memory_space<vmem>>
        %scatter3A_1444 = tpu.memref_squeeze %scatter3A_1443 : memref<1x16384xi32, #tpu.memory_space<vmem>> -> memref<16384xi32, #tpu.memory_space<vmem>>
        tpu.vector_store_idx %scatter3A_1444[%add3A_1437], %add3A_1440 : memref<16384xi32, #tpu.memory_space<vmem>>[vector<16xi32>], vector<16xi32>,
        %add3A_1445 = arith.constant 13184 : i32
        %add3A_1446 = vector.broadcast %add3A_1445 : i32 to vector<16xi32>
        %add3A_1447 = arith.addi %add3A_514, %add3A_1446 : vector<16xi32>
        %add3A_1448 = arith.constant 128 : i32
        %add3A_1449 = vector.broadcast %add3A_1448 : i32 to vector<16xi32>
        %add3A_1450 = arith.addi %add3A_1434, %add3A_1449 : vector<16xi32>
        %scatter3A_1451 = arith.constant 1 : i32
        %scatter3A_1452 = arith.constant 0 : i32
        %scatter3A_1453 = tpu.memref_slice %arg6[%scatter3A_1451, %scatter3A_1452] : memref<2x16384xi32, #tpu.memory_space<vmem>> -> memref<1x16384xi32, #tpu.memory_space<vmem>>
        %scatter3A_1454 = tpu.memref_squeeze %scatter3A_1453 : memref<1x16384xi32, #tpu.memory_space<vmem>> -> memref<16384xi32, #tpu.memory_space<vmem>>
        tpu.vector_store_idx %scatter3A_1454[%add3A_1447], %add3A_1450 : memref<16384xi32, #tpu.memory_space<vmem>>[vector<16xi32>], vector<16xi32>,
      }
      %scan3A_463 = arith.constant 32 : i32
      %dma_start3A_464 = arith.constant 1 : i32
      %dma_start3A_465 = arith.constant 1 : i32
      %dma_start3A_466 = arith.constant 0 : i32
      %dma_start3A_467 = tpu.memref_slice %arg7[%dma_start3A_465, %dma_start3A_466] : memref<2x16384xf32, #tpu.memory_space<vmem>> -> memref<1x8192xf32, #tpu.memory_space<vmem>>
      %dma_start3A_468 = tpu.memref_squeeze %dma_start3A_467 : memref<1x8192xf32, #tpu.memory_space<vmem>> -> memref<8192xf32, #tpu.memory_space<vmem>>
      %dma_start3A_469 = arith.constant 0 : i32
      %dma_start3A_470 = tpu.memref_slice %arg6[%dma_start3A_464, %dma_start3A_469] : memref<2x16384xi32, #tpu.memory_space<vmem>> -> memref<1x8192xi32, #tpu.memory_space<vmem>>
      %dma_start3A_471 = tpu.memref_squeeze %dma_start3A_470 : memref<1x8192xi32, #tpu.memory_space<vmem>> -> memref<8192xi32, #tpu.memory_space<vmem>>
      %dma_start3A_472 = arith.constant 0 : i32
      %dma_start3A_473 = tpu.memref_slice %arg3[%dma_start3A_472] : memref<16777216xf32, #tpu.memory_space<hbm>> -> memref<16777216xf32, #tpu.memory_space<hbm>>
      tpu.enqueue_indirect_dma source(%dma_start3A_473 : memref<16777216xf32, #tpu.memory_space<hbm>>) target(%dma_start3A_468 : memref<8192xf32, #tpu.memory_space<vmem>>) offsets(%dma_start3A_471 : memref<8192xi32, #tpu.memory_space<vmem>>) semaphore(%arg10 : memref<!tpu.dma_semaphore, #tpu.memory_space<semaphore_mem>>)
      %dma_start3A_474 = arith.constant 1 : i32
      %dma_start3A_475 = arith.constant 1 : i32
      %dma_start3A_476 = arith.constant 8192 : i32
      %dma_start3A_477 = tpu.memref_slice %arg7[%dma_start3A_475, %dma_start3A_476] : memref<2x16384xf32, #tpu.memory_space<vmem>> -> memref<1x8192xf32, #tpu.memory_space<vmem>>
      %dma_start3A_478 = tpu.memref_squeeze %dma_start3A_477 : memref<1x8192xf32, #tpu.memory_space<vmem>> -> memref<8192xf32, #tpu.memory_space<vmem>>
      %dma_start3A_479 = arith.constant 8192 : i32
      %dma_start3A_480 = tpu.memref_slice %arg6[%dma_start3A_474, %dma_start3A_479] : memref<2x16384xi32, #tpu.memory_space<vmem>> -> memref<1x8192xi32, #tpu.memory_space<vmem>>
      %dma_start3A_481 = tpu.memref_squeeze %dma_start3A_480 : memref<1x8192xi32, #tpu.memory_space<vmem>> -> memref<8192xi32, #tpu.memory_space<vmem>>
      %dma_start3A_482 = arith.constant 0 : i32
      %dma_start3A_483 = tpu.memref_slice %arg3[%dma_start3A_482] : memref<16777216xf32, #tpu.memory_space<hbm>> -> memref<16777216xf32, #tpu.memory_space<hbm>>
      tpu.enqueue_indirect_dma source(%dma_start3A_483 : memref<16777216xf32, #tpu.memory_space<hbm>>) target(%dma_start3A_478 : memref<8192xf32, #tpu.memory_space<vmem>>) offsets(%dma_start3A_481 : memref<8192xi32, #tpu.memory_space<vmem>>) semaphore(%arg10 : memref<!tpu.dma_semaphore, #tpu.memory_space<semaphore_mem>>)
    }
    %scan3A_153 = arith.constant 31 : i32
    %dma_wait3A_154 = arith.constant 0 : i32
    %dma_wait3A_155 = arith.constant 0 : i32
    %dma_wait3A_156 = arith.constant 0 : i32
    %dma_wait3A_157 = tpu.memref_slice %arg7[%dma_wait3A_155, %dma_wait3A_156] : memref<2x16384xf32, #tpu.memory_space<vmem>> -> memref<1x16384xf32, #tpu.memory_space<vmem>>
    %dma_wait3A_158 = tpu.memref_squeeze %dma_wait3A_157 : memref<1x16384xf32, #tpu.memory_space<vmem>> -> memref<16384xf32, #tpu.memory_space<vmem>>
    %dma_wait3A_159 = arith.constant 0 : i32
    %dma_wait3A_160 = tpu.memref_slice %arg6[%dma_wait3A_154, %dma_wait3A_159] : memref<2x16384xi32, #tpu.memory_space<vmem>> -> memref<1x16384xi32, #tpu.memory_space<vmem>>
    %dma_wait3A_161 = tpu.memref_squeeze %dma_wait3A_160 : memref<1x16384xi32, #tpu.memory_space<vmem>> -> memref<16384xi32, #tpu.memory_space<vmem>>
    %dma_wait3A_162 = arith.constant 0 : i32
    %dma_wait3A_163 = tpu.memref_slice %arg3[%dma_wait3A_162] : memref<16777216xf32, #tpu.memory_space<hbm>> -> memref<16777216xf32, #tpu.memory_space<hbm>>
    tpu.wait_indirect_dma semaphore(%arg9 : memref<!tpu.dma_semaphore, #tpu.memory_space<semaphore_mem>>) src(%dma_wait3A_163 : memref<16777216xf32, #tpu.memory_space<hbm>>) dst(%dma_wait3A_158 : memref<16384xf32, #tpu.memory_space<vmem>>)
    %add3A_164 = arith.constant 62 : i32
    %add3A_165 = arith.addi %mul3A_2, %add3A_164 : i32
    %mul3A_166 = arith.constant 512 : i32
    %mul3A_167 = arith.muli %add3A_165, %mul3A_166 : i32
    %mul3A_168 = arith.constant 8 : i32
    %mul3A_169 = arith.muli %mul3A_167, %mul3A_168 : i32
    %add3A_170 = arith.constant 0 : i32
    %add3A_171 = arith.addi %add3A_170, %mul3A_169 : i32
    %run_scoped3A = arith.constant 0 : i32
    "tpu.region"() ({
      %run_scoped3A_245 = tpu.sem_alloc : memref<!tpu.dma_semaphore, #tpu.memory_space<semaphore_mem>>
      %dma_start3A_246 = arith.constant 0 : i32
      %dma_start3A_247 = tpu.memref_slice %arg7[%run_scoped3A, %dma_start3A_246] : memref<2x16384xf32, #tpu.memory_space<vmem>> -> memref<1x4096xf32, #tpu.memory_space<vmem>>
      %dma_start3A_248 = tpu.memref_squeeze %dma_start3A_247 : memref<1x4096xf32, #tpu.memory_space<vmem>> -> memref<4096xf32, #tpu.memory_space<vmem>>
      %dma_start3A_249 = tpu.memref_slice %arg4[%add3A_171] : memref<33554432xf32, #tpu.memory_space<hbm>> -> memref<4096xf32, #tpu.memory_space<hbm>>
      %dma_start3A_250 = tpu.memref_slice %arg4[%add3A_171] : memref<33554432xf32, #tpu.memory_space<hbm>> -> memref<4096xf32, #tpu.memory_space<hbm>>
      %dma_start3A_251 = arith.constant 0 : i32
      %dma_start3A_252 = tpu.memref_slice %arg7[%run_scoped3A, %dma_start3A_251] : memref<2x16384xf32, #tpu.memory_space<vmem>> -> memref<1x4096xf32, #tpu.memory_space<vmem>>
      %dma_start3A_253 = tpu.memref_squeeze %dma_start3A_252 : memref<1x4096xf32, #tpu.memory_space<vmem>> -> memref<4096xf32, #tpu.memory_space<vmem>>
      tpu.enqueue_dma source(%dma_start3A_253 : memref<4096xf32, #tpu.memory_space<vmem>>) target(%dma_start3A_250 : memref<4096xf32, #tpu.memory_space<hbm>>) target_semaphore(%run_scoped3A_245 : memref<!tpu.dma_semaphore, #tpu.memory_space<semaphore_mem>>)
      %dma_wait3A_254 = arith.constant 0 : i32
      %dma_wait3A_255 = tpu.memref_slice %arg7[%run_scoped3A, %dma_wait3A_254] : memref<2x16384xf32, #tpu.memory_space<vmem>> -> memref<1x4096xf32, #tpu.memory_space<vmem>>
      %dma_wait3A_256 = tpu.memref_squeeze %dma_wait3A_255 : memref<1x4096xf32, #tpu.memory_space<vmem>> -> memref<4096xf32, #tpu.memory_space<vmem>>
      %dma_wait3A_257 = tpu.memref_slice %arg4[%add3A_171] : memref<33554432xf32, #tpu.memory_space<hbm>> -> memref<4096xf32, #tpu.memory_space<hbm>>
      %dma_wait3A_258 = tpu.memref_slice %arg4[%add3A_171] : memref<33554432xf32, #tpu.memory_space<hbm>> -> memref<4096xf32, #tpu.memory_space<hbm>>
      %dma_wait3A_259 = arith.constant 0 : i32
      %dma_wait3A_260 = tpu.memref_slice %arg7[%run_scoped3A, %dma_wait3A_259] : memref<2x16384xf32, #tpu.memory_space<vmem>> -> memref<1x4096xf32, #tpu.memory_space<vmem>>
      %dma_wait3A_261 = tpu.memref_squeeze %dma_wait3A_260 : memref<1x4096xf32, #tpu.memory_space<vmem>> -> memref<4096xf32, #tpu.memory_space<vmem>>
      tpu.wait_dma2 semaphore(%run_scoped3A_245 : memref<!tpu.dma_semaphore, #tpu.memory_space<semaphore_mem>>) src(%dma_wait3A_261 : memref<4096xf32, #tpu.memory_space<vmem>>) dst(%dma_wait3A_258 : memref<4096xf32, #tpu.memory_space<hbm>>)
      tpu.yield
    }) : () -> ()
    %add3A_172 = arith.constant 62 : i32
    %add3A_173 = arith.addi %mul3A_2, %add3A_172 : i32
    %mul3A_174 = arith.constant 512 : i32
    %mul3A_175 = arith.muli %add3A_173, %mul3A_174 : i32
    %mul3A_176 = arith.constant 8 : i32
    %mul3A_177 = arith.muli %mul3A_175, %mul3A_176 : i32
    %add3A_178 = arith.constant 8388608 : i32
    %add3A_179 = arith.addi %add3A_178, %mul3A_177 : i32
    %run_scoped3A_180 = arith.constant 0 : i32
    "tpu.region"() ({
      %run_scoped3A_245 = tpu.sem_alloc : memref<!tpu.dma_semaphore, #tpu.memory_space<semaphore_mem>>
      %dma_start3A_246 = arith.constant 4096 : i32
      %dma_start3A_247 = tpu.memref_slice %arg7[%run_scoped3A_180, %dma_start3A_246] : memref<2x16384xf32, #tpu.memory_space<vmem>> -> memref<1x4096xf32, #tpu.memory_space<vmem>>
      %dma_start3A_248 = tpu.memref_squeeze %dma_start3A_247 : memref<1x4096xf32, #tpu.memory_space<vmem>> -> memref<4096xf32, #tpu.memory_space<vmem>>
      %dma_start3A_249 = tpu.memref_slice %arg4[%add3A_179] : memref<33554432xf32, #tpu.memory_space<hbm>> -> memref<4096xf32, #tpu.memory_space<hbm>>
      %dma_start3A_250 = tpu.memref_slice %arg4[%add3A_179] : memref<33554432xf32, #tpu.memory_space<hbm>> -> memref<4096xf32, #tpu.memory_space<hbm>>
      %dma_start3A_251 = arith.constant 4096 : i32
      %dma_start3A_252 = tpu.memref_slice %arg7[%run_scoped3A_180, %dma_start3A_251] : memref<2x16384xf32, #tpu.memory_space<vmem>> -> memref<1x4096xf32, #tpu.memory_space<vmem>>
      %dma_start3A_253 = tpu.memref_squeeze %dma_start3A_252 : memref<1x4096xf32, #tpu.memory_space<vmem>> -> memref<4096xf32, #tpu.memory_space<vmem>>
      tpu.enqueue_dma source(%dma_start3A_253 : memref<4096xf32, #tpu.memory_space<vmem>>) target(%dma_start3A_250 : memref<4096xf32, #tpu.memory_space<hbm>>) target_semaphore(%run_scoped3A_245 : memref<!tpu.dma_semaphore, #tpu.memory_space<semaphore_mem>>)
      %dma_wait3A_254 = arith.constant 4096 : i32
      %dma_wait3A_255 = tpu.memref_slice %arg7[%run_scoped3A_180, %dma_wait3A_254] : memref<2x16384xf32, #tpu.memory_space<vmem>> -> memref<1x4096xf32, #tpu.memory_space<vmem>>
      %dma_wait3A_256 = tpu.memref_squeeze %dma_wait3A_255 : memref<1x4096xf32, #tpu.memory_space<vmem>> -> memref<4096xf32, #tpu.memory_space<vmem>>
      %dma_wait3A_257 = tpu.memref_slice %arg4[%add3A_179] : memref<33554432xf32, #tpu.memory_space<hbm>> -> memref<4096xf32, #tpu.memory_space<hbm>>
      %dma_wait3A_258 = tpu.memref_slice %arg4[%add3A_179] : memref<33554432xf32, #tpu.memory_space<hbm>> -> memref<4096xf32, #tpu.memory_space<hbm>>
      %dma_wait3A_259 = arith.constant 4096 : i32
      %dma_wait3A_260 = tpu.memref_slice %arg7[%run_scoped3A_180, %dma_wait3A_259] : memref<2x16384xf32, #tpu.memory_space<vmem>> -> memref<1x4096xf32, #tpu.memory_space<vmem>>
      %dma_wait3A_261 = tpu.memref_squeeze %dma_wait3A_260 : memref<1x4096xf32, #tpu.memory_space<vmem>> -> memref<4096xf32, #tpu.memory_space<vmem>>
      tpu.wait_dma2 semaphore(%run_scoped3A_245 : memref<!tpu.dma_semaphore, #tpu.memory_space<semaphore_mem>>) src(%dma_wait3A_261 : memref<4096xf32, #tpu.memory_space<vmem>>) dst(%dma_wait3A_258 : memref<4096xf32, #tpu.memory_space<hbm>>)
      tpu.yield
    }) : () -> ()
    %add3A_181 = arith.constant 62 : i32
    %add3A_182 = arith.addi %mul3A_2, %add3A_181 : i32
    %mul3A_183 = arith.constant 512 : i32
    %mul3A_184 = arith.muli %add3A_182, %mul3A_183 : i32
    %mul3A_185 = arith.constant 8 : i32
    %mul3A_186 = arith.muli %mul3A_184, %mul3A_185 : i32
    %add3A_187 = arith.constant 16777216 : i32
    %add3A_188 = arith.addi %add3A_187, %mul3A_186 : i32
    %run_scoped3A_189 = arith.constant 0 : i32
    "tpu.region"() ({
      %run_scoped3A_245 = tpu.sem_alloc : memref<!tpu.dma_semaphore, #tpu.memory_space<semaphore_mem>>
      %dma_start3A_246 = arith.constant 8192 : i32
      %dma_start3A_247 = tpu.memref_slice %arg7[%run_scoped3A_189, %dma_start3A_246] : memref<2x16384xf32, #tpu.memory_space<vmem>> -> memref<1x4096xf32, #tpu.memory_space<vmem>>
      %dma_start3A_248 = tpu.memref_squeeze %dma_start3A_247 : memref<1x4096xf32, #tpu.memory_space<vmem>> -> memref<4096xf32, #tpu.memory_space<vmem>>
      %dma_start3A_249 = tpu.memref_slice %arg4[%add3A_188] : memref<33554432xf32, #tpu.memory_space<hbm>> -> memref<4096xf32, #tpu.memory_space<hbm>>
      %dma_start3A_250 = tpu.memref_slice %arg4[%add3A_188] : memref<33554432xf32, #tpu.memory_space<hbm>> -> memref<4096xf32, #tpu.memory_space<hbm>>
      %dma_start3A_251 = arith.constant 8192 : i32
      %dma_start3A_252 = tpu.memref_slice %arg7[%run_scoped3A_189, %dma_start3A_251] : memref<2x16384xf32, #tpu.memory_space<vmem>> -> memref<1x4096xf32, #tpu.memory_space<vmem>>
      %dma_start3A_253 = tpu.memref_squeeze %dma_start3A_252 : memref<1x4096xf32, #tpu.memory_space<vmem>> -> memref<4096xf32, #tpu.memory_space<vmem>>
      tpu.enqueue_dma source(%dma_start3A_253 : memref<4096xf32, #tpu.memory_space<vmem>>) target(%dma_start3A_250 : memref<4096xf32, #tpu.memory_space<hbm>>) target_semaphore(%run_scoped3A_245 : memref<!tpu.dma_semaphore, #tpu.memory_space<semaphore_mem>>)
      %dma_wait3A_254 = arith.constant 8192 : i32
      %dma_wait3A_255 = tpu.memref_slice %arg7[%run_scoped3A_189, %dma_wait3A_254] : memref<2x16384xf32, #tpu.memory_space<vmem>> -> memref<1x4096xf32, #tpu.memory_space<vmem>>
      %dma_wait3A_256 = tpu.memref_squeeze %dma_wait3A_255 : memref<1x4096xf32, #tpu.memory_space<vmem>> -> memref<4096xf32, #tpu.memory_space<vmem>>
      %dma_wait3A_257 = tpu.memref_slice %arg4[%add3A_188] : memref<33554432xf32, #tpu.memory_space<hbm>> -> memref<4096xf32, #tpu.memory_space<hbm>>
      %dma_wait3A_258 = tpu.memref_slice %arg4[%add3A_188] : memref<33554432xf32, #tpu.memory_space<hbm>> -> memref<4096xf32, #tpu.memory_space<hbm>>
      %dma_wait3A_259 = arith.constant 8192 : i32
      %dma_wait3A_260 = tpu.memref_slice %arg7[%run_scoped3A_189, %dma_wait3A_259] : memref<2x16384xf32, #tpu.memory_space<vmem>> -> memref<1x4096xf32, #tpu.memory_space<vmem>>
      %dma_wait3A_261 = tpu.memref_squeeze %dma_wait3A_260 : memref<1x4096xf32, #tpu.memory_space<vmem>> -> memref<4096xf32, #tpu.memory_space<vmem>>
      tpu.wait_dma2 semaphore(%run_scoped3A_245 : memref<!tpu.dma_semaphore, #tpu.memory_space<semaphore_mem>>) src(%dma_wait3A_261 : memref<4096xf32, #tpu.memory_space<vmem>>) dst(%dma_wait3A_258 : memref<4096xf32, #tpu.memory_space<hbm>>)
      tpu.yield
    }) : () -> ()
    %add3A_190 = arith.constant 62 : i32
    %add3A_191 = arith.addi %mul3A_2, %add3A_190 : i32
    %mul3A_192 = arith.constant 512 : i32
    %mul3A_193 = arith.muli %add3A_191, %mul3A_192 : i32
    %mul3A_194 = arith.constant 8 : i32
    %mul3A_195 = arith.muli %mul3A_193, %mul3A_194 : i32
    %add3A_196 = arith.constant 25165824 : i32
    %add3A_197 = arith.addi %add3A_196, %mul3A_195 : i32
    %run_scoped3A_198 = arith.constant 0 : i32
    "tpu.region"() ({
      %run_scoped3A_245 = tpu.sem_alloc : memref<!tpu.dma_semaphore, #tpu.memory_space<semaphore_mem>>
      %dma_start3A_246 = arith.constant 12288 : i32
      %dma_start3A_247 = tpu.memref_slice %arg7[%run_scoped3A_198, %dma_start3A_246] : memref<2x16384xf32, #tpu.memory_space<vmem>> -> memref<1x4096xf32, #tpu.memory_space<vmem>>
      %dma_start3A_248 = tpu.memref_squeeze %dma_start3A_247 : memref<1x4096xf32, #tpu.memory_space<vmem>> -> memref<4096xf32, #tpu.memory_space<vmem>>
      %dma_start3A_249 = tpu.memref_slice %arg4[%add3A_197] : memref<33554432xf32, #tpu.memory_space<hbm>> -> memref<4096xf32, #tpu.memory_space<hbm>>
      %dma_start3A_250 = tpu.memref_slice %arg4[%add3A_197] : memref<33554432xf32, #tpu.memory_space<hbm>> -> memref<4096xf32, #tpu.memory_space<hbm>>
      %dma_start3A_251 = arith.constant 12288 : i32
      %dma_start3A_252 = tpu.memref_slice %arg7[%run_scoped3A_198, %dma_start3A_251] : memref<2x16384xf32, #tpu.memory_space<vmem>> -> memref<1x4096xf32, #tpu.memory_space<vmem>>
      %dma_start3A_253 = tpu.memref_squeeze %dma_start3A_252 : memref<1x4096xf32, #tpu.memory_space<vmem>> -> memref<4096xf32, #tpu.memory_space<vmem>>
      tpu.enqueue_dma source(%dma_start3A_253 : memref<4096xf32, #tpu.memory_space<vmem>>) target(%dma_start3A_250 : memref<4096xf32, #tpu.memory_space<hbm>>) target_semaphore(%run_scoped3A_245 : memref<!tpu.dma_semaphore, #tpu.memory_space<semaphore_mem>>)
      %dma_wait3A_254 = arith.constant 12288 : i32
      %dma_wait3A_255 = tpu.memref_slice %arg7[%run_scoped3A_198, %dma_wait3A_254] : memref<2x16384xf32, #tpu.memory_space<vmem>> -> memref<1x4096xf32, #tpu.memory_space<vmem>>
      %dma_wait3A_256 = tpu.memref_squeeze %dma_wait3A_255 : memref<1x4096xf32, #tpu.memory_space<vmem>> -> memref<4096xf32, #tpu.memory_space<vmem>>
      %dma_wait3A_257 = tpu.memref_slice %arg4[%add3A_197] : memref<33554432xf32, #tpu.memory_space<hbm>> -> memref<4096xf32, #tpu.memory_space<hbm>>
      %dma_wait3A_258 = tpu.memref_slice %arg4[%add3A_197] : memref<33554432xf32, #tpu.memory_space<hbm>> -> memref<4096xf32, #tpu.memory_space<hbm>>
      %dma_wait3A_259 = arith.constant 12288 : i32
      %dma_wait3A_260 = tpu.memref_slice %arg7[%run_scoped3A_198, %dma_wait3A_259] : memref<2x16384xf32, #tpu.memory_space<vmem>> -> memref<1x4096xf32, #tpu.memory_space<vmem>>
      %dma_wait3A_261 = tpu.memref_squeeze %dma_wait3A_260 : memref<1x4096xf32, #tpu.memory_space<vmem>> -> memref<4096xf32, #tpu.memory_space<vmem>>
      tpu.wait_dma2 semaphore(%run_scoped3A_245 : memref<!tpu.dma_semaphore, #tpu.memory_space<semaphore_mem>>) src(%dma_wait3A_261 : memref<4096xf32, #tpu.memory_space<vmem>>) dst(%dma_wait3A_258 : memref<4096xf32, #tpu.memory_space<hbm>>)
      tpu.yield
    }) : () -> ()
    %dma_wait3A_199 = arith.constant 1 : i32
    %dma_wait3A_200 = arith.constant 1 : i32
    %dma_wait3A_201 = arith.constant 0 : i32
    %dma_wait3A_202 = tpu.memref_slice %arg7[%dma_wait3A_200, %dma_wait3A_201] : memref<2x16384xf32, #tpu.memory_space<vmem>> -> memref<1x16384xf32, #tpu.memory_space<vmem>>
    %dma_wait3A_203 = tpu.memref_squeeze %dma_wait3A_202 : memref<1x16384xf32, #tpu.memory_space<vmem>> -> memref<16384xf32, #tpu.memory_space<vmem>>
    %dma_wait3A_204 = arith.constant 0 : i32
    %dma_wait3A_205 = tpu.memref_slice %arg6[%dma_wait3A_199, %dma_wait3A_204] : memref<2x16384xi32, #tpu.memory_space<vmem>> -> memref<1x16384xi32, #tpu.memory_space<vmem>>
    %dma_wait3A_206 = tpu.memref_squeeze %dma_wait3A_205 : memref<1x16384xi32, #tpu.memory_space<vmem>> -> memref<16384xi32, #tpu.memory_space<vmem>>
    %dma_wait3A_207 = arith.constant 0 : i32
    %dma_wait3A_208 = tpu.memref_slice %arg3[%dma_wait3A_207] : memref<16777216xf32, #tpu.memory_space<hbm>> -> memref<16777216xf32, #tpu.memory_space<hbm>>
    tpu.wait_indirect_dma semaphore(%arg10 : memref<!tpu.dma_semaphore, #tpu.memory_space<semaphore_mem>>) src(%dma_wait3A_208 : memref<16777216xf32, #tpu.memory_space<hbm>>) dst(%dma_wait3A_203 : memref<16384xf32, #tpu.memory_space<vmem>>)
    %add3A_209 = arith.constant 63 : i32
    %add3A_210 = arith.addi %mul3A_2, %add3A_209 : i32
    %mul3A_211 = arith.constant 512 : i32
    %mul3A_212 = arith.muli %add3A_210, %mul3A_211 : i32
    %mul3A_213 = arith.constant 8 : i32
    %mul3A_214 = arith.muli %mul3A_212, %mul3A_213 : i32
    %add3A_215 = arith.constant 0 : i32
    %add3A_216 = arith.addi %add3A_215, %mul3A_214 : i32
    %run_scoped3A_217 = arith.constant 1 : i32
    "tpu.region"() ({
      %run_scoped3A_245 = tpu.sem_alloc : memref<!tpu.dma_semaphore, #tpu.memory_space<semaphore_mem>>
      %dma_start3A_246 = arith.constant 0 : i32
      %dma_start3A_247 = tpu.memref_slice %arg7[%run_scoped3A_217, %dma_start3A_246] : memref<2x16384xf32, #tpu.memory_space<vmem>> -> memref<1x4096xf32, #tpu.memory_space<vmem>>
      %dma_start3A_248 = tpu.memref_squeeze %dma_start3A_247 : memref<1x4096xf32, #tpu.memory_space<vmem>> -> memref<4096xf32, #tpu.memory_space<vmem>>
      %dma_start3A_249 = tpu.memref_slice %arg4[%add3A_216] : memref<33554432xf32, #tpu.memory_space<hbm>> -> memref<4096xf32, #tpu.memory_space<hbm>>
      %dma_start3A_250 = tpu.memref_slice %arg4[%add3A_216] : memref<33554432xf32, #tpu.memory_space<hbm>> -> memref<4096xf32, #tpu.memory_space<hbm>>
      %dma_start3A_251 = arith.constant 0 : i32
      %dma_start3A_252 = tpu.memref_slice %arg7[%run_scoped3A_217, %dma_start3A_251] : memref<2x16384xf32, #tpu.memory_space<vmem>> -> memref<1x4096xf32, #tpu.memory_space<vmem>>
      %dma_start3A_253 = tpu.memref_squeeze %dma_start3A_252 : memref<1x4096xf32, #tpu.memory_space<vmem>> -> memref<4096xf32, #tpu.memory_space<vmem>>
      tpu.enqueue_dma source(%dma_start3A_253 : memref<4096xf32, #tpu.memory_space<vmem>>) target(%dma_start3A_250 : memref<4096xf32, #tpu.memory_space<hbm>>) target_semaphore(%run_scoped3A_245 : memref<!tpu.dma_semaphore, #tpu.memory_space<semaphore_mem>>)
      %dma_wait3A_254 = arith.constant 0 : i32
      %dma_wait3A_255 = tpu.memref_slice %arg7[%run_scoped3A_217, %dma_wait3A_254] : memref<2x16384xf32, #tpu.memory_space<vmem>> -> memref<1x4096xf32, #tpu.memory_space<vmem>>
      %dma_wait3A_256 = tpu.memref_squeeze %dma_wait3A_255 : memref<1x4096xf32, #tpu.memory_space<vmem>> -> memref<4096xf32, #tpu.memory_space<vmem>>
      %dma_wait3A_257 = tpu.memref_slice %arg4[%add3A_216] : memref<33554432xf32, #tpu.memory_space<hbm>> -> memref<4096xf32, #tpu.memory_space<hbm>>
      %dma_wait3A_258 = tpu.memref_slice %arg4[%add3A_216] : memref<33554432xf32, #tpu.memory_space<hbm>> -> memref<4096xf32, #tpu.memory_space<hbm>>
      %dma_wait3A_259 = arith.constant 0 : i32
      %dma_wait3A_260 = tpu.memref_slice %arg7[%run_scoped3A_217, %dma_wait3A_259] : memref<2x16384xf32, #tpu.memory_space<vmem>> -> memref<1x4096xf32, #tpu.memory_space<vmem>>
      %dma_wait3A_261 = tpu.memref_squeeze %dma_wait3A_260 : memref<1x4096xf32, #tpu.memory_space<vmem>> -> memref<4096xf32, #tpu.memory_space<vmem>>
      tpu.wait_dma2 semaphore(%run_scoped3A_245 : memref<!tpu.dma_semaphore, #tpu.memory_space<semaphore_mem>>) src(%dma_wait3A_261 : memref<4096xf32, #tpu.memory_space<vmem>>) dst(%dma_wait3A_258 : memref<4096xf32, #tpu.memory_space<hbm>>)
      tpu.yield
    }) : () -> ()
    %add3A_218 = arith.constant 63 : i32
    %add3A_219 = arith.addi %mul3A_2, %add3A_218 : i32
    %mul3A_220 = arith.constant 512 : i32
    %mul3A_221 = arith.muli %add3A_219, %mul3A_220 : i32
    %mul3A_222 = arith.constant 8 : i32
    %mul3A_223 = arith.muli %mul3A_221, %mul3A_222 : i32
    %add3A_224 = arith.constant 8388608 : i32
    %add3A_225 = arith.addi %add3A_224, %mul3A_223 : i32
    %run_scoped3A_226 = arith.constant 1 : i32
    "tpu.region"() ({
      %run_scoped3A_245 = tpu.sem_alloc : memref<!tpu.dma_semaphore, #tpu.memory_space<semaphore_mem>>
      %dma_start3A_246 = arith.constant 4096 : i32
      %dma_start3A_247 = tpu.memref_slice %arg7[%run_scoped3A_226, %dma_start3A_246] : memref<2x16384xf32, #tpu.memory_space<vmem>> -> memref<1x4096xf32, #tpu.memory_space<vmem>>
      %dma_start3A_248 = tpu.memref_squeeze %dma_start3A_247 : memref<1x4096xf32, #tpu.memory_space<vmem>> -> memref<4096xf32, #tpu.memory_space<vmem>>
      %dma_start3A_249 = tpu.memref_slice %arg4[%add3A_225] : memref<33554432xf32, #tpu.memory_space<hbm>> -> memref<4096xf32, #tpu.memory_space<hbm>>
      %dma_start3A_250 = tpu.memref_slice %arg4[%add3A_225] : memref<33554432xf32, #tpu.memory_space<hbm>> -> memref<4096xf32, #tpu.memory_space<hbm>>
      %dma_start3A_251 = arith.constant 4096 : i32
      %dma_start3A_252 = tpu.memref_slice %arg7[%run_scoped3A_226, %dma_start3A_251] : memref<2x16384xf32, #tpu.memory_space<vmem>> -> memref<1x4096xf32, #tpu.memory_space<vmem>>
      %dma_start3A_253 = tpu.memref_squeeze %dma_start3A_252 : memref<1x4096xf32, #tpu.memory_space<vmem>> -> memref<4096xf32, #tpu.memory_space<vmem>>
      tpu.enqueue_dma source(%dma_start3A_253 : memref<4096xf32, #tpu.memory_space<vmem>>) target(%dma_start3A_250 : memref<4096xf32, #tpu.memory_space<hbm>>) target_semaphore(%run_scoped3A_245 : memref<!tpu.dma_semaphore, #tpu.memory_space<semaphore_mem>>)
      %dma_wait3A_254 = arith.constant 4096 : i32
      %dma_wait3A_255 = tpu.memref_slice %arg7[%run_scoped3A_226, %dma_wait3A_254] : memref<2x16384xf32, #tpu.memory_space<vmem>> -> memref<1x4096xf32, #tpu.memory_space<vmem>>
      %dma_wait3A_256 = tpu.memref_squeeze %dma_wait3A_255 : memref<1x4096xf32, #tpu.memory_space<vmem>> -> memref<4096xf32, #tpu.memory_space<vmem>>
      %dma_wait3A_257 = tpu.memref_slice %arg4[%add3A_225] : memref<33554432xf32, #tpu.memory_space<hbm>> -> memref<4096xf32, #tpu.memory_space<hbm>>
      %dma_wait3A_258 = tpu.memref_slice %arg4[%add3A_225] : memref<33554432xf32, #tpu.memory_space<hbm>> -> memref<4096xf32, #tpu.memory_space<hbm>>
      %dma_wait3A_259 = arith.constant 4096 : i32
      %dma_wait3A_260 = tpu.memref_slice %arg7[%run_scoped3A_226, %dma_wait3A_259] : memref<2x16384xf32, #tpu.memory_space<vmem>> -> memref<1x4096xf32, #tpu.memory_space<vmem>>
      %dma_wait3A_261 = tpu.memref_squeeze %dma_wait3A_260 : memref<1x4096xf32, #tpu.memory_space<vmem>> -> memref<4096xf32, #tpu.memory_space<vmem>>
      tpu.wait_dma2 semaphore(%run_scoped3A_245 : memref<!tpu.dma_semaphore, #tpu.memory_space<semaphore_mem>>) src(%dma_wait3A_261 : memref<4096xf32, #tpu.memory_space<vmem>>) dst(%dma_wait3A_258 : memref<4096xf32, #tpu.memory_space<hbm>>)
      tpu.yield
    }) : () -> ()
    %add3A_227 = arith.constant 63 : i32
    %add3A_228 = arith.addi %mul3A_2, %add3A_227 : i32
    %mul3A_229 = arith.constant 512 : i32
    %mul3A_230 = arith.muli %add3A_228, %mul3A_229 : i32
    %mul3A_231 = arith.constant 8 : i32
    %mul3A_232 = arith.muli %mul3A_230, %mul3A_231 : i32
    %add3A_233 = arith.constant 16777216 : i32
    %add3A_234 = arith.addi %add3A_233, %mul3A_232 : i32
    %run_scoped3A_235 = arith.constant 1 : i32
    "tpu.region"() ({
      %run_scoped3A_245 = tpu.sem_alloc : memref<!tpu.dma_semaphore, #tpu.memory_space<semaphore_mem>>
      %dma_start3A_246 = arith.constant 8192 : i32
      %dma_start3A_247 = tpu.memref_slice %arg7[%run_scoped3A_235, %dma_start3A_246] : memref<2x16384xf32, #tpu.memory_space<vmem>> -> memref<1x4096xf32, #tpu.memory_space<vmem>>
      %dma_start3A_248 = tpu.memref_squeeze %dma_start3A_247 : memref<1x4096xf32, #tpu.memory_space<vmem>> -> memref<4096xf32, #tpu.memory_space<vmem>>
      %dma_start3A_249 = tpu.memref_slice %arg4[%add3A_234] : memref<33554432xf32, #tpu.memory_space<hbm>> -> memref<4096xf32, #tpu.memory_space<hbm>>
      %dma_start3A_250 = tpu.memref_slice %arg4[%add3A_234] : memref<33554432xf32, #tpu.memory_space<hbm>> -> memref<4096xf32, #tpu.memory_space<hbm>>
      %dma_start3A_251 = arith.constant 8192 : i32
      %dma_start3A_252 = tpu.memref_slice %arg7[%run_scoped3A_235, %dma_start3A_251] : memref<2x16384xf32, #tpu.memory_space<vmem>> -> memref<1x4096xf32, #tpu.memory_space<vmem>>
      %dma_start3A_253 = tpu.memref_squeeze %dma_start3A_252 : memref<1x4096xf32, #tpu.memory_space<vmem>> -> memref<4096xf32, #tpu.memory_space<vmem>>
      tpu.enqueue_dma source(%dma_start3A_253 : memref<4096xf32, #tpu.memory_space<vmem>>) target(%dma_start3A_250 : memref<4096xf32, #tpu.memory_space<hbm>>) target_semaphore(%run_scoped3A_245 : memref<!tpu.dma_semaphore, #tpu.memory_space<semaphore_mem>>)
      %dma_wait3A_254 = arith.constant 8192 : i32
      %dma_wait3A_255 = tpu.memref_slice %arg7[%run_scoped3A_235, %dma_wait3A_254] : memref<2x16384xf32, #tpu.memory_space<vmem>> -> memref<1x4096xf32, #tpu.memory_space<vmem>>
      %dma_wait3A_256 = tpu.memref_squeeze %dma_wait3A_255 : memref<1x4096xf32, #tpu.memory_space<vmem>> -> memref<4096xf32, #tpu.memory_space<vmem>>
      %dma_wait3A_257 = tpu.memref_slice %arg4[%add3A_234] : memref<33554432xf32, #tpu.memory_space<hbm>> -> memref<4096xf32, #tpu.memory_space<hbm>>
      %dma_wait3A_258 = tpu.memref_slice %arg4[%add3A_234] : memref<33554432xf32, #tpu.memory_space<hbm>> -> memref<4096xf32, #tpu.memory_space<hbm>>
      %dma_wait3A_259 = arith.constant 8192 : i32
      %dma_wait3A_260 = tpu.memref_slice %arg7[%run_scoped3A_235, %dma_wait3A_259] : memref<2x16384xf32, #tpu.memory_space<vmem>> -> memref<1x4096xf32, #tpu.memory_space<vmem>>
      %dma_wait3A_261 = tpu.memref_squeeze %dma_wait3A_260 : memref<1x4096xf32, #tpu.memory_space<vmem>> -> memref<4096xf32, #tpu.memory_space<vmem>>
      tpu.wait_dma2 semaphore(%run_scoped3A_245 : memref<!tpu.dma_semaphore, #tpu.memory_space<semaphore_mem>>) src(%dma_wait3A_261 : memref<4096xf32, #tpu.memory_space<vmem>>) dst(%dma_wait3A_258 : memref<4096xf32, #tpu.memory_space<hbm>>)
      tpu.yield
    }) : () -> ()
    %add3A_236 = arith.constant 63 : i32
    %add3A_237 = arith.addi %mul3A_2, %add3A_236 : i32
    %mul3A_238 = arith.constant 512 : i32
    %mul3A_239 = arith.muli %add3A_237, %mul3A_238 : i32
    %mul3A_240 = arith.constant 8 : i32
    %mul3A_241 = arith.muli %mul3A_239, %mul3A_240 : i32
    %add3A_242 = arith.constant 25165824 : i32
    %add3A_243 = arith.addi %add3A_242, %mul3A_241 : i32
    %run_scoped3A_244 = arith.constant 1 : i32
    "tpu.region"() ({
      %run_scoped3A_245 = tpu.sem_alloc : memref<!tpu.dma_semaphore, #tpu.memory_space<semaphore_mem>>
      %dma_start3A_246 = arith.constant 12288 : i32
      %dma_start3A_247 = tpu.memref_slice %arg7[%run_scoped3A_244, %dma_start3A_246] : memref<2x16384xf32, #tpu.memory_space<vmem>> -> memref<1x4096xf32, #tpu.memory_space<vmem>>
      %dma_start3A_248 = tpu.memref_squeeze %dma_start3A_247 : memref<1x4096xf32, #tpu.memory_space<vmem>> -> memref<4096xf32, #tpu.memory_space<vmem>>
      %dma_start3A_249 = tpu.memref_slice %arg4[%add3A_243] : memref<33554432xf32, #tpu.memory_space<hbm>> -> memref<4096xf32, #tpu.memory_space<hbm>>
      %dma_start3A_250 = tpu.memref_slice %arg4[%add3A_243] : memref<33554432xf32, #tpu.memory_space<hbm>> -> memref<4096xf32, #tpu.memory_space<hbm>>
      %dma_start3A_251 = arith.constant 12288 : i32
      %dma_start3A_252 = tpu.memref_slice %arg7[%run_scoped3A_244, %dma_start3A_251] : memref<2x16384xf32, #tpu.memory_space<vmem>> -> memref<1x4096xf32, #tpu.memory_space<vmem>>
      %dma_start3A_253 = tpu.memref_squeeze %dma_start3A_252 : memref<1x4096xf32, #tpu.memory_space<vmem>> -> memref<4096xf32, #tpu.memory_space<vmem>>
      tpu.enqueue_dma source(%dma_start3A_253 : memref<4096xf32, #tpu.memory_space<vmem>>) target(%dma_start3A_250 : memref<4096xf32, #tpu.memory_space<hbm>>) target_semaphore(%run_scoped3A_245 : memref<!tpu.dma_semaphore, #tpu.memory_space<semaphore_mem>>)
      %dma_wait3A_254 = arith.constant 12288 : i32
      %dma_wait3A_255 = tpu.memref_slice %arg7[%run_scoped3A_244, %dma_wait3A_254] : memref<2x16384xf32, #tpu.memory_space<vmem>> -> memref<1x4096xf32, #tpu.memory_space<vmem>>
      %dma_wait3A_256 = tpu.memref_squeeze %dma_wait3A_255 : memref<1x4096xf32, #tpu.memory_space<vmem>> -> memref<4096xf32, #tpu.memory_space<vmem>>
      %dma_wait3A_257 = tpu.memref_slice %arg4[%add3A_243] : memref<33554432xf32, #tpu.memory_space<hbm>> -> memref<4096xf32, #tpu.memory_space<hbm>>
      %dma_wait3A_258 = tpu.memref_slice %arg4[%add3A_243] : memref<33554432xf32, #tpu.memory_space<hbm>> -> memref<4096xf32, #tpu.memory_space<hbm>>
      %dma_wait3A_259 = arith.constant 12288 : i32
      %dma_wait3A_260 = tpu.memref_slice %arg7[%run_scoped3A_244, %dma_wait3A_259] : memref<2x16384xf32, #tpu.memory_space<vmem>> -> memref<1x4096xf32, #tpu.memory_space<vmem>>
      %dma_wait3A_261 = tpu.memref_squeeze %dma_wait3A_260 : memref<1x4096xf32, #tpu.memory_space<vmem>> -> memref<4096xf32, #tpu.memory_space<vmem>>
      tpu.wait_dma2 semaphore(%run_scoped3A_245 : memref<!tpu.dma_semaphore, #tpu.memory_space<semaphore_mem>>) src(%dma_wait3A_261 : memref<4096xf32, #tpu.memory_space<vmem>>) dst(%dma_wait3A_258 : memref<4096xf32, #tpu.memory_space<hbm>>)
      tpu.yield
    }) : () -> ()
    return
  }
}

</mosaic_0001>

<sc_bundles>
// kernel: kernel.3.cloned.1.call-start
scs
__scs_entry_jumppad:
0x0: {  	(pc) =	sbr.rel $0x88, $3  }
0x1: {  	(tag) =	ssettag $0x0;
	lr =	simm.s32 $0x1  }
0x2: {  	[smem:$0x3F9F] =	sst lr;
	_ =	strace $0xD0000000  }
0x3: {  	_ = 	snop  }
0x4: {  	_ = 	snop  }
0x5: {  	_ = 	snop  }
0x6: {  	_ = 	snop  }
0x7: {  	_ = 	snop  }
__scs_overlays_trampoline_lowered:
0x8: {  	[smem:$0x3FAE] =	sst s0  }
0x9: {  	[smem:$0x3FAF] =	sst s1  }
0xa: {  	[smem:$0x3FB0] =	sst s2  }
0xb: {  	[smem:$0x3FB1] =	sst s3  }
0xc: {  	[smem:$0x3FB2] =	sst s4  }
0xd: {  	[smem:$0x3FB3] =	sst s5  }
0xe: {  	[smem:$0x3FB4] =	sst s6  }
0xf: {  	[smem:$0x3FB5] =	sst s7  }
0x10: {  	[smem:$0x3FB6] =	sst s8  }
0x11: {  	[smem:$0x3FB7] =	sst s9;
	s0 =	simm.s32 @!p0 $0x0  }
0x12: {  	s1 =	sld [smem:$0x3F9D];
	s0 =	simm.s32 @p0 $0x1  }
0x13: {  	[smem:$0x3FB8] =	sst s0;
	s0 =	simm.s32 @!p1 $0x0  }
0x14: {  	s2 =	sld [smem:$0x3F9C];
	s0 =	simm.s32 @p1 $0x1  }
0x15: {  	[smem:$0x3FB9] =	sst s0;
	s0 =	simm.s32 @!p2 $0x0  }
0x16: {  	s3 =	sld [smem:$0x3FDB];
	s0 =	simm.s32 @p2 $0x1  }
0x17: {  	s4 =	simm.s32 $0x1BF5;
	[smem:$0x3FBB] =	sst s0  }
0x18: {  	s0 =	sld [smem:$0x3F9E];
	_ =	swait.ge [sflag:s4], $0x0  }
0x19: {  	s7 =	sld [smem:$0x3F9F]  }
0x1a: {  	s8 =	sadd.s32 $0xFFFFE003, lr  }
0x1b: {  	s9 =	sadd.s32 $0xFFFFFEF7, lr;
	s5 =	simm.s32 $0xFFFFFFFF;
	p2 =	slt.u32 s8, $0xFFFFF086  }
0x1c: {  	p1 =	slt.u32 s9, $0xF7A;
	s5 =	simm.s32 @!p2 $0x0  }
0x1d: {  	s5 =	simm.s32 @p1 $0x1;
	p0 =	seq.s32 s7, s2  }
0x1e: {  	s7 =	smul.u32 @!p0 $0xF7A, s2;
	p2 =	seq.s32 @!p0 s5, $0x0  }
0x1f: {  	s9 =	smul.u32 $0xF7A, s1;
	s8 =	simm.s32 @!p0 $0x1BF5;
	p2 =	por !p2, p0  }
0x20: {  	[sflag:s8] =	ssyncset.s32 @!p0 $0xFFFFF086;
	s6 =	sadd.s32 @!p0 s3, s7;
	s7 =	simm.s32 @!p0 $0x108  }
0x21: {  	s3 =	sadd.s32 s3, s9;
	s6 =	sadd.s32 @!p0 $0x88, s6;
	s7 =	simm.s32 @p2 $0x1082  }
0x22: {  	[simem:s7], [sflag:s8] =	dma.local @!p0 [hbm:s6], $0xF7A  }
0x23: {  	s9 =	sor.u32 $0xD0000000, s2;
	s6 =	simm.s32 $0x108;
	_ =	swait.ge @!p0 [sflag:s8], $0x0  }
0x24: {  	s3 =	sadd.s32 $0x88, s3;
	s6 =	simm.s32 @!p1 $0x1082;
	[sflag:s4] =	ssyncset.s32 $0xFFFFF086  }
0x25: {  	[simem:s6], [sflag:s4] =	dma.local [hbm:s3], $0xF7A  }
0x26: {  	[smem:$0x3F9F] =	sst s1;
	(tag) =	ssettag s2;
	_ =	strace s9  }
0x27: {  	s1 =	sld [smem:$0x3FAF]  }
0x28: {  	s2 =	sld [smem:$0x3FB0]  }
0x29: {  	s4 =	sld [smem:$0x3FB2]  }
0x2a: {  	p0 =	seq.s32 s5, $0x0;
	s5 =	sld [smem:$0x3FB3]  }
0x2b: {  	s6 =	sld [smem:$0x3FB4]  }
0x2c: {  	s7 =	sld [smem:$0x3FB5]  }
0x2d: {  	s3 =	simm.s32 $0x108;
	s8 =	sld [smem:$0x3FB6]  }
0x2e: {  	s3 =	simm.s32 @!p0 $0x1082;
	s9 =	sld [smem:$0x3FB7]  }
0x2f: {  	lr =	sadd.s32 s0, s3;
	s0 =	sld [smem:$0x3FAE]  }
0x30: {  	s3 =	sld [smem:$0x3FB1]  }
0x31: {  	[smem:$0x3FBA] =	sst s10  }
0x32: {  	s10 =	sld [smem:$0x3FB8];
	_ =	sdelay $0x3  }
0x33: {  	p0 =	seq.s32 s10, $0x1;
	s10 =	sld [smem:$0x3FBA];
	_ =	sdelay $0x3  }
0x34: {  	[smem:$0x3FBA] =	sst s10  }
0x35: {  	s10 =	sld [smem:$0x3FB9];
	_ =	sdelay $0x3  }
0x36: {  	p1 =	seq.s32 s10, $0x1;
	s10 =	sld [smem:$0x3FBA];
	_ =	sdelay $0x3  }
0x37: {  	[smem:$0x3FBA] =	sst s10  }
0x38: {  	s10 =	sld [smem:$0x3FBB]  }
0x39: {  	_ = 	snop;
	(pc) =	sbr.ind lr, $3  }
0x3a: {  	_ = 	snop  }
0x3b: {  	_ = 	snop  }
0x3c: {  	p2 =	seq.s32 s10, $0x1;
	s10 =	sld [smem:$0x3FBA]  }
0x3d: {  	_ =	shalt  }
0x3e: {  	_ =	shalt  }
0x3f: {  	_ =	shalt  }
0x40: {  	_ =	shalt  }
0x41: {  	_ =	shalt  }
0x42: {  	_ =	shalt  }
0x43: {  	_ =	shalt  }
0x44: {  	_ =	shalt  }
0x45: {  	_ =	shalt  }
0x46: {  	_ =	shalt  }
0x47: {  	_ =	shalt  }
0x48: {  	_ =	shalt  }
0x49: {  	_ =	shalt  }
0x4a: {  	_ =	shalt  }
0x4b: {  	_ =	shalt  }
0x4c: {  	_ =	shalt  }
0x4d: {  	_ =	shalt  }
0x4e: {  	_ =	shalt  }
0x4f: {  	_ =	shalt  }
0x50: {  	_ =	shalt  }
0x51: {  	_ =	shalt  }
0x52: {  	_ =	shalt  }
0x53: {  	_ =	shalt  }
0x54: {  	_ =	shalt  }
0x55: {  	_ =	shalt  }
0x56: {  	_ =	shalt  }
0x57: {  	_ =	shalt  }
0x58: {  	_ =	shalt  }
0x59: {  	_ =	shalt  }
0x5a: {  	_ =	shalt  }
0x5b: {  	_ =	shalt  }
0x5c: {  	_ =	shalt  }
0x5d: {  	_ =	shalt  }
0x5e: {  	_ =	shalt  }
0x5f: {  	_ =	shalt  }
0x60: {  	_ =	shalt  }
0x61: {  	_ =	shalt  }
0x62: {  	_ =	shalt  }
0x63: {  	_ =	shalt  }
0x64: {  	_ =	shalt  }
0x65: {  	_ =	shalt  }
0x66: {  	_ =	shalt  }
0x67: {  	_ =	shalt  }
0x68: {  	_ =	shalt  }
0x69: {  	_ =	shalt  }
0x6a: {  	_ =	shalt  }
0x6b: {  	_ =	shalt  }
0x6c: {  	_ =	shalt  }
0x6d: {  	_ =	shalt  }
0x6e: {  	_ =	shalt  }
0x6f: {  	_ =	shalt  }
0x70: {  	_ =	shalt  }
0x71: {  	_ =	shalt  }
0x72: {  	_ =	shalt  }
0x73: {  	_ =	shalt  }
0x74: {  	_ =	shalt  }
0x75: {  	_ =	shalt  }
0x76: {  	_ =	shalt  }
0x77: {  	_ =	shalt  }
0x78: {  	_ =	shalt  }
0x79: {  	_ =	shalt  }
0x7a: {  	_ =	shalt  }
0x7b: {  	_ =	shalt  }
0x7c: {  	_ =	shalt  }
0x7d: {  	_ =	shalt  }
0x7e: {  	_ =	shalt  }
0x7f: {  	_ =	shalt  }
0x80: {  	_ =	shalt  }
0x81: {  	_ =	shalt  }
0x82: {  	_ =	shalt  }
0x83: {  	_ =	shalt  }
0x84: {  	_ =	shalt  }
0x85: {  	_ =	shalt  }
0x86: {  	_ =	shalt  }
0x87: {  	_ =	shalt  }
.Lfunc_end0:
.L_simem_size_0:
called_computation_lowered:
.L_overlay_start_0:
0x88: {  	s2 =	sld [smem:$0x3FD9]  }
0x89: {  	s3 =	sld [smem:$0x3FFE];
	_ =	sdelay $0x1  }
0x8a: {  	s1 =	srdreg.scid  }
0x8b: {  	s0 =	sand.u32 $0x1, s1  }
0x8c: {  	s17 =	sshll.u32 s0, $0xA;
	s2 =	sadd.s32 s3, s2  }
0x8d: {  	s2 =	sadd.s32 s2, s17  }
0x8e: {  	[smem:$0x3FC6] =	sst s2  }
0x8f: {  	_ = 	snop  }
0x90: {  	s2 =	sld [smem:$0x3FC8]  }
0x91: {  	s18 =	sld [smem:$0x3FD0];
	(tm) =	ssettm $0x1  }
0x92: {  	s4 =	sld [smem:$0x3FFB];
	_ =	sdelay $0x3  }
0x93: {  	_ =	strace s4  }
0x94: {  	s4 =	sld [smem:$0x3FFC];
	_ =	sdelay $0x3  }
0x95: {  	_ =	strace s4  }
0x96: {  	s4 =	sld [smem:$0x3FFD];
	_ =	sdelay $0x3  }
0x97: {  	_ =	strace s4  }
0x98: {  	_ =	strace $0x8FFFFFFF  }
0x99: {  	s19 =	sld [smem:$0x3FDB];
	_ =	sdelay $0x1  }
0x9a: {  	s5 =	simm.s32 $_scs_section_size  }
0x9b: {  	s6 =	simm.s32 $_size__tile_overlayer_lowered;
	s7 =	simm.s32 $_tile_overlayer_lowered  }
0x9c: {  	s22 =	simm.s32 $0x1BFF;
	s21 =	sshll.u32 s7, $0x1;
	s4 =	sadd.s32 s5, s19  }
0x9d: {  	s8 =	simm.s32 $0x0;
	s20 =	sshll.u32 s6, $0x1;
	s6 =	sadd.s32 s21, s4  }
0x9e: {  	[timem:s8], [sflag:s22] =	dma.local [hbm:s6], s20  }
0x9f: {  	_ =	swait.ge [sflag:s22], s20  }
0xa0: {  	s5 =	ssub.s32 $0x0, s20;
	[sflag:s22] =	ssyncset.done $0x0  }
0xa1: {  	[sflag:s22] =	ssyncadd.s32 s5;
	_ =	sdelay $0x1  }
0xa2: {  	s23 =	simm.s32 $0x1B8B  }
0xa3: {  	_ =	swait.ge [sflag:s23], $0x1  }
0xa4: {  	[sflag:s23] =	ssyncset.done $0x0  }
0xa5: {  	s25 =	simm.s32 $0x1B8E;
	s24 =	sld [smem:$0x3FFE];
	[sflag:s23] =	ssyncadd.s32 $0xFFFFFFFF  }
0xa6: {  	s26 =	simm.s32 $execute0_lowered;
	[smem:$0x3FD2] =	sst s25  }
0xa7: {  	s6 =	sshll.u32 s26, $0x1;
	_ =	strace $0x80000046;
	[dreg:$0x1] =	wrdreg $0xFFFFFFFF  }
0xa8: {  	s28 =	simm.s32 $_size_execute0_lowered;
	s4 =	sadd.s32 s4, s6;
	[dreg:$0x0] =	wrdreg $0x0  }
0xa9: {  	s6 =	sshll.u32 s28, $0x1;
	[dreg:$0x2] =	wrdreg s4  }
0xaa: {  	[dreg:$0x3] =	wrdreg s6  }
0xab: {  	[dreg:$0x4] =	wrdreg $0xC0  }
0xac: {  	_ =	task [dreg:s8], $0x5FFFF  }
0xad: {  	[dreg:$0x1] =	wrdreg $0xFFFFFFFF  }
0xae: {  	[dreg:$0x0] =	wrdreg $0x60  }
0xaf: {  	[dreg:$0x2] =	wrdreg s24  }
0xb0: {  	[dreg:$0x3] =	wrdreg s2  }
0xb1: {  	[dreg:$0x4] =	wrdreg s18  }
0xb2: {  	[dreg:$0x5] =	wrdreg $0x9  }
0xb3: {  	_ =	task.clear_ibuf [dreg:s8], $0x6FFFF;
	_ =	strace $0x90000046  }
0xb4: {  	s29 =	simm.s32 $0x9;
	_ =	strace $0x80000048  }
0xb5: {  	_ =	swait.ge [sflag:s29], $0x1  }
0xb6: {  	[sflag:s29] =	ssyncadd.s32 $0xFFFFFFFF  }
0xb7: {  	_ =	strace $0x90000048  }
0xb8: {  	_ =	sfence  }
0xb9: {  	s30 =	sld [smem:$0x0];
	_ =	sdelay $0x2  }
0xba: {  	s31 =	sshll.u32 s1, $0xD;
	s1 =	sshrl.u32 s1, $0x2  }
0xbb: {  	s3 =	sand.u32 $0x4000, s31;
	s1 =	sadd.s32 s1, s30  }
0xbc: {  	s0 =	sor.u32 s3, s0;
	s1 =	sshll.u32 s1, $0x11  }
0xbd: {  	s0 =	sor.u32 s1, s0  }
0xbe: {  	s0 =	sadd.s32 $0x8F2B, s0  }
0xbf: {  	[sflag:s0] =	ssyncadd.remote.s32 $0x1  }
0xc0: {  	_ =	sfence.sel $0xFFFF  }
0xc1: {  	[dreg:$0x0] =	wrdreg $0xFFFFFFFF;
	(pc) =	sbr.abs _section_cstart, $3  }
0xc2: {  	[dreg:$0x1] =	wrdreg $0xFFFFFFFF  }
0xc3: {  	_ =	task.clear_ibuf [dreg:s8], $0x2FFFF;
	_ =	strace $0x9FFFFFFF  }
0xc4: {  	(tm) =	ssettm $0x7FFFFFFF  }
0xc5: {  	_ =	shalt  }
tec
execute0_lowered:
.L_overlay_start_1:
0x0: {  	(tag) =	ssettag $0x1  }
0x1: {  	s0 =	rddreg [dreg:$0x0]  }
0x2: {  	s1 =	rddreg [dreg:$0x1];
	s9 =	simm.s32 $0x0;
	v10 =	vlaneseq.u32  }
0x3: {  	[smem:$0x7FF] =	sst s9;
	v42 =	vor.u32 $0x1000, v10  }
0x4: {  	s2 =	rddreg [dreg:$0x2];
	v28 =	vor.u32 $0x1080, v10;
	_ =	strace $0x80000047;
	[tilespmem:$0x1FE80] =	vst v42  }
0x5: {  	v9 =	vor.u32 $0x1100, v10;
	[tilespmem:$0x1FE90] =	vst v28  }
0x6: {  	s3 =	srdreg.scid;
	s5 =	stileid.u32;
	v6 =	vor.u32 $0x1180, v10;
	[tilespmem:$0x1FEA0] =	vst v9  }
0x7: {  	s3 =	sand.u32 $0x1, s3;
	s6 =	sshll.u32 s5, $0x1;
	v7 =	vor.u32 $0x1200, v10;
	[tilespmem:$0x1FEB0] =	vst v6  }
0x8: {  	v8 =	vor.u32 $0x1280, v10;
	s4 =	ssub.s32 $0x2, s3;
	s3 =	sor.u32 s3, s6;
	[tilespmem:$0x1FEC0] =	vst v7  }
0x9: {  	s8 =	sadd.s32 $0x20400, s0;
	v30 =	vor.u32 $0x1300, v10;
	[tilespmem:$0x1FED0] =	vst v8;
	s13 =	sshll.u32 s3, $0xC  }
0xa: {  	s28 =	simm.s32 $0x1;
	s5 =	sadd.s32 $0x400, s0;
	v41 =	vor.u32 $0x1380, v10;
	[tilespmem:$0x1FEE0] =	vst v30;
	s0 =	sadd.s32 s13, s8  }
0xb: {  	s29 =	simm.s32 $0xC00;
	v0 =	vor.u32 $0x2000, v10;
	[tilespmem:$0x1FEF0] =	vst v41;
	s10 =	sadd.s32 s5, s13;
	[dreg:$0x5] =	wrdreg s0  }
0xc: {  	v1 =	vor.u32 $0x2080, v10;
	[tilespmem:$0x1FF00] =	vst v0;
	s6 =	sshll.u32 s3, $0x6;
	s14 =	sadd.s32 $0x40000, s10;
	[dreg:$0x4] =	wrdreg s10  }
0xd: {  	v2 =	vor.u32 $0x2100, v10;
	[tilespmem:$0x1FF10] =	vst v1;
	s3 =	sshll.u32 s3, $0xF;
	s16 =	sadd.s32 $0x20040, s10;
	[dreg:$0x6] =	wrdreg s14  }
0xe: {  	v3 =	vor.u32 $0x2180, v10;
	[tilespmem:$0x1FF20] =	vst v2;
	s15 =	sadd.s32 s3, s2;
	s17 =	sadd.s32 $0x40040, s10;
	[dreg:$0x7] =	wrdreg s16  }
0xf: {  	s30 =	simm.s32 $0x2000;
	v4 =	vor.u32 $0x2200, v10;
	[tilespmem:$0x1FF30] =	vst v3;
	s18 =	sadd.s32 $0x107C00, s15;
	[dreg:$0x8] =	wrdreg s17  }
0x10: {  	s31 =	simm.s32 $0x8C00;
	v5 =	vor.u32 $0x2280, v10;
	[tilespmem:$0x1FF40] =	vst v4;
	s19 =	sadd.s32 $0x40, s10;
	[dreg:$0x9] =	wrdreg s18  }
0x11: {  	s11 =	simm.s32 $0x4C00;
	v52 =	vor.u32 $0x2300, v10;
	[tilespmem:$0x1FF50] =	vst v5;
	s20 =	sadd.s32 $0x207C00, s15;
	[dreg:$0xa] =	wrdreg s19  }
0x12: {  	s12 =	simm.s32 $0xCC00;
	v44 =	vor.u32 $0x2380, v10;
	[tilespmem:$0x1FF60] =	vst v52;
	s21 =	sadd.s32 $0x307C00, s15;
	[dreg:$0xb] =	wrdreg s20  }
0x13: {  	v21 =	vor.u32 $0x3000, v10;
	[tilespmem:$0x1FF70] =	vst v44;
	s7 =	sshrl.u32 s4, $0x1;
	s22 =	sadd.s32 $0x107E00, s15;
	[dreg:$0xc] =	wrdreg s21  }
0x14: {  	v22 =	vor.u32 $0x3080, v10;
	[tilespmem:$0x1FF80] =	vst v21;
	s4 =	ssub.s32 s4, s7;
	s23 =	sadd.s32 $0x7C00, s15;
	[dreg:$0xd] =	wrdreg s22  }
0x15: {  	v23 =	vor.u32 $0x3100, v10;
	[tilespmem:$0x1FF90] =	vst v22;
	s3 =	simm.s32 $0xAC00;
	s24 =	sadd.s32 $0x207E00, s15;
	[dreg:$0xe] =	wrdreg s23  }
0x16: {  	v24 =	vor.u32 $0x3180, v10;
	[tilespmem:$0x1FFA0] =	vst v23;
	s25 =	sadd.s32 $0x7E00, s15;
	s0 =	sadd.s32 $0x307E00, s15;
	[dreg:$0xf] =	wrdreg s24  }
0x17: {  	v25 =	vor.u32 $0x3200, v10;
	[tilespmem:$0x1FFB0] =	vst v24;
	s26 =	smax.u32 s4, $0x1;
	s15 =	simm.s32 $0x2;
	[dreg:$0x10] =	wrdreg s25  }
0x18: {  	v11 =	vor.u32 $0xFFFFFC78, v10;
	v26 =	vor.u32 $0x3280, v10;
	[tilespmem:$0x1FFC0] =	vst v25;
	s4 =	simm.s32 $0x0;
	s17 =	sadd.s32 $0x300000, s2;
	[dreg:$0x11] =	wrdreg s0  }
0x19: {  	v12 =	vor.u32 $0x80, v10;
	v13 =	vor.u32 $0x100, v10;
	v27 =	vor.u32 $0x3300, v10;
	[tilespmem:$0x1FFD0] =	vst v26;
	s18 =	sor.u32 $0x2, s6;
	s20 =	sor.u32 $0x3, s6;
	[dreg:$0x12] =	wrdreg s26  }
0x1a: {  	v14 =	vor.u32 $0x180, v10;
	v15 =	vor.u32 $0x200, v10;
	v20 =	vor.u32 $0x3380, v10;
	[tilespmem:$0x1FFE0] =	vst v27;
	s14 =	simm.s32 $0xEC00;
	s16 =	simm.s32 $0x4;
	s21 =	simm.s32 $0xBC00  }
0x1b: {  	v16 =	vor.u32 $0x280, v10;
	v17 =	vor.u32 $0x300, v10;
	v18 =	vor.u32 $0x380, v10;
	[tilespmem:$0x1FFF0] =	vst v20;
	s22 =	simm.s32 $0x3;
	s23 =	simm.s32 $0xDC00;
	s24 =	simm.s32 $0xFC00  }
.LBB2_1:
0x1c: {  	[dreg:$0x13] =	wrdreg s4  }
0x1d: {  	s0 =	rddreg [dreg:$0x4]  }
0x1e: {  	[tilespmem:s9], [sflag:$0x1] =	stream.linear.gather [hbm4b:s0+s9], $0x200, $0x38;
	[tilespmem:$0x10C00] =	vst v63  }
0x1f: {  	s19 =	rddreg [dreg:$0x5];
	s25 =	simm.s32 $0x200  }
0x20: {  	[tilespmem:s25], [sflag:$0x1] =	stream.linear.gather [hbm4b:s19+s9], $0x200, $0x38;
	[tilespmem:$0x10C00] =	vst v63  }
0x21: {  	s26 =	rddreg [dreg:$0x6];
	s0 =	simm.s32 $0x400  }
0x22: {  	[tilespmem:s0], [sflag:$0x1] =	stream.linear.gather [hbm4b:s26+s9], $0x200, $0x38;
	[tilespmem:$0x10C00] =	vst v63  }
0x23: {  	_ =	swait.ge [sflag:s28], $0x600  }
0x24: {  	[sflag:s28] =	ssyncset.done $0x0  }
0x25: {  	s4 =	simm.s32 $0x0;
	s7 =	simm.s32 $0x0;
	[sflag:s28] =	ssyncadd.s32 $0xFFFFFA00  }
.LBB2_2:
0x26: {  	v35 =	vld [tilespmem:s0+$0xFFFFFC00]  }
0x27: {  	v34 =	vld [tilespmem:s0+$0xFFFFFE00]  }
0x28: {  	v33 =	vld [tilespmem:s0+$0x0];
	_ =	sdelay $0x3  }
0x29: {  	v0 =	vmul.f32 $1.600000000e+01, v35  }
0x2a: {  	v1 =	vmul.f32 $1.600000000e+01, v34;
	v2 =	vmul.f32 $1.600000000e+01, v33  }
0x2b: {  	v36 =	vmul.f32 $2.400000000e+01, v35;
	v37 =	vmul.f32 $2.400000000e+01, v34  }
0x2c: {  	v38 =	vmul.f32 $2.400000000e+01, v33;
	v43 =	vmul.f32 $3.600000000e+01, v35  }
0x2d: {  	v48 =	vmul.f32 $3.600000000e+01, v34;
	v54 =	vmul.f32 $5.400000000e+01, v34  }
0x2e: {  	v56 =	vmul.f32 $5.400000000e+01, v33;
	v4 =	vmul.f32 $6.150000000e+02, v35  }
0x2f: {  	v5 =	vmul.f32 $6.150000000e+02, v34;
	v0 =	vtrunc.f32 v0  }
0x30: {  	v1 =	vtrunc.f32 v1;
	v2 =	vtrunc.f32 v2  }
0x31: {  	s9 =	sand.u32 $0xC00, s4;
	s10 =	sand.u32 $0x70, s7;
	v36 =	vtrunc.f32 v36;
	v37 =	vtrunc.f32 v37  }
0x32: {  	s9 =	sor.u32 s10, s9;
	v61 =	vtrunc.f32 v38;
	v58 =	vtrunc.f32 v54  }
0x33: {  	v62 =	vor.u32 s9, v10;
	v54 =	vmul.f32 $1.210000000e+02, v33;
	v4 =	vtrunc.f32 v4  }
0x34: {  	v45 =	vor.u32 s9, v12;
	v5 =	vtrunc.f32 v5;
	v0 =	vcvt.f32.s32 v0  }
0x35: {  	v51 =	vor.u32 s9, v13;
	v1 =	vcvt.f32.s32 v1;
	v2 =	vcvt.f32.s32 v2  }
0x36: {  	v24 =	vor.u32 s9, v14;
	v36 =	vcvt.f32.s32 v36;
	v60 =	vcvt.f32.s32 v37  }
0x37: {  	v38 =	vand.u32 v11, v62;
	v63 =	vcvt.f32.s32 v61;
	v4 =	vcvt.f32.s32 v4  }
0x38: {  	[tilespmem:$0x1FE30] =	vst v51;
	v5 =	vcvt.f32.s32 v5;
	v51 =	vtrunc.f32 v54;
	v54 =	vor.u32 s9, v18  }
0x39: {  	v0 =	vmul.u32 $0x6F45D, v0;
	v1 =	vmul.u32 $0x7409F, v1;
	v2 =	vmul.u32 $0x1FFB7, v2  }
0x3a: {  	v36 =	vmul.u32 $0x6F45D, v36;
	v4 =	vmul.u32 $0x6F45D, v4;
	v5 =	vmul.u32 $0x7409F, v5  }
0x3b: {  	v51 =	vcvt.f32.s32 v51;
	v0 =	vxor.u32 v0, v1;
	v1 =	vmul.u32 $0x7409F, v60  }
0x3c: {  	[tilespmem:$0x1FDF0] =	vst v38;
	v38 =	vxor.u32 v4, v5;
	v4 =	vmul.f32 $9.220000000e+02, v33;
	v0 =	vxor.u32 v2, v0  }
0x3d: {  	v2 =	vmul.u32 $0x1FFB7, v63;
	v63 =	vor.u32 s9, v15;
	v32 =	vshll.u32 v0, $0x1  }
0x3e: {  	v39 =	vxor.u32 v36, v1;
	v1 =	vtrunc.f32 v43;
	v36 =	vtrunc.f32 v48  }
0x3f: {  	v0 =	vand.u32 $0x7F, v0;
	v43 =	vmul.f32 $5.400000000e+01, v35;
	v4 =	vtrunc.f32 v4  }
0x40: {  	v37 =	vand.u32 $0xFFF00, v32;
	v1 =	vcvt.f32.s32 v1;
	v49 =	vcvt.f32.s32 v36  }
0x41: {  	v26 =	vld [tilespmem:$0x1FDF0];
	v32 =	vmul.f32 $8.100000000e+01, v35;
	v4 =	vcvt.f32.s32 v4;
	v46 =	vor.u32 v0, v37  }
0x42: {  	v0 =	vxor.u32 v2, v39;
	v55 =	vtrunc.f32 v43;
	v43 =	vtrunc.f32 v56  }
0x43: {  	v40 =	vor.u32 $0x80, v46;
	v47 =	vshll.u32 v0, $0x1;
	v0 =	vand.u32 $0x7F, v0  }
0x44: {  	v1 =	vmul.u32 $0x6F45D, v1;
	v57 =	vcvt.f32.s32 v55;
	v60 =	vcvt.f32.s32 v43  }
0x45: {  	v43 =	vmul.f32 $8.100000000e+01, v34;
	[tilespmem:$0x1FE00] =	vst v40;
	v2 =	vand.u32 $0xFFF00, v47;
	v40 =	vmul.f32 $3.600000000e+01, v33  }
0x46: {  	v4 =	vmul.u32 $0x1FFB7, v4;
	v47 =	vmul.f32 $8.100000000e+01, v33;
	v0 =	vor.u32 v0, v2  }
0x47: {  	v2 =	vmul.u32 $0x7409F, v49;
	v49 =	vmul.f32 $1.210000000e+02, v35;
	v50 =	vtrunc.f32 v40  }
0x48: {  	[tilespmem:$0x1FE10] =	vst v45;
	v62 =	vmul.u32 $0x1FFB7, v60;
	v60 =	vmul.f32 $1.820000000e+02, v35;
	v36 =	vcvt.f32.s32 v50  }
0x49: {  	[tilespmem:v26+s29+$0x0] =	vst.idx.msk $0xffff, v46;
	v26 =	vld [tilespmem:$0x1FE10];
	v3 =	vor.u32 $0x100000, v0;
	v48 =	vtrunc.f32 v47;
	v1 =	vxor.u32 v1, v2  }
0x4a: {  	v2 =	vcvt.f32.s32 v58;
	v50 =	vmul.f32 $1.210000000e+02, v34;
	v53 =	vmul.u32 $0x1FFB7, v36  }
0x4b: {  	v0 =	vor.u32 $0x100080, v0;
	v47 =	vor.u32 s9, v16;
	v45 =	vcvt.f32.s32 v48  }
0x4c: {  	v46 =	vld [tilespmem:$0x1FE00];
	[tilespmem:$0x1FE40] =	vst v0;
	v2 =	vmul.u32 $0x7409F, v2;
	v55 =	vtrunc.f32 v50;
	v0 =	vxor.u32 v53, v1  }
0x4d: {  	v1 =	vmul.u32 $0x6F45D, v57;
	v53 =	vtrunc.f32 v49;
	v59 =	vshll.u32 v0, $0x1  }
0x4e: {  	v49 =	vor.u32 s9, v17;
	v0 =	vand.u32 $0x7F, v0;
	v36 =	vand.u32 $0xFFF00, v59  }
0x4f: {  	v1 =	vxor.u32 v1, v2;
	v2 =	vtrunc.f32 v32;
	v59 =	vmul.u32 $0x1FFB7, v51  }
0x50: {  	v0 =	vor.u32 v0, v36;
	v40 =	vxor.u32 v62, v1;
	v2 =	vcvt.f32.s32 v2  }
0x51: {  	[tilespmem:v26+s29+$0x0] =	vst.idx.msk $0xffff, v46;
	v46 =	vld [tilespmem:$0x1FE30];
	v1 =	vtrunc.f32 v43;
	v62 =	vmul.f32 $1.820000000e+02, v34;
	v61 =	vor.u32 $0x200000, v0  }
0x52: {  	[tilespmem:$0x1FE20] =	vst v3;
	v0 =	vor.u32 $0x200080, v0;
	v36 =	vshll.u32 v40, $0x1;
	v1 =	vcvt.f32.s32 v1  }
0x53: {  	[tilespmem:$0x1FE70] =	vst v0;
	v36 =	vand.u32 $0xFFF00, v36;
	v0 =	vand.u32 $0x7F, v40;
	v2 =	vmul.u32 $0x6F45D, v2  }
0x54: {  	v26 =	vld [tilespmem:$0x1FE20];
	v40 =	vmul.f32 $2.730000000e+02, v33;
	v0 =	vor.u32 v0, v36;
	v1 =	vmul.u32 $0x7409F, v1  }
0x55: {  	v36 =	vmul.u32 $0x1FFB7, v45;
	v48 =	vor.u32 $0x300000, v0;
	v50 =	vor.u32 $0x300080, v0  }
0x56: {  	v1 =	vxor.u32 v2, v1;
	v2 =	vcvt.f32.s32 v53;
	v53 =	vor.u32 s9, v42  }
0x57: {  	v1 =	vxor.u32 v36, v1;
	v36 =	vcvt.f32.s32 v55;
	v55 =	vmul.f32 $1.820000000e+02, v33  }
0x58: {  	v56 =	vshll.u32 v1, $0x1;
	v1 =	vand.u32 $0x7F, v1;
	v2 =	vmul.u32 $0x6F45D, v2  }
0x59: {  	v31 =	vmovc v27;
	[tilespmem:v46+s29+$0x0] =	vst.idx.msk $0xffff, v26;
	v46 =	vld [tilespmem:$0x1FF40];
	v57 =	vand.u32 $0xFFF00, v56;
	v36 =	vmul.u32 $0x7409F, v36;
	v32 =	vtrunc.f32 v55  }
0x5a: {  	v27 =	vmovc v25;
	v25 =	vmovc v23;
	v56 =	vor.u32 s9, v28;
	v58 =	vor.u32 v1, v57;
	v57 =	vor.u32 s9, v9  }
0x5b: {  	v23 =	vmovc v21;
	v21 =	vmovc v52;
	v51 =	vor.u32 $0x400000, v58;
	v2 =	vxor.u32 v2, v36;
	v52 =	vor.u32 $0x400080, v58  }
0x5c: {  	v26 =	vld [tilespmem:$0x1FE40];
	v36 =	vtrunc.f32 v62;
	v58 =	vmul.f32 $2.730000000e+02, v35;
	v62 =	vor.u32 s9, v7  }
0x5d: {  	v29 =	vmovc v7;
	v7 =	vmul.f32 $1.383000000e+03, v35;
	v1 =	vxor.u32 v59, v2;
	v2 =	vtrunc.f32 v60  }
0x5e: {  	[tilespmem:$0x1FE60] =	vst v63;
	v46 =	vor.u32 s9, v46;
	v63 =	vcvt.f32.s32 v36;
	v36 =	vcvt.f32.s32 v32  }
0x5f: {  	[tilespmem:$0x1FE50] =	vst v61;
	v59 =	vmul.f32 $2.730000000e+02, v34;
	v60 =	vtrunc.f32 v40;
	v61 =	vshll.u32 v1, $0x1  }
0x60: {  	v1 =	vand.u32 $0x7F, v1;
	v2 =	vcvt.f32.s32 v2;
	v39 =	vtrunc.f32 v58  }
0x61: {  	[tilespmem:v24+s29+$0x0] =	vst.idx.msk $0xffff, v26;
	v24 =	vld [tilespmem:$0x1FE60];
	v32 =	vcvt.f32.s32 v60;
	v0 =	vand.u32 $0xFFF00, v61;
	v36 =	vmul.u32 $0x1FFB7, v36  }
0x62: {  	v43 =	vtrunc.f32 v59;
	v61 =	vor.u32 s9, v6;
	v6 =	vmul.f32 $6.150000000e+02, v33  }
0x63: {  	v0 =	vor.u32 v1, v0;
	v2 =	vmul.u32 $0x6F45D, v2;
	v1 =	vmul.u32 $0x7409F, v63  }
0x64: {  	v26 =	vld [tilespmem:$0x1FE50];
	v40 =	vmul.u32 $0x1FFB7, v32;
	v63 =	vor.u32 s9, v8;
	v55 =	vor.u32 $0x500000, v0  }
0x65: {  	v58 =	vor.u32 $0x500080, v0;
	v6 =	vtrunc.f32 v6;
	v1 =	vxor.u32 v2, v1  }
0x66: {  	v2 =	vcvt.f32.s32 v39;
	v1 =	vxor.u32 v36, v1;
	v36 =	vcvt.f32.s32 v43  }
0x67: {  	v22 =	vmovc v44;
	v37 =	vcvt.f32.s32 v6;
	v44 =	vshll.u32 v1, $0x1;
	v1 =	vand.u32 $0x7F, v1  }
0x68: {  	v2 =	vmul.u32 $0x6F45D, v2;
	v45 =	vand.u32 $0xFFF00, v44;
	v36 =	vmul.u32 $0x7409F, v36  }
0x69: {  	v39 =	vor.u32 s9, v41;
	[tilespmem:v24+s29+$0x0] =	vst.idx.msk $0xffff, v26;
	v26 =	vld [tilespmem:$0x1FE70];
	v44 =	vmul.f32 $4.100000000e+02, v35;
	v0 =	vor.u32 v1, v45  }
0x6a: {  	v45 =	vmul.f32 $4.100000000e+02, v34;
	v60 =	vor.u32 $0x600000, v0;
	v2 =	vxor.u32 v2, v36  }
0x6b: {  	v24 =	vld [tilespmem:$0x1FFB0];
	v59 =	vor.u32 $0x600080, v0;
	v1 =	vtrunc.f32 v44;
	v36 =	vmul.f32 $4.100000000e+02, v33  }
0x6c: {  	v44 =	vor.u32 s9, v30;
	v43 =	vxor.u32 v40, v2;
	v32 =	vtrunc.f32 v45  }
0x6d: {  	v1 =	vcvt.f32.s32 v1;
	v40 =	vld [tilespmem:$0x1FF00];
	v2 =	vshll.u32 v43, $0x1;
	v0 =	vand.u32 $0x7F, v43  }
0x6e: {  	v3 =	vtrunc.f32 v36;
	v36 =	vmul.f32 $9.220000000e+02, v34;
	[tilespmem:v47+s29+$0x0] =	vst.idx.msk $0xffff, v26;
	v2 =	vand.u32 $0xFFF00, v2  }
0x6f: {  	v3 =	vcvt.f32.s32 v3;
	[tilespmem:v49+s29+$0x0] =	vst.idx.msk $0xffff, v48;
	v48 =	vld [tilespmem:$0x1FF50];
	v2 =	vor.u32 v0, v2;
	v0 =	vcvt.f32.s32 v32  }
0x70: {  	v1 =	vmul.u32 $0x6F45D, v1;
	v32 =	vld [tilespmem:$0x1FF10];
	[tilespmem:v54+s29+$0x0] =	vst.idx.msk $0xffff, v50;
	v54 =	vor.u32 s9, v24;
	v45 =	vor.u32 $0x700000, v2  }
0x71: {  	v43 =	vor.u32 $0x700080, v2;
	v2 =	vmul.u32 $0x1FFB7, v37;
	[tilespmem:v53+s29+$0x0] =	vst.idx.msk $0xffff, v51;
	v0 =	vmul.u32 $0x7409F, v0  }
0x72: {  	v3 =	vmul.u32 $0x1FFB7, v3;
	v40 =	vor.u32 s9, v40;
	[tilespmem:v56+s29+$0x0] =	vst.idx.msk $0xffff, v52;
	v52 =	vmovc v21;
	v21 =	vmovc v23;
	v23 =	vmov v25  }
0x73: {  	v2 =	vxor.u32 v2, v38;
	[tilespmem:v57+s29+$0x0] =	vst.idx.msk $0xffff, v55;
	v57 =	vmul.f32 $4.670000000e+03, v33;
	v0 =	vxor.u32 v1, v0  }
0x74: {  	v37 =	vld [tilespmem:$0x1FF20];
	v53 =	vor.u32 s9, v23;
	v1 =	vtrunc.f32 v36;
	v0 =	vxor.u32 v3, v0  }
0x75: {  	v48 =	vor.u32 s9, v48;
	v38 =	vor.u32 s9, v32;
	v32 =	vld [tilespmem:$0x1FF30];
	v3 =	vshll.u32 v0, $0x1  }
0x76: {  	[tilespmem:v61+s29+$0x0] =	vst.idx.msk $0xffff, v58;
	v61 =	vor.u32 s9, v52;
	v0 =	vand.u32 $0x7F, v0;
	v3 =	vand.u32 $0xFFF00, v3  }
0x77: {  	v1 =	vcvt.f32.s32 v1;
	v0 =	vor.u32 v0, v3;
	v3 =	vshll.u32 v2, $0x1  }
0x78: {  	v19 =	vmovc v41;
	v41 =	vor.u32 $0x800000, v0;
	v30 =	vor.u32 $0x800080, v0;
	v0 =	vmul.f32 $9.220000000e+02, v35  }
0x79: {  	[tilespmem:v62+s29+$0x0] =	vst.idx.msk $0xffff, v60;
	v6 =	vor.u32 s9, v37;
	v2 =	vand.u32 $0x7F, v2;
	v3 =	vand.u32 $0xFFF00, v3  }
0x7a: {  	[tilespmem:v63+s29+$0x0] =	vst.idx.msk $0xffff, v59;
	v5 =	vor.u32 s9, v32;
	v32 =	vtrunc.f32 v7;
	v0 =	vtrunc.f32 v0  }
0x7b: {  	[tilespmem:v44+s29+$0x0] =	vst.idx.msk $0xffff, v45;
	v44 =	vmovc v22;
	v22 =	vld [tilespmem:$0x1FF90];
	v2 =	vor.u32 v2, v3;
	v7 =	vmul.f32 $1.383000000e+03, v33;
	v0 =	vcvt.f32.s32 v0  }
0x7c: {  	[tilespmem:v39+s29+$0x0] =	vst.idx.msk $0xffff, v43;
	v36 =	vor.u32 $0x900000, v2;
	v37 =	vor.u32 $0x900080, v2;
	v2 =	vmul.f32 $1.383000000e+03, v34  }
0x7d: {  	v60 =	vor.u32 s9, v20;
	v1 =	vmul.u32 $0x7409F, v1;
	[tilespmem:v40+s29+$0x0] =	vst.idx.msk $0xffff, v41;
	v0 =	vmul.u32 $0x6F45D, v0  }
0x7e: {  	v63 =	vor.u32 s9, v44;
	[tilespmem:v38+s29+$0x0] =	vst.idx.msk $0xffff, v30;
	v7 =	vtrunc.f32 v7;
	v2 =	vtrunc.f32 v2  }
0x7f: {  	[tilespmem:v6+s29+$0x0] =	vst.idx.msk $0xffff, v36;
	v7 =	vcvt.f32.s32 v7;
	v2 =	vcvt.f32.s32 v2;
	v0 =	vxor.u32 v0, v1  }
0x80: {  	[tilespmem:v5+s29+$0x0] =	vst.idx.msk $0xffff, v37;
	v5 =	vor.u32 s9, v22;
	v1 =	vcvt.f32.s32 v32;
	v0 =	vxor.u32 v4, v0  }
0x81: {  	v2 =	vmul.u32 $0x7409F, v2;
	v32 =	vmovc v8;
	v8 =	vmul.f32 $2.075000000e+03, v35;
	v4 =	vshll.u32 v0, $0x1  }
0x82: {  	v0 =	vand.u32 $0x7F, v0;
	v1 =	vmul.u32 $0x6F45D, v1;
	v4 =	vand.u32 $0xFFF00, v4  }
0x83: {  	v0 =	vor.u32 v0, v4;
	v4 =	vmul.u32 $0x1FFB7, v7;
	v7 =	vmul.f32 $2.075000000e+03, v34  }
0x84: {  	v1 =	vxor.u32 v1, v2;
	v2 =	vtrunc.f32 v8;
	v8 =	vmul.f32 $2.075000000e+03, v33  }
0x85: {  	v2 =	vcvt.f32.s32 v2;
	v1 =	vxor.u32 v4, v1;
	v4 =	vtrunc.f32 v7  }
0x86: {  	v3 =	vor.u32 $0xA00000, v0;
	v8 =	vtrunc.f32 v8;
	v4 =	vcvt.f32.s32 v4  }
0x87: {  	v7 =	vshll.u32 v1, $0x1;
	v8 =	vcvt.f32.s32 v8;
	v1 =	vand.u32 $0x7F, v1  }
0x88: {  	v2 =	vmul.u32 $0x6F45D, v2;
	v7 =	vand.u32 $0xFFF00, v7;
	v4 =	vmul.u32 $0x7409F, v4  }
0x89: {  	v1 =	vor.u32 v1, v7;
	v7 =	vmul.u32 $0x1FFB7, v8;
	v8 =	vmul.f32 $3.113000000e+03, v35  }
0x8a: {  	v0 =	vor.u32 $0xA00080, v0;
	v56 =	vor.u32 $0xB00000, v1;
	v2 =	vxor.u32 v2, v4  }
0x8b: {  	[tilespmem:v46+s29+$0x0] =	vst.idx.msk $0xffff, v3;
	v4 =	vmul.f32 $3.113000000e+03, v34;
	v2 =	vxor.u32 v7, v2;
	v7 =	vtrunc.f32 v8  }
0x8c: {  	v25 =	vmovc v27;
	[tilespmem:v48+s29+$0x0] =	vst.idx.msk $0xffff, v0;
	v1 =	vor.u32 $0xB00080, v1;
	v8 =	vmul.f32 $3.113000000e+03, v33;
	v33 =	vmul.f32 $7.006000000e+03, v33  }
0x8d: {  	[tilespmem:v61+s29+$0x0] =	vst.idx.msk $0xffff, v56;
	v56 =	vor.u32 s9, v25;
	v7 =	vcvt.f32.s32 v7;
	v4 =	vtrunc.f32 v4  }
0x8e: {  	v47 =	vshll.u32 v2, $0x1;
	v2 =	vand.u32 $0x7F, v2;
	v8 =	vtrunc.f32 v8  }
0x8f: {  	v4 =	vcvt.f32.s32 v4;
	v47 =	vand.u32 $0xFFF00, v47;
	v8 =	vcvt.f32.s32 v8  }
0x90: {  	v2 =	vor.u32 v2, v47;
	v47 =	vmul.f32 $4.670000000e+03, v35;
	v35 =	vmul.f32 $7.006000000e+03, v35  }
0x91: {  	v33 =	vtrunc.f32 v33;
	v7 =	vmul.u32 $0x6F45D, v7;
	v4 =	vmul.u32 $0x7409F, v4  }
0x92: {  	v33 =	vcvt.f32.s32 v33;
	v8 =	vmul.u32 $0x1FFB7, v8;
	v6 =	vtrunc.f32 v35  }
0x93: {  	v4 =	vxor.u32 v7, v4;
	v7 =	vmul.f32 $4.670000000e+03, v34;
	v34 =	vmul.f32 $7.006000000e+03, v34  }
0x94: {  	v6 =	vcvt.f32.s32 v6;
	v4 =	vxor.u32 v8, v4;
	v8 =	vtrunc.f32 v47  }
0x95: {  	v33 =	vmul.u32 $0x1FFB7, v33;
	v47 =	vtrunc.f32 v57;
	v8 =	vcvt.f32.s32 v8  }
0x96: {  	v7 =	vtrunc.f32 v7;
	v62 =	vshll.u32 v4, $0x1;
	v47 =	vcvt.f32.s32 v47  }
0x97: {  	v4 =	vand.u32 $0x7F, v4;
	v34 =	vtrunc.f32 v34;
	v7 =	vcvt.f32.s32 v7  }
0x98: {  	v26 =	vld [tilespmem:$0x1FFD0];
	v34 =	vcvt.f32.s32 v34;
	v45 =	vmul.u32 $0x1FFB7, v47;
	v47 =	vor.u32 s9, v21  }
0x99: {  	v51 =	vand.u32 $0xFFF00, v62;
	v8 =	vmul.u32 $0x6F45D, v8;
	v7 =	vmul.u32 $0x7409F, v7  }
0x9a: {  	v6 =	vmul.u32 $0x6F45D, v6;
	v4 =	vor.u32 v4, v51;
	v34 =	vmul.u32 $0x7409F, v34  }
0x9b: {  	v51 =	vor.u32 $0xD00000, v4;
	v7 =	vxor.u32 v8, v7;
	v8 =	vor.u32 $0xC00000, v2  }
0x9c: {  	[tilespmem:v63+s29+$0x0] =	vst.idx.msk $0xffff, v1;
	v2 =	vor.u32 $0xC00080, v2;
	v6 =	vxor.u32 v6, v34;
	v7 =	vxor.u32 v45, v7  }
0x9d: {  	v55 =	vshll.u32 v7, $0x1;
	[tilespmem:v47+s29+$0x0] =	vst.idx.msk $0xffff, v8;
	v8 =	vor.u32 s9, v26;
	v57 =	vand.u32 $0x7F, v7  }
0x9e: {  	v1 =	vand.u32 $0xFFF00, v55;
	[tilespmem:v5+s29+$0x0] =	vst.idx.msk $0xffff, v2;
	v5 =	vxor.u32 v33, v6;
	v6 =	vor.u32 s9, v31  }
0x9f: {  	p0 =	sne.s32 s7, $0x1F0;
	v4 =	vor.u32 $0xD00080, v4;
	[tilespmem:v53+s29+$0x0] =	vst.idx.msk $0xffff, v51;
	v58 =	vor.u32 v57, v1;
	v59 =	vshll.u32 v5, $0x1  }
.Ltmp0:
0xa0: {  	[tilespmem:v54+s29+$0x0] =	vst.idx.msk $0xffff, v4;
	v61 =	vor.u32 $0xE00000, v58;
	v1 =	vand.u32 $0xFFF00, v59;
	v4 =	vand.u32 $0x7F, v5;
	(pc) =	sbr.rel @p0 .LBB2_2-.Ltmp0, $4  }
0xa1: {  	v0 =	vor.u32 $0xE00080, v58;
	[tilespmem:v56+s29+$0x0] =	vst.idx.msk $0xffff, v61;
	v1 =	vor.u32 v4, v1  }
0xa2: {  	[tilespmem:v8+s29+$0x0] =	vst.idx.msk $0xffff, v0;
	v62 =	vor.u32 $0xF00000, v1  }
0xa3: {  	v30 =	vld [tilespmem:$0x1FEE0];
	v63 =	vor.u32 $0xF00080, v1;
	[tilespmem:v6+s29+$0x0] =	vst.idx.msk $0xffff, v62  }
0xa4: {  	s4 =	sadd.s32 $0x80, s4;
	s0 =	sadd.s32 $0x10, s0;
	s7 =	sadd.s32 $0x10, s7;
	v27 =	vmovc v31;
	v41 =	vmov v19;
	v7 =	vmov v29;
	v8 =	vmov v32;
	v6 =	vld [tilespmem:$0x1FEB0];
	[tilespmem:v60+s29+$0x0] =	vst.idx.msk $0xffff, v63  }
0xa5: {  	[tilespmem:s31], [sflag:$0x2] =	stream.indirect.gather [hbm4b:s1+s30], $0x1, s29, s30, $0xb8;
	[tilespmem:$0x10C00] =	vst v63  }
0xa6: {  	s0 =	simm.s32 $0x2C00  }
0xa7: {  	[tilespmem:s3], [sflag:$0x2] =	stream.indirect.gather [hbm4b:s1+s30], $0x1, s0, s30, $0xb8;
	[tilespmem:$0x10C00] =	vst v63  }
0xa8: {  	s4 =	rddreg [dreg:$0xa];
	s7 =	simm.s32 $0x600;
	s0 =	simm.s32 $0x0  }
0xa9: {  	[tilespmem:s7], [sflag:$0x1] =	stream.linear.gather [hbm4b:s4+s0], $0x200, $0x38;
	[tilespmem:$0x10C00] =	vst v63  }
0xaa: {  	s19 =	rddreg [dreg:$0x7];
	s25 =	simm.s32 $0x800  }
0xab: {  	[tilespmem:s25], [sflag:$0x1] =	stream.linear.gather [hbm4b:s19+s0], $0x200, $0x38;
	[tilespmem:$0x10C00] =	vst v63  }
0xac: {  	s26 =	rddreg [dreg:$0x8];
	s4 =	simm.s32 $0xA00  }
0xad: {  	[tilespmem:s4], [sflag:$0x1] =	stream.linear.gather [hbm4b:s26+s0], $0x200, $0x38;
	[tilespmem:$0x10C00] =	vst v63  }
0xae: {  	_ =	swait.ge [sflag:s28], $0x600  }
0xaf: {  	[sflag:s28] =	ssyncset.done $0x0  }
0xb0: {  	v31 =	vmov v28;
	v28 =	vmov v20;
	v20 =	vmov v44;
	s7 =	simm.s32 $0x0;
	[sflag:s28] =	ssyncadd.s32 $0xFFFFFA00  }
.LBB2_4:
0xb1: {  	v35 =	vld [tilespmem:s4+$0xFFFFFC00]  }
0xb2: {  	v34 =	vld [tilespmem:s4+$0xFFFFFE00]  }
0xb3: {  	v33 =	vld [tilespmem:s4+$0x0];
	_ =	sdelay $0x3  }
0xb4: {  	v0 =	vmul.f32 $1.600000000e+01, v35;
	v1 =	vmul.f32 $1.600000000e+01, v34  }
0xb5: {  	v2 =	vmul.f32 $1.600000000e+01, v33;
	v3 =	vmul.f32 $2.400000000e+01, v35  }
0xb6: {  	v4 =	vmul.f32 $2.400000000e+01, v34;
	v5 =	vmul.f32 $2.400000000e+01, v33  }
0xb7: {  	v37 =	vmul.f32 $3.600000000e+01, v35;
	v40 =	vmul.f32 $3.600000000e+01, v34  }
0xb8: {  	v46 =	vmul.f32 $5.400000000e+01, v34;
	v52 =	vmul.f32 $8.100000000e+01, v35  }
0xb9: {  	v54 =	vmul.f32 $8.100000000e+01, v34;
	v0 =	vtrunc.f32 v0  }
0xba: {  	v1 =	vtrunc.f32 v1;
	v2 =	vtrunc.f32 v2  }
0xbb: {  	s9 =	sand.u32 $0xC00, s0;
	s10 =	sand.u32 $0x70, s7;
	v3 =	vtrunc.f32 v3;
	v4 =	vtrunc.f32 v4  }
0xbc: {  	s9 =	sor.u32 s10, s9;
	v0 =	vcvt.f32.s32 v0;
	v1 =	vcvt.f32.s32 v1  }
0xbd: {  	v38 =	vor.u32 s9, v12;
	v2 =	vcvt.f32.s32 v2;
	v3 =	vcvt.f32.s32 v3  }
0xbe: {  	v60 =	vcvt.f32.s32 v4;
	v0 =	vmul.u32 $0x6F45D, v0;
	v1 =	vmul.u32 $0x7409F, v1  }
0xbf: {  	v4 =	vtrunc.f32 v5;
	v5 =	vor.u32 s9, v10;
	v2 =	vmul.u32 $0x1FFB7, v2  }
0xc0: {  	v61 =	vcvt.f32.s32 v4;
	v62 =	vand.u32 v11, v5;
	v0 =	vxor.u32 v0, v1  }
0xc1: {  	v3 =	vmul.u32 $0x6F45D, v3;
	v1 =	vmul.u32 $0x7409F, v60;
	v0 =	vxor.u32 v2, v0  }
0xc2: {  	v5 =	vmul.f32 $1.210000000e+02, v34;
	v2 =	vmul.u32 $0x1FFB7, v61;
	v4 =	vshll.u32 v0, $0x1  }
0xc3: {  	v0 =	vand.u32 $0x7F, v0;
	v63 =	vxor.u32 v3, v1;
	v4 =	vand.u32 $0xFFF00, v4  }
0xc4: {  	v49 =	vtrunc.f32 v46;
	v45 =	vor.u32 v0, v4;
	v0 =	vxor.u32 v2, v63  }
0xc5: {  	v57 =	vtrunc.f32 v5;
	v1 =	vtrunc.f32 v37;
	v39 =	vshll.u32 v0, $0x1  }
0xc6: {  	v4 =	vmul.f32 $3.600000000e+01, v33;
	v0 =	vand.u32 $0x7F, v0;
	v2 =	vand.u32 $0xFFF00, v39  }
0xc7: {  	v3 =	vtrunc.f32 v40;
	v1 =	vcvt.f32.s32 v1;
	v0 =	vor.u32 v0, v2  }
0xc8: {  	v42 =	vcvt.f32.s32 v3;
	v43 =	vtrunc.f32 v4;
	v4 =	vor.u32 $0x100000, v0  }
0xc9: {  	v61 =	vmul.f32 $1.820000000e+02, v35;
	v3 =	vcvt.f32.s32 v43;
	[tilespmem:$0x1FD90] =	vst v4;
	v4 =	vor.u32 s9, v13  }
0xca: {  	v1 =	vmul.u32 $0x6F45D, v1;
	v2 =	vmul.u32 $0x7409F, v42;
	[tilespmem:$0x1FDA0] =	vst v4;
	v4 =	vmul.f32 $5.400000000e+01, v35  }
0xcb: {  	v63 =	vmul.f32 $1.820000000e+02, v34;
	v0 =	vor.u32 $0x100080, v0;
	v44 =	vmul.u32 $0x1FFB7, v3  }
0xcc: {  	v1 =	vxor.u32 v1, v2;
	v47 =	vtrunc.f32 v4;
	v4 =	vmul.f32 $5.400000000e+01, v33  }
0xcd: {  	v36 =	vor.u32 $0x80, v45;
	[tilespmem:$0x1FDB0] =	vst v0;
	v2 =	vcvt.f32.s32 v49;
	v0 =	vxor.u32 v44, v1  }
0xce: {  	v50 =	vshll.u32 v0, $0x1;
	v48 =	vcvt.f32.s32 v47;
	v4 =	vtrunc.f32 v4  }
0xcf: {  	v0 =	vand.u32 $0x7F, v0;
	v3 =	vand.u32 $0xFFF00, v50;
	v4 =	vcvt.f32.s32 v4  }
0xd0: {  	v2 =	vmul.u32 $0x7409F, v2;
	v0 =	vor.u32 v0, v3;
	v1 =	vmul.u32 $0x6F45D, v48  }
0xd1: {  	v44 =	vmul.f32 $4.100000000e+02, v35;
	v3 =	vor.u32 $0x200000, v0;
	v51 =	vmul.u32 $0x1FFB7, v4  }
0xd2: {  	v0 =	vor.u32 $0x200080, v0;
	v4 =	vor.u32 s9, v15;
	v1 =	vxor.u32 v1, v2  }
0xd3: {  	v60 =	vld [tilespmem:$0x1FE80];
	v2 =	vtrunc.f32 v52;
	[tilespmem:$0x1FDD0] =	vst v4;
	v4 =	vmul.f32 $8.100000000e+01, v33;
	v53 =	vxor.u32 v51, v1  }
0xd4: {  	[tilespmem:$0x1FDC0] =	vst v3;
	v2 =	vcvt.f32.s32 v2;
	v1 =	vtrunc.f32 v54;
	v3 =	vshll.u32 v53, $0x1  }
0xd5: {  	[tilespmem:$0x1FDE0] =	vst v0;
	v0 =	vand.u32 $0x7F, v53;
	v1 =	vcvt.f32.s32 v1;
	v4 =	vtrunc.f32 v4  }
0xd6: {  	v2 =	vmul.u32 $0x6F45D, v2;
	v3 =	vand.u32 $0xFFF00, v3;
	v55 =	vcvt.f32.s32 v4  }
0xd7: {  	v4 =	vmul.f32 $1.210000000e+02, v35;
	v0 =	vor.u32 v0, v3;
	v1 =	vmul.u32 $0x7409F, v1  }
0xd8: {  	v53 =	vor.u32 s9, v60;
	v48 =	vor.u32 $0x300000, v0;
	v3 =	vmul.u32 $0x1FFB7, v55  }
0xd9: {  	v56 =	vtrunc.f32 v4;
	v4 =	vmul.f32 $1.210000000e+02, v33;
	v1 =	vxor.u32 v2, v1  }
0xda: {  	v50 =	vor.u32 $0x300080, v0;
	v2 =	vcvt.f32.s32 v56;
	v1 =	vxor.u32 v3, v1  }
0xdb: {  	v3 =	vcvt.f32.s32 v57;
	v4 =	vtrunc.f32 v4;
	v5 =	vshll.u32 v1, $0x1  }
0xdc: {  	v4 =	vcvt.f32.s32 v4;
	v1 =	vand.u32 $0x7F, v1;
	v5 =	vand.u32 $0xFFF00, v5  }
0xdd: {  	v2 =	vmul.u32 $0x6F45D, v2;
	v3 =	vmul.u32 $0x7409F, v3;
	v58 =	vor.u32 v1, v5  }
0xde: {  	v59 =	vmul.u32 $0x1FFB7, v4;
	v4 =	vmul.f32 $1.820000000e+02, v33;
	v51 =	vor.u32 $0x400000, v58  }
0xdf: {  	v2 =	vxor.u32 v2, v3;
	v52 =	vor.u32 $0x400080, v58;
	v3 =	vtrunc.f32 v63  }
0xe0: {  	[tilespmem:$0x1FD70] =	vst v36;
	v1 =	vxor.u32 v59, v2;
	v2 =	vtrunc.f32 v61;
	v36 =	vcvt.f32.s32 v3  }
0xe1: {  	v5 =	vld [tilespmem:$0x1FEA0];
	v37 =	vtrunc.f32 v4;
	v4 =	vmul.f32 $2.730000000e+02, v35;
	v61 =	vor.u32 s9, v6  }
0xe2: {  	[tilespmem:$0x1FD60] =	vst v62;
	v6 =	vmul.f32 $6.150000000e+02, v34;
	v62 =	vshll.u32 v1, $0x1;
	v1 =	vand.u32 $0x7F, v1  }
0xe3: {  	v2 =	vcvt.f32.s32 v2;
	v3 =	vcvt.f32.s32 v37;
	v0 =	vand.u32 $0xFFF00, v62  }
0xe4: {  	[tilespmem:$0x1FD80] =	vst v38;
	v38 =	vtrunc.f32 v4;
	v4 =	vmul.f32 $2.730000000e+02, v33;
	v62 =	vor.u32 s9, v7  }
0xe5: {  	v7 =	vmul.f32 $6.150000000e+02, v33;
	v0 =	vor.u32 v1, v0;
	v2 =	vmul.u32 $0x6F45D, v2  }
0xe6: {  	v1 =	vmul.u32 $0x7409F, v36;
	v57 =	vor.u32 s9, v5;
	v5 =	vmul.f32 $2.730000000e+02, v34  }
0xe7: {  	v6 =	vtrunc.f32 v6;
	v3 =	vmul.u32 $0x1FFB7, v3;
	v36 =	vmul.f32 $4.100000000e+02, v34  }
0xe8: {  	v4 =	vtrunc.f32 v4;
	v1 =	vxor.u32 v2, v1;
	v39 =	vtrunc.f32 v5  }
0xe9: {  	v2 =	vcvt.f32.s32 v38;
	v1 =	vxor.u32 v3, v1;
	v3 =	vcvt.f32.s32 v39  }
0xea: {  	v6 =	vcvt.f32.s32 v6;
	v55 =	vor.u32 $0x500000, v0;
	v4 =	vcvt.f32.s32 v4  }
0xeb: {  	v5 =	vshll.u32 v1, $0x1;
	v2 =	vmul.u32 $0x6F45D, v2;
	v3 =	vmul.u32 $0x7409F, v3  }
0xec: {  	v1 =	vand.u32 $0x7F, v1;
	v42 =	vmul.u32 $0x1FFB7, v4;
	v40 =	vand.u32 $0xFFF00, v5  }
0xed: {  	v58 =	vor.u32 $0x500080, v0;
	v0 =	vor.u32 v1, v40;
	v2 =	vxor.u32 v2, v3  }
0xee: {  	v60 =	vor.u32 $0x600000, v0;
	v59 =	vor.u32 $0x600080, v0;
	v43 =	vxor.u32 v42, v2  }
0xef: {  	v2 =	vshll.u32 v43, $0x1;
	v0 =	vand.u32 $0x7F, v43;
	v43 =	vor.u32 s9, v30;
	v30 =	vld [tilespmem:$0x1FD60]  }
0xf0: {  	v7 =	vtrunc.f32 v7;
	v37 =	vtrunc.f32 v36  }
0xf1: {  	v38 =	vmul.f32 $4.100000000e+02, v33;
	v36 =	vld [tilespmem:$0x1FF00];
	v4 =	vcvt.f32.s32 v37  }
0xf2: {  	v5 =	vmul.f32 $6.150000000e+02, v35;
	v1 =	vtrunc.f32 v44  }
0xf3: {  	v6 =	vmul.u32 $0x7409F, v6;
	v1 =	vcvt.f32.s32 v1;
	v3 =	vtrunc.f32 v38  }
0xf4: {  	v4 =	vmul.u32 $0x7409F, v4;
	v5 =	vtrunc.f32 v5;
	v3 =	vcvt.f32.s32 v3  }
0xf5: {  	v40 =	vcvt.f32.s32 v7;
	v5 =	vcvt.f32.s32 v5;
	v1 =	vmul.u32 $0x6F45D, v1  }
0xf6: {  	v38 =	vor.u32 s9, v36;
	v36 =	vmul.f32 $9.220000000e+02, v33;
	v3 =	vmul.u32 $0x1FFB7, v3  }
0xf7: {  	v2 =	vand.u32 $0xFFF00, v2;
	v5 =	vmul.u32 $0x6F45D, v5;
	v4 =	vxor.u32 v1, v4;
	[tilespmem:v30+s11+$0x0] =	vst.idx.msk $0xffff, v45;
	v45 =	vld [tilespmem:$0x1FD80]  }
0xf8: {  	v2 =	vor.u32 v0, v2;
	v1 =	vtrunc.f32 v36;
	v39 =	vxor.u32 v3, v4  }
0xf9: {  	v36 =	vld [tilespmem:$0x1FF20];
	v44 =	vor.u32 $0x700000, v2;
	v42 =	vor.u32 $0x700080, v2;
	v4 =	vshll.u32 v39, $0x1  }
0xfa: {  	v3 =	vmul.u32 $0x1FFB7, v40;
	v2 =	vand.u32 $0x7F, v39;
	v4 =	vand.u32 $0xFFF00, v4;
	v30 =	vld [tilespmem:$0x1FD70]  }
0xfb: {  	v2 =	vor.u32 v2, v4;
	v4 =	vxor.u32 v5, v6  }
0xfc: {  	v63 =	vor.u32 s9, v8;
	v8 =	vmul.f32 $9.220000000e+02, v35;
	v3 =	vxor.u32 v3, v4  }
0xfd: {  	v4 =	vshll.u32 v3, $0x1  }
0xfe: {  	v8 =	vtrunc.f32 v8;
	v3 =	vand.u32 $0x7F, v3;
	v4 =	vand.u32 $0xFFF00, v4  }
0xff: {  	v0 =	vmul.f32 $9.220000000e+02, v34;
	v7 =	vor.u32 s9, v36;
	v3 =	vor.u32 v3, v4;
	[tilespmem:v45+s11+$0x0] =	vst.idx.msk $0xffff, v30;
	v45 =	vld [tilespmem:$0x1FDA0]  }
0x100: {  	v4 =	vcvt.f32.s32 v8;
	v8 =	vor.u32 $0x900000, v3;
	v36 =	vor.u32 $0x900080, v3;
	v3 =	vld [tilespmem:$0x1FF30]  }
0x101: {  	v9 =	vmul.f32 $2.075000000e+03, v35;
	v0 =	vtrunc.f32 v0  }
0x102: {  	v46 =	vor.u32 s9, v14;
	v1 =	vcvt.f32.s32 v1;
	v0 =	vcvt.f32.s32 v0;
	v30 =	vld [tilespmem:$0x1FD90]  }
0x103: {  	v39 =	vor.u32 s9, v41;
	v40 =	vor.u32 $0x800000, v2;
	v41 =	vor.u32 $0x800080, v2  }
0x104: {  	v0 =	vmul.u32 $0x7409F, v0;
	v2 =	vmul.f32 $1.383000000e+03, v35;
	v4 =	vmul.u32 $0x6F45D, v4  }
0x105: {  	v1 =	vmul.u32 $0x1FFB7, v1;
	v6 =	vor.u32 s9, v3;
	v3 =	vmul.f32 $1.383000000e+03, v34  }
0x106: {  	v2 =	vtrunc.f32 v2;
	v0 =	vxor.u32 v4, v0;
	v4 =	vmul.f32 $1.383000000e+03, v33  }
0x107: {  	v0 =	vxor.u32 v1, v0;
	v1 =	vcvt.f32.s32 v2;
	v2 =	vtrunc.f32 v3;
	[tilespmem:v45+s11+$0x0] =	vst.idx.msk $0xffff, v30;
	v30 =	vld [tilespmem:$0x1FDB0]  }
0x108: {  	v4 =	vtrunc.f32 v4;
	v2 =	vcvt.f32.s32 v2  }
0x109: {  	v4 =	vcvt.f32.s32 v4;
	v1 =	vmul.u32 $0x6F45D, v1;
	v3 =	vshll.u32 v0, $0x1  }
0x10a: {  	v0 =	vand.u32 $0x7F, v0;
	v3 =	vand.u32 $0xFFF00, v3;
	v2 =	vmul.u32 $0x7409F, v2  }
0x10b: {  	v0 =	vor.u32 v0, v3;
	v3 =	vmul.u32 $0x1FFB7, v4;
	v4 =	vmul.f32 $2.075000000e+03, v34  }
0x10c: {  	v1 =	vxor.u32 v1, v2;
	v2 =	vtrunc.f32 v9;
	v9 =	vmul.f32 $2.075000000e+03, v33;
	[tilespmem:v46+s11+$0x0] =	vst.idx.msk $0xffff, v30;
	v46 =	vld [tilespmem:$0x1FDD0]  }
0x10d: {  	v1 =	vxor.u32 v3, v1;
	v2 =	vcvt.f32.s32 v2;
	v3 =	vtrunc.f32 v4  }
0x10e: {  	v3 =	vcvt.f32.s32 v3;
	v9 =	vtrunc.f32 v9  }
0x10f: {  	v4 =	vshll.u32 v1, $0x1;
	v1 =	vand.u32 $0x7F, v1;
	v9 =	vcvt.f32.s32 v9;
	v30 =	vld [tilespmem:$0x1FDC0]  }
0x110: {  	v4 =	vand.u32 $0xFFF00, v4;
	v2 =	vmul.u32 $0x6F45D, v2;
	v3 =	vmul.u32 $0x7409F, v3  }
0x111: {  	v1 =	vor.u32 v1, v4;
	v4 =	vmul.u32 $0x1FFB7, v9  }
0x112: {  	v9 =	vmul.f32 $3.113000000e+03, v35;
	v2 =	vxor.u32 v2, v3;
	v3 =	vmul.f32 $3.113000000e+03, v34  }
0x113: {  	v47 =	vor.u32 s9, v16  }
0x114: {  	v2 =	vxor.u32 v4, v2;
	v4 =	vtrunc.f32 v9;
	v3 =	vtrunc.f32 v3;
	[tilespmem:v46+s11+$0x0] =	vst.idx.msk $0xffff, v30;
	v30 =	vld [tilespmem:$0x1FDE0]  }
0x115: {  	v49 =	vor.u32 s9, v17;
	v37 =	vld [tilespmem:$0x1FF10];
	v4 =	vcvt.f32.s32 v4;
	v3 =	vcvt.f32.s32 v3  }
0x116: {  	v54 =	vor.u32 s9, v18;
	v45 =	vld [tilespmem:$0x1FF40];
	v9 =	vmul.f32 $3.113000000e+03, v33  }
0x117: {  	v4 =	vmul.u32 $0x6F45D, v4;
	v3 =	vmul.u32 $0x7409F, v3  }
0x118: {  	v56 =	vor.u32 s9, v31;
	v9 =	vtrunc.f32 v9  }
0x119: {  	v9 =	vcvt.f32.s32 v9;
	v3 =	vxor.u32 v4, v3;
	v4 =	vmul.f32 $4.670000000e+03, v34;
	[tilespmem:v47+s11+$0x0] =	vst.idx.msk $0xffff, v30  }
0x11a: {  	v37 =	vor.u32 s9, v37;
	v5 =	vor.u32 $0xA00000, v0;
	v0 =	vor.u32 $0xA00080, v0;
	[tilespmem:v49+s11+$0x0] =	vst.idx.msk $0xffff, v48  }
0x11b: {  	v45 =	vor.u32 s9, v45;
	v9 =	vmul.u32 $0x1FFB7, v9;
	v4 =	vtrunc.f32 v4;
	[tilespmem:v54+s11+$0x0] =	vst.idx.msk $0xffff, v50  }
0x11c: {  	v34 =	vmul.f32 $7.006000000e+03, v34;
	v46 =	vshll.u32 v2, $0x1;
	v4 =	vcvt.f32.s32 v4;
	v30 =	vld [tilespmem:$0x1FF60];
	[tilespmem:v53+s11+$0x0] =	vst.idx.msk $0xffff, v51  }
0x11d: {  	v2 =	vand.u32 $0x7F, v2;
	v3 =	vxor.u32 v9, v3;
	v46 =	vand.u32 $0xFFF00, v46;
	v49 =	vld [tilespmem:$0x1FF50];
	[tilespmem:v56+s11+$0x0] =	vst.idx.msk $0xffff, v52  }
0x11e: {  	v2 =	vor.u32 v2, v46;
	v4 =	vmul.u32 $0x7409F, v4;
	v54 =	vmul.f32 $4.670000000e+03, v35;
	[tilespmem:v57+s11+$0x0] =	vst.idx.msk $0xffff, v55  }
0x11f: {  	v35 =	vmul.f32 $7.006000000e+03, v35;
	v51 =	vor.u32 s9, v21;
	v53 =	vor.u32 s9, v23;
	[tilespmem:v61+s11+$0x0] =	vst.idx.msk $0xffff, v58  }
0x120: {  	v56 =	vor.u32 $0xB00000, v1;
	v9 =	vtrunc.f32 v54;
	v1 =	vor.u32 $0xB00080, v1;
	[tilespmem:v62+s11+$0x0] =	vst.idx.msk $0xffff, v60  }
0x121: {  	v52 =	vtrunc.f32 v34;
	v54 =	vor.u32 s9, v24;
	v57 =	vmul.f32 $4.670000000e+03, v33;
	[tilespmem:v63+s11+$0x0] =	vst.idx.msk $0xffff, v59  }
0x122: {  	v9 =	vcvt.f32.s32 v9;
	v47 =	vor.u32 s9, v49;
	v61 =	vor.u32 s9, v30;
	[tilespmem:v43+s11+$0x0] =	vst.idx.msk $0xffff, v44  }
0x123: {  	v62 =	vshll.u32 v3, $0x1;
	v46 =	vtrunc.f32 v57;
	v3 =	vand.u32 $0x7F, v3;
	[tilespmem:v39+s11+$0x0] =	vst.idx.msk $0xffff, v42  }
0x124: {  	v9 =	vmul.u32 $0x6F45D, v9;
	v60 =	vor.u32 s9, v28;
	v50 =	vand.u32 $0xFFF00, v62;
	[tilespmem:v38+s11+$0x0] =	vst.idx.msk $0xffff, v40  }
0x125: {  	v46 =	vcvt.f32.s32 v46;
	v63 =	vor.u32 s9, v20;
	v3 =	vor.u32 v3, v50;
	[tilespmem:v37+s11+$0x0] =	vst.idx.msk $0xffff, v41  }
0x126: {  	v4 =	vxor.u32 v9, v4;
	v9 =	vor.u32 $0xC00000, v2;
	[tilespmem:v7+s11+$0x0] =	vst.idx.msk $0xffff, v8;
	v8 =	vmul.f32 $7.006000000e+03, v33  }
0x127: {  	v50 =	vmul.u32 $0x1FFB7, v46;
	v7 =	vtrunc.f32 v35;
	v33 =	vcvt.f32.s32 v52;
	[tilespmem:v6+s11+$0x0] =	vst.idx.msk $0xffff, v36  }
0x128: {  	v6 =	vor.u32 s9, v22;
	v7 =	vcvt.f32.s32 v7;
	[tilespmem:v45+s11+$0x0] =	vst.idx.msk $0xffff, v5;
	v8 =	vtrunc.f32 v8  }
0x129: {  	v2 =	vor.u32 $0xC00080, v2;
	v4 =	vxor.u32 v50, v4;
	[tilespmem:v47+s11+$0x0] =	vst.idx.msk $0xffff, v0;
	v8 =	vcvt.f32.s32 v8  }
0x12a: {  	v55 =	vshll.u32 v4, $0x1;
	v33 =	vmul.u32 $0x7409F, v33;
	v7 =	vmul.u32 $0x6F45D, v7;
	[tilespmem:v61+s11+$0x0] =	vst.idx.msk $0xffff, v56  }
0x12b: {  	v57 =	vand.u32 $0x7F, v4;
	v56 =	vor.u32 s9, v25;
	[tilespmem:v63+s11+$0x0] =	vst.idx.msk $0xffff, v1;
	v8 =	vmul.u32 $0x1FFB7, v8  }
0x12c: {  	v5 =	vor.u32 $0xD00000, v3;
	v7 =	vxor.u32 v7, v33;
	[tilespmem:v51+s11+$0x0] =	vst.idx.msk $0xffff, v9;
	v9 =	vor.u32 s9, v26  }
0x12d: {  	v1 =	vand.u32 $0xFFF00, v55;
	[tilespmem:v6+s11+$0x0] =	vst.idx.msk $0xffff, v2;
	v4 =	vxor.u32 v8, v7;
	v6 =	vor.u32 s9, v27  }
0x12e: {  	p0 =	sne.s32 s7, $0x1F0;
	v3 =	vor.u32 $0xD00080, v3;
	v58 =	vor.u32 v57, v1;
	[tilespmem:v53+s11+$0x0] =	vst.idx.msk $0xffff, v5;
	v59 =	vshll.u32 v4, $0x1  }
.Ltmp1:
0x12f: {  	v61 =	vor.u32 $0xE00000, v58;
	v4 =	vand.u32 $0x7F, v4;
	[tilespmem:v54+s11+$0x0] =	vst.idx.msk $0xffff, v3;
	v1 =	vand.u32 $0xFFF00, v59;
	(pc) =	sbr.rel @p0 .LBB2_4-.Ltmp1, $4  }
0x130: {  	v0 =	vor.u32 $0xE00080, v58;
	[tilespmem:v56+s11+$0x0] =	vst.idx.msk $0xffff, v61;
	v1 =	vor.u32 v4, v1  }
0x131: {  	[tilespmem:v9+s11+$0x0] =	vst.idx.msk $0xffff, v0;
	v62 =	vor.u32 $0xF00000, v1  }
0x132: {  	v30 =	vld [tilespmem:$0x1FEE0];
	v63 =	vor.u32 $0xF00080, v1;
	[tilespmem:v6+s11+$0x0] =	vst.idx.msk $0xffff, v62  }
0x133: {  	s0 =	sadd.s32 $0x80, s0;
	s4 =	sadd.s32 $0x10, s4;
	s7 =	sadd.s32 $0x10, s7;
	v41 =	vmov v19;
	v7 =	vmov v29;
	v8 =	vmov v32;
	v6 =	vld [tilespmem:$0x1FEB0];
	[tilespmem:v60+s11+$0x0] =	vst.idx.msk $0xffff, v63  }
0x134: {  	[tilespmem:s12], [sflag:$0x3] =	stream.indirect.gather [hbm4b:s1+s30], $0x1, s11, s30, $0xb8;
	[tilespmem:$0x10C00] =	vst v63  }
0x135: {  	s0 =	simm.s32 $0x6C00;
	s7 =	simm.s32 $0x0;
	s4 =	simm.s32 $0x0  }
0x136: {  	[tilespmem:s14], [sflag:$0x3] =	stream.indirect.gather [hbm4b:s1+s30], $0x1, s0, s30, $0xb8;
	[tilespmem:$0x10C00] =	vst v63  }
.LBB2_6:
0x137: {  	s25 =	sshll.u32 s4, $0x1  }
0x138: {  	_ =	swait.ge [sflag:s15], $0x4000;
	s0 =	sor.u32 s6, s25  }
0x139: {  	[sflag:s15] =	ssyncset.done $0x0;
	s26 =	sshll.u32 s0, $0x9  }
0x13a: {  	[sflag:s15] =	ssyncadd.s32 $0xFFFFC000;
	s0 =	sadd.s32 s2, s26  }
0x13b: {  	[hbm4b:s0+s7] =	stream.linear.scatter [tilespmem:s31], [sflag:$0x4], $0x1000, $0x38;
	[tilespmem:$0x10C00] =	vst v63  }
0x13c: {  	_ =	swait.ge [sflag:s16], $0x1000  }
0x13d: {  	s10 =	sor.u32 $0x100000, s26;
	[sflag:s16] =	ssyncset.done $0x0  }
0x13e: {  	s9 =	simm.s32 $0x9C00;
	s0 =	sadd.s32 s2, s10;
	[sflag:s16] =	ssyncadd.s32 $0xFFFFF000  }
0x13f: {  	[hbm4b:s0+s7] =	stream.linear.scatter [tilespmem:s9], [sflag:$0x4], $0x1000, $0x38;
	[tilespmem:$0x10C00] =	vst v63  }
0x140: {  	_ =	swait.ge [sflag:s16], $0x1000  }
0x141: {  	s13 =	sor.u32 $0x200000, s26;
	[sflag:s16] =	ssyncset.done $0x0  }
0x142: {  	s0 =	sadd.s32 s2, s13;
	[sflag:s16] =	ssyncadd.s32 $0xFFFFF000  }
0x143: {  	[hbm4b:s0+s7] =	stream.linear.scatter [tilespmem:s3], [sflag:$0x4], $0x1000, $0x38;
	[tilespmem:$0x10C00] =	vst v63  }
0x144: {  	_ =	swait.ge [sflag:s16], $0x1000  }
0x145: {  	[sflag:s16] =	ssyncset.done $0x0  }
0x146: {  	s19 =	sadd.s32 s26, s17;
	[sflag:s16] =	ssyncadd.s32 $0xFFFFF000  }
0x147: {  	[hbm4b:s19+s7] =	stream.linear.scatter [tilespmem:s21], [sflag:$0x4], $0x1000, $0x38;
	[tilespmem:$0x10C00] =	vst v63  }
0x148: {  	s9 =	sadd.s32 s25, s18;
	_ =	swait.ge [sflag:s16], $0x1000  }
0x149: {  	s0 =	sshll.u32 s9, $0x6;
	[sflag:s16] =	ssyncset.done $0x0  }
0x14a: {  	s10 =	sadd.s32 s5, s0;
	[sflag:s16] =	ssyncadd.s32 $0xFFFFF000  }
0x14b: {  	[tilespmem:s7], [sflag:$0x1] =	stream.linear.gather [hbm4b:s10+s7], $0x200, $0x38;
	[tilespmem:$0x10C00] =	vst v63  }
0x14c: {  	s13 =	sadd.s32 s0, s8;
	s0 =	sor.u32 $0x40000, s0;
	s10 =	simm.s32 $0x200  }
0x14d: {  	[tilespmem:s10], [sflag:$0x1] =	stream.linear.gather [hbm4b:s13+s7], $0x200, $0x38;
	[tilespmem:$0x10C00] =	vst v63  }
0x14e: {  	s19 =	sadd.s32 s5, s0;
	s0 =	simm.s32 $0x400  }
0x14f: {  	[tilespmem:s0], [sflag:$0x1] =	stream.linear.gather [hbm4b:s19+s7], $0x200, $0x38;
	[tilespmem:$0x10C00] =	vst v63  }
0x150: {  	_ =	swait.ge [sflag:s28], $0x600  }
0x151: {  	v6 =	vld [tilespmem:$0x1FE80]  }
0x152: {  	v7 =	vld [tilespmem:$0x1FE90]  }
0x153: {  	v8 =	vld [tilespmem:$0x1FEA0]  }
0x154: {  	v9 =	vld [tilespmem:$0x1FEB0]  }
0x155: {  	[sflag:s28] =	ssyncset.done $0x0;
	v59 =	vld [tilespmem:$0x1FEC0]  }
0x156: {  	s9 =	simm.s32 $0x0;
	s10 =	simm.s32 $0x0;
	v63 =	vld [tilespmem:$0x1FED0];
	[sflag:s28] =	ssyncadd.s32 $0xFFFFFA00  }
.LBB2_7:
0x157: {  	v35 =	vld [tilespmem:s0+$0xFFFFFC00]  }
0x158: {  	v34 =	vld [tilespmem:s0+$0xFFFFFE00]  }
0x159: {  	v33 =	vld [tilespmem:s0+$0x0];
	_ =	sdelay $0x3  }
0x15a: {  	v0 =	vmul.f32 $1.600000000e+01, v35  }
0x15b: {  	v1 =	vmul.f32 $1.600000000e+01, v34;
	v2 =	vmul.f32 $1.600000000e+01, v33  }
0x15c: {  	v3 =	vmul.f32 $2.400000000e+01, v35;
	v4 =	vmul.f32 $2.400000000e+01, v34  }
0x15d: {  	s13 =	sand.u32 $0xC00, s9;
	s19 =	sand.u32 $0x70, s10;
	v5 =	vmul.f32 $2.400000000e+01, v33;
	v60 =	vmul.f32 $3.600000000e+01, v35  }
0x15e: {  	s13 =	sor.u32 s19, s13;
	v61 =	vmul.f32 $3.600000000e+01, v34;
	v45 =	vmul.f32 $5.400000000e+01, v34  }
0x15f: {  	v39 =	vor.u32 s13, v12;
	v51 =	vmul.f32 $8.100000000e+01, v35;
	v53 =	vmul.f32 $8.100000000e+01, v34  }
0x160: {  	v20 =	vmovc v12;
	v21 =	vmovc v13;
	v41 =	vor.u32 s13, v13;
	v13 =	vld [tilespmem:$0x1FF20];
	v12 =	vmul.f32 $9.220000000e+02, v33;
	v0 =	vtrunc.f32 v0  }
0x161: {  	v1 =	vtrunc.f32 v1;
	v2 =	vtrunc.f32 v2  }
0x162: {  	v3 =	vtrunc.f32 v3;
	v4 =	vtrunc.f32 v4  }
0x163: {  	v48 =	vtrunc.f32 v45;
	v12 =	vtrunc.f32 v12  }
0x164: {  	v45 =	vor.u32 s13, v15;
	v0 =	vcvt.f32.s32 v0;
	v1 =	vcvt.f32.s32 v1  }
0x165: {  	v13 =	vor.u32 s13, v13;
	v2 =	vcvt.f32.s32 v2;
	v3 =	vcvt.f32.s32 v3  }
0x166: {  	v23 =	vmovc v15;
	v15 =	vld [tilespmem:$0x1FF30];
	v56 =	vcvt.f32.s32 v4;
	v4 =	vtrunc.f32 v5;
	v5 =	vor.u32 s13, v10  }
0x167: {  	v10 =	vld [tilespmem:$0x1FF10];
	v12 =	vcvt.f32.s32 v12;
	v57 =	vcvt.f32.s32 v4;
	v38 =	vand.u32 v11, v5  }
0x168: {  	v5 =	vmul.f32 $1.210000000e+02, v34;
	v0 =	vmul.u32 $0x6F45D, v0;
	v1 =	vmul.u32 $0x7409F, v1  }
0x169: {  	v19 =	vmovc v11;
	v11 =	vmul.f32 $9.220000000e+02, v34;
	v2 =	vmul.u32 $0x1FFB7, v2;
	v3 =	vmul.u32 $0x6F45D, v3  }
0x16a: {  	v12 =	vmul.u32 $0x1FFB7, v12;
	v0 =	vxor.u32 v0, v1;
	v1 =	vmul.u32 $0x7409F, v56  }
0x16b: {  	v56 =	vtrunc.f32 v5;
	v15 =	vor.u32 s13, v15;
	v0 =	vxor.u32 v2, v0  }
0x16c: {  	v2 =	vmul.u32 $0x1FFB7, v57;
	v10 =	vor.u32 s13, v10;
	v4 =	vshll.u32 v0, $0x1  }
0x16d: {  	v0 =	vand.u32 $0x7F, v0;
	v58 =	vxor.u32 v3, v1;
	v1 =	vtrunc.f32 v60  }
0x16e: {  	v3 =	vtrunc.f32 v61;
	v60 =	vmul.f32 $1.820000000e+02, v35;
	v4 =	vand.u32 $0xFFF00, v4  }
0x16f: {  	v1 =	vcvt.f32.s32 v1;
	v62 =	vcvt.f32.s32 v3;
	v37 =	vor.u32 v0, v4  }
0x170: {  	v0 =	vxor.u32 v2, v58;
	v4 =	vmul.f32 $3.600000000e+01, v33;
	v36 =	vor.u32 $0x80, v37  }
0x171: {  	v2 =	vshll.u32 v0, $0x1;
	v0 =	vand.u32 $0x7F, v0;
	v1 =	vmul.u32 $0x6F45D, v1  }
0x172: {  	v2 =	vand.u32 $0xFFF00, v2;
	v32 =	vtrunc.f32 v4;
	v4 =	vmul.f32 $5.400000000e+01, v35  }
0x173: {  	v0 =	vor.u32 v0, v2;
	v3 =	vcvt.f32.s32 v32;
	v2 =	vmul.u32 $0x7409F, v62  }
0x174: {  	v62 =	vmul.f32 $1.820000000e+02, v34;
	v40 =	vor.u32 $0x100000, v0;
	v42 =	vor.u32 $0x100080, v0  }
0x175: {  	v46 =	vtrunc.f32 v4;
	v4 =	vmul.f32 $5.400000000e+01, v33;
	v44 =	vmul.u32 $0x1FFB7, v3  }
0x176: {  	v1 =	vxor.u32 v1, v2;
	v47 =	vcvt.f32.s32 v46;
	v2 =	vcvt.f32.s32 v48  }
0x177: {  	v22 =	vmovc v14;
	v46 =	vor.u32 s13, v14;
	v14 =	vmul.f32 $1.383000000e+03, v35;
	v4 =	vtrunc.f32 v4  }
0x178: {  	v0 =	vxor.u32 v44, v1;
	v4 =	vcvt.f32.s32 v4;
	v1 =	vmul.u32 $0x6F45D, v47  }
0x179: {  	v2 =	vmul.u32 $0x7409F, v2;
	v47 =	vor.u32 s13, v16;
	v49 =	vshll.u32 v0, $0x1  }
0x17a: {  	v24 =	vmovc v16;
	v16 =	vmul.f32 $1.383000000e+03, v34;
	v0 =	vand.u32 $0x7F, v0;
	v3 =	vand.u32 $0xFFF00, v49  }
0x17b: {  	v50 =	vmul.u32 $0x1FFB7, v4;
	v1 =	vxor.u32 v1, v2;
	v2 =	vtrunc.f32 v51  }
0x17c: {  	v4 =	vmul.f32 $8.100000000e+01, v33;
	v49 =	vor.u32 s13, v17;
	v0 =	vor.u32 v0, v3  }
0x17d: {  	v25 =	vmovc v17;
	v17 =	vmul.f32 $2.075000000e+03, v35;
	v2 =	vcvt.f32.s32 v2;
	v43 =	vor.u32 $0x200000, v0  }
0x17e: {  	v44 =	vor.u32 $0x200080, v0;
	v52 =	vxor.u32 v50, v1;
	v1 =	vtrunc.f32 v53  }
0x17f: {  	v27 =	vmovc v6;
	v4 =	vtrunc.f32 v4;
	v53 =	vor.u32 s13, v6;
	v6 =	vmul.f32 $6.150000000e+02, v35  }
0x180: {  	v3 =	vshll.u32 v52, $0x1;
	v0 =	vand.u32 $0x7F, v52;
	v1 =	vcvt.f32.s32 v1  }
0x181: {  	v54 =	vcvt.f32.s32 v4;
	v4 =	vmul.f32 $1.210000000e+02, v35;
	v3 =	vand.u32 $0xFFF00, v3  }
0x182: {  	v2 =	vmul.u32 $0x6F45D, v2;
	v0 =	vor.u32 v0, v3;
	v1 =	vmul.u32 $0x7409F, v1  }
0x183: {  	v3 =	vmul.u32 $0x1FFB7, v54;
	v55 =	vtrunc.f32 v4;
	v4 =	vmul.f32 $1.210000000e+02, v33  }
0x184: {  	v6 =	vtrunc.f32 v6;
	v1 =	vxor.u32 v2, v1;
	v2 =	vcvt.f32.s32 v55  }
0x185: {  	v4 =	vtrunc.f32 v4;
	v1 =	vxor.u32 v3, v1;
	v3 =	vcvt.f32.s32 v56  }
0x186: {  	v48 =	vor.u32 $0x300000, v0;
	v4 =	vcvt.f32.s32 v4;
	v5 =	vshll.u32 v1, $0x1  }
0x187: {  	v1 =	vand.u32 $0x7F, v1;
	v2 =	vmul.u32 $0x6F45D, v2;
	v3 =	vmul.u32 $0x7409F, v3  }
0x188: {  	v5 =	vand.u32 $0xFFF00, v5;
	v58 =	vmul.u32 $0x1FFB7, v4;
	v4 =	vmul.f32 $1.820000000e+02, v33  }
0x189: {  	v57 =	vor.u32 v1, v5;
	v5 =	vmul.f32 $2.730000000e+02, v34;
	v2 =	vxor.u32 v2, v3  }
0x18a: {  	v3 =	vtrunc.f32 v62;
	v1 =	vxor.u32 v58, v2;
	v2 =	vtrunc.f32 v60  }
0x18b: {  	v50 =	vor.u32 $0x300080, v0;
	v32 =	vcvt.f32.s32 v3;
	v60 =	vtrunc.f32 v4  }
0x18c: {  	v4 =	vmul.f32 $2.730000000e+02, v35;
	v62 =	vtrunc.f32 v5;
	v61 =	vshll.u32 v1, $0x1  }
0x18d: {  	v1 =	vand.u32 $0x7F, v1;
	v2 =	vcvt.f32.s32 v2;
	v3 =	vcvt.f32.s32 v60  }
0x18e: {  	v0 =	vand.u32 $0xFFF00, v61;
	v61 =	vtrunc.f32 v4;
	v4 =	vmul.f32 $2.730000000e+02, v33  }
0x18f: {  	v0 =	vor.u32 v1, v0;
	v2 =	vmul.u32 $0x6F45D, v2;
	v1 =	vmul.u32 $0x7409F, v32  }
0x190: {  	v3 =	vmul.u32 $0x1FFB7, v3;
	v55 =	vor.u32 $0x500000, v0;
	v4 =	vtrunc.f32 v4  }
0x191: {  	v58 =	vor.u32 $0x500080, v0;
	v1 =	vxor.u32 v2, v1;
	v2 =	vcvt.f32.s32 v61  }
0x192: {  	v4 =	vcvt.f32.s32 v4;
	v1 =	vxor.u32 v3, v1;
	v3 =	vcvt.f32.s32 v62  }
0x193: {  	v62 =	vor.u32 s13, v59;
	v5 =	vshll.u32 v1, $0x1;
	v1 =	vand.u32 $0x7F, v1  }
0x194: {  	v2 =	vmul.u32 $0x6F45D, v2;
	v32 =	vand.u32 $0xFFF00, v5;
	v3 =	vmul.u32 $0x7409F, v3  }
0x195: {  	v0 =	vor.u32 v1, v32;
	v1 =	vmul.u32 $0x1FFB7, v4;
	v4 =	vmul.f32 $4.100000000e+02, v33  }
0x196: {  	v31 =	vmovc v59;
	v60 =	vor.u32 $0x600000, v0;
	v2 =	vxor.u32 v2, v3;
	v59 =	vor.u32 $0x600080, v0  }
0x197: {  	v3 =	vmul.f32 $4.100000000e+02, v34;
	v0 =	vxor.u32 v1, v2;
	v1 =	vmul.f32 $4.100000000e+02, v35  }
0x198: {  	v28 =	vmovc v7;
	[tilespmem:v38+s29+$0x0] =	vst.idx.msk $0xffff, v37;
	v56 =	vor.u32 s13, v7;
	v7 =	vmul.f32 $6.150000000e+02, v34;
	v4 =	vtrunc.f32 v4  }
0x199: {  	[tilespmem:v39+s29+$0x0] =	vst.idx.msk $0xffff, v36;
	v54 =	vor.u32 s13, v18;
	v3 =	vtrunc.f32 v3;
	v1 =	vtrunc.f32 v1  }
0x19a: {  	[tilespmem:v41+s29+$0x0] =	vst.idx.msk $0xffff, v40;
	v41 =	vld [tilespmem:$0x1FF40];
	v51 =	vor.u32 $0x400000, v57;
	v3 =	vcvt.f32.s32 v3;
	v5 =	vcvt.f32.s32 v1  }
0x19b: {  	[tilespmem:v46+s29+$0x0] =	vst.idx.msk $0xffff, v42;
	v42 =	vld [tilespmem:$0x1FF50];
	v52 =	vor.u32 $0x400080, v57;
	v57 =	vor.u32 s13, v8;
	v4 =	vcvt.f32.s32 v4  }
0x19c: {  	v29 =	vmovc v8;
	v8 =	vmul.f32 $6.150000000e+02, v33;
	v3 =	vmul.u32 $0x7409F, v3;
	v5 =	vmul.u32 $0x6F45D, v5  }
0x19d: {  	v46 =	vld [tilespmem:$0x1FF60];
	v6 =	vcvt.f32.s32 v6;
	v7 =	vtrunc.f32 v7;
	v4 =	vmul.u32 $0x1FFB7, v4  }
0x19e: {  	[tilespmem:v45+s29+$0x0] =	vst.idx.msk $0xffff, v43;
	v3 =	vxor.u32 v5, v3;
	v5 =	vcvt.f32.s32 v7;
	v7 =	vtrunc.f32 v8  }
0x19f: {  	v36 =	vor.u32 s13, v41;
	[tilespmem:v47+s29+$0x0] =	vst.idx.msk $0xffff, v44;
	v3 =	vxor.u32 v4, v3;
	v4 =	vcvt.f32.s32 v7  }
0x1a0: {  	v38 =	vor.u32 s13, v42;
	v6 =	vmul.u32 $0x6F45D, v6;
	[tilespmem:v49+s29+$0x0] =	vst.idx.msk $0xffff, v48;
	v5 =	vmul.u32 $0x7409F, v5  }
0x1a1: {  	v30 =	vmovc v9;
	[tilespmem:v54+s29+$0x0] =	vst.idx.msk $0xffff, v50;
	v61 =	vor.u32 s13, v9;
	v9 =	vmul.f32 $9.220000000e+02, v35;
	v4 =	vmul.u32 $0x1FFB7, v4  }
0x1a2: {  	v54 =	vor.u32 s13, v46;
	[tilespmem:v53+s29+$0x0] =	vst.idx.msk $0xffff, v51;
	v51 =	vmul.f32 $4.670000000e+03, v35;
	v5 =	vxor.u32 v6, v5  }
0x1a3: {  	v53 =	vmul.f32 $4.670000000e+03, v33;
	v9 =	vtrunc.f32 v9;
	v4 =	vxor.u32 v4, v5  }
0x1a4: {  	v2 =	vshll.u32 v0, $0x1;
	v0 =	vand.u32 $0x7F, v0;
	v5 =	vshll.u32 v4, $0x1  }
0x1a5: {  	v2 =	vand.u32 $0xFFF00, v2;
	v1 =	vld [tilespmem:$0x1FEE0];
	v4 =	vand.u32 $0x7F, v4;
	v5 =	vand.u32 $0xFFF00, v5  }
0x1a6: {  	v4 =	vor.u32 v4, v5;
	v5 =	vcvt.f32.s32 v9;
	v9 =	vtrunc.f32 v11  }
0x1a7: {  	v32 =	vmovc v63;
	v63 =	vor.u32 s13, v63;
	v2 =	vor.u32 v0, v2;
	v9 =	vcvt.f32.s32 v9  }
0x1a8: {  	v0 =	vor.u32 $0x700000, v2;
	v8 =	vld [tilespmem:$0x1FEF0];
	v7 =	vshll.u32 v3, $0x1;
	v3 =	vand.u32 $0x7F, v3  }
0x1a9: {  	v7 =	vand.u32 $0xFFF00, v7;
	v5 =	vmul.u32 $0x6F45D, v5;
	v9 =	vmul.u32 $0x7409F, v9  }
0x1aa: {  	v2 =	vor.u32 $0x700080, v2;
	v1 =	vor.u32 s13, v1;
	v3 =	vor.u32 v3, v7  }
0x1ab: {  	v5 =	vxor.u32 v5, v9;
	v9 =	vtrunc.f32 v14;
	v14 =	vmul.f32 $1.383000000e+03, v33  }
0x1ac: {  	v5 =	vxor.u32 v12, v5;
	v9 =	vcvt.f32.s32 v9;
	v12 =	vtrunc.f32 v16  }
0x1ad: {  	v8 =	vor.u32 s13, v8;
	v12 =	vcvt.f32.s32 v12;
	v14 =	vtrunc.f32 v14  }
0x1ae: {  	v7 =	vld [tilespmem:$0x1FF00];
	v16 =	vshll.u32 v5, $0x1;
	v5 =	vand.u32 $0x7F, v5;
	v14 =	vcvt.f32.s32 v14  }
0x1af: {  	v16 =	vand.u32 $0xFFF00, v16;
	v9 =	vmul.u32 $0x6F45D, v9;
	v12 =	vmul.u32 $0x7409F, v12  }
0x1b0: {  	v5 =	vor.u32 v5, v16;
	v16 =	vmul.f32 $2.075000000e+03, v34;
	v14 =	vmul.u32 $0x1FFB7, v14  }
0x1b1: {  	v9 =	vxor.u32 v9, v12;
	v12 =	vtrunc.f32 v17;
	v17 =	vmul.f32 $2.075000000e+03, v33  }
0x1b2: {  	v9 =	vxor.u32 v14, v9;
	v12 =	vcvt.f32.s32 v12;
	v14 =	vtrunc.f32 v16  }
0x1b3: {  	v7 =	vor.u32 s13, v7;
	v14 =	vcvt.f32.s32 v14;
	v17 =	vtrunc.f32 v17  }
0x1b4: {  	[tilespmem:v56+s29+$0x0] =	vst.idx.msk $0xffff, v52;
	v16 =	vshll.u32 v9, $0x1;
	v9 =	vand.u32 $0x7F, v9;
	v17 =	vcvt.f32.s32 v17  }
0x1b5: {  	[tilespmem:v57+s29+$0x0] =	vst.idx.msk $0xffff, v55;
	v16 =	vand.u32 $0xFFF00, v16;
	v12 =	vmul.u32 $0x6F45D, v12;
	v14 =	vmul.u32 $0x7409F, v14  }
0x1b6: {  	[tilespmem:v61+s29+$0x0] =	vst.idx.msk $0xffff, v58;
	v9 =	vor.u32 v9, v16;
	v16 =	vmul.u32 $0x1FFB7, v17;
	v17 =	vmul.f32 $3.113000000e+03, v35  }
0x1b7: {  	[tilespmem:v62+s29+$0x0] =	vst.idx.msk $0xffff, v60;
	v6 =	vor.u32 $0x800000, v3;
	v12 =	vxor.u32 v12, v14;
	v14 =	vmul.f32 $3.113000000e+03, v34  }
0x1b8: {  	[tilespmem:v63+s29+$0x0] =	vst.idx.msk $0xffff, v59;
	v3 =	vor.u32 $0x800080, v3;
	v12 =	vxor.u32 v16, v12;
	v16 =	vtrunc.f32 v17  }
0x1b9: {  	[tilespmem:v1+s29+$0x0] =	vst.idx.msk $0xffff, v0;
	v11 =	vor.u32 $0x900000, v4;
	v17 =	vmul.f32 $3.113000000e+03, v33;
	v14 =	vtrunc.f32 v14  }
0x1ba: {  	v4 =	vor.u32 $0x900080, v4;
	[tilespmem:v8+s29+$0x0] =	vst.idx.msk $0xffff, v2;
	v16 =	vcvt.f32.s32 v16;
	v14 =	vcvt.f32.s32 v14  }
0x1bb: {  	[tilespmem:v7+s29+$0x0] =	vst.idx.msk $0xffff, v6;
	v7 =	vmul.f32 $7.006000000e+03, v35;
	v47 =	vshll.u32 v12, $0x1;
	v17 =	vtrunc.f32 v17  }
0x1bc: {  	v2 =	vld [tilespmem:$0x1FF70];
	v17 =	vcvt.f32.s32 v17;
	v16 =	vmul.u32 $0x6F45D, v16;
	v14 =	vmul.u32 $0x7409F, v14  }
0x1bd: {  	v50 =	vld [tilespmem:$0x1FFB0];
	v7 =	vtrunc.f32 v7;
	v12 =	vand.u32 $0x7F, v12;
	v37 =	vand.u32 $0xFFF00, v47  }
0x1be: {  	[tilespmem:v10+s29+$0x0] =	vst.idx.msk $0xffff, v3;
	v17 =	vmul.u32 $0x1FFB7, v17;
	v14 =	vxor.u32 v16, v14;
	v16 =	vmul.f32 $4.670000000e+03, v34  }
0x1bf: {  	v49 =	vld [tilespmem:$0x1FF90];
	[tilespmem:v13+s29+$0x0] =	vst.idx.msk $0xffff, v11;
	v11 =	vmul.f32 $7.006000000e+03, v33;
	v12 =	vor.u32 v12, v37;
	v37 =	vtrunc.f32 v53  }
0x1c0: {  	v14 =	vxor.u32 v17, v14;
	v17 =	vtrunc.f32 v51;
	v16 =	vtrunc.f32 v16  }
0x1c1: {  	v46 =	vld [tilespmem:$0x1FF80];
	v44 =	vor.u32 s13, v2;
	v17 =	vcvt.f32.s32 v17;
	v16 =	vcvt.f32.s32 v16  }
0x1c2: {  	v13 =	vor.u32 s13, v50;
	v37 =	vcvt.f32.s32 v37;
	v55 =	vshll.u32 v14, $0x1  }
0x1c3: {  	v48 =	vld [tilespmem:$0x1FFA0];
	v61 =	vand.u32 $0x7F, v14;
	v62 =	vmul.u32 $0x6F45D, v17;
	v14 =	vmul.u32 $0x7409F, v16  }
0x1c4: {  	[tilespmem:v15+s29+$0x0] =	vst.idx.msk $0xffff, v4;
	v4 =	vor.u32 s13, v49;
	v7 =	vcvt.f32.s32 v7;
	v8 =	vmul.u32 $0x1FFB7, v37  }
0x1c5: {  	v26 =	vmovc v18;
	v45 =	vld [tilespmem:$0x1FFC0];
	v18 =	vor.u32 $0xA00000, v5;
	v11 =	vtrunc.f32 v11;
	v1 =	vxor.u32 v62, v14  }
0x1c6: {  	v47 =	vor.u32 s13, v46;
	v1 =	vxor.u32 v8, v1;
	v8 =	vmul.f32 $7.006000000e+03, v34  }
0x1c7: {  	v5 =	vor.u32 $0xA00080, v5;
	[tilespmem:v36+s29+$0x0] =	vst.idx.msk $0xffff, v18;
	v11 =	vcvt.f32.s32 v11;
	v7 =	vmul.u32 $0x6F45D, v7;
	v53 =	vld [tilespmem:$0x1FFE0]  }
0x1c8: {  	[tilespmem:v38+s29+$0x0] =	vst.idx.msk $0xffff, v5;
	v5 =	vor.u32 s13, v48;
	v52 =	vor.u32 $0xB00000, v9;
	v51 =	vld [tilespmem:$0x1FFD0];
	v8 =	vtrunc.f32 v8  }
0x1c9: {  	v11 =	vmul.u32 $0x1FFB7, v11;
	v9 =	vor.u32 $0xB00080, v9;
	[tilespmem:v54+s29+$0x0] =	vst.idx.msk $0xffff, v52;
	v8 =	vcvt.f32.s32 v8  }
0x1ca: {  	v52 =	vld [tilespmem:$0x1FFF0];
	[tilespmem:v44+s29+$0x0] =	vst.idx.msk $0xffff, v9;
	v9 =	vor.u32 s13, v45;
	v6 =	vor.u32 $0xC00000, v12;
	v41 =	vand.u32 $0xFFF00, v55  }
0x1cb: {  	v10 =	vor.u32 $0xC00080, v12;
	[tilespmem:v47+s29+$0x0] =	vst.idx.msk $0xffff, v6;
	v0 =	vor.u32 v61, v41;
	v8 =	vmul.u32 $0x7409F, v8  }
0x1cc: {  	[tilespmem:v4+s29+$0x0] =	vst.idx.msk $0xffff, v10;
	v4 =	vor.u32 s13, v53;
	v12 =	vor.u32 $0xD00000, v0;
	v0 =	vor.u32 $0xD00080, v0  }
0x1cd: {  	v6 =	vor.u32 s13, v51;
	v54 =	vshll.u32 v1, $0x1;
	v55 =	vxor.u32 v7, v8  }
0x1ce: {  	v1 =	vand.u32 $0x7F, v1;
	v2 =	vand.u32 $0xFFF00, v54;
	v3 =	vxor.u32 v11, v55  }
0x1cf: {  	p0 =	sne.s32 s10, $0x1F0;
	[tilespmem:v5+s29+$0x0] =	vst.idx.msk $0xffff, v12;
	v5 =	vor.u32 s13, v52;
	v1 =	vor.u32 v1, v2;
	v56 =	vshll.u32 v3, $0x1  }
.Ltmp2:
0x1d0: {  	[tilespmem:v13+s29+$0x0] =	vst.idx.msk $0xffff, v0;
	v57 =	vor.u32 $0xE00000, v1;
	v3 =	vand.u32 $0x7F, v3;
	v2 =	vand.u32 $0xFFF00, v56;
	(pc) =	sbr.rel @p0 .LBB2_7-.Ltmp2, $4  }
0x1d1: {  	v63 =	vmovc v32;
	v59 =	vmov v31;
	v58 =	vor.u32 $0xE00080, v1;
	[tilespmem:v9+s29+$0x0] =	vst.idx.msk $0xffff, v57;
	v60 =	vor.u32 v3, v2  }
0x1d2: {  	v15 =	vmovc v23;
	v18 =	vmovc v26;
	v10 =	vlaneseq.u32;
	v17 =	vmov v25;
	[tilespmem:v6+s29+$0x0] =	vst.idx.msk $0xffff, v58;
	v61 =	vor.u32 $0xF00000, v60  }
0x1d3: {  	v16 =	vmovc v24;
	v13 =	vmovc v21;
	v12 =	vmov v20;
	v14 =	vmov v22;
	v62 =	vor.u32 $0xF00080, v60;
	[tilespmem:v4+s29+$0x0] =	vst.idx.msk $0xffff, v61  }
0x1d4: {  	s9 =	sadd.s32 $0x80, s9;
	s0 =	sadd.s32 $0x10, s0;
	s10 =	sadd.s32 $0x10, s10;
	v9 =	vmovc v30;
	v6 =	vmovc v27;
	v7 =	vmov v28;
	v11 =	vmov v19;
	v8 =	vmov v29;
	[tilespmem:v5+s29+$0x0] =	vst.idx.msk $0xffff, v62  }
0x1d5: {  	[tilespmem:s31], [sflag:$0x2] =	stream.indirect.gather [hbm4b:s1+s30], $0x1, s29, s30, $0xb8;
	[tilespmem:$0x10C00] =	vst v63  }
0x1d6: {  	s0 =	simm.s32 $0x2C00  }
0x1d7: {  	[tilespmem:s3], [sflag:$0x2] =	stream.indirect.gather [hbm4b:s1+s30], $0x1, s0, s30, $0xb8;
	[tilespmem:$0x10C00] =	vst v63  }
0x1d8: {  	_ =	swait.ge [sflag:s22], $0x4000  }
0x1d9: {  	s9 =	sor.u32 $0x200, s26;
	[sflag:s22] =	ssyncset.done $0x0  }
0x1da: {  	s10 =	sadd.s32 s2, s9;
	s0 =	simm.s32 $0x0;
	[sflag:s22] =	ssyncadd.s32 $0xFFFFC000  }
0x1db: {  	[hbm4b:s10+s0] =	stream.linear.scatter [tilespmem:s12], [sflag:$0x4], $0x1000, $0x38;
	[tilespmem:$0x10C00] =	vst v63  }
0x1dc: {  	_ =	swait.ge [sflag:s16], $0x1000  }
0x1dd: {  	s19 =	sor.u32 $0x100200, s26;
	[sflag:s16] =	ssyncset.done $0x0  }
0x1de: {  	s10 =	sadd.s32 s2, s19;
	[sflag:s16] =	ssyncadd.s32 $0xFFFFF000  }
0x1df: {  	[hbm4b:s10+s0] =	stream.linear.scatter [tilespmem:s23], [sflag:$0x4], $0x1000, $0x38;
	[tilespmem:$0x10C00] =	vst v63  }
0x1e0: {  	_ =	swait.ge [sflag:s16], $0x1000  }
0x1e1: {  	s26 =	sor.u32 $0x200200, s26;
	[sflag:s16] =	ssyncset.done $0x0  }
0x1e2: {  	s10 =	sadd.s32 s2, s26;
	[sflag:s16] =	ssyncadd.s32 $0xFFFFF000  }
0x1e3: {  	[hbm4b:s10+s0] =	stream.linear.scatter [tilespmem:s14], [sflag:$0x4], $0x1000, $0x38;
	[tilespmem:$0x10C00] =	vst v63  }
0x1e4: {  	_ =	swait.ge [sflag:s16], $0x1000  }
0x1e5: {  	[sflag:s16] =	ssyncset.done $0x0  }
0x1e6: {  	s9 =	sadd.s32 s9, s17;
	[sflag:s16] =	ssyncadd.s32 $0xFFFFF000  }
0x1e7: {  	[hbm4b:s9+s0] =	stream.linear.scatter [tilespmem:s24], [sflag:$0x4], $0x1000, $0x38;
	[tilespmem:$0x10C00] =	vst v63  }
0x1e8: {  	s13 =	sadd.s32 s25, s20;
	_ =	swait.ge [sflag:s16], $0x1000  }
0x1e9: {  	s9 =	sshll.u32 s13, $0x6;
	[sflag:s16] =	ssyncset.done $0x0  }
0x1ea: {  	s13 =	simm.s32 $0x600;
	s19 =	sadd.s32 s5, s9;
	[sflag:s16] =	ssyncadd.s32 $0xFFFFF000  }
0x1eb: {  	[tilespmem:s13], [sflag:$0x1] =	stream.linear.gather [hbm4b:s19+s0], $0x200, $0x38;
	[tilespmem:$0x10C00] =	vst v63  }
0x1ec: {  	s26 =	simm.s32 $0x800;
	s25 =	sadd.s32 s9, s8;
	s9 =	sor.u32 $0x40000, s9  }
0x1ed: {  	[tilespmem:s26], [sflag:$0x1] =	stream.linear.gather [hbm4b:s25+s0], $0x200, $0x38;
	[tilespmem:$0x10C00] =	vst v63  }
0x1ee: {  	s9 =	sadd.s32 s5, s9;
	s25 =	simm.s32 $0xA00  }
0x1ef: {  	[tilespmem:s25], [sflag:$0x1] =	stream.linear.gather [hbm4b:s9+s0], $0x200, $0x38;
	[tilespmem:$0x10C00] =	vst v63  }
0x1f0: {  	_ =	swait.ge [sflag:s28], $0x600  }
0x1f1: {  	[sflag:s28] =	ssyncset.done $0x0  }
0x1f2: {  	s9 =	simm.s32 $0x0;
	[sflag:s28] =	ssyncadd.s32 $0xFFFFFA00  }
.LBB2_9:
0x1f3: {  	v35 =	vld [tilespmem:s25+$0xFFFFFC00]  }
0x1f4: {  	v34 =	vld [tilespmem:s25+$0xFFFFFE00]  }
0x1f5: {  	v33 =	vld [tilespmem:s25+$0x0];
	_ =	sdelay $0x3  }
0x1f6: {  	v0 =	vmul.f32 $1.600000000e+01, v35;
	v1 =	vmul.f32 $1.600000000e+01, v34  }
0x1f7: {  	v2 =	vmul.f32 $1.600000000e+01, v33;
	v3 =	vmul.f32 $2.400000000e+01, v35  }
0x1f8: {  	v4 =	vmul.f32 $2.400000000e+01, v34;
	v5 =	vmul.f32 $2.400000000e+01, v33  }
0x1f9: {  	s10 =	sand.u32 $0xC00, s0;
	s13 =	sand.u32 $0x70, s9;
	v44 =	vmul.f32 $3.600000000e+01, v35;
	v45 =	vmul.f32 $3.600000000e+01, v34  }
0x1fa: {  	s10 =	sor.u32 s13, s10;
	v49 =	vmul.f32 $5.400000000e+01, v34;
	v55 =	vmul.f32 $8.100000000e+01, v35  }
0x1fb: {  	v39 =	vor.u32 s10, v12;
	v57 =	vmul.f32 $8.100000000e+01, v34;
	v12 =	vmul.f32 $9.220000000e+02, v33  }
0x1fc: {  	v0 =	vtrunc.f32 v0;
	v1 =	vtrunc.f32 v1  }
0x1fd: {  	v2 =	vtrunc.f32 v2;
	v3 =	vtrunc.f32 v3  }
0x1fe: {  	v4 =	vtrunc.f32 v4;
	v52 =	vtrunc.f32 v49  }
0x1ff: {  	v49 =	vor.u32 s10, v17;
	v12 =	vtrunc.f32 v12;
	v17 =	vmul.f32 $2.075000000e+03, v35  }
0x200: {  	v0 =	vcvt.f32.s32 v0;
	v1 =	vcvt.f32.s32 v1  }
0x201: {  	v2 =	vcvt.f32.s32 v2;
	v3 =	vcvt.f32.s32 v3  }
0x202: {  	v41 =	vcvt.f32.s32 v4;
	v4 =	vtrunc.f32 v5;
	v5 =	vor.u32 s10, v10  }
0x203: {  	v10 =	vld [tilespmem:$0x1FF10];
	v12 =	vcvt.f32.s32 v12;
	v42 =	vcvt.f32.s32 v4;
	v38 =	vand.u32 v11, v5  }
0x204: {  	v5 =	vmul.f32 $1.210000000e+02, v34;
	v0 =	vmul.u32 $0x6F45D, v0;
	v1 =	vmul.u32 $0x7409F, v1  }
0x205: {  	v11 =	vmul.f32 $9.220000000e+02, v34;
	v2 =	vmul.u32 $0x1FFB7, v2;
	v3 =	vmul.u32 $0x6F45D, v3  }
0x206: {  	v12 =	vmul.u32 $0x1FFB7, v12;
	v61 =	vtrunc.f32 v5;
	v0 =	vxor.u32 v0, v1  }
0x207: {  	v1 =	vmul.u32 $0x7409F, v41;
	v41 =	vor.u32 s10, v13;
	v0 =	vxor.u32 v2, v0  }
0x208: {  	v2 =	vmul.u32 $0x1FFB7, v42;
	v10 =	vor.u32 s10, v10;
	v4 =	vshll.u32 v0, $0x1  }
0x209: {  	v13 =	vld [tilespmem:$0x1FF20];
	v0 =	vand.u32 $0x7F, v0;
	v43 =	vxor.u32 v3, v1;
	v1 =	vtrunc.f32 v44  }
0x20a: {  	v3 =	vtrunc.f32 v45;
	v45 =	vor.u32 s10, v15;
	v4 =	vand.u32 $0xFFF00, v4  }
0x20b: {  	v1 =	vcvt.f32.s32 v1;
	v46 =	vcvt.f32.s32 v3;
	v37 =	vor.u32 v0, v4  }
0x20c: {  	v15 =	vld [tilespmem:$0x1FF30];
	v0 =	vxor.u32 v2, v43;
	v4 =	vmul.f32 $3.600000000e+01, v33;
	v36 =	vor.u32 $0x80, v37  }
0x20d: {  	v2 =	vshll.u32 v0, $0x1;
	v0 =	vand.u32 $0x7F, v0;
	v1 =	vmul.u32 $0x6F45D, v1  }
0x20e: {  	v13 =	vor.u32 s10, v13;
	v2 =	vand.u32 $0xFFF00, v2;
	v47 =	vtrunc.f32 v4  }
0x20f: {  	v4 =	vmul.f32 $5.400000000e+01, v35;
	v0 =	vor.u32 v0, v2;
	v3 =	vcvt.f32.s32 v47  }
0x210: {  	v2 =	vmul.u32 $0x7409F, v46;
	v46 =	vor.u32 s10, v14;
	v47 =	vor.u32 s10, v16  }
0x211: {  	v14 =	vmul.f32 $1.383000000e+03, v35;
	v15 =	vor.u32 s10, v15;
	v16 =	vmul.f32 $1.383000000e+03, v34  }
0x212: {  	v40 =	vor.u32 $0x100000, v0;
	v50 =	vtrunc.f32 v4;
	v4 =	vmul.f32 $5.400000000e+01, v33  }
0x213: {  	v42 =	vor.u32 $0x100080, v0;
	v48 =	vmul.u32 $0x1FFB7, v3;
	v51 =	vcvt.f32.s32 v50  }
0x214: {  	[tilespmem:v38+s11+$0x0] =	vst.idx.msk $0xffff, v37;
	v1 =	vxor.u32 v1, v2;
	v2 =	vcvt.f32.s32 v52;
	v4 =	vtrunc.f32 v4  }
0x215: {  	[tilespmem:v39+s11+$0x0] =	vst.idx.msk $0xffff, v36;
	v0 =	vxor.u32 v48, v1;
	v4 =	vcvt.f32.s32 v4;
	v1 =	vmul.u32 $0x6F45D, v51  }
0x216: {  	[tilespmem:v41+s11+$0x0] =	vst.idx.msk $0xffff, v40;
	v2 =	vmul.u32 $0x7409F, v2;
	v53 =	vshll.u32 v0, $0x1;
	v0 =	vand.u32 $0x7F, v0  }
0x217: {  	[tilespmem:v46+s11+$0x0] =	vst.idx.msk $0xffff, v42;
	v46 =	vmul.f32 $4.670000000e+03, v35;
	v3 =	vand.u32 $0xFFF00, v53;
	v54 =	vmul.u32 $0x1FFB7, v4  }
0x218: {  	v1 =	vxor.u32 v1, v2;
	v2 =	vtrunc.f32 v55;
	v4 =	vmul.f32 $8.100000000e+01, v33  }
0x219: {  	v53 =	vor.u32 s10, v6;
	v6 =	vmul.f32 $6.150000000e+02, v35;
	v0 =	vor.u32 v0, v3  }
0x21a: {  	v2 =	vcvt.f32.s32 v2;
	v43 =	vor.u32 $0x200000, v0;
	v44 =	vor.u32 $0x200080, v0  }
0x21b: {  	v56 =	vxor.u32 v54, v1;
	v1 =	vtrunc.f32 v57;
	v4 =	vtrunc.f32 v4  }
0x21c: {  	v3 =	vshll.u32 v56, $0x1;
	v0 =	vand.u32 $0x7F, v56;
	v1 =	vcvt.f32.s32 v1  }
0x21d: {  	v58 =	vcvt.f32.s32 v4;
	v4 =	vmul.f32 $1.210000000e+02, v35;
	v3 =	vand.u32 $0xFFF00, v3  }
0x21e: {  	v2 =	vmul.u32 $0x6F45D, v2;
	v56 =	vmul.f32 $1.820000000e+02, v35;
	v0 =	vor.u32 v0, v3  }
0x21f: {  	v1 =	vmul.u32 $0x7409F, v1;
	v3 =	vmul.u32 $0x1FFB7, v58;
	v60 =	vtrunc.f32 v4  }
0x220: {  	v4 =	vmul.f32 $1.210000000e+02, v33;
	v58 =	vmul.f32 $1.820000000e+02, v34;
	v48 =	vor.u32 $0x300000, v0  }
0x221: {  	v50 =	vor.u32 $0x300080, v0;
	v1 =	vxor.u32 v2, v1;
	v2 =	vcvt.f32.s32 v60  }
0x222: {  	v4 =	vtrunc.f32 v4;
	v1 =	vxor.u32 v3, v1;
	v3 =	vcvt.f32.s32 v61  }
0x223: {  	v4 =	vcvt.f32.s32 v4;
	v5 =	vshll.u32 v1, $0x1;
	v1 =	vand.u32 $0x7F, v1  }
0x224: {  	v2 =	vmul.u32 $0x6F45D, v2;
	v5 =	vand.u32 $0xFFF00, v5;
	v3 =	vmul.u32 $0x7409F, v3  }
0x225: {  	v63 =	vmul.u32 $0x1FFB7, v4;
	v4 =	vmul.f32 $1.820000000e+02, v33;
	v62 =	vor.u32 v1, v5  }
0x226: {  	v5 =	vmul.f32 $2.730000000e+02, v34;
	v2 =	vxor.u32 v2, v3;
	v3 =	vtrunc.f32 v58  }
0x227: {  	v51 =	vor.u32 $0x400000, v62;
	v61 =	vtrunc.f32 v4;
	v4 =	vmul.f32 $2.730000000e+02, v35  }
0x228: {  	v1 =	vxor.u32 v63, v2;
	v2 =	vtrunc.f32 v56;
	v60 =	vcvt.f32.s32 v3  }
0x229: {  	v52 =	vor.u32 $0x400080, v62;
	v3 =	vcvt.f32.s32 v61;
	v63 =	vtrunc.f32 v5  }
0x22a: {  	v57 =	vshll.u32 v1, $0x1;
	v1 =	vand.u32 $0x7F, v1;
	v2 =	vcvt.f32.s32 v2  }
0x22b: {  	v62 =	vtrunc.f32 v4;
	v4 =	vmul.f32 $2.730000000e+02, v33;
	v0 =	vand.u32 $0xFFF00, v57  }
0x22c: {  	v0 =	vor.u32 v1, v0;
	v2 =	vmul.u32 $0x6F45D, v2;
	v1 =	vmul.u32 $0x7409F, v60  }
0x22d: {  	v3 =	vmul.u32 $0x1FFB7, v3;
	v4 =	vtrunc.f32 v4;
	v55 =	vor.u32 $0x500000, v0  }
0x22e: {  	v58 =	vor.u32 $0x500080, v0;
	v4 =	vcvt.f32.s32 v4;
	v1 =	vxor.u32 v2, v1  }
0x22f: {  	v2 =	vcvt.f32.s32 v62;
	v1 =	vxor.u32 v3, v1;
	v3 =	vcvt.f32.s32 v63  }
0x230: {  	v41 =	vld [tilespmem:$0x1FF40];
	v62 =	vor.u32 s10, v59;
	v5 =	vshll.u32 v1, $0x1;
	v1 =	vand.u32 $0x7F, v1  }
0x231: {  	v2 =	vmul.u32 $0x6F45D, v2;
	v0 =	vand.u32 $0xFFF00, v5;
	v3 =	vmul.u32 $0x7409F, v3  }
0x232: {  	v0 =	vor.u32 v1, v0;
	v1 =	vmul.u32 $0x1FFB7, v4;
	v4 =	vmul.f32 $4.100000000e+02, v33  }
0x233: {  	v60 =	vor.u32 $0x600000, v0;
	v2 =	vxor.u32 v2, v3;
	v59 =	vor.u32 $0x600080, v0  }
0x234: {  	v3 =	vmul.f32 $4.100000000e+02, v34;
	v0 =	vxor.u32 v1, v2;
	v1 =	vmul.f32 $4.100000000e+02, v35  }
0x235: {  	v36 =	vor.u32 s10, v41;
	v6 =	vtrunc.f32 v6;
	v4 =	vtrunc.f32 v4  }
0x236: {  	v54 =	vor.u32 s10, v18;
	v3 =	vtrunc.f32 v3;
	v1 =	vtrunc.f32 v1  }
0x237: {  	v56 =	vor.u32 s10, v7;
	v3 =	vcvt.f32.s32 v3;
	v5 =	vcvt.f32.s32 v1  }
0x238: {  	[tilespmem:v45+s11+$0x0] =	vst.idx.msk $0xffff, v43;
	v7 =	vmul.f32 $6.150000000e+02, v34;
	v57 =	vor.u32 s10, v8;
	v4 =	vcvt.f32.s32 v4  }
0x239: {  	v45 =	vld [tilespmem:$0x1FF50];
	[tilespmem:v47+s11+$0x0] =	vst.idx.msk $0xffff, v44;
	v8 =	vmul.f32 $6.150000000e+02, v33;
	v3 =	vmul.u32 $0x7409F, v3;
	v5 =	vmul.u32 $0x6F45D, v5  }
0x23a: {  	v6 =	vcvt.f32.s32 v6;
	[tilespmem:v49+s11+$0x0] =	vst.idx.msk $0xffff, v48;
	v49 =	vld [tilespmem:$0x1FF60];
	v7 =	vtrunc.f32 v7;
	v4 =	vmul.u32 $0x1FFB7, v4  }
0x23b: {  	v3 =	vxor.u32 v5, v3;
	v5 =	vcvt.f32.s32 v7;
	v7 =	vtrunc.f32 v8  }
0x23c: {  	v6 =	vmul.u32 $0x6F45D, v6;
	v3 =	vxor.u32 v4, v3;
	v4 =	vcvt.f32.s32 v7  }
0x23d: {  	v61 =	vor.u32 s10, v9;
	v9 =	vmul.f32 $9.220000000e+02, v35;
	v5 =	vmul.u32 $0x7409F, v5  }
0x23e: {  	v48 =	vmul.f32 $4.670000000e+03, v33;
	v38 =	vor.u32 s10, v45;
	v4 =	vmul.u32 $0x1FFB7, v4  }
0x23f: {  	v40 =	vor.u32 s10, v49;
	v9 =	vtrunc.f32 v9;
	v5 =	vxor.u32 v6, v5  }
0x240: {  	v63 =	vor.u32 s10, v32;
	v2 =	vshll.u32 v0, $0x1;
	v4 =	vxor.u32 v4, v5  }
0x241: {  	v0 =	vand.u32 $0x7F, v0;
	v2 =	vand.u32 $0xFFF00, v2;
	v1 =	vld [tilespmem:$0x1FEE0];
	v5 =	vshll.u32 v4, $0x1  }
0x242: {  	v2 =	vor.u32 v0, v2;
	v8 =	vld [tilespmem:$0x1FEF0];
	v4 =	vand.u32 $0x7F, v4;
	v5 =	vand.u32 $0xFFF00, v5  }
0x243: {  	v4 =	vor.u32 v4, v5;
	v5 =	vcvt.f32.s32 v9;
	v9 =	vtrunc.f32 v11  }
0x244: {  	v0 =	vor.u32 $0x700000, v2;
	v7 =	vshll.u32 v3, $0x1;
	v9 =	vcvt.f32.s32 v9  }
0x245: {  	v2 =	vor.u32 $0x700080, v2;
	v3 =	vand.u32 $0x7F, v3;
	v7 =	vand.u32 $0xFFF00, v7  }
0x246: {  	v3 =	vor.u32 v3, v7;
	v5 =	vmul.u32 $0x6F45D, v5;
	v9 =	vmul.u32 $0x7409F, v9  }
0x247: {  	v1 =	vor.u32 s10, v1;
	v8 =	vor.u32 s10, v8;
	v6 =	vor.u32 $0x800000, v3  }
0x248: {  	v5 =	vxor.u32 v5, v9;
	v9 =	vtrunc.f32 v14;
	v14 =	vmul.f32 $1.383000000e+03, v33  }
0x249: {  	v5 =	vxor.u32 v12, v5;
	v9 =	vcvt.f32.s32 v9;
	v12 =	vtrunc.f32 v16  }
0x24a: {  	v3 =	vor.u32 $0x800080, v3;
	v12 =	vcvt.f32.s32 v12;
	v14 =	vtrunc.f32 v14  }
0x24b: {  	v7 =	vld [tilespmem:$0x1FF00];
	v16 =	vshll.u32 v5, $0x1;
	v5 =	vand.u32 $0x7F, v5;
	v14 =	vcvt.f32.s32 v14  }
0x24c: {  	[tilespmem:v54+s11+$0x0] =	vst.idx.msk $0xffff, v50;
	v16 =	vand.u32 $0xFFF00, v16;
	v9 =	vmul.u32 $0x6F45D, v9;
	v12 =	vmul.u32 $0x7409F, v12  }
0x24d: {  	[tilespmem:v53+s11+$0x0] =	vst.idx.msk $0xffff, v51;
	v5 =	vor.u32 v5, v16;
	v16 =	vmul.f32 $2.075000000e+03, v34;
	v14 =	vmul.u32 $0x1FFB7, v14  }
0x24e: {  	[tilespmem:v56+s11+$0x0] =	vst.idx.msk $0xffff, v52;
	v9 =	vxor.u32 v9, v12;
	v12 =	vtrunc.f32 v17;
	v17 =	vmul.f32 $2.075000000e+03, v33  }
0x24f: {  	[tilespmem:v57+s11+$0x0] =	vst.idx.msk $0xffff, v55;
	v9 =	vxor.u32 v14, v9;
	v12 =	vcvt.f32.s32 v12;
	v14 =	vtrunc.f32 v16  }
0x250: {  	[tilespmem:v61+s11+$0x0] =	vst.idx.msk $0xffff, v58;
	v7 =	vor.u32 s10, v7;
	v14 =	vcvt.f32.s32 v14;
	v17 =	vtrunc.f32 v17  }
0x251: {  	[tilespmem:v62+s11+$0x0] =	vst.idx.msk $0xffff, v60;
	v16 =	vshll.u32 v9, $0x1;
	v9 =	vand.u32 $0x7F, v9;
	v17 =	vcvt.f32.s32 v17  }
0x252: {  	v53 =	vld [tilespmem:$0x1FF70];
	[tilespmem:v63+s11+$0x0] =	vst.idx.msk $0xffff, v59;
	v16 =	vand.u32 $0xFFF00, v16;
	v12 =	vmul.u32 $0x6F45D, v12;
	v14 =	vmul.u32 $0x7409F, v14  }
0x253: {  	[tilespmem:v1+s11+$0x0] =	vst.idx.msk $0xffff, v0;
	v9 =	vor.u32 v9, v16;
	v16 =	vmul.u32 $0x1FFB7, v17;
	v17 =	vmul.f32 $3.113000000e+03, v35  }
0x254: {  	v11 =	vor.u32 $0x900000, v4;
	[tilespmem:v8+s11+$0x0] =	vst.idx.msk $0xffff, v2;
	v12 =	vxor.u32 v12, v14;
	v14 =	vmul.f32 $3.113000000e+03, v34  }
0x255: {  	[tilespmem:v7+s11+$0x0] =	vst.idx.msk $0xffff, v6;
	v7 =	vmul.f32 $7.006000000e+03, v35;
	v12 =	vxor.u32 v16, v12;
	v16 =	vtrunc.f32 v17  }
0x256: {  	v4 =	vor.u32 $0x900080, v4;
	v17 =	vmul.f32 $3.113000000e+03, v33;
	v14 =	vtrunc.f32 v14  }
0x257: {  	v2 =	vor.u32 s10, v53;
	v16 =	vcvt.f32.s32 v16;
	v14 =	vcvt.f32.s32 v14  }
0x258: {  	[tilespmem:v10+s11+$0x0] =	vst.idx.msk $0xffff, v3;
	v7 =	vtrunc.f32 v7;
	v44 =	vshll.u32 v12, $0x1;
	v17 =	vtrunc.f32 v17  }
0x259: {  	v54 =	vld [tilespmem:$0x1FF80];
	[tilespmem:v13+s11+$0x0] =	vst.idx.msk $0xffff, v11;
	v17 =	vcvt.f32.s32 v17;
	v16 =	vmul.u32 $0x6F45D, v16;
	v14 =	vmul.u32 $0x7409F, v14  }
0x25a: {  	[tilespmem:v15+s11+$0x0] =	vst.idx.msk $0xffff, v4;
	v4 =	vld [tilespmem:$0x1FF90];
	v18 =	vor.u32 $0xA00000, v5;
	v12 =	vand.u32 $0x7F, v12;
	v37 =	vand.u32 $0xFFF00, v44  }
0x25b: {  	v17 =	vmul.u32 $0x1FFB7, v17;
	v14 =	vxor.u32 v16, v14;
	v16 =	vmul.f32 $4.670000000e+03, v34  }
0x25c: {  	v5 =	vor.u32 $0xA00080, v5;
	[tilespmem:v36+s11+$0x0] =	vst.idx.msk $0xffff, v18;
	v12 =	vor.u32 v12, v37;
	v37 =	vtrunc.f32 v48  }
0x25d: {  	[tilespmem:v38+s11+$0x0] =	vst.idx.msk $0xffff, v5;
	v5 =	vld [tilespmem:$0x1FFA0];
	v14 =	vxor.u32 v17, v14;
	v17 =	vtrunc.f32 v46;
	v16 =	vtrunc.f32 v16  }
0x25e: {  	v3 =	vor.u32 s10, v54;
	v17 =	vcvt.f32.s32 v17;
	v16 =	vcvt.f32.s32 v16  }
0x25f: {  	v4 =	vor.u32 s10, v4;
	v37 =	vcvt.f32.s32 v37;
	v50 =	vshll.u32 v14, $0x1  }
0x260: {  	v51 =	vand.u32 $0x7F, v14;
	v52 =	vmul.u32 $0x6F45D, v17;
	v14 =	vmul.u32 $0x7409F, v16  }
0x261: {  	v11 =	vmul.f32 $7.006000000e+03, v33;
	v47 =	vor.u32 $0xB00000, v9;
	v8 =	vmul.u32 $0x1FFB7, v37  }
0x262: {  	v13 =	vld [tilespmem:$0x1FFB0];
	v9 =	vor.u32 $0xB00080, v9;
	v5 =	vor.u32 s10, v5;
	[tilespmem:v40+s11+$0x0] =	vst.idx.msk $0xffff, v47;
	v1 =	vxor.u32 v52, v14  }
0x263: {  	[tilespmem:v2+s11+$0x0] =	vst.idx.msk $0xffff, v9;
	v9 =	vld [tilespmem:$0x1FFC0];
	v6 =	vor.u32 $0xC00000, v12;
	v1 =	vxor.u32 v8, v1;
	v8 =	vmul.f32 $7.006000000e+03, v34  }
0x264: {  	v7 =	vcvt.f32.s32 v7;
	v10 =	vor.u32 $0xC00080, v12;
	[tilespmem:v3+s11+$0x0] =	vst.idx.msk $0xffff, v6;
	v6 =	vld [tilespmem:$0x1FFD0];
	v41 =	vand.u32 $0xFFF00, v50  }
0x265: {  	v11 =	vtrunc.f32 v11;
	[tilespmem:v4+s11+$0x0] =	vst.idx.msk $0xffff, v10;
	v4 =	vld [tilespmem:$0x1FFE0];
	v0 =	vor.u32 v51, v41;
	v8 =	vtrunc.f32 v8  }
0x266: {  	v11 =	vcvt.f32.s32 v11;
	v12 =	vor.u32 $0xD00000, v0;
	v8 =	vcvt.f32.s32 v8  }
0x267: {  	v7 =	vmul.u32 $0x6F45D, v7;
	[tilespmem:v5+s11+$0x0] =	vst.idx.msk $0xffff, v12;
	v5 =	vld [tilespmem:$0x1FFF0]  }
0x268: {  	v13 =	vor.u32 s10, v13;
	v11 =	vmul.u32 $0x1FFB7, v11;
	v8 =	vmul.u32 $0x7409F, v8  }
0x269: {  	v9 =	vor.u32 s10, v9;
	v6 =	vor.u32 s10, v6;
	v0 =	vor.u32 $0xD00080, v0  }
0x26a: {  	v4 =	vor.u32 s10, v4;
	v55 =	vshll.u32 v1, $0x1;
	v56 =	vxor.u32 v7, v8  }
0x26b: {  	v1 =	vand.u32 $0x7F, v1;
	v2 =	vand.u32 $0xFFF00, v55;
	v3 =	vxor.u32 v11, v56  }
0x26c: {  	p0 =	sne.s32 s9, $0x1F0;
	v1 =	vor.u32 v1, v2;
	v5 =	vor.u32 s10, v5;
	v57 =	vshll.u32 v3, $0x1  }
.Ltmp3:
0x26d: {  	[tilespmem:v13+s11+$0x0] =	vst.idx.msk $0xffff, v0;
	v58 =	vor.u32 $0xE00000, v1;
	v3 =	vand.u32 $0x7F, v3;
	v2 =	vand.u32 $0xFFF00, v57;
	(pc) =	sbr.rel @p0 .LBB2_9-.Ltmp3, $4  }
0x26e: {  	v59 =	vmov v31;
	v60 =	vor.u32 $0xE00080, v1;
	[tilespmem:v9+s11+$0x0] =	vst.idx.msk $0xffff, v58;
	v61 =	vor.u32 v3, v2  }
0x26f: {  	v15 =	vmovc v23;
	v18 =	vmovc v26;
	v10 =	vlaneseq.u32;
	v17 =	vmov v25;
	[tilespmem:v6+s11+$0x0] =	vst.idx.msk $0xffff, v60;
	v62 =	vor.u32 $0xF00000, v61  }
0x270: {  	v16 =	vmovc v24;
	v13 =	vmovc v21;
	v12 =	vmov v20;
	v14 =	vmov v22;
	v63 =	vor.u32 $0xF00080, v61;
	[tilespmem:v4+s11+$0x0] =	vst.idx.msk $0xffff, v62  }
0x271: {  	s0 =	sadd.s32 $0x80, s0;
	s25 =	sadd.s32 $0x10, s25;
	s9 =	sadd.s32 $0x10, s9;
	v9 =	vmovc v30;
	v6 =	vmovc v27;
	v7 =	vmov v28;
	v11 =	vmov v19;
	v8 =	vmov v29;
	[tilespmem:v5+s11+$0x0] =	vst.idx.msk $0xffff, v63  }
0x272: {  	s4 =	sadd.s32 $0x1, s4  }
0x273: {  	p0 =	sne.s32 s4, $0x1F  }
.Ltmp4:
0x274: {  	_ = 	snop;
	(pc) =	sbr.rel @p0 .LBB2_6-.Ltmp4, $4  }
0x275: {  	_ = 	snop  }
0x276: {  	[tilespmem:s12], [sflag:$0x3] =	stream.indirect.gather [hbm4b:s1+s30], $0x1, s11, s30, $0xb8;
	[tilespmem:$0x10C00] =	vst v63  }
0x277: {  	s0 =	simm.s32 $0x6C00  }
0x278: {  	[tilespmem:s14], [sflag:$0x3] =	stream.indirect.gather [hbm4b:s1+s30], $0x1, s0, s30, $0xb8;
	[tilespmem:$0x10C00] =	vst v63  }
0x279: {  	_ =	swait.ge [sflag:s15], $0x4000  }
0x27a: {  	[sflag:s15] =	ssyncset.done $0x0  }
0x27b: {  	s9 =	simm.s32 $0x0;
	s0 =	rddreg [dreg:$0xe];
	[sflag:s15] =	ssyncadd.s32 $0xFFFFC000  }
0x27c: {  	[hbm4b:s0+s9] =	stream.linear.scatter [tilespmem:s31], [sflag:$0x4], $0x1000, $0x38;
	[tilespmem:$0x10C00] =	vst v63  }
0x27d: {  	_ =	swait.ge [sflag:s16], $0x1000  }
0x27e: {  	[sflag:s16] =	ssyncset.done $0x0  }
0x27f: {  	s4 =	simm.s32 $0x9C00;
	s25 =	rddreg [dreg:$0x9];
	[sflag:s16] =	ssyncadd.s32 $0xFFFFF000  }
0x280: {  	[hbm4b:s25+s9] =	stream.linear.scatter [tilespmem:s4], [sflag:$0x4], $0x1000, $0x38;
	[tilespmem:$0x10C00] =	vst v63  }
0x281: {  	_ =	swait.ge [sflag:s16], $0x1000  }
0x282: {  	[sflag:s16] =	ssyncset.done $0x0  }
0x283: {  	s26 =	rddreg [dreg:$0xb];
	[sflag:s16] =	ssyncadd.s32 $0xFFFFF000  }
0x284: {  	[hbm4b:s26+s9] =	stream.linear.scatter [tilespmem:s3], [sflag:$0x4], $0x1000, $0x38;
	[tilespmem:$0x10C00] =	vst v63  }
0x285: {  	_ =	swait.ge [sflag:s16], $0x1000  }
0x286: {  	[sflag:s16] =	ssyncset.done $0x0  }
0x287: {  	s4 =	rddreg [dreg:$0xc];
	[sflag:s16] =	ssyncadd.s32 $0xFFFFF000  }
0x288: {  	[hbm4b:s4+s9] =	stream.linear.scatter [tilespmem:s21], [sflag:$0x4], $0x1000, $0x38;
	[tilespmem:$0x10C00] =	vst v63  }
0x289: {  	_ =	swait.ge [sflag:s16], $0x1000  }
0x28a: {  	[sflag:s16] =	ssyncset.done $0x0  }
0x28b: {  	[sflag:s16] =	ssyncadd.s32 $0xFFFFF000  }
0x28c: {  	_ =	swait.ge [sflag:s22], $0x4000  }
0x28d: {  	[sflag:s22] =	ssyncset.done $0x0  }
0x28e: {  	s7 =	rddreg [dreg:$0x10];
	[sflag:s22] =	ssyncadd.s32 $0xFFFFC000  }
0x28f: {  	[hbm4b:s7+s9] =	stream.linear.scatter [tilespmem:s12], [sflag:$0x4], $0x1000, $0x38;
	[tilespmem:$0x10C00] =	vst v63  }
0x290: {  	_ =	swait.ge [sflag:s16], $0x1000  }
0x291: {  	[sflag:s16] =	ssyncset.done $0x0  }
0x292: {  	s10 =	rddreg [dreg:$0xd];
	[sflag:s16] =	ssyncadd.s32 $0xFFFFF000  }
0x293: {  	[hbm4b:s10+s9] =	stream.linear.scatter [tilespmem:s23], [sflag:$0x4], $0x1000, $0x38;
	[tilespmem:$0x10C00] =	vst v63  }
0x294: {  	_ =	swait.ge [sflag:s16], $0x1000  }
0x295: {  	[sflag:s16] =	ssyncset.done $0x0  }
0x296: {  	s13 =	rddreg [dreg:$0xf];
	[sflag:s16] =	ssyncadd.s32 $0xFFFFF000  }
0x297: {  	[hbm4b:s13+s9] =	stream.linear.scatter [tilespmem:s14], [sflag:$0x4], $0x1000, $0x38;
	[tilespmem:$0x10C00] =	vst v63  }
0x298: {  	_ =	swait.ge [sflag:s16], $0x1000  }
0x299: {  	[sflag:s16] =	ssyncset.done $0x0  }
0x29a: {  	s19 =	rddreg [dreg:$0x11];
	[sflag:s16] =	ssyncadd.s32 $0xFFFFF000  }
0x29b: {  	[hbm4b:s19+s9] =	stream.linear.scatter [tilespmem:s24], [sflag:$0x4], $0x1000, $0x38;
	[tilespmem:$0x10C00] =	vst v63  }
0x29c: {  	_ =	swait.ge [sflag:s16], $0x1000  }
0x29d: {  	v42 =	vld [tilespmem:$0x1FE80]  }
0x29e: {  	v28 =	vld [tilespmem:$0x1FE90]  }
0x29f: {  	v9 =	vld [tilespmem:$0x1FEA0]  }
0x2a0: {  	v6 =	vld [tilespmem:$0x1FEB0]  }
0x2a1: {  	v7 =	vld [tilespmem:$0x1FEC0]  }
0x2a2: {  	v8 =	vld [tilespmem:$0x1FED0]  }
0x2a3: {  	v30 =	vld [tilespmem:$0x1FEE0]  }
0x2a4: {  	s25 =	rddreg [dreg:$0x13];
	v41 =	vld [tilespmem:$0x1FEF0]  }
0x2a5: {  	s26 =	rddreg [dreg:$0x12];
	v52 =	vld [tilespmem:$0x1FF60];
	s4 =	sadd.s32 $0x1, s25  }
0x2a6: {  	v44 =	vld [tilespmem:$0x1FF70];
	p0 =	sne.s32 s4, s26  }
.Ltmp5:
0x2a7: {  	v21 =	vld [tilespmem:$0x1FF80];
	(pc) =	sbr.rel @p0 .LBB2_1-.Ltmp5, $4  }
0x2a8: {  	v23 =	vld [tilespmem:$0x1FFA0]  }
0x2a9: {  	v25 =	vld [tilespmem:$0x1FFC0]  }
0x2aa: {  	[sflag:s16] =	ssyncset.done $0x0;
	v27 =	vld [tilespmem:$0x1FFE0]  }
0x2ab: {  	v20 =	vld [tilespmem:$0x1FFF0];
	[sflag:s16] =	ssyncadd.s32 $0xFFFFF000  }
0x2ac: {  	_ =	sfence.sel $0x180000  }
0x2ad: {  	[bflag:$0x0] =	sbarrier.arrive $0xFFFF  }
0x2ae: {  	_ =	strace $0x90000047  }
0x2af: {  	s0 =	stileid.u32;
	[bflag:$0x2] =	sbarrier.arrive $0xFFFF  }
0x2b0: {  	p0 =	sne.s32 s0, $0x0;
	s0 =	rddreg [dreg:$0x3]  }
0x2b1: {  	s0 =	sadd.s32 @!p0 $0x100000, s0  }
0x2b2: {  	[sflag:s0] =	ssyncadd.tile.s32 @!p0 $0x1;
	_ =	shalt  }
.Lfunc_end2:
_tile_overlayer_lowered:
.L_overlay_start_2:
0x2b3: {  	(tag) =	ssettag $0x2  }
0x2b4: {  	s0 =	rddreg [dreg:$0x0];
	s2 =	stileid.u32  }
0x2b5: {  	s1 =	rddreg [dreg:$0x1];
	p0 =	sne.s32 s2, $0x0  }
0x2b6: {  	s3 =	rddreg [dreg:$0x2];
	[bflag:$0x3] =	sbarrier.arrive $0xFFFF;
	s2 =	simm.s32 @!p0 $0x1C04  }
0x2b7: {  	[timem:s3], [sflag:s2] =	dma.local @!p0 [hbm:s0], s1  }
0x2b8: {  	s0 =	simm.s32 @!p0 $0x4  }
0x2b9: {  	_ =	swait.ge @!p0 [sflag:s0], s1  }
0x2ba: {  	s1 =	ssub.s32 @!p0 $0x0, s1;
	[sflag:s0] =	ssyncset.done @!p0 $0x0  }
0x2bb: {  	[sflag:s0] =	ssyncadd.s32 @!p0 s1  }
0x2bc: {  	[bflag:$0x3] =	sbarrier.arrive $0xFFFF  }
0x2bd: {  	_ =	shalt  }

</sc_bundles>
